<compile_context>
chip_gen: v7x
topology: tpu7x:2x2x1
jax: 0.10.2.dev20260603
libtpu: 0.0.44.dev20260713+nightly
codegen_flags: <defaults>
</compile_context>

<pallas_src>
import functools

import jax
import jax.numpy as jnp
import numpy as np
from jax.experimental import pallas as pl
from jax.experimental.pallas import tpu as pltpu
from jax.experimental.pallas import tpu_sc as plsc

NUM_NODES = 256
EMB = 64
LAG = 20
T = 100
NT = T - LAG
TIME_LOG = 5.0
NWORKERS = 32
TPAD = 128
NB = 8


def _leaky(z):
    return jnp.maximum(z, 0.01 * z)


def _ln_c(zc, S, g, b):
    var = jnp.dot(zc * zc, S, preferred_element_type=jnp.float32)
    return zc * jax.lax.rsqrt(var + 1e-5) * g + b


TROW = 112


def _band_body(b0, nbatch, skill_hbm, adj_hbm, out_hbm, skill_v,
               ridx_a, ridx_b, rows_a, rows_b, tcol_v, w_v, sem_a, sem_b):
    nb = nbatch // NWORKERS
    wid = jax.lax.axis_index("s") * 2 + jax.lax.axis_index("c")
    base = b0 + wid * nb
    pltpu.sync_copy(skill_hbm.at[pl.ds(base * TPAD, nb * TPAD)], skill_v)
    iota16 = jax.lax.iota(jnp.int32, 16)
    ridx = [ridx_a, ridx_b]
    rows = [rows_a, rows_b]
    sems = [sem_a, sem_b]

    def build_and_fire(i):
        p = i % 2
        for c in range(TROW // 16):
            sh = plsc.load_gather(skill_v, [iota16 + (i * TPAD + c * 16)])
            ridx[p][pl.ds(c * 16, 16)] = (base + i) * NUM_NODES + sh
        cp = pltpu.make_async_copy(adj_hbm.at[ridx[p]], rows[p], sems[p])
        cp.start()
        return cp

    cps = {0: build_and_fire(0)}
    for i in range(nb):
        p = i % 2
        if i + 1 < nb:
            cps[i + 1] = build_and_fire(i + 1)
        cps[i].wait()

        for c in range(NT // 16):
            st = plsc.load_gather(skill_v, [iota16 + (i * TPAD + LAG + c * 16)])
            tcol_v[pl.ds(c * 16, 16)] = st

        rv = rows[p]

        def fill_row(l, carry):
            for c in range(NT // 16):
                ru = iota16 + (c * 16) + l
                tg = tcol_v[pl.ds(c * 16, 16)]
                w_v[l, pl.ds(c * 16, 16)] = plsc.load_gather(rv, [ru, tg])
            return carry

        jax.lax.fori_loop(0, LAG, fill_row, 0)
        pltpu.sync_copy(w_v, out_hbm.at[base - b0 + i])


def _band_gather(skill_pad, adj_rows, b0, nbatch):
    mesh = plsc.VectorSubcoreMesh(
        core_axis_name="c", subcore_axis_name="s", num_cores=2, num_subcores=16)
    nb = nbatch // NWORKERS
    k = pl.kernel(
        functools.partial(_band_body, b0, nbatch),
        out_type=jax.ShapeDtypeStruct((nbatch, LAG, NT), jnp.float32),
        mesh=mesh,
        scratch_types=[
            pltpu.VMEM((nb * TPAD,), jnp.int32),
            pltpu.VMEM((TROW,), jnp.int32),
            pltpu.VMEM((TROW,), jnp.int32),
            pltpu.VMEM((TROW, NUM_NODES), jnp.float32),
            pltpu.VMEM((TROW, NUM_NODES), jnp.float32),
            pltpu.VMEM((NT,), jnp.int32),
            pltpu.VMEM((LAG, NT), jnp.float32),
            pltpu.SemaphoreType.DMA,
            pltpu.SemaphoreType.DMA,
        ],
        compiler_params=pltpu.CompilerParams(needs_layout_passes=False),
    )
    return k(skill_pad, adj_rows)


def _tc_call(b0blk, nbatch, args, band):
    (skill_col, times_row, label_col, node_embeddings, wlist) = args
    full = lambda shp: pl.BlockSpec(shp, lambda b: (0,) * len(shp))
    return pl.pallas_call(
        _tc_body,
        grid=(nbatch // NB,),
        in_specs=[
            pl.BlockSpec((NB, T, 1), lambda b: (b + b0blk, 0, 0)),
            pl.BlockSpec((NB, 1, T), lambda b: (b + b0blk, 0, 0)),
            pl.BlockSpec((NB, T, 1), lambda b: (b + b0blk, 0, 0)),
            pl.BlockSpec((NB, LAG, NT), lambda b: (b, 0, 0)),
            full((NUM_NODES, EMB)),
            full((2 * EMB, EMB)), full((1, EMB)), full((1, EMB)), full((1, EMB)),
            full((EMB, EMB)), full((1, EMB)), full((1, EMB)), full((1, EMB)),
            full((EMB, EMB)), full((1, EMB)),
            full((EMB, EMB)), full((1, EMB)), full((1, EMB)), full((1, EMB)),
            full((EMB, EMB)), full((1, EMB)), full((1, EMB)), full((1, EMB)),
            full((EMB, 2)), full((1, 2)),
        ],
        out_specs=pl.BlockSpec((NT, 1, NB, 1), lambda b: (0, 0, b, 0)),
        out_shape=jax.ShapeDtypeStruct((NT, 1, nbatch, 1), jnp.float32),
        scratch_shapes=[
            pltpu.VMEM((NUM_NODES, EMB), jnp.float32),
            pltpu.VMEM((NUM_NODES, EMB), jnp.float32),
        ],
    )(skill_col, times_row, label_col, band, node_embeddings, *wlist)


def _tc_body(
    skill_col_ref, times_row_ref, label_col_ref, band_ref, emb_ref,
    iW1_ref, ib1_ref, ig1_ref, ibe1_ref,
    iW2_ref, ib2_ref, ig2_ref, ibe2_ref,
    iWo_ref, ibo_ref,
    fV1_ref, fc1_ref, fg1_ref, fbe1_ref,
    fV2_ref, fc2_ref, fg2_ref, fbe2_ref,
    fVo_ref, fco_ref,
    out_ref,
    A_scr, B_scr,
):
    g = pl.program_id(0)

    r_i = jax.lax.broadcasted_iota(jnp.int32, (EMB, EMB), 0)
    c_i = jax.lax.broadcasted_iota(jnp.int32, (EMB, EMB), 1)
    S = jnp.full((EMB, EMB), 1.0 / EMB, jnp.float32)
    C = jnp.where(r_i == c_i, 1.0 - 1.0 / EMB, -1.0 / EMB)

    @pl.when(g == 0)
    def _():
        emb = emb_ref[...]
        A = jnp.dot(emb, iW1_ref[0:EMB, :], preferred_element_type=jnp.float32)
        B = jnp.dot(emb, iW1_ref[EMB:2 * EMB, :], preferred_element_type=jnp.float32)
        b1c = ib1_ref[...] - jnp.dot(ib1_ref[...], S, preferred_element_type=jnp.float32)
        A_scr[...] = jnp.dot(A, C, preferred_element_type=jnp.float32) + b1c
        B_scr[...] = jnp.dot(B, C, preferred_element_type=jnp.float32)

    iW2c = jnp.dot(iW2_ref[...], C, preferred_element_type=jnp.float32)
    ib2c = ib2_ref[...] - jnp.dot(ib2_ref[...], S, preferred_element_type=jnp.float32)
    fV1c = jnp.dot(fV1_ref[...], C, preferred_element_type=jnp.float32)
    fc1c = fc1_ref[...] - jnp.dot(fc1_ref[...], S, preferred_element_type=jnp.float32)
    fV2c = jnp.dot(fV2_ref[...], C, preferred_element_type=jnp.float32)
    fc2c = fc2_ref[...] - jnp.dot(fc2_ref[...], S, preferred_element_type=jnp.float32)

    iota_tn = jax.lax.broadcasted_iota(jnp.int32, (NB * T, NUM_NODES), 1)
    scol = skill_col_ref[...].reshape(NB * T, 1)
    oh_all = (scol == iota_tn).astype(jnp.float32)

    Aseq = jnp.dot(oh_all, A_scr[...], preferred_element_type=jnp.float32)
    Bseq = jnp.dot(oh_all, B_scr[...], preferred_element_type=jnp.float32)

    lrow = label_col_ref[...].reshape(NB * T, 1)
    lp = jnp.where(lrow == 0, -2, lrow)
    lp = jnp.where(lp == -1, 0, lp)
    lp = jnp.where(lp == -2, -1, lp)
    sign_col = lp.astype(jnp.float32)
    trow = times_row_ref[...].reshape(NB, T)

    at_parts = [Aseq[i * T + LAG:(i + 1) * T, :] for i in range(NB)]
    A_tgt = jnp.concatenate(at_parts, axis=0)
    Bs_seq = sign_col * Bseq

    dt_parts = []
    bw_parts = []
    HL = LAG // 2
    Bs_cat = jnp.concatenate(
        [Bs_seq[0:NB * T - HL, :], Bs_seq[HL:NB * T, :]], axis=-1)
    for l in range(LAG):
        dt_l = [jnp.abs(trow[i:i + 1, LAG:] - trow[i:i + 1, l:l + NT]) for i in range(NB)]
        dt_parts.append(jnp.concatenate(dt_l, axis=1))
    for l in range(HL):
        bw_l = [Bs_cat[i * T + l:i * T + l + NT, :] for i in range(NB)]
        bw_parts.append(jnp.concatenate(bw_l, axis=0))
    dt = jnp.concatenate(dt_parts, axis=0)
    Bwin = jnp.stack(bw_parts, axis=0)

    decay = jnp.exp(-jnp.log(dt + 1e-10) / np.log(TIME_LOG))
    wband = jnp.concatenate([band_ref[i] for i in range(NB)], axis=1)
    wdec = wband * decay

    E2 = 2 * EMB
    r2 = jax.lax.broadcasted_iota(jnp.int32, (E2, E2), 0)
    c2 = jax.lax.broadcasted_iota(jnp.int32, (E2, E2), 1)
    same_blk = (r2 // EMB) == (c2 // EMB)
    S_bd = jnp.where(same_blk, 1.0 / EMB, 0.0)
    z64 = jnp.zeros((EMB, EMB), jnp.float32)
    W2bd = jnp.concatenate(
        [jnp.concatenate([iW2c, z64], axis=1),
         jnp.concatenate([z64, iW2c], axis=1)], axis=0)
    pack2 = lambda v: jnp.concatenate([v, v], axis=-1)

    A2 = pack2(A_tgt)
    z1 = A2[None, :, :] + Bwin
    x = z1.reshape(HL * NB * NT, E2)
    h1 = _leaky(_ln_c(x, S_bd, pack2(ig1_ref[...]), pack2(ibe1_ref[...])))
    z2 = jnp.dot(h1, W2bd, preferred_element_type=jnp.float32) + pack2(ib2c)
    h2 = h1 + _leaky(_ln_c(z2, S_bd, pack2(ig2_ref[...]), pack2(ibe2_ref[...])))
    h23 = h2.reshape(HL, NB * NT, E2)
    wdecp = jnp.concatenate(
        [jnp.broadcast_to(wdec[0:HL, :, None], (HL, NB * NT, EMB)),
         jnp.broadcast_to(wdec[HL:LAG, :, None], (HL, NB * NT, EMB))], axis=-1)
    hsum2 = jnp.sum(wdecp * h23, axis=0)
    hsum = hsum2[:, 0:EMB] + hsum2[:, EMB:E2]
    wsum = jnp.sum(wdec[:, :, None], axis=0)
    ce = jnp.dot(hsum, iWo_ref[...], preferred_element_type=jnp.float32) + wsum * ibo_ref[...]

    z = jnp.dot(ce, fV1c, preferred_element_type=jnp.float32) + fc1c
    h = ce + _leaky(_ln_c(z, S, fg1_ref[...], fbe1_ref[...]))
    z = jnp.dot(h, fV2c, preferred_element_type=jnp.float32) + fc2c
    h = h + _leaky(_ln_c(z, S, fg2_ref[...], fbe2_ref[...]))
    logits = jnp.dot(h, fVo_ref[...], preferred_element_type=jnp.float32) + fco_ref[...]

    p1 = jax.nn.sigmoid(logits[:, 1:2] - logits[:, 0:1])
    p2 = jnp.transpose(p1.reshape(NB, NT), (1, 0))
    out_ref[...] = p2.reshape(NT, 1, NB, 1)


@jax.jit
def kernel(skill_seq, problem_seq, time_seq, label_seq, adj, node_embeddings, interv_params, final_params):
    del problem_seq
    bs, t = skill_seq.shape
    assert t == T and bs == 128

    ih1, ih2 = interv_params[0]
    iWo, ibo = interv_params[1]
    fh1, fh2 = final_params[0]
    fVo, fco = final_params[1]
    iW1, ib1, ig1, ibe1 = ih1
    iW2, ib2, ig2, ibe2 = ih2
    fV1, fc1, fg1, fbe1 = fh1
    fV2, fc2, fg2, fbe2 = fh2

    skill_i32 = skill_seq.astype(jnp.int32)
    skill_pad = jnp.zeros((bs, TPAD), jnp.int32).at[:, :T].set(skill_i32).reshape(bs * TPAD)
    adj_rows = adj.reshape(bs * NUM_NODES, NUM_NODES)

    skill_col = skill_i32.reshape(bs, T, 1)
    times_row = time_seq.astype(jnp.float32).reshape(bs, 1, T)
    label_col = label_seq.astype(jnp.int32).reshape(bs, T, 1)

    row2 = lambda v: v.reshape(1, -1)
    wlist = (
        iW1, row2(ib1), row2(ig1), row2(ibe1),
        iW2, row2(ib2), row2(ig2), row2(ibe2),
        iWo, row2(ibo),
        fV1, row2(fc1), row2(fg1), row2(fbe1),
        fV2, row2(fc2), row2(fg2), row2(fbe2),
        fVo, row2(fco),
    )
    args = (skill_col, times_row, label_col, node_embeddings, wlist)

    half = bs // 2
    band0 = _band_gather(skill_pad, adj_rows, 0, half)
    band1 = _band_gather(skill_pad, adj_rows, half, half)
    out0 = _tc_call(0, half, args, band0)
    out1 = _tc_call(half // NB, half, args, band1)
    return jnp.concatenate([out0, out1], axis=2)

# --- scband reference (transcript-rebuilt; emitter-appended) ---
"""Pipeline reference for scband-graph-target-message-39908836115116 (READ-ONLY COPY).

The authoritative reference and input builder live on the scoring server;
editing this copy changes nothing except your own understanding.
"""

import jax, jax.numpy as jnp
import numpy as np

NUM_NODES = 256
EMB = 64
TIME_LAG = 20
TIME_LOG = 5.0
BS = 128
T = 100


def _make_mlp(key, in_dim, hidden_dims, out_dim):
    hidden = []
    d = in_dim
    for h in hidden_dims:
        key, k1 = jax.random.split(key)
        W = jax.random.normal(k1, (d, h), dtype=jnp.float32) / np.sqrt(d)
        hidden.append((W, jnp.zeros((h,), jnp.float32), jnp.ones((h,), jnp.float32), jnp.zeros((h,), jnp.float32)))
        d = h
    key, k1 = jax.random.split(key)
    Wo = jax.random.normal(k1, (d, out_dim), dtype=jnp.float32) / np.sqrt(d)
    return (hidden, (Wo, jnp.zeros((out_dim,), jnp.float32)))


def _mlp(params, x):
    # generate_fully_connected: Linear -> LayerNorm -> LeakyReLU per hidden layer,
    # residual connection when shapes match, final Linear + Identity, dropout off (eval).
    hidden, (Wo, bo) = params
    h = x
    for (W, b, g, be) in hidden:
        z = h @ W + b
        mu = jnp.mean(z, axis=-1, keepdims=True)
        var = jnp.var(z, axis=-1, keepdims=True)
        z = (z - mu) / jnp.sqrt(var + 1e-5) * g + be
        z = jnp.where(z >= 0, z, 0.01 * z)
        h = h + z if z.shape == h.shape else z
    return h @ Wo + bo


def setup_inputs() -> dict:
    ks = jax.random.split(jax.random.key(0), 8)
    skill_seq = jax.random.randint(ks[0], (BS, T), 0, NUM_NODES)
    problem_seq = jax.random.randint(ks[1], (BS, T), 0, 2048)
    time_seq = jnp.sort(jax.random.randint(ks[2], (BS, T), 0, 100000), axis=-1)
    label_seq = jax.random.randint(ks[3], (BS, T), 0, 2)
    adj = jax.random.uniform(ks[4], (1, BS, NUM_NODES, NUM_NODES), dtype=jnp.float32)
    node_embeddings = jax.random.normal(ks[5], (NUM_NODES, EMB), dtype=jnp.float32)
    a = max(EMB, 64)
    interv_params = _make_mlp(ks[6], 2 * EMB, [a, a], EMB)
    final_params = _make_mlp(ks[7], EMB, [a, a], 2)
    return {"skill_seq": skill_seq, "problem_seq": problem_seq, "time_seq": time_seq,
            "label_seq": label_seq, "adj": adj, "node_embeddings": node_embeddings,
            "interv_params": interv_params, "final_params": final_params}


def reference(skill_seq, problem_seq, time_seq, label_seq, adj, node_embeddings, interv_params, final_params):
    bs, time_steps = label_seq.shape
    time_lag = TIME_LAG
    bs_skill_emb = jnp.tile(node_embeddings[None, :, :], (bs, 1, 1))
    # emb_history == 0 path: remap labels {pad -1 -> 0, 0 -> -1, 1 -> 1}
    labels_pro = jnp.where(label_seq == 0, -2, label_seq)
    labels_pro = jnp.where(labels_pro == -1, 0, labels_pro)
    labels_pro = jnp.where(labels_pro == -2, -1, labels_pro)
    times = time_seq.astype(jnp.float32)
    delta_t = jnp.abs(times[:, :, None] - times[:, None, :])
    delta_t = jnp.log(delta_t + 1e-10) / jnp.log(jnp.float32(TIME_LOG))
    ar = jnp.arange(bs)
    adj_t = jnp.swapaxes(adj, -1, -2)
    delta_t_t = jnp.swapaxes(delta_t, -1, -2)

    def step(carry, t):
        label_history = jax.lax.dynamic_slice_in_dim(labels_pro, t - time_lag, time_lag, axis=1)
        skill_history = jax.lax.dynamic_slice_in_dim(skill_seq, t - time_lag, time_lag, axis=1)
        skill_target = jax.lax.dynamic_slice_in_dim(skill_seq, t, 1, axis=1)
        delta_t_weight = jax.lax.dynamic_slice(delta_t_t, (0, t, t - time_lag), (bs, 1, time_lag))[:, 0, :]
        emb_history = bs_skill_emb[ar[:, None], skill_history]
        emb_history = emb_history * label_history[..., None].astype(emb_history.dtype)
        graph_weight = adj_t[:, ar, skill_target[:, 0]]
        cross_weight = graph_weight[:, ar[:, None], skill_history]
        emb_target = jnp.tile(bs_skill_emb[ar, skill_target[:, 0]][:, None, :], (1, time_lag, 1))
        edge_feat = jnp.concatenate([emb_target, emb_history], axis=-1)
        msg = _mlp(interv_params, edge_feat)
        cross_effect = (cross_weight * jnp.exp(-delta_t_weight))[..., None] * msg
        cross_effect = jnp.sum(cross_effect, axis=-2)
        pred = jax.nn.softmax(_mlp(final_params, cross_effect), axis=-1)[..., 1:]
        return carry, pred

    _, preds = jax.lax.scan(step, None, jnp.arange(time_lag, time_steps))
    return preds

if __name__ == "__main__":
    import jax
    _d = setup_inputs()
    print(jax.jit(kernel)(*tuple(_d.values())))

</pallas_src>

<mosaic_0001>
#map = affine_map<(d0, d1) -> (0)>
#map1 = affine_map<(d0, d1) -> (0, 0)>
#map2 = affine_map<(d0, d1) -> (0, 0, 0)>
module attributes {stable_mosaic.version = 14 : i64} {
  func.func @_band_body(%arg0: i32, %arg1: i32, %arg2: memref<16384xi32, #tpu.memory_space<hbm>>, %arg3: memref<32768x256xf32, #tpu.memory_space<hbm>>, %arg4: memref<64x20x80xf32, #tpu.memory_space<hbm>>, %arg5: memref<256xi32, #tpu.memory_space<vmem>>, %arg6: memref<112xi32, #tpu.memory_space<vmem>>, %arg7: memref<112xi32, #tpu.memory_space<vmem>>, %arg8: memref<112x256xf32, #tpu.memory_space<vmem>>, %arg9: memref<112x256xf32, #tpu.memory_space<vmem>>, %arg10: memref<80xi32, #tpu.memory_space<vmem>>, %arg11: memref<20x80xf32, #tpu.memory_space<vmem>>, %arg12: memref<!tpu.dma_semaphore, #tpu.memory_space<semaphore_mem>>, %arg13: memref<!tpu.dma_semaphore, #tpu.memory_space<semaphore_mem>>) attributes {dimension_semantics = [#tpu.dimension_semantics<core_parallel>, #tpu.dimension_semantics<subcore_parallel>], iteration_bounds = array<i64: 2, 16>, scalar_prefetch = 0 : i64, scratch_operands = 9 : i64, tpu.core_type = #tpu.core_type<sc_vector_subcore>, window_params = [{transform_indices = #map}, {transform_indices = #map1}, {transform_indices = #map2}]} {
    %mul3A = arith.constant 2 : i32
    %mul3A_0 = arith.muli %arg1, %mul3A : i32
    %add3A = arith.addi %mul3A_0, %arg0 : i32
    %mul3A_1 = arith.constant 2 : i32
    %mul3A_2 = arith.muli %add3A, %mul3A_1 : i32
    %add3A_3 = arith.constant 64 : i32
    %add3A_4 = arith.addi %add3A_3, %mul3A_2 : i32
    %mul3A_5 = arith.constant 128 : i32
    %mul3A_6 = arith.muli %add3A_4, %mul3A_5 : i32
    "tpu.region"() ({
      %run_scoped3A = tpu.sem_alloc : memref<!tpu.dma_semaphore, #tpu.memory_space<semaphore_mem>>
      %dma_start3A_261 = tpu.memref_slice %arg2[%mul3A_6] : memref<16384xi32, #tpu.memory_space<hbm>> -> memref<256xi32, #tpu.memory_space<hbm>>
      %dma_start3A_262 = tpu.memref_slice %arg2[%mul3A_6] : memref<16384xi32, #tpu.memory_space<hbm>> -> memref<256xi32, #tpu.memory_space<hbm>>
      tpu.enqueue_dma source(%dma_start3A_262 : memref<256xi32, #tpu.memory_space<hbm>>) target(%arg5 : memref<256xi32, #tpu.memory_space<vmem>>) target_semaphore(%run_scoped3A : memref<!tpu.dma_semaphore, #tpu.memory_space<semaphore_mem>>)
      %dma_wait3A_263 = tpu.memref_slice %arg2[%mul3A_6] : memref<16384xi32, #tpu.memory_space<hbm>> -> memref<256xi32, #tpu.memory_space<hbm>>
      %dma_wait3A_264 = tpu.memref_slice %arg2[%mul3A_6] : memref<16384xi32, #tpu.memory_space<hbm>> -> memref<256xi32, #tpu.memory_space<hbm>>
      tpu.wait_dma2 semaphore(%run_scoped3A : memref<!tpu.dma_semaphore, #tpu.memory_space<semaphore_mem>>) src(%dma_wait3A_264 : memref<256xi32, #tpu.memory_space<hbm>>) dst(%arg5 : memref<256xi32, #tpu.memory_space<vmem>>)
      tpu.yield
    }) : () -> ()
    %iota3A = tpu.iota {dimensions = array<i32: 0>} : vector<16xi32>
    %add3A_7 = arith.constant 0 : i32
    %add3A_8 = vector.broadcast %add3A_7 : i32 to vector<16xi32>
    %add3A_9 = arith.addi %iota3A, %add3A_8 : vector<16xi32>
    %gather3A = tpu.vector_load_idx %arg5[%add3A_9] : memref<256xi32, #tpu.memory_space<vmem>>[vector<16xi32>], vector<16xi32>,
    %add3A_10 = arith.constant 0 : i32
    %add3A_11 = arith.addi %add3A_4, %add3A_10 : i32
    %mul3A_12 = arith.constant 256 : i32
    %mul3A_13 = arith.muli %add3A_11, %mul3A_12 : i32
    %add3A_14 = vector.broadcast %mul3A_13 : i32 to vector<16xi32>
    %add3A_15 = arith.addi %add3A_14, %gather3A : vector<16xi32>
    %swap3A = arith.constant 0 : index
    %swap3A_16 = tpu.vector_load %arg6[%swap3A] {strides = array<i32>} : memref<112xi32, #tpu.memory_space<vmem>>, vector<16xi32>,
    tpu.vector_store %arg6[%swap3A], %add3A_15 {strides = array<i32>} : memref<112xi32, #tpu.memory_space<vmem>>, vector<16xi32>,
    %add3A_17 = arith.constant 16 : i32
    %add3A_18 = vector.broadcast %add3A_17 : i32 to vector<16xi32>
    %add3A_19 = arith.addi %iota3A, %add3A_18 : vector<16xi32>
    %gather3A_20 = tpu.vector_load_idx %arg5[%add3A_19] : memref<256xi32, #tpu.memory_space<vmem>>[vector<16xi32>], vector<16xi32>,
    %add3A_21 = arith.constant 0 : i32
    %add3A_22 = arith.addi %add3A_4, %add3A_21 : i32
    %mul3A_23 = arith.constant 256 : i32
    %mul3A_24 = arith.muli %add3A_22, %mul3A_23 : i32
    %add3A_25 = vector.broadcast %mul3A_24 : i32 to vector<16xi32>
    %add3A_26 = arith.addi %add3A_25, %gather3A_20 : vector<16xi32>
    %swap3A_27 = arith.constant 16 : index
    %swap3A_28 = tpu.vector_load %arg6[%swap3A_27] {strides = array<i32>} : memref<112xi32, #tpu.memory_space<vmem>>, vector<16xi32>,
    tpu.vector_store %arg6[%swap3A_27], %add3A_26 {strides = array<i32>} : memref<112xi32, #tpu.memory_space<vmem>>, vector<16xi32>,
    %add3A_29 = arith.constant 32 : i32
    %add3A_30 = vector.broadcast %add3A_29 : i32 to vector<16xi32>
    %add3A_31 = arith.addi %iota3A, %add3A_30 : vector<16xi32>
    %gather3A_32 = tpu.vector_load_idx %arg5[%add3A_31] : memref<256xi32, #tpu.memory_space<vmem>>[vector<16xi32>], vector<16xi32>,
    %add3A_33 = arith.constant 0 : i32
    %add3A_34 = arith.addi %add3A_4, %add3A_33 : i32
    %mul3A_35 = arith.constant 256 : i32
    %mul3A_36 = arith.muli %add3A_34, %mul3A_35 : i32
    %add3A_37 = vector.broadcast %mul3A_36 : i32 to vector<16xi32>
    %add3A_38 = arith.addi %add3A_37, %gather3A_32 : vector<16xi32>
    %swap3A_39 = arith.constant 32 : index
    %swap3A_40 = tpu.vector_load %arg6[%swap3A_39] {strides = array<i32>} : memref<112xi32, #tpu.memory_space<vmem>>, vector<16xi32>,
    tpu.vector_store %arg6[%swap3A_39], %add3A_38 {strides = array<i32>} : memref<112xi32, #tpu.memory_space<vmem>>, vector<16xi32>,
    %add3A_41 = arith.constant 48 : i32
    %add3A_42 = vector.broadcast %add3A_41 : i32 to vector<16xi32>
    %add3A_43 = arith.addi %iota3A, %add3A_42 : vector<16xi32>
    %gather3A_44 = tpu.vector_load_idx %arg5[%add3A_43] : memref<256xi32, #tpu.memory_space<vmem>>[vector<16xi32>], vector<16xi32>,
    %add3A_45 = arith.constant 0 : i32
    %add3A_46 = arith.addi %add3A_4, %add3A_45 : i32
    %mul3A_47 = arith.constant 256 : i32
    %mul3A_48 = arith.muli %add3A_46, %mul3A_47 : i32
    %add3A_49 = vector.broadcast %mul3A_48 : i32 to vector<16xi32>
    %add3A_50 = arith.addi %add3A_49, %gather3A_44 : vector<16xi32>
    %swap3A_51 = arith.constant 48 : index
    %swap3A_52 = tpu.vector_load %arg6[%swap3A_51] {strides = array<i32>} : memref<112xi32, #tpu.memory_space<vmem>>, vector<16xi32>,
    tpu.vector_store %arg6[%swap3A_51], %add3A_50 {strides = array<i32>} : memref<112xi32, #tpu.memory_space<vmem>>, vector<16xi32>,
    %add3A_53 = arith.constant 64 : i32
    %add3A_54 = vector.broadcast %add3A_53 : i32 to vector<16xi32>
    %add3A_55 = arith.addi %iota3A, %add3A_54 : vector<16xi32>
    %gather3A_56 = tpu.vector_load_idx %arg5[%add3A_55] : memref<256xi32, #tpu.memory_space<vmem>>[vector<16xi32>], vector<16xi32>,
    %add3A_57 = arith.constant 0 : i32
    %add3A_58 = arith.addi %add3A_4, %add3A_57 : i32
    %mul3A_59 = arith.constant 256 : i32
    %mul3A_60 = arith.muli %add3A_58, %mul3A_59 : i32
    %add3A_61 = vector.broadcast %mul3A_60 : i32 to vector<16xi32>
    %add3A_62 = arith.addi %add3A_61, %gather3A_56 : vector<16xi32>
    %swap3A_63 = arith.constant 64 : index
    %swap3A_64 = tpu.vector_load %arg6[%swap3A_63] {strides = array<i32>} : memref<112xi32, #tpu.memory_space<vmem>>, vector<16xi32>,
    tpu.vector_store %arg6[%swap3A_63], %add3A_62 {strides = array<i32>} : memref<112xi32, #tpu.memory_space<vmem>>, vector<16xi32>,
    %add3A_65 = arith.constant 80 : i32
    %add3A_66 = vector.broadcast %add3A_65 : i32 to vector<16xi32>
    %add3A_67 = arith.addi %iota3A, %add3A_66 : vector<16xi32>
    %gather3A_68 = tpu.vector_load_idx %arg5[%add3A_67] : memref<256xi32, #tpu.memory_space<vmem>>[vector<16xi32>], vector<16xi32>,
    %add3A_69 = arith.constant 0 : i32
    %add3A_70 = arith.addi %add3A_4, %add3A_69 : i32
    %mul3A_71 = arith.constant 256 : i32
    %mul3A_72 = arith.muli %add3A_70, %mul3A_71 : i32
    %add3A_73 = vector.broadcast %mul3A_72 : i32 to vector<16xi32>
    %add3A_74 = arith.addi %add3A_73, %gather3A_68 : vector<16xi32>
    %swap3A_75 = arith.constant 80 : index
    %swap3A_76 = tpu.vector_load %arg6[%swap3A_75] {strides = array<i32>} : memref<112xi32, #tpu.memory_space<vmem>>, vector<16xi32>,
    tpu.vector_store %arg6[%swap3A_75], %add3A_74 {strides = array<i32>} : memref<112xi32, #tpu.memory_space<vmem>>, vector<16xi32>,
    %add3A_77 = arith.constant 96 : i32
    %add3A_78 = vector.broadcast %add3A_77 : i32 to vector<16xi32>
    %add3A_79 = arith.addi %iota3A, %add3A_78 : vector<16xi32>
    %gather3A_80 = tpu.vector_load_idx %arg5[%add3A_79] : memref<256xi32, #tpu.memory_space<vmem>>[vector<16xi32>], vector<16xi32>,
    %add3A_81 = arith.constant 0 : i32
    %add3A_82 = arith.addi %add3A_4, %add3A_81 : i32
    %mul3A_83 = arith.constant 256 : i32
    %mul3A_84 = arith.muli %add3A_82, %mul3A_83 : i32
    %add3A_85 = vector.broadcast %mul3A_84 : i32 to vector<16xi32>
    %add3A_86 = arith.addi %add3A_85, %gather3A_80 : vector<16xi32>
    %swap3A_87 = arith.constant 96 : index
    %swap3A_88 = tpu.vector_load %arg6[%swap3A_87] {strides = array<i32>} : memref<112xi32, #tpu.memory_space<vmem>>, vector<16xi32>,
    tpu.vector_store %arg6[%swap3A_87], %add3A_86 {strides = array<i32>} : memref<112xi32, #tpu.memory_space<vmem>>, vector<16xi32>,
    %dma_start3A = arith.constant 0 : i32
    %dma_start3A_89 = arith.constant 0 : i32
    %dma_start3A_90 = tpu.memref_slice %arg3[%dma_start3A, %dma_start3A_89] : memref<32768x256xf32, #tpu.memory_space<hbm>> -> memref<32768x256xf32, #tpu.memory_space<hbm>>
    tpu.enqueue_indirect_dma source(%dma_start3A_90 : memref<32768x256xf32, #tpu.memory_space<hbm>>) target(%arg8 : memref<112x256xf32, #tpu.memory_space<vmem>>) offsets(%arg6 : memref<112xi32, #tpu.memory_space<vmem>>) semaphore(%arg12 : memref<!tpu.dma_semaphore, #tpu.memory_space<semaphore_mem>>)
    %add3A_91 = arith.constant 128 : i32
    %add3A_92 = vector.broadcast %add3A_91 : i32 to vector<16xi32>
    %add3A_93 = arith.addi %iota3A, %add3A_92 : vector<16xi32>
    %gather3A_94 = tpu.vector_load_idx %arg5[%add3A_93] : memref<256xi32, #tpu.memory_space<vmem>>[vector<16xi32>], vector<16xi32>,
    %add3A_95 = arith.constant 1 : i32
    %add3A_96 = arith.addi %add3A_4, %add3A_95 : i32
    %mul3A_97 = arith.constant 256 : i32
    %mul3A_98 = arith.muli %add3A_96, %mul3A_97 : i32
    %add3A_99 = vector.broadcast %mul3A_98 : i32 to vector<16xi32>
    %add3A_100 = arith.addi %add3A_99, %gather3A_94 : vector<16xi32>
    %swap3A_101 = arith.constant 0 : index
    %swap3A_102 = tpu.vector_load %arg7[%swap3A_101] {strides = array<i32>} : memref<112xi32, #tpu.memory_space<vmem>>, vector<16xi32>,
    tpu.vector_store %arg7[%swap3A_101], %add3A_100 {strides = array<i32>} : memref<112xi32, #tpu.memory_space<vmem>>, vector<16xi32>,
    %add3A_103 = arith.constant 144 : i32
    %add3A_104 = vector.broadcast %add3A_103 : i32 to vector<16xi32>
    %add3A_105 = arith.addi %iota3A, %add3A_104 : vector<16xi32>
    %gather3A_106 = tpu.vector_load_idx %arg5[%add3A_105] : memref<256xi32, #tpu.memory_space<vmem>>[vector<16xi32>], vector<16xi32>,
    %add3A_107 = arith.constant 1 : i32
    %add3A_108 = arith.addi %add3A_4, %add3A_107 : i32
    %mul3A_109 = arith.constant 256 : i32
    %mul3A_110 = arith.muli %add3A_108, %mul3A_109 : i32
    %add3A_111 = vector.broadcast %mul3A_110 : i32 to vector<16xi32>
    %add3A_112 = arith.addi %add3A_111, %gather3A_106 : vector<16xi32>
    %swap3A_113 = arith.constant 16 : index
    %swap3A_114 = tpu.vector_load %arg7[%swap3A_113] {strides = array<i32>} : memref<112xi32, #tpu.memory_space<vmem>>, vector<16xi32>,
    tpu.vector_store %arg7[%swap3A_113], %add3A_112 {strides = array<i32>} : memref<112xi32, #tpu.memory_space<vmem>>, vector<16xi32>,
    %add3A_115 = arith.constant 160 : i32
    %add3A_116 = vector.broadcast %add3A_115 : i32 to vector<16xi32>
    %add3A_117 = arith.addi %iota3A, %add3A_116 : vector<16xi32>
    %gather3A_118 = tpu.vector_load_idx %arg5[%add3A_117] : memref<256xi32, #tpu.memory_space<vmem>>[vector<16xi32>], vector<16xi32>,
    %add3A_119 = arith.constant 1 : i32
    %add3A_120 = arith.addi %add3A_4, %add3A_119 : i32
    %mul3A_121 = arith.constant 256 : i32
    %mul3A_122 = arith.muli %add3A_120, %mul3A_121 : i32
    %add3A_123 = vector.broadcast %mul3A_122 : i32 to vector<16xi32>
    %add3A_124 = arith.addi %add3A_123, %gather3A_118 : vector<16xi32>
    %swap3A_125 = arith.constant 32 : index
    %swap3A_126 = tpu.vector_load %arg7[%swap3A_125] {strides = array<i32>} : memref<112xi32, #tpu.memory_space<vmem>>, vector<16xi32>,
    tpu.vector_store %arg7[%swap3A_125], %add3A_124 {strides = array<i32>} : memref<112xi32, #tpu.memory_space<vmem>>, vector<16xi32>,
    %add3A_127 = arith.constant 176 : i32
    %add3A_128 = vector.broadcast %add3A_127 : i32 to vector<16xi32>
    %add3A_129 = arith.addi %iota3A, %add3A_128 : vector<16xi32>
    %gather3A_130 = tpu.vector_load_idx %arg5[%add3A_129] : memref<256xi32, #tpu.memory_space<vmem>>[vector<16xi32>], vector<16xi32>,
    %add3A_131 = arith.constant 1 : i32
    %add3A_132 = arith.addi %add3A_4, %add3A_131 : i32
    %mul3A_133 = arith.constant 256 : i32
    %mul3A_134 = arith.muli %add3A_132, %mul3A_133 : i32
    %add3A_135 = vector.broadcast %mul3A_134 : i32 to vector<16xi32>
    %add3A_136 = arith.addi %add3A_135, %gather3A_130 : vector<16xi32>
    %swap3A_137 = arith.constant 48 : index
    %swap3A_138 = tpu.vector_load %arg7[%swap3A_137] {strides = array<i32>} : memref<112xi32, #tpu.memory_space<vmem>>, vector<16xi32>,
    tpu.vector_store %arg7[%swap3A_137], %add3A_136 {strides = array<i32>} : memref<112xi32, #tpu.memory_space<vmem>>, vector<16xi32>,
    %add3A_139 = arith.constant 192 : i32
    %add3A_140 = vector.broadcast %add3A_139 : i32 to vector<16xi32>
    %add3A_141 = arith.addi %iota3A, %add3A_140 : vector<16xi32>
    %gather3A_142 = tpu.vector_load_idx %arg5[%add3A_141] : memref<256xi32, #tpu.memory_space<vmem>>[vector<16xi32>], vector<16xi32>,
    %add3A_143 = arith.constant 1 : i32
    %add3A_144 = arith.addi %add3A_4, %add3A_143 : i32
    %mul3A_145 = arith.constant 256 : i32
    %mul3A_146 = arith.muli %add3A_144, %mul3A_145 : i32
    %add3A_147 = vector.broadcast %mul3A_146 : i32 to vector<16xi32>
    %add3A_148 = arith.addi %add3A_147, %gather3A_142 : vector<16xi32>
    %swap3A_149 = arith.constant 64 : index
    %swap3A_150 = tpu.vector_load %arg7[%swap3A_149] {strides = array<i32>} : memref<112xi32, #tpu.memory_space<vmem>>, vector<16xi32>,
    tpu.vector_store %arg7[%swap3A_149], %add3A_148 {strides = array<i32>} : memref<112xi32, #tpu.memory_space<vmem>>, vector<16xi32>,
    %add3A_151 = arith.constant 208 : i32
    %add3A_152 = vector.broadcast %add3A_151 : i32 to vector<16xi32>
    %add3A_153 = arith.addi %iota3A, %add3A_152 : vector<16xi32>
    %gather3A_154 = tpu.vector_load_idx %arg5[%add3A_153] : memref<256xi32, #tpu.memory_space<vmem>>[vector<16xi32>], vector<16xi32>,
    %add3A_155 = arith.constant 1 : i32
    %add3A_156 = arith.addi %add3A_4, %add3A_155 : i32
    %mul3A_157 = arith.constant 256 : i32
    %mul3A_158 = arith.muli %add3A_156, %mul3A_157 : i32
    %add3A_159 = vector.broadcast %mul3A_158 : i32 to vector<16xi32>
    %add3A_160 = arith.addi %add3A_159, %gather3A_154 : vector<16xi32>
    %swap3A_161 = arith.constant 80 : index
    %swap3A_162 = tpu.vector_load %arg7[%swap3A_161] {strides = array<i32>} : memref<112xi32, #tpu.memory_space<vmem>>, vector<16xi32>,
    tpu.vector_store %arg7[%swap3A_161], %add3A_160 {strides = array<i32>} : memref<112xi32, #tpu.memory_space<vmem>>, vector<16xi32>,
    %add3A_163 = arith.constant 224 : i32
    %add3A_164 = vector.broadcast %add3A_163 : i32 to vector<16xi32>
    %add3A_165 = arith.addi %iota3A, %add3A_164 : vector<16xi32>
    %gather3A_166 = tpu.vector_load_idx %arg5[%add3A_165] : memref<256xi32, #tpu.memory_space<vmem>>[vector<16xi32>], vector<16xi32>,
    %add3A_167 = arith.constant 1 : i32
    %add3A_168 = arith.addi %add3A_4, %add3A_167 : i32
    %mul3A_169 = arith.constant 256 : i32
    %mul3A_170 = arith.muli %add3A_168, %mul3A_169 : i32
    %add3A_171 = vector.broadcast %mul3A_170 : i32 to vector<16xi32>
    %add3A_172 = arith.addi %add3A_171, %gather3A_166 : vector<16xi32>
    %swap3A_173 = arith.constant 96 : index
    %swap3A_174 = tpu.vector_load %arg7[%swap3A_173] {strides = array<i32>} : memref<112xi32, #tpu.memory_space<vmem>>, vector<16xi32>,
    tpu.vector_store %arg7[%swap3A_173], %add3A_172 {strides = array<i32>} : memref<112xi32, #tpu.memory_space<vmem>>, vector<16xi32>,
    %dma_start3A_175 = arith.constant 0 : i32
    %dma_start3A_176 = arith.constant 0 : i32
    %dma_start3A_177 = tpu.memref_slice %arg3[%dma_start3A_175, %dma_start3A_176] : memref<32768x256xf32, #tpu.memory_space<hbm>> -> memref<32768x256xf32, #tpu.memory_space<hbm>>
    tpu.enqueue_indirect_dma source(%dma_start3A_177 : memref<32768x256xf32, #tpu.memory_space<hbm>>) target(%arg9 : memref<112x256xf32, #tpu.memory_space<vmem>>) offsets(%arg7 : memref<112xi32, #tpu.memory_space<vmem>>) semaphore(%arg13 : memref<!tpu.dma_semaphore, #tpu.memory_space<semaphore_mem>>)
    %dma_wait3A = arith.constant 0 : i32
    %dma_wait3A_178 = arith.constant 0 : i32
    %dma_wait3A_179 = tpu.memref_slice %arg3[%dma_wait3A, %dma_wait3A_178] : memref<32768x256xf32, #tpu.memory_space<hbm>> -> memref<32768x256xf32, #tpu.memory_space<hbm>>
    tpu.wait_indirect_dma semaphore(%arg12 : memref<!tpu.dma_semaphore, #tpu.memory_space<semaphore_mem>>) src(%dma_wait3A_179 : memref<32768x256xf32, #tpu.memory_space<hbm>>) dst(%arg8 : memref<112x256xf32, #tpu.memory_space<vmem>>)
    %add3A_180 = arith.constant 20 : i32
    %add3A_181 = vector.broadcast %add3A_180 : i32 to vector<16xi32>
    %add3A_182 = arith.addi %iota3A, %add3A_181 : vector<16xi32>
    %gather3A_183 = tpu.vector_load_idx %arg5[%add3A_182] : memref<256xi32, #tpu.memory_space<vmem>>[vector<16xi32>], vector<16xi32>,
    %swap3A_184 = arith.constant 0 : index
    %swap3A_185 = tpu.vector_load %arg10[%swap3A_184] {strides = array<i32>} : memref<80xi32, #tpu.memory_space<vmem>>, vector<16xi32>,
    tpu.vector_store %arg10[%swap3A_184], %gather3A_183 {strides = array<i32>} : memref<80xi32, #tpu.memory_space<vmem>>, vector<16xi32>,
    %add3A_186 = arith.constant 36 : i32
    %add3A_187 = vector.broadcast %add3A_186 : i32 to vector<16xi32>
    %add3A_188 = arith.addi %iota3A, %add3A_187 : vector<16xi32>
    %gather3A_189 = tpu.vector_load_idx %arg5[%add3A_188] : memref<256xi32, #tpu.memory_space<vmem>>[vector<16xi32>], vector<16xi32>,
    %swap3A_190 = arith.constant 16 : index
    %swap3A_191 = tpu.vector_load %arg10[%swap3A_190] {strides = array<i32>} : memref<80xi32, #tpu.memory_space<vmem>>, vector<16xi32>,
    tpu.vector_store %arg10[%swap3A_190], %gather3A_189 {strides = array<i32>} : memref<80xi32, #tpu.memory_space<vmem>>, vector<16xi32>,
    %add3A_192 = arith.constant 52 : i32
    %add3A_193 = vector.broadcast %add3A_192 : i32 to vector<16xi32>
    %add3A_194 = arith.addi %iota3A, %add3A_193 : vector<16xi32>
    %gather3A_195 = tpu.vector_load_idx %arg5[%add3A_194] : memref<256xi32, #tpu.memory_space<vmem>>[vector<16xi32>], vector<16xi32>,
    %swap3A_196 = arith.constant 32 : index
    %swap3A_197 = tpu.vector_load %arg10[%swap3A_196] {strides = array<i32>} : memref<80xi32, #tpu.memory_space<vmem>>, vector<16xi32>,
    tpu.vector_store %arg10[%swap3A_196], %gather3A_195 {strides = array<i32>} : memref<80xi32, #tpu.memory_space<vmem>>, vector<16xi32>,
    %add3A_198 = arith.constant 68 : i32
    %add3A_199 = vector.broadcast %add3A_198 : i32 to vector<16xi32>
    %add3A_200 = arith.addi %iota3A, %add3A_199 : vector<16xi32>
    %gather3A_201 = tpu.vector_load_idx %arg5[%add3A_200] : memref<256xi32, #tpu.memory_space<vmem>>[vector<16xi32>], vector<16xi32>,
    %swap3A_202 = arith.constant 48 : index
    %swap3A_203 = tpu.vector_load %arg10[%swap3A_202] {strides = array<i32>} : memref<80xi32, #tpu.memory_space<vmem>>, vector<16xi32>,
    tpu.vector_store %arg10[%swap3A_202], %gather3A_201 {strides = array<i32>} : memref<80xi32, #tpu.memory_space<vmem>>, vector<16xi32>,
    %add3A_204 = arith.constant 84 : i32
    %add3A_205 = vector.broadcast %add3A_204 : i32 to vector<16xi32>
    %add3A_206 = arith.addi %iota3A, %add3A_205 : vector<16xi32>
    %gather3A_207 = tpu.vector_load_idx %arg5[%add3A_206] : memref<256xi32, #tpu.memory_space<vmem>>[vector<16xi32>], vector<16xi32>,
    %swap3A_208 = arith.constant 64 : index
    %swap3A_209 = tpu.vector_load %arg10[%swap3A_208] {strides = array<i32>} : memref<80xi32, #tpu.memory_space<vmem>>, vector<16xi32>,
    tpu.vector_store %arg10[%swap3A_208], %gather3A_207 {strides = array<i32>} : memref<80xi32, #tpu.memory_space<vmem>>, vector<16xi32>,
    %scan3A = arith.constant 0 : i32
    %scan3A_210 = arith.constant 0 : i32
    %scan3A_211 = arith.constant 20 : i32
    %scan3A_212 = arith.addi %scan3A_210, %scan3A_211 : i32
    %scan3A_213 = arith.constant 1 : i32
    scf.for %scan3A_261 = %scan3A_210 to %scan3A_212 step %scan3A_213  : i32 {
      %add3A_262 = arith.constant 0 : i32
      %add3A_263 = vector.broadcast %add3A_262 : i32 to vector<16xi32>
      %add3A_264 = arith.addi %iota3A, %add3A_263 : vector<16xi32>
      %add3A_265 = vector.broadcast %scan3A_261 : i32 to vector<16xi32>
      %add3A_266 = arith.addi %add3A_264, %add3A_265 : vector<16xi32>
      %get3A = arith.constant 0 : index
      %get3A_267 = tpu.vector_load %arg10[%get3A] {strides = array<i32>} : memref<80xi32, #tpu.memory_space<vmem>>, vector<16xi32>,
      %gather3A_268 = tpu.vector_load_idx %arg8[%add3A_266, %get3A_267] : memref<112x256xf32, #tpu.memory_space<vmem>>[vector<16xi32>, vector<16xi32>], vector<16xf32>,
      %swap3A_269 = arith.index_cast %scan3A_261 : i32 to index
      %swap3A_270 = arith.constant 0 : index
      %swap3A_271 = tpu.vector_load %arg11[%swap3A_269, %swap3A_270] {strides = array<i32>} : memref<20x80xf32, #tpu.memory_space<vmem>>, vector<16xf32>,
      tpu.vector_store %arg11[%swap3A_269, %swap3A_270], %gather3A_268 {strides = array<i32>} : memref<20x80xf32, #tpu.memory_space<vmem>>, vector<16xf32>,
      %add3A_272 = arith.constant 16 : i32
      %add3A_273 = vector.broadcast %add3A_272 : i32 to vector<16xi32>
      %add3A_274 = arith.addi %iota3A, %add3A_273 : vector<16xi32>
      %add3A_275 = vector.broadcast %scan3A_261 : i32 to vector<16xi32>
      %add3A_276 = arith.addi %add3A_274, %add3A_275 : vector<16xi32>
      %get3A_277 = arith.constant 16 : index
      %get3A_278 = tpu.vector_load %arg10[%get3A_277] {strides = array<i32>} : memref<80xi32, #tpu.memory_space<vmem>>, vector<16xi32>,
      %gather3A_279 = tpu.vector_load_idx %arg8[%add3A_276, %get3A_278] : memref<112x256xf32, #tpu.memory_space<vmem>>[vector<16xi32>, vector<16xi32>], vector<16xf32>,
      %swap3A_280 = arith.index_cast %scan3A_261 : i32 to index
      %swap3A_281 = arith.constant 16 : index
      %swap3A_282 = tpu.vector_load %arg11[%swap3A_280, %swap3A_281] {strides = array<i32>} : memref<20x80xf32, #tpu.memory_space<vmem>>, vector<16xf32>,
      tpu.vector_store %arg11[%swap3A_280, %swap3A_281], %gather3A_279 {strides = array<i32>} : memref<20x80xf32, #tpu.memory_space<vmem>>, vector<16xf32>,
      %add3A_283 = arith.constant 32 : i32
      %add3A_284 = vector.broadcast %add3A_283 : i32 to vector<16xi32>
      %add3A_285 = arith.addi %iota3A, %add3A_284 : vector<16xi32>
      %add3A_286 = vector.broadcast %scan3A_261 : i32 to vector<16xi32>
      %add3A_287 = arith.addi %add3A_285, %add3A_286 : vector<16xi32>
      %get3A_288 = arith.constant 32 : index
      %get3A_289 = tpu.vector_load %arg10[%get3A_288] {strides = array<i32>} : memref<80xi32, #tpu.memory_space<vmem>>, vector<16xi32>,
      %gather3A_290 = tpu.vector_load_idx %arg8[%add3A_287, %get3A_289] : memref<112x256xf32, #tpu.memory_space<vmem>>[vector<16xi32>, vector<16xi32>], vector<16xf32>,
      %swap3A_291 = arith.index_cast %scan3A_261 : i32 to index
      %swap3A_292 = arith.constant 32 : index
      %swap3A_293 = tpu.vector_load %arg11[%swap3A_291, %swap3A_292] {strides = array<i32>} : memref<20x80xf32, #tpu.memory_space<vmem>>, vector<16xf32>,
      tpu.vector_store %arg11[%swap3A_291, %swap3A_292], %gather3A_290 {strides = array<i32>} : memref<20x80xf32, #tpu.memory_space<vmem>>, vector<16xf32>,
      %add3A_294 = arith.constant 48 : i32
      %add3A_295 = vector.broadcast %add3A_294 : i32 to vector<16xi32>
      %add3A_296 = arith.addi %iota3A, %add3A_295 : vector<16xi32>
      %add3A_297 = vector.broadcast %scan3A_261 : i32 to vector<16xi32>
      %add3A_298 = arith.addi %add3A_296, %add3A_297 : vector<16xi32>
      %get3A_299 = arith.constant 48 : index
      %get3A_300 = tpu.vector_load %arg10[%get3A_299] {strides = array<i32>} : memref<80xi32, #tpu.memory_space<vmem>>, vector<16xi32>,
      %gather3A_301 = tpu.vector_load_idx %arg8[%add3A_298, %get3A_300] : memref<112x256xf32, #tpu.memory_space<vmem>>[vector<16xi32>, vector<16xi32>], vector<16xf32>,
      %swap3A_302 = arith.index_cast %scan3A_261 : i32 to index
      %swap3A_303 = arith.constant 48 : index
      %swap3A_304 = tpu.vector_load %arg11[%swap3A_302, %swap3A_303] {strides = array<i32>} : memref<20x80xf32, #tpu.memory_space<vmem>>, vector<16xf32>,
      tpu.vector_store %arg11[%swap3A_302, %swap3A_303], %gather3A_301 {strides = array<i32>} : memref<20x80xf32, #tpu.memory_space<vmem>>, vector<16xf32>,
      %add3A_305 = arith.constant 64 : i32
      %add3A_306 = vector.broadcast %add3A_305 : i32 to vector<16xi32>
      %add3A_307 = arith.addi %iota3A, %add3A_306 : vector<16xi32>
      %add3A_308 = vector.broadcast %scan3A_261 : i32 to vector<16xi32>
      %add3A_309 = arith.addi %add3A_307, %add3A_308 : vector<16xi32>
      %get3A_310 = arith.constant 64 : index
      %get3A_311 = tpu.vector_load %arg10[%get3A_310] {strides = array<i32>} : memref<80xi32, #tpu.memory_space<vmem>>, vector<16xi32>,
      %gather3A_312 = tpu.vector_load_idx %arg8[%add3A_309, %get3A_311] : memref<112x256xf32, #tpu.memory_space<vmem>>[vector<16xi32>, vector<16xi32>], vector<16xf32>,
      %swap3A_313 = arith.index_cast %scan3A_261 : i32 to index
      %swap3A_314 = arith.constant 64 : index
      %swap3A_315 = tpu.vector_load %arg11[%swap3A_313, %swap3A_314] {strides = array<i32>} : memref<20x80xf32, #tpu.memory_space<vmem>>, vector<16xf32>,
      tpu.vector_store %arg11[%swap3A_313, %swap3A_314], %gather3A_312 {strides = array<i32>} : memref<20x80xf32, #tpu.memory_space<vmem>>, vector<16xf32>,
    }
    %scan3A_214 = arith.constant 20 : i32
    %sub3A = arith.constant 64 : i32
    %sub3A_215 = arith.subi %add3A_4, %sub3A : i32
    %add3A_216 = arith.constant 0 : i32
    %add3A_217 = arith.addi %sub3A_215, %add3A_216 : i32
    "tpu.region"() ({
      %run_scoped3A = tpu.sem_alloc : memref<!tpu.dma_semaphore, #tpu.memory_space<semaphore_mem>>
      %dma_start3A_261 = arith.constant 0 : i32
      %dma_start3A_262 = arith.constant 0 : i32
      %dma_start3A_263 = tpu.memref_slice %arg4[%add3A_217, %dma_start3A_261, %dma_start3A_262] : memref<64x20x80xf32, #tpu.memory_space<hbm>> -> memref<1x20x80xf32, #tpu.memory_space<hbm>>
      %dma_start3A_264 = tpu.memref_squeeze %dma_start3A_263 : memref<1x20x80xf32, #tpu.memory_space<hbm>> -> memref<20x80xf32, #tpu.memory_space<hbm>>
      %dma_start3A_265 = arith.constant 0 : i32
      %dma_start3A_266 = arith.constant 0 : i32
      %dma_start3A_267 = tpu.memref_slice %arg4[%add3A_217, %dma_start3A_265, %dma_start3A_266] : memref<64x20x80xf32, #tpu.memory_space<hbm>> -> memref<1x20x80xf32, #tpu.memory_space<hbm>>
      %dma_start3A_268 = tpu.memref_squeeze %dma_start3A_267 : memref<1x20x80xf32, #tpu.memory_space<hbm>> -> memref<20x80xf32, #tpu.memory_space<hbm>>
      tpu.enqueue_dma source(%arg11 : memref<20x80xf32, #tpu.memory_space<vmem>>) target(%dma_start3A_268 : memref<20x80xf32, #tpu.memory_space<hbm>>) target_semaphore(%run_scoped3A : memref<!tpu.dma_semaphore, #tpu.memory_space<semaphore_mem>>)
      %dma_wait3A_269 = arith.constant 0 : i32
      %dma_wait3A_270 = arith.constant 0 : i32
      %dma_wait3A_271 = tpu.memref_slice %arg4[%add3A_217, %dma_wait3A_269, %dma_wait3A_270] : memref<64x20x80xf32, #tpu.memory_space<hbm>> -> memref<1x20x80xf32, #tpu.memory_space<hbm>>
      %dma_wait3A_272 = tpu.memref_squeeze %dma_wait3A_271 : memref<1x20x80xf32, #tpu.memory_space<hbm>> -> memref<20x80xf32, #tpu.memory_space<hbm>>
      %dma_wait3A_273 = arith.constant 0 : i32
      %dma_wait3A_274 = arith.constant 0 : i32
      %dma_wait3A_275 = tpu.memref_slice %arg4[%add3A_217, %dma_wait3A_273, %dma_wait3A_274] : memref<64x20x80xf32, #tpu.memory_space<hbm>> -> memref<1x20x80xf32, #tpu.memory_space<hbm>>
      %dma_wait3A_276 = tpu.memref_squeeze %dma_wait3A_275 : memref<1x20x80xf32, #tpu.memory_space<hbm>> -> memref<20x80xf32, #tpu.memory_space<hbm>>
      tpu.wait_dma2 semaphore(%run_scoped3A : memref<!tpu.dma_semaphore, #tpu.memory_space<semaphore_mem>>) src(%arg11 : memref<20x80xf32, #tpu.memory_space<vmem>>) dst(%dma_wait3A_276 : memref<20x80xf32, #tpu.memory_space<hbm>>)
      tpu.yield
    }) : () -> ()
    %dma_wait3A_218 = arith.constant 0 : i32
    %dma_wait3A_219 = arith.constant 0 : i32
    %dma_wait3A_220 = tpu.memref_slice %arg3[%dma_wait3A_218, %dma_wait3A_219] : memref<32768x256xf32, #tpu.memory_space<hbm>> -> memref<32768x256xf32, #tpu.memory_space<hbm>>
    tpu.wait_indirect_dma semaphore(%arg13 : memref<!tpu.dma_semaphore, #tpu.memory_space<semaphore_mem>>) src(%dma_wait3A_220 : memref<32768x256xf32, #tpu.memory_space<hbm>>) dst(%arg9 : memref<112x256xf32, #tpu.memory_space<vmem>>)
    %add3A_221 = arith.constant 148 : i32
    %add3A_222 = vector.broadcast %add3A_221 : i32 to vector<16xi32>
    %add3A_223 = arith.addi %iota3A, %add3A_222 : vector<16xi32>
    %gather3A_224 = tpu.vector_load_idx %arg5[%add3A_223] : memref<256xi32, #tpu.memory_space<vmem>>[vector<16xi32>], vector<16xi32>,
    %swap3A_225 = arith.constant 0 : index
    %swap3A_226 = tpu.vector_load %arg10[%swap3A_225] {strides = array<i32>} : memref<80xi32, #tpu.memory_space<vmem>>, vector<16xi32>,
    tpu.vector_store %arg10[%swap3A_225], %gather3A_224 {strides = array<i32>} : memref<80xi32, #tpu.memory_space<vmem>>, vector<16xi32>,
    %add3A_227 = arith.constant 164 : i32
    %add3A_228 = vector.broadcast %add3A_227 : i32 to vector<16xi32>
    %add3A_229 = arith.addi %iota3A, %add3A_228 : vector<16xi32>
    %gather3A_230 = tpu.vector_load_idx %arg5[%add3A_229] : memref<256xi32, #tpu.memory_space<vmem>>[vector<16xi32>], vector<16xi32>,
    %swap3A_231 = arith.constant 16 : index
    %swap3A_232 = tpu.vector_load %arg10[%swap3A_231] {strides = array<i32>} : memref<80xi32, #tpu.memory_space<vmem>>, vector<16xi32>,
    tpu.vector_store %arg10[%swap3A_231], %gather3A_230 {strides = array<i32>} : memref<80xi32, #tpu.memory_space<vmem>>, vector<16xi32>,
    %add3A_233 = arith.constant 180 : i32
    %add3A_234 = vector.broadcast %add3A_233 : i32 to vector<16xi32>
    %add3A_235 = arith.addi %iota3A, %add3A_234 : vector<16xi32>
    %gather3A_236 = tpu.vector_load_idx %arg5[%add3A_235] : memref<256xi32, #tpu.memory_space<vmem>>[vector<16xi32>], vector<16xi32>,
    %swap3A_237 = arith.constant 32 : index
    %swap3A_238 = tpu.vector_load %arg10[%swap3A_237] {strides = array<i32>} : memref<80xi32, #tpu.memory_space<vmem>>, vector<16xi32>,
    tpu.vector_store %arg10[%swap3A_237], %gather3A_236 {strides = array<i32>} : memref<80xi32, #tpu.memory_space<vmem>>, vector<16xi32>,
    %add3A_239 = arith.constant 196 : i32
    %add3A_240 = vector.broadcast %add3A_239 : i32 to vector<16xi32>
    %add3A_241 = arith.addi %iota3A, %add3A_240 : vector<16xi32>
    %gather3A_242 = tpu.vector_load_idx %arg5[%add3A_241] : memref<256xi32, #tpu.memory_space<vmem>>[vector<16xi32>], vector<16xi32>,
    %swap3A_243 = arith.constant 48 : index
    %swap3A_244 = tpu.vector_load %arg10[%swap3A_243] {strides = array<i32>} : memref<80xi32, #tpu.memory_space<vmem>>, vector<16xi32>,
    tpu.vector_store %arg10[%swap3A_243], %gather3A_242 {strides = array<i32>} : memref<80xi32, #tpu.memory_space<vmem>>, vector<16xi32>,
    %add3A_245 = arith.constant 212 : i32
    %add3A_246 = vector.broadcast %add3A_245 : i32 to vector<16xi32>
    %add3A_247 = arith.addi %iota3A, %add3A_246 : vector<16xi32>
    %gather3A_248 = tpu.vector_load_idx %arg5[%add3A_247] : memref<256xi32, #tpu.memory_space<vmem>>[vector<16xi32>], vector<16xi32>,
    %swap3A_249 = arith.constant 64 : index
    %swap3A_250 = tpu.vector_load %arg10[%swap3A_249] {strides = array<i32>} : memref<80xi32, #tpu.memory_space<vmem>>, vector<16xi32>,
    tpu.vector_store %arg10[%swap3A_249], %gather3A_248 {strides = array<i32>} : memref<80xi32, #tpu.memory_space<vmem>>, vector<16xi32>,
    %scan3A_251 = arith.constant 0 : i32
    %scan3A_252 = arith.constant 0 : i32
    %scan3A_253 = arith.constant 20 : i32
    %scan3A_254 = arith.addi %scan3A_252, %scan3A_253 : i32
    %scan3A_255 = arith.constant 1 : i32
    scf.for %scan3A_261 = %scan3A_252 to %scan3A_254 step %scan3A_255  : i32 {
      %add3A_262 = arith.constant 0 : i32
      %add3A_263 = vector.broadcast %add3A_262 : i32 to vector<16xi32>
      %add3A_264 = arith.addi %iota3A, %add3A_263 : vector<16xi32>
      %add3A_265 = vector.broadcast %scan3A_261 : i32 to vector<16xi32>
      %add3A_266 = arith.addi %add3A_264, %add3A_265 : vector<16xi32>
      %get3A = arith.constant 0 : index
      %get3A_267 = tpu.vector_load %arg10[%get3A] {strides = array<i32>} : memref<80xi32, #tpu.memory_space<vmem>>, vector<16xi32>,
      %gather3A_268 = tpu.vector_load_idx %arg9[%add3A_266, %get3A_267] : memref<112x256xf32, #tpu.memory_space<vmem>>[vector<16xi32>, vector<16xi32>], vector<16xf32>,
      %swap3A_269 = arith.index_cast %scan3A_261 : i32 to index
      %swap3A_270 = arith.constant 0 : index
      %swap3A_271 = tpu.vector_load %arg11[%swap3A_269, %swap3A_270] {strides = array<i32>} : memref<20x80xf32, #tpu.memory_space<vmem>>, vector<16xf32>,
      tpu.vector_store %arg11[%swap3A_269, %swap3A_270], %gather3A_268 {strides = array<i32>} : memref<20x80xf32, #tpu.memory_space<vmem>>, vector<16xf32>,
      %add3A_272 = arith.constant 16 : i32
      %add3A_273 = vector.broadcast %add3A_272 : i32 to vector<16xi32>
      %add3A_274 = arith.addi %iota3A, %add3A_273 : vector<16xi32>
      %add3A_275 = vector.broadcast %scan3A_261 : i32 to vector<16xi32>
      %add3A_276 = arith.addi %add3A_274, %add3A_275 : vector<16xi32>
      %get3A_277 = arith.constant 16 : index
      %get3A_278 = tpu.vector_load %arg10[%get3A_277] {strides = array<i32>} : memref<80xi32, #tpu.memory_space<vmem>>, vector<16xi32>,
      %gather3A_279 = tpu.vector_load_idx %arg9[%add3A_276, %get3A_278] : memref<112x256xf32, #tpu.memory_space<vmem>>[vector<16xi32>, vector<16xi32>], vector<16xf32>,
      %swap3A_280 = arith.index_cast %scan3A_261 : i32 to index
      %swap3A_281 = arith.constant 16 : index
      %swap3A_282 = tpu.vector_load %arg11[%swap3A_280, %swap3A_281] {strides = array<i32>} : memref<20x80xf32, #tpu.memory_space<vmem>>, vector<16xf32>,
      tpu.vector_store %arg11[%swap3A_280, %swap3A_281], %gather3A_279 {strides = array<i32>} : memref<20x80xf32, #tpu.memory_space<vmem>>, vector<16xf32>,
      %add3A_283 = arith.constant 32 : i32
      %add3A_284 = vector.broadcast %add3A_283 : i32 to vector<16xi32>
      %add3A_285 = arith.addi %iota3A, %add3A_284 : vector<16xi32>
      %add3A_286 = vector.broadcast %scan3A_261 : i32 to vector<16xi32>
      %add3A_287 = arith.addi %add3A_285, %add3A_286 : vector<16xi32>
      %get3A_288 = arith.constant 32 : index
      %get3A_289 = tpu.vector_load %arg10[%get3A_288] {strides = array<i32>} : memref<80xi32, #tpu.memory_space<vmem>>, vector<16xi32>,
      %gather3A_290 = tpu.vector_load_idx %arg9[%add3A_287, %get3A_289] : memref<112x256xf32, #tpu.memory_space<vmem>>[vector<16xi32>, vector<16xi32>], vector<16xf32>,
      %swap3A_291 = arith.index_cast %scan3A_261 : i32 to index
      %swap3A_292 = arith.constant 32 : index
      %swap3A_293 = tpu.vector_load %arg11[%swap3A_291, %swap3A_292] {strides = array<i32>} : memref<20x80xf32, #tpu.memory_space<vmem>>, vector<16xf32>,
      tpu.vector_store %arg11[%swap3A_291, %swap3A_292], %gather3A_290 {strides = array<i32>} : memref<20x80xf32, #tpu.memory_space<vmem>>, vector<16xf32>,
      %add3A_294 = arith.constant 48 : i32
      %add3A_295 = vector.broadcast %add3A_294 : i32 to vector<16xi32>
      %add3A_296 = arith.addi %iota3A, %add3A_295 : vector<16xi32>
      %add3A_297 = vector.broadcast %scan3A_261 : i32 to vector<16xi32>
      %add3A_298 = arith.addi %add3A_296, %add3A_297 : vector<16xi32>
      %get3A_299 = arith.constant 48 : index
      %get3A_300 = tpu.vector_load %arg10[%get3A_299] {strides = array<i32>} : memref<80xi32, #tpu.memory_space<vmem>>, vector<16xi32>,
      %gather3A_301 = tpu.vector_load_idx %arg9[%add3A_298, %get3A_300] : memref<112x256xf32, #tpu.memory_space<vmem>>[vector<16xi32>, vector<16xi32>], vector<16xf32>,
      %swap3A_302 = arith.index_cast %scan3A_261 : i32 to index
      %swap3A_303 = arith.constant 48 : index
      %swap3A_304 = tpu.vector_load %arg11[%swap3A_302, %swap3A_303] {strides = array<i32>} : memref<20x80xf32, #tpu.memory_space<vmem>>, vector<16xf32>,
      tpu.vector_store %arg11[%swap3A_302, %swap3A_303], %gather3A_301 {strides = array<i32>} : memref<20x80xf32, #tpu.memory_space<vmem>>, vector<16xf32>,
      %add3A_305 = arith.constant 64 : i32
      %add3A_306 = vector.broadcast %add3A_305 : i32 to vector<16xi32>
      %add3A_307 = arith.addi %iota3A, %add3A_306 : vector<16xi32>
      %add3A_308 = vector.broadcast %scan3A_261 : i32 to vector<16xi32>
      %add3A_309 = arith.addi %add3A_307, %add3A_308 : vector<16xi32>
      %get3A_310 = arith.constant 64 : index
      %get3A_311 = tpu.vector_load %arg10[%get3A_310] {strides = array<i32>} : memref<80xi32, #tpu.memory_space<vmem>>, vector<16xi32>,
      %gather3A_312 = tpu.vector_load_idx %arg9[%add3A_309, %get3A_311] : memref<112x256xf32, #tpu.memory_space<vmem>>[vector<16xi32>, vector<16xi32>], vector<16xf32>,
      %swap3A_313 = arith.index_cast %scan3A_261 : i32 to index
      %swap3A_314 = arith.constant 64 : index
      %swap3A_315 = tpu.vector_load %arg11[%swap3A_313, %swap3A_314] {strides = array<i32>} : memref<20x80xf32, #tpu.memory_space<vmem>>, vector<16xf32>,
      tpu.vector_store %arg11[%swap3A_313, %swap3A_314], %gather3A_312 {strides = array<i32>} : memref<20x80xf32, #tpu.memory_space<vmem>>, vector<16xf32>,
    }
    %scan3A_256 = arith.constant 20 : i32
    %sub3A_257 = arith.constant 64 : i32
    %sub3A_258 = arith.subi %add3A_4, %sub3A_257 : i32
    %add3A_259 = arith.constant 1 : i32
    %add3A_260 = arith.addi %sub3A_258, %add3A_259 : i32
    "tpu.region"() ({
      %run_scoped3A = tpu.sem_alloc : memref<!tpu.dma_semaphore, #tpu.memory_space<semaphore_mem>>
      %dma_start3A_261 = arith.constant 0 : i32
      %dma_start3A_262 = arith.constant 0 : i32
      %dma_start3A_263 = tpu.memref_slice %arg4[%add3A_260, %dma_start3A_261, %dma_start3A_262] : memref<64x20x80xf32, #tpu.memory_space<hbm>> -> memref<1x20x80xf32, #tpu.memory_space<hbm>>
      %dma_start3A_264 = tpu.memref_squeeze %dma_start3A_263 : memref<1x20x80xf32, #tpu.memory_space<hbm>> -> memref<20x80xf32, #tpu.memory_space<hbm>>
      %dma_start3A_265 = arith.constant 0 : i32
      %dma_start3A_266 = arith.constant 0 : i32
      %dma_start3A_267 = tpu.memref_slice %arg4[%add3A_260, %dma_start3A_265, %dma_start3A_266] : memref<64x20x80xf32, #tpu.memory_space<hbm>> -> memref<1x20x80xf32, #tpu.memory_space<hbm>>
      %dma_start3A_268 = tpu.memref_squeeze %dma_start3A_267 : memref<1x20x80xf32, #tpu.memory_space<hbm>> -> memref<20x80xf32, #tpu.memory_space<hbm>>
      tpu.enqueue_dma source(%arg11 : memref<20x80xf32, #tpu.memory_space<vmem>>) target(%dma_start3A_268 : memref<20x80xf32, #tpu.memory_space<hbm>>) target_semaphore(%run_scoped3A : memref<!tpu.dma_semaphore, #tpu.memory_space<semaphore_mem>>)
      %dma_wait3A_269 = arith.constant 0 : i32
      %dma_wait3A_270 = arith.constant 0 : i32
      %dma_wait3A_271 = tpu.memref_slice %arg4[%add3A_260, %dma_wait3A_269, %dma_wait3A_270] : memref<64x20x80xf32, #tpu.memory_space<hbm>> -> memref<1x20x80xf32, #tpu.memory_space<hbm>>
      %dma_wait3A_272 = tpu.memref_squeeze %dma_wait3A_271 : memref<1x20x80xf32, #tpu.memory_space<hbm>> -> memref<20x80xf32, #tpu.memory_space<hbm>>
      %dma_wait3A_273 = arith.constant 0 : i32
      %dma_wait3A_274 = arith.constant 0 : i32
      %dma_wait3A_275 = tpu.memref_slice %arg4[%add3A_260, %dma_wait3A_273, %dma_wait3A_274] : memref<64x20x80xf32, #tpu.memory_space<hbm>> -> memref<1x20x80xf32, #tpu.memory_space<hbm>>
      %dma_wait3A_276 = tpu.memref_squeeze %dma_wait3A_275 : memref<1x20x80xf32, #tpu.memory_space<hbm>> -> memref<20x80xf32, #tpu.memory_space<hbm>>
      tpu.wait_dma2 semaphore(%run_scoped3A : memref<!tpu.dma_semaphore, #tpu.memory_space<semaphore_mem>>) src(%arg11 : memref<20x80xf32, #tpu.memory_space<vmem>>) dst(%dma_wait3A_276 : memref<20x80xf32, #tpu.memory_space<hbm>>)
      tpu.yield
    }) : () -> ()
    return
  }
}

#map = affine_map<(d0, d1) -> (0)>
#map1 = affine_map<(d0, d1) -> (0, 0)>
#map2 = affine_map<(d0, d1) -> (0, 0, 0)>
module attributes {stable_mosaic.version = 14 : i64} {
  func.func @_band_body(%arg0: i32, %arg1: i32, %arg2: memref<16384xi32, #tpu.memory_space<hbm>>, %arg3: memref<32768x256xf32, #tpu.memory_space<hbm>>, %arg4: memref<64x20x80xf32, #tpu.memory_space<hbm>>, %arg5: memref<256xi32, #tpu.memory_space<vmem>>, %arg6: memref<112xi32, #tpu.memory_space<vmem>>, %arg7: memref<112xi32, #tpu.memory_space<vmem>>, %arg8: memref<112x256xf32, #tpu.memory_space<vmem>>, %arg9: memref<112x256xf32, #tpu.memory_space<vmem>>, %arg10: memref<80xi32, #tpu.memory_space<vmem>>, %arg11: memref<20x80xf32, #tpu.memory_space<vmem>>, %arg12: memref<!tpu.dma_semaphore, #tpu.memory_space<semaphore_mem>>, %arg13: memref<!tpu.dma_semaphore, #tpu.memory_space<semaphore_mem>>) attributes {dimension_semantics = [#tpu.dimension_semantics<core_parallel>, #tpu.dimension_semantics<subcore_parallel>], iteration_bounds = array<i64: 2, 16>, scalar_prefetch = 0 : i64, scratch_operands = 9 : i64, tpu.core_type = #tpu.core_type<sc_vector_subcore>, window_params = [{transform_indices = #map}, {transform_indices = #map1}, {transform_indices = #map2}]} {
    %mul3A = arith.constant 2 : i32
    %mul3A_0 = arith.muli %arg1, %mul3A : i32
    %add3A = arith.addi %mul3A_0, %arg0 : i32
    %mul3A_1 = arith.constant 2 : i32
    %mul3A_2 = arith.muli %add3A, %mul3A_1 : i32
    %add3A_3 = arith.constant 0 : i32
    %add3A_4 = arith.addi %add3A_3, %mul3A_2 : i32
    %mul3A_5 = arith.constant 128 : i32
    %mul3A_6 = arith.muli %add3A_4, %mul3A_5 : i32
    "tpu.region"() ({
      %run_scoped3A = tpu.sem_alloc : memref<!tpu.dma_semaphore, #tpu.memory_space<semaphore_mem>>
      %dma_start3A_261 = tpu.memref_slice %arg2[%mul3A_6] : memref<16384xi32, #tpu.memory_space<hbm>> -> memref<256xi32, #tpu.memory_space<hbm>>
      %dma_start3A_262 = tpu.memref_slice %arg2[%mul3A_6] : memref<16384xi32, #tpu.memory_space<hbm>> -> memref<256xi32, #tpu.memory_space<hbm>>
      tpu.enqueue_dma source(%dma_start3A_262 : memref<256xi32, #tpu.memory_space<hbm>>) target(%arg5 : memref<256xi32, #tpu.memory_space<vmem>>) target_semaphore(%run_scoped3A : memref<!tpu.dma_semaphore, #tpu.memory_space<semaphore_mem>>)
      %dma_wait3A_263 = tpu.memref_slice %arg2[%mul3A_6] : memref<16384xi32, #tpu.memory_space<hbm>> -> memref<256xi32, #tpu.memory_space<hbm>>
      %dma_wait3A_264 = tpu.memref_slice %arg2[%mul3A_6] : memref<16384xi32, #tpu.memory_space<hbm>> -> memref<256xi32, #tpu.memory_space<hbm>>
      tpu.wait_dma2 semaphore(%run_scoped3A : memref<!tpu.dma_semaphore, #tpu.memory_space<semaphore_mem>>) src(%dma_wait3A_264 : memref<256xi32, #tpu.memory_space<hbm>>) dst(%arg5 : memref<256xi32, #tpu.memory_space<vmem>>)
      tpu.yield
    }) : () -> ()
    %iota3A = tpu.iota {dimensions = array<i32: 0>} : vector<16xi32>
    %add3A_7 = arith.constant 0 : i32
    %add3A_8 = vector.broadcast %add3A_7 : i32 to vector<16xi32>
    %add3A_9 = arith.addi %iota3A, %add3A_8 : vector<16xi32>
    %gather3A = tpu.vector_load_idx %arg5[%add3A_9] : memref<256xi32, #tpu.memory_space<vmem>>[vector<16xi32>], vector<16xi32>,
    %add3A_10 = arith.constant 0 : i32
    %add3A_11 = arith.addi %add3A_4, %add3A_10 : i32
    %mul3A_12 = arith.constant 256 : i32
    %mul3A_13 = arith.muli %add3A_11, %mul3A_12 : i32
    %add3A_14 = vector.broadcast %mul3A_13 : i32 to vector<16xi32>
    %add3A_15 = arith.addi %add3A_14, %gather3A : vector<16xi32>
    %swap3A = arith.constant 0 : index
    %swap3A_16 = tpu.vector_load %arg6[%swap3A] {strides = array<i32>} : memref<112xi32, #tpu.memory_space<vmem>>, vector<16xi32>,
    tpu.vector_store %arg6[%swap3A], %add3A_15 {strides = array<i32>} : memref<112xi32, #tpu.memory_space<vmem>>, vector<16xi32>,
    %add3A_17 = arith.constant 16 : i32
    %add3A_18 = vector.broadcast %add3A_17 : i32 to vector<16xi32>
    %add3A_19 = arith.addi %iota3A, %add3A_18 : vector<16xi32>
    %gather3A_20 = tpu.vector_load_idx %arg5[%add3A_19] : memref<256xi32, #tpu.memory_space<vmem>>[vector<16xi32>], vector<16xi32>,
    %add3A_21 = arith.constant 0 : i32
    %add3A_22 = arith.addi %add3A_4, %add3A_21 : i32
    %mul3A_23 = arith.constant 256 : i32
    %mul3A_24 = arith.muli %add3A_22, %mul3A_23 : i32
    %add3A_25 = vector.broadcast %mul3A_24 : i32 to vector<16xi32>
    %add3A_26 = arith.addi %add3A_25, %gather3A_20 : vector<16xi32>
    %swap3A_27 = arith.constant 16 : index
    %swap3A_28 = tpu.vector_load %arg6[%swap3A_27] {strides = array<i32>} : memref<112xi32, #tpu.memory_space<vmem>>, vector<16xi32>,
    tpu.vector_store %arg6[%swap3A_27], %add3A_26 {strides = array<i32>} : memref<112xi32, #tpu.memory_space<vmem>>, vector<16xi32>,
    %add3A_29 = arith.constant 32 : i32
    %add3A_30 = vector.broadcast %add3A_29 : i32 to vector<16xi32>
    %add3A_31 = arith.addi %iota3A, %add3A_30 : vector<16xi32>
    %gather3A_32 = tpu.vector_load_idx %arg5[%add3A_31] : memref<256xi32, #tpu.memory_space<vmem>>[vector<16xi32>], vector<16xi32>,
    %add3A_33 = arith.constant 0 : i32
    %add3A_34 = arith.addi %add3A_4, %add3A_33 : i32
    %mul3A_35 = arith.constant 256 : i32
    %mul3A_36 = arith.muli %add3A_34, %mul3A_35 : i32
    %add3A_37 = vector.broadcast %mul3A_36 : i32 to vector<16xi32>
    %add3A_38 = arith.addi %add3A_37, %gather3A_32 : vector<16xi32>
    %swap3A_39 = arith.constant 32 : index
    %swap3A_40 = tpu.vector_load %arg6[%swap3A_39] {strides = array<i32>} : memref<112xi32, #tpu.memory_space<vmem>>, vector<16xi32>,
    tpu.vector_store %arg6[%swap3A_39], %add3A_38 {strides = array<i32>} : memref<112xi32, #tpu.memory_space<vmem>>, vector<16xi32>,
    %add3A_41 = arith.constant 48 : i32
    %add3A_42 = vector.broadcast %add3A_41 : i32 to vector<16xi32>
    %add3A_43 = arith.addi %iota3A, %add3A_42 : vector<16xi32>
    %gather3A_44 = tpu.vector_load_idx %arg5[%add3A_43] : memref<256xi32, #tpu.memory_space<vmem>>[vector<16xi32>], vector<16xi32>,
    %add3A_45 = arith.constant 0 : i32
    %add3A_46 = arith.addi %add3A_4, %add3A_45 : i32
    %mul3A_47 = arith.constant 256 : i32
    %mul3A_48 = arith.muli %add3A_46, %mul3A_47 : i32
    %add3A_49 = vector.broadcast %mul3A_48 : i32 to vector<16xi32>
    %add3A_50 = arith.addi %add3A_49, %gather3A_44 : vector<16xi32>
    %swap3A_51 = arith.constant 48 : index
    %swap3A_52 = tpu.vector_load %arg6[%swap3A_51] {strides = array<i32>} : memref<112xi32, #tpu.memory_space<vmem>>, vector<16xi32>,
    tpu.vector_store %arg6[%swap3A_51], %add3A_50 {strides = array<i32>} : memref<112xi32, #tpu.memory_space<vmem>>, vector<16xi32>,
    %add3A_53 = arith.constant 64 : i32
    %add3A_54 = vector.broadcast %add3A_53 : i32 to vector<16xi32>
    %add3A_55 = arith.addi %iota3A, %add3A_54 : vector<16xi32>
    %gather3A_56 = tpu.vector_load_idx %arg5[%add3A_55] : memref<256xi32, #tpu.memory_space<vmem>>[vector<16xi32>], vector<16xi32>,
    %add3A_57 = arith.constant 0 : i32
    %add3A_58 = arith.addi %add3A_4, %add3A_57 : i32
    %mul3A_59 = arith.constant 256 : i32
    %mul3A_60 = arith.muli %add3A_58, %mul3A_59 : i32
    %add3A_61 = vector.broadcast %mul3A_60 : i32 to vector<16xi32>
    %add3A_62 = arith.addi %add3A_61, %gather3A_56 : vector<16xi32>
    %swap3A_63 = arith.constant 64 : index
    %swap3A_64 = tpu.vector_load %arg6[%swap3A_63] {strides = array<i32>} : memref<112xi32, #tpu.memory_space<vmem>>, vector<16xi32>,
    tpu.vector_store %arg6[%swap3A_63], %add3A_62 {strides = array<i32>} : memref<112xi32, #tpu.memory_space<vmem>>, vector<16xi32>,
    %add3A_65 = arith.constant 80 : i32
    %add3A_66 = vector.broadcast %add3A_65 : i32 to vector<16xi32>
    %add3A_67 = arith.addi %iota3A, %add3A_66 : vector<16xi32>
    %gather3A_68 = tpu.vector_load_idx %arg5[%add3A_67] : memref<256xi32, #tpu.memory_space<vmem>>[vector<16xi32>], vector<16xi32>,
    %add3A_69 = arith.constant 0 : i32
    %add3A_70 = arith.addi %add3A_4, %add3A_69 : i32
    %mul3A_71 = arith.constant 256 : i32
    %mul3A_72 = arith.muli %add3A_70, %mul3A_71 : i32
    %add3A_73 = vector.broadcast %mul3A_72 : i32 to vector<16xi32>
    %add3A_74 = arith.addi %add3A_73, %gather3A_68 : vector<16xi32>
    %swap3A_75 = arith.constant 80 : index
    %swap3A_76 = tpu.vector_load %arg6[%swap3A_75] {strides = array<i32>} : memref<112xi32, #tpu.memory_space<vmem>>, vector<16xi32>,
    tpu.vector_store %arg6[%swap3A_75], %add3A_74 {strides = array<i32>} : memref<112xi32, #tpu.memory_space<vmem>>, vector<16xi32>,
    %add3A_77 = arith.constant 96 : i32
    %add3A_78 = vector.broadcast %add3A_77 : i32 to vector<16xi32>
    %add3A_79 = arith.addi %iota3A, %add3A_78 : vector<16xi32>
    %gather3A_80 = tpu.vector_load_idx %arg5[%add3A_79] : memref<256xi32, #tpu.memory_space<vmem>>[vector<16xi32>], vector<16xi32>,
    %add3A_81 = arith.constant 0 : i32
    %add3A_82 = arith.addi %add3A_4, %add3A_81 : i32
    %mul3A_83 = arith.constant 256 : i32
    %mul3A_84 = arith.muli %add3A_82, %mul3A_83 : i32
    %add3A_85 = vector.broadcast %mul3A_84 : i32 to vector<16xi32>
    %add3A_86 = arith.addi %add3A_85, %gather3A_80 : vector<16xi32>
    %swap3A_87 = arith.constant 96 : index
    %swap3A_88 = tpu.vector_load %arg6[%swap3A_87] {strides = array<i32>} : memref<112xi32, #tpu.memory_space<vmem>>, vector<16xi32>,
    tpu.vector_store %arg6[%swap3A_87], %add3A_86 {strides = array<i32>} : memref<112xi32, #tpu.memory_space<vmem>>, vector<16xi32>,
    %dma_start3A = arith.constant 0 : i32
    %dma_start3A_89 = arith.constant 0 : i32
    %dma_start3A_90 = tpu.memref_slice %arg3[%dma_start3A, %dma_start3A_89] : memref<32768x256xf32, #tpu.memory_space<hbm>> -> memref<32768x256xf32, #tpu.memory_space<hbm>>
    tpu.enqueue_indirect_dma source(%dma_start3A_90 : memref<32768x256xf32, #tpu.memory_space<hbm>>) target(%arg8 : memref<112x256xf32, #tpu.memory_space<vmem>>) offsets(%arg6 : memref<112xi32, #tpu.memory_space<vmem>>) semaphore(%arg12 : memref<!tpu.dma_semaphore, #tpu.memory_space<semaphore_mem>>)
    %add3A_91 = arith.constant 128 : i32
    %add3A_92 = vector.broadcast %add3A_91 : i32 to vector<16xi32>
    %add3A_93 = arith.addi %iota3A, %add3A_92 : vector<16xi32>
    %gather3A_94 = tpu.vector_load_idx %arg5[%add3A_93] : memref<256xi32, #tpu.memory_space<vmem>>[vector<16xi32>], vector<16xi32>,
    %add3A_95 = arith.constant 1 : i32
    %add3A_96 = arith.addi %add3A_4, %add3A_95 : i32
    %mul3A_97 = arith.constant 256 : i32
    %mul3A_98 = arith.muli %add3A_96, %mul3A_97 : i32
    %add3A_99 = vector.broadcast %mul3A_98 : i32 to vector<16xi32>
    %add3A_100 = arith.addi %add3A_99, %gather3A_94 : vector<16xi32>
    %swap3A_101 = arith.constant 0 : index
    %swap3A_102 = tpu.vector_load %arg7[%swap3A_101] {strides = array<i32>} : memref<112xi32, #tpu.memory_space<vmem>>, vector<16xi32>,
    tpu.vector_store %arg7[%swap3A_101], %add3A_100 {strides = array<i32>} : memref<112xi32, #tpu.memory_space<vmem>>, vector<16xi32>,
    %add3A_103 = arith.constant 144 : i32
    %add3A_104 = vector.broadcast %add3A_103 : i32 to vector<16xi32>
    %add3A_105 = arith.addi %iota3A, %add3A_104 : vector<16xi32>
    %gather3A_106 = tpu.vector_load_idx %arg5[%add3A_105] : memref<256xi32, #tpu.memory_space<vmem>>[vector<16xi32>], vector<16xi32>,
    %add3A_107 = arith.constant 1 : i32
    %add3A_108 = arith.addi %add3A_4, %add3A_107 : i32
    %mul3A_109 = arith.constant 256 : i32
    %mul3A_110 = arith.muli %add3A_108, %mul3A_109 : i32
    %add3A_111 = vector.broadcast %mul3A_110 : i32 to vector<16xi32>
    %add3A_112 = arith.addi %add3A_111, %gather3A_106 : vector<16xi32>
    %swap3A_113 = arith.constant 16 : index
    %swap3A_114 = tpu.vector_load %arg7[%swap3A_113] {strides = array<i32>} : memref<112xi32, #tpu.memory_space<vmem>>, vector<16xi32>,
    tpu.vector_store %arg7[%swap3A_113], %add3A_112 {strides = array<i32>} : memref<112xi32, #tpu.memory_space<vmem>>, vector<16xi32>,
    %add3A_115 = arith.constant 160 : i32
    %add3A_116 = vector.broadcast %add3A_115 : i32 to vector<16xi32>
    %add3A_117 = arith.addi %iota3A, %add3A_116 : vector<16xi32>
    %gather3A_118 = tpu.vector_load_idx %arg5[%add3A_117] : memref<256xi32, #tpu.memory_space<vmem>>[vector<16xi32>], vector<16xi32>,
    %add3A_119 = arith.constant 1 : i32
    %add3A_120 = arith.addi %add3A_4, %add3A_119 : i32
    %mul3A_121 = arith.constant 256 : i32
    %mul3A_122 = arith.muli %add3A_120, %mul3A_121 : i32
    %add3A_123 = vector.broadcast %mul3A_122 : i32 to vector<16xi32>
    %add3A_124 = arith.addi %add3A_123, %gather3A_118 : vector<16xi32>
    %swap3A_125 = arith.constant 32 : index
    %swap3A_126 = tpu.vector_load %arg7[%swap3A_125] {strides = array<i32>} : memref<112xi32, #tpu.memory_space<vmem>>, vector<16xi32>,
    tpu.vector_store %arg7[%swap3A_125], %add3A_124 {strides = array<i32>} : memref<112xi32, #tpu.memory_space<vmem>>, vector<16xi32>,
    %add3A_127 = arith.constant 176 : i32
    %add3A_128 = vector.broadcast %add3A_127 : i32 to vector<16xi32>
    %add3A_129 = arith.addi %iota3A, %add3A_128 : vector<16xi32>
    %gather3A_130 = tpu.vector_load_idx %arg5[%add3A_129] : memref<256xi32, #tpu.memory_space<vmem>>[vector<16xi32>], vector<16xi32>,
    %add3A_131 = arith.constant 1 : i32
    %add3A_132 = arith.addi %add3A_4, %add3A_131 : i32
    %mul3A_133 = arith.constant 256 : i32
    %mul3A_134 = arith.muli %add3A_132, %mul3A_133 : i32
    %add3A_135 = vector.broadcast %mul3A_134 : i32 to vector<16xi32>
    %add3A_136 = arith.addi %add3A_135, %gather3A_130 : vector<16xi32>
    %swap3A_137 = arith.constant 48 : index
    %swap3A_138 = tpu.vector_load %arg7[%swap3A_137] {strides = array<i32>} : memref<112xi32, #tpu.memory_space<vmem>>, vector<16xi32>,
    tpu.vector_store %arg7[%swap3A_137], %add3A_136 {strides = array<i32>} : memref<112xi32, #tpu.memory_space<vmem>>, vector<16xi32>,
    %add3A_139 = arith.constant 192 : i32
    %add3A_140 = vector.broadcast %add3A_139 : i32 to vector<16xi32>
    %add3A_141 = arith.addi %iota3A, %add3A_140 : vector<16xi32>
    %gather3A_142 = tpu.vector_load_idx %arg5[%add3A_141] : memref<256xi32, #tpu.memory_space<vmem>>[vector<16xi32>], vector<16xi32>,
    %add3A_143 = arith.constant 1 : i32
    %add3A_144 = arith.addi %add3A_4, %add3A_143 : i32
    %mul3A_145 = arith.constant 256 : i32
    %mul3A_146 = arith.muli %add3A_144, %mul3A_145 : i32
    %add3A_147 = vector.broadcast %mul3A_146 : i32 to vector<16xi32>
    %add3A_148 = arith.addi %add3A_147, %gather3A_142 : vector<16xi32>
    %swap3A_149 = arith.constant 64 : index
    %swap3A_150 = tpu.vector_load %arg7[%swap3A_149] {strides = array<i32>} : memref<112xi32, #tpu.memory_space<vmem>>, vector<16xi32>,
    tpu.vector_store %arg7[%swap3A_149], %add3A_148 {strides = array<i32>} : memref<112xi32, #tpu.memory_space<vmem>>, vector<16xi32>,
    %add3A_151 = arith.constant 208 : i32
    %add3A_152 = vector.broadcast %add3A_151 : i32 to vector<16xi32>
    %add3A_153 = arith.addi %iota3A, %add3A_152 : vector<16xi32>
    %gather3A_154 = tpu.vector_load_idx %arg5[%add3A_153] : memref<256xi32, #tpu.memory_space<vmem>>[vector<16xi32>], vector<16xi32>,
    %add3A_155 = arith.constant 1 : i32
    %add3A_156 = arith.addi %add3A_4, %add3A_155 : i32
    %mul3A_157 = arith.constant 256 : i32
    %mul3A_158 = arith.muli %add3A_156, %mul3A_157 : i32
    %add3A_159 = vector.broadcast %mul3A_158 : i32 to vector<16xi32>
    %add3A_160 = arith.addi %add3A_159, %gather3A_154 : vector<16xi32>
    %swap3A_161 = arith.constant 80 : index
    %swap3A_162 = tpu.vector_load %arg7[%swap3A_161] {strides = array<i32>} : memref<112xi32, #tpu.memory_space<vmem>>, vector<16xi32>,
    tpu.vector_store %arg7[%swap3A_161], %add3A_160 {strides = array<i32>} : memref<112xi32, #tpu.memory_space<vmem>>, vector<16xi32>,
    %add3A_163 = arith.constant 224 : i32
    %add3A_164 = vector.broadcast %add3A_163 : i32 to vector<16xi32>
    %add3A_165 = arith.addi %iota3A, %add3A_164 : vector<16xi32>
    %gather3A_166 = tpu.vector_load_idx %arg5[%add3A_165] : memref<256xi32, #tpu.memory_space<vmem>>[vector<16xi32>], vector<16xi32>,
    %add3A_167 = arith.constant 1 : i32
    %add3A_168 = arith.addi %add3A_4, %add3A_167 : i32
    %mul3A_169 = arith.constant 256 : i32
    %mul3A_170 = arith.muli %add3A_168, %mul3A_169 : i32
    %add3A_171 = vector.broadcast %mul3A_170 : i32 to vector<16xi32>
    %add3A_172 = arith.addi %add3A_171, %gather3A_166 : vector<16xi32>
    %swap3A_173 = arith.constant 96 : index
    %swap3A_174 = tpu.vector_load %arg7[%swap3A_173] {strides = array<i32>} : memref<112xi32, #tpu.memory_space<vmem>>, vector<16xi32>,
    tpu.vector_store %arg7[%swap3A_173], %add3A_172 {strides = array<i32>} : memref<112xi32, #tpu.memory_space<vmem>>, vector<16xi32>,
    %dma_start3A_175 = arith.constant 0 : i32
    %dma_start3A_176 = arith.constant 0 : i32
    %dma_start3A_177 = tpu.memref_slice %arg3[%dma_start3A_175, %dma_start3A_176] : memref<32768x256xf32, #tpu.memory_space<hbm>> -> memref<32768x256xf32, #tpu.memory_space<hbm>>
    tpu.enqueue_indirect_dma source(%dma_start3A_177 : memref<32768x256xf32, #tpu.memory_space<hbm>>) target(%arg9 : memref<112x256xf32, #tpu.memory_space<vmem>>) offsets(%arg7 : memref<112xi32, #tpu.memory_space<vmem>>) semaphore(%arg13 : memref<!tpu.dma_semaphore, #tpu.memory_space<semaphore_mem>>)
    %dma_wait3A = arith.constant 0 : i32
    %dma_wait3A_178 = arith.constant 0 : i32
    %dma_wait3A_179 = tpu.memref_slice %arg3[%dma_wait3A, %dma_wait3A_178] : memref<32768x256xf32, #tpu.memory_space<hbm>> -> memref<32768x256xf32, #tpu.memory_space<hbm>>
    tpu.wait_indirect_dma semaphore(%arg12 : memref<!tpu.dma_semaphore, #tpu.memory_space<semaphore_mem>>) src(%dma_wait3A_179 : memref<32768x256xf32, #tpu.memory_space<hbm>>) dst(%arg8 : memref<112x256xf32, #tpu.memory_space<vmem>>)
    %add3A_180 = arith.constant 20 : i32
    %add3A_181 = vector.broadcast %add3A_180 : i32 to vector<16xi32>
    %add3A_182 = arith.addi %iota3A, %add3A_181 : vector<16xi32>
    %gather3A_183 = tpu.vector_load_idx %arg5[%add3A_182] : memref<256xi32, #tpu.memory_space<vmem>>[vector<16xi32>], vector<16xi32>,
    %swap3A_184 = arith.constant 0 : index
    %swap3A_185 = tpu.vector_load %arg10[%swap3A_184] {strides = array<i32>} : memref<80xi32, #tpu.memory_space<vmem>>, vector<16xi32>,
    tpu.vector_store %arg10[%swap3A_184], %gather3A_183 {strides = array<i32>} : memref<80xi32, #tpu.memory_space<vmem>>, vector<16xi32>,
    %add3A_186 = arith.constant 36 : i32
    %add3A_187 = vector.broadcast %add3A_186 : i32 to vector<16xi32>
    %add3A_188 = arith.addi %iota3A, %add3A_187 : vector<16xi32>
    %gather3A_189 = tpu.vector_load_idx %arg5[%add3A_188] : memref<256xi32, #tpu.memory_space<vmem>>[vector<16xi32>], vector<16xi32>,
    %swap3A_190 = arith.constant 16 : index
    %swap3A_191 = tpu.vector_load %arg10[%swap3A_190] {strides = array<i32>} : memref<80xi32, #tpu.memory_space<vmem>>, vector<16xi32>,
    tpu.vector_store %arg10[%swap3A_190], %gather3A_189 {strides = array<i32>} : memref<80xi32, #tpu.memory_space<vmem>>, vector<16xi32>,
    %add3A_192 = arith.constant 52 : i32
    %add3A_193 = vector.broadcast %add3A_192 : i32 to vector<16xi32>
    %add3A_194 = arith.addi %iota3A, %add3A_193 : vector<16xi32>
    %gather3A_195 = tpu.vector_load_idx %arg5[%add3A_194] : memref<256xi32, #tpu.memory_space<vmem>>[vector<16xi32>], vector<16xi32>,
    %swap3A_196 = arith.constant 32 : index
    %swap3A_197 = tpu.vector_load %arg10[%swap3A_196] {strides = array<i32>} : memref<80xi32, #tpu.memory_space<vmem>>, vector<16xi32>,
    tpu.vector_store %arg10[%swap3A_196], %gather3A_195 {strides = array<i32>} : memref<80xi32, #tpu.memory_space<vmem>>, vector<16xi32>,
    %add3A_198 = arith.constant 68 : i32
    %add3A_199 = vector.broadcast %add3A_198 : i32 to vector<16xi32>
    %add3A_200 = arith.addi %iota3A, %add3A_199 : vector<16xi32>
    %gather3A_201 = tpu.vector_load_idx %arg5[%add3A_200] : memref<256xi32, #tpu.memory_space<vmem>>[vector<16xi32>], vector<16xi32>,
    %swap3A_202 = arith.constant 48 : index
    %swap3A_203 = tpu.vector_load %arg10[%swap3A_202] {strides = array<i32>} : memref<80xi32, #tpu.memory_space<vmem>>, vector<16xi32>,
    tpu.vector_store %arg10[%swap3A_202], %gather3A_201 {strides = array<i32>} : memref<80xi32, #tpu.memory_space<vmem>>, vector<16xi32>,
    %add3A_204 = arith.constant 84 : i32
    %add3A_205 = vector.broadcast %add3A_204 : i32 to vector<16xi32>
    %add3A_206 = arith.addi %iota3A, %add3A_205 : vector<16xi32>
    %gather3A_207 = tpu.vector_load_idx %arg5[%add3A_206] : memref<256xi32, #tpu.memory_space<vmem>>[vector<16xi32>], vector<16xi32>,
    %swap3A_208 = arith.constant 64 : index
    %swap3A_209 = tpu.vector_load %arg10[%swap3A_208] {strides = array<i32>} : memref<80xi32, #tpu.memory_space<vmem>>, vector<16xi32>,
    tpu.vector_store %arg10[%swap3A_208], %gather3A_207 {strides = array<i32>} : memref<80xi32, #tpu.memory_space<vmem>>, vector<16xi32>,
    %scan3A = arith.constant 0 : i32
    %scan3A_210 = arith.constant 0 : i32
    %scan3A_211 = arith.constant 20 : i32
    %scan3A_212 = arith.addi %scan3A_210, %scan3A_211 : i32
    %scan3A_213 = arith.constant 1 : i32
    scf.for %scan3A_261 = %scan3A_210 to %scan3A_212 step %scan3A_213  : i32 {
      %add3A_262 = arith.constant 0 : i32
      %add3A_263 = vector.broadcast %add3A_262 : i32 to vector<16xi32>
      %add3A_264 = arith.addi %iota3A, %add3A_263 : vector<16xi32>
      %add3A_265 = vector.broadcast %scan3A_261 : i32 to vector<16xi32>
      %add3A_266 = arith.addi %add3A_264, %add3A_265 : vector<16xi32>
      %get3A = arith.constant 0 : index
      %get3A_267 = tpu.vector_load %arg10[%get3A] {strides = array<i32>} : memref<80xi32, #tpu.memory_space<vmem>>, vector<16xi32>,
      %gather3A_268 = tpu.vector_load_idx %arg8[%add3A_266, %get3A_267] : memref<112x256xf32, #tpu.memory_space<vmem>>[vector<16xi32>, vector<16xi32>], vector<16xf32>,
      %swap3A_269 = arith.index_cast %scan3A_261 : i32 to index
      %swap3A_270 = arith.constant 0 : index
      %swap3A_271 = tpu.vector_load %arg11[%swap3A_269, %swap3A_270] {strides = array<i32>} : memref<20x80xf32, #tpu.memory_space<vmem>>, vector<16xf32>,
      tpu.vector_store %arg11[%swap3A_269, %swap3A_270], %gather3A_268 {strides = array<i32>} : memref<20x80xf32, #tpu.memory_space<vmem>>, vector<16xf32>,
      %add3A_272 = arith.constant 16 : i32
      %add3A_273 = vector.broadcast %add3A_272 : i32 to vector<16xi32>
      %add3A_274 = arith.addi %iota3A, %add3A_273 : vector<16xi32>
      %add3A_275 = vector.broadcast %scan3A_261 : i32 to vector<16xi32>
      %add3A_276 = arith.addi %add3A_274, %add3A_275 : vector<16xi32>
      %get3A_277 = arith.constant 16 : index
      %get3A_278 = tpu.vector_load %arg10[%get3A_277] {strides = array<i32>} : memref<80xi32, #tpu.memory_space<vmem>>, vector<16xi32>,
      %gather3A_279 = tpu.vector_load_idx %arg8[%add3A_276, %get3A_278] : memref<112x256xf32, #tpu.memory_space<vmem>>[vector<16xi32>, vector<16xi32>], vector<16xf32>,
      %swap3A_280 = arith.index_cast %scan3A_261 : i32 to index
      %swap3A_281 = arith.constant 16 : index
      %swap3A_282 = tpu.vector_load %arg11[%swap3A_280, %swap3A_281] {strides = array<i32>} : memref<20x80xf32, #tpu.memory_space<vmem>>, vector<16xf32>,
      tpu.vector_store %arg11[%swap3A_280, %swap3A_281], %gather3A_279 {strides = array<i32>} : memref<20x80xf32, #tpu.memory_space<vmem>>, vector<16xf32>,
      %add3A_283 = arith.constant 32 : i32
      %add3A_284 = vector.broadcast %add3A_283 : i32 to vector<16xi32>
      %add3A_285 = arith.addi %iota3A, %add3A_284 : vector<16xi32>
      %add3A_286 = vector.broadcast %scan3A_261 : i32 to vector<16xi32>
      %add3A_287 = arith.addi %add3A_285, %add3A_286 : vector<16xi32>
      %get3A_288 = arith.constant 32 : index
      %get3A_289 = tpu.vector_load %arg10[%get3A_288] {strides = array<i32>} : memref<80xi32, #tpu.memory_space<vmem>>, vector<16xi32>,
      %gather3A_290 = tpu.vector_load_idx %arg8[%add3A_287, %get3A_289] : memref<112x256xf32, #tpu.memory_space<vmem>>[vector<16xi32>, vector<16xi32>], vector<16xf32>,
      %swap3A_291 = arith.index_cast %scan3A_261 : i32 to index
      %swap3A_292 = arith.constant 32 : index
      %swap3A_293 = tpu.vector_load %arg11[%swap3A_291, %swap3A_292] {strides = array<i32>} : memref<20x80xf32, #tpu.memory_space<vmem>>, vector<16xf32>,
      tpu.vector_store %arg11[%swap3A_291, %swap3A_292], %gather3A_290 {strides = array<i32>} : memref<20x80xf32, #tpu.memory_space<vmem>>, vector<16xf32>,
      %add3A_294 = arith.constant 48 : i32
      %add3A_295 = vector.broadcast %add3A_294 : i32 to vector<16xi32>
      %add3A_296 = arith.addi %iota3A, %add3A_295 : vector<16xi32>
      %add3A_297 = vector.broadcast %scan3A_261 : i32 to vector<16xi32>
      %add3A_298 = arith.addi %add3A_296, %add3A_297 : vector<16xi32>
      %get3A_299 = arith.constant 48 : index
      %get3A_300 = tpu.vector_load %arg10[%get3A_299] {strides = array<i32>} : memref<80xi32, #tpu.memory_space<vmem>>, vector<16xi32>,
      %gather3A_301 = tpu.vector_load_idx %arg8[%add3A_298, %get3A_300] : memref<112x256xf32, #tpu.memory_space<vmem>>[vector<16xi32>, vector<16xi32>], vector<16xf32>,
      %swap3A_302 = arith.index_cast %scan3A_261 : i32 to index
      %swap3A_303 = arith.constant 48 : index
      %swap3A_304 = tpu.vector_load %arg11[%swap3A_302, %swap3A_303] {strides = array<i32>} : memref<20x80xf32, #tpu.memory_space<vmem>>, vector<16xf32>,
      tpu.vector_store %arg11[%swap3A_302, %swap3A_303], %gather3A_301 {strides = array<i32>} : memref<20x80xf32, #tpu.memory_space<vmem>>, vector<16xf32>,
      %add3A_305 = arith.constant 64 : i32
      %add3A_306 = vector.broadcast %add3A_305 : i32 to vector<16xi32>
      %add3A_307 = arith.addi %iota3A, %add3A_306 : vector<16xi32>
      %add3A_308 = vector.broadcast %scan3A_261 : i32 to vector<16xi32>
      %add3A_309 = arith.addi %add3A_307, %add3A_308 : vector<16xi32>
      %get3A_310 = arith.constant 64 : index
      %get3A_311 = tpu.vector_load %arg10[%get3A_310] {strides = array<i32>} : memref<80xi32, #tpu.memory_space<vmem>>, vector<16xi32>,
      %gather3A_312 = tpu.vector_load_idx %arg8[%add3A_309, %get3A_311] : memref<112x256xf32, #tpu.memory_space<vmem>>[vector<16xi32>, vector<16xi32>], vector<16xf32>,
      %swap3A_313 = arith.index_cast %scan3A_261 : i32 to index
      %swap3A_314 = arith.constant 64 : index
      %swap3A_315 = tpu.vector_load %arg11[%swap3A_313, %swap3A_314] {strides = array<i32>} : memref<20x80xf32, #tpu.memory_space<vmem>>, vector<16xf32>,
      tpu.vector_store %arg11[%swap3A_313, %swap3A_314], %gather3A_312 {strides = array<i32>} : memref<20x80xf32, #tpu.memory_space<vmem>>, vector<16xf32>,
    }
    %scan3A_214 = arith.constant 20 : i32
    %sub3A = arith.constant 0 : i32
    %sub3A_215 = arith.subi %add3A_4, %sub3A : i32
    %add3A_216 = arith.constant 0 : i32
    %add3A_217 = arith.addi %sub3A_215, %add3A_216 : i32
    "tpu.region"() ({
      %run_scoped3A = tpu.sem_alloc : memref<!tpu.dma_semaphore, #tpu.memory_space<semaphore_mem>>
      %dma_start3A_261 = arith.constant 0 : i32
      %dma_start3A_262 = arith.constant 0 : i32
      %dma_start3A_263 = tpu.memref_slice %arg4[%add3A_217, %dma_start3A_261, %dma_start3A_262] : memref<64x20x80xf32, #tpu.memory_space<hbm>> -> memref<1x20x80xf32, #tpu.memory_space<hbm>>
      %dma_start3A_264 = tpu.memref_squeeze %dma_start3A_263 : memref<1x20x80xf32, #tpu.memory_space<hbm>> -> memref<20x80xf32, #tpu.memory_space<hbm>>
      %dma_start3A_265 = arith.constant 0 : i32
      %dma_start3A_266 = arith.constant 0 : i32
      %dma_start3A_267 = tpu.memref_slice %arg4[%add3A_217, %dma_start3A_265, %dma_start3A_266] : memref<64x20x80xf32, #tpu.memory_space<hbm>> -> memref<1x20x80xf32, #tpu.memory_space<hbm>>
      %dma_start3A_268 = tpu.memref_squeeze %dma_start3A_267 : memref<1x20x80xf32, #tpu.memory_space<hbm>> -> memref<20x80xf32, #tpu.memory_space<hbm>>
      tpu.enqueue_dma source(%arg11 : memref<20x80xf32, #tpu.memory_space<vmem>>) target(%dma_start3A_268 : memref<20x80xf32, #tpu.memory_space<hbm>>) target_semaphore(%run_scoped3A : memref<!tpu.dma_semaphore, #tpu.memory_space<semaphore_mem>>)
      %dma_wait3A_269 = arith.constant 0 : i32
      %dma_wait3A_270 = arith.constant 0 : i32
      %dma_wait3A_271 = tpu.memref_slice %arg4[%add3A_217, %dma_wait3A_269, %dma_wait3A_270] : memref<64x20x80xf32, #tpu.memory_space<hbm>> -> memref<1x20x80xf32, #tpu.memory_space<hbm>>
      %dma_wait3A_272 = tpu.memref_squeeze %dma_wait3A_271 : memref<1x20x80xf32, #tpu.memory_space<hbm>> -> memref<20x80xf32, #tpu.memory_space<hbm>>
      %dma_wait3A_273 = arith.constant 0 : i32
      %dma_wait3A_274 = arith.constant 0 : i32
      %dma_wait3A_275 = tpu.memref_slice %arg4[%add3A_217, %dma_wait3A_273, %dma_wait3A_274] : memref<64x20x80xf32, #tpu.memory_space<hbm>> -> memref<1x20x80xf32, #tpu.memory_space<hbm>>
      %dma_wait3A_276 = tpu.memref_squeeze %dma_wait3A_275 : memref<1x20x80xf32, #tpu.memory_space<hbm>> -> memref<20x80xf32, #tpu.memory_space<hbm>>
      tpu.wait_dma2 semaphore(%run_scoped3A : memref<!tpu.dma_semaphore, #tpu.memory_space<semaphore_mem>>) src(%arg11 : memref<20x80xf32, #tpu.memory_space<vmem>>) dst(%dma_wait3A_276 : memref<20x80xf32, #tpu.memory_space<hbm>>)
      tpu.yield
    }) : () -> ()
    %dma_wait3A_218 = arith.constant 0 : i32
    %dma_wait3A_219 = arith.constant 0 : i32
    %dma_wait3A_220 = tpu.memref_slice %arg3[%dma_wait3A_218, %dma_wait3A_219] : memref<32768x256xf32, #tpu.memory_space<hbm>> -> memref<32768x256xf32, #tpu.memory_space<hbm>>
    tpu.wait_indirect_dma semaphore(%arg13 : memref<!tpu.dma_semaphore, #tpu.memory_space<semaphore_mem>>) src(%dma_wait3A_220 : memref<32768x256xf32, #tpu.memory_space<hbm>>) dst(%arg9 : memref<112x256xf32, #tpu.memory_space<vmem>>)
    %add3A_221 = arith.constant 148 : i32
    %add3A_222 = vector.broadcast %add3A_221 : i32 to vector<16xi32>
    %add3A_223 = arith.addi %iota3A, %add3A_222 : vector<16xi32>
    %gather3A_224 = tpu.vector_load_idx %arg5[%add3A_223] : memref<256xi32, #tpu.memory_space<vmem>>[vector<16xi32>], vector<16xi32>,
    %swap3A_225 = arith.constant 0 : index
    %swap3A_226 = tpu.vector_load %arg10[%swap3A_225] {strides = array<i32>} : memref<80xi32, #tpu.memory_space<vmem>>, vector<16xi32>,
    tpu.vector_store %arg10[%swap3A_225], %gather3A_224 {strides = array<i32>} : memref<80xi32, #tpu.memory_space<vmem>>, vector<16xi32>,
    %add3A_227 = arith.constant 164 : i32
    %add3A_228 = vector.broadcast %add3A_227 : i32 to vector<16xi32>
    %add3A_229 = arith.addi %iota3A, %add3A_228 : vector<16xi32>
    %gather3A_230 = tpu.vector_load_idx %arg5[%add3A_229] : memref<256xi32, #tpu.memory_space<vmem>>[vector<16xi32>], vector<16xi32>,
    %swap3A_231 = arith.constant 16 : index
    %swap3A_232 = tpu.vector_load %arg10[%swap3A_231] {strides = array<i32>} : memref<80xi32, #tpu.memory_space<vmem>>, vector<16xi32>,
    tpu.vector_store %arg10[%swap3A_231], %gather3A_230 {strides = array<i32>} : memref<80xi32, #tpu.memory_space<vmem>>, vector<16xi32>,
    %add3A_233 = arith.constant 180 : i32
    %add3A_234 = vector.broadcast %add3A_233 : i32 to vector<16xi32>
    %add3A_235 = arith.addi %iota3A, %add3A_234 : vector<16xi32>
    %gather3A_236 = tpu.vector_load_idx %arg5[%add3A_235] : memref<256xi32, #tpu.memory_space<vmem>>[vector<16xi32>], vector<16xi32>,
    %swap3A_237 = arith.constant 32 : index
    %swap3A_238 = tpu.vector_load %arg10[%swap3A_237] {strides = array<i32>} : memref<80xi32, #tpu.memory_space<vmem>>, vector<16xi32>,
    tpu.vector_store %arg10[%swap3A_237], %gather3A_236 {strides = array<i32>} : memref<80xi32, #tpu.memory_space<vmem>>, vector<16xi32>,
    %add3A_239 = arith.constant 196 : i32
    %add3A_240 = vector.broadcast %add3A_239 : i32 to vector<16xi32>
    %add3A_241 = arith.addi %iota3A, %add3A_240 : vector<16xi32>
    %gather3A_242 = tpu.vector_load_idx %arg5[%add3A_241] : memref<256xi32, #tpu.memory_space<vmem>>[vector<16xi32>], vector<16xi32>,
    %swap3A_243 = arith.constant 48 : index
    %swap3A_244 = tpu.vector_load %arg10[%swap3A_243] {strides = array<i32>} : memref<80xi32, #tpu.memory_space<vmem>>, vector<16xi32>,
    tpu.vector_store %arg10[%swap3A_243], %gather3A_242 {strides = array<i32>} : memref<80xi32, #tpu.memory_space<vmem>>, vector<16xi32>,
    %add3A_245 = arith.constant 212 : i32
    %add3A_246 = vector.broadcast %add3A_245 : i32 to vector<16xi32>
    %add3A_247 = arith.addi %iota3A, %add3A_246 : vector<16xi32>
    %gather3A_248 = tpu.vector_load_idx %arg5[%add3A_247] : memref<256xi32, #tpu.memory_space<vmem>>[vector<16xi32>], vector<16xi32>,
    %swap3A_249 = arith.constant 64 : index
    %swap3A_250 = tpu.vector_load %arg10[%swap3A_249] {strides = array<i32>} : memref<80xi32, #tpu.memory_space<vmem>>, vector<16xi32>,
    tpu.vector_store %arg10[%swap3A_249], %gather3A_248 {strides = array<i32>} : memref<80xi32, #tpu.memory_space<vmem>>, vector<16xi32>,
    %scan3A_251 = arith.constant 0 : i32
    %scan3A_252 = arith.constant 0 : i32
    %scan3A_253 = arith.constant 20 : i32
    %scan3A_254 = arith.addi %scan3A_252, %scan3A_253 : i32
    %scan3A_255 = arith.constant 1 : i32
    scf.for %scan3A_261 = %scan3A_252 to %scan3A_254 step %scan3A_255  : i32 {
      %add3A_262 = arith.constant 0 : i32
      %add3A_263 = vector.broadcast %add3A_262 : i32 to vector<16xi32>
      %add3A_264 = arith.addi %iota3A, %add3A_263 : vector<16xi32>
      %add3A_265 = vector.broadcast %scan3A_261 : i32 to vector<16xi32>
      %add3A_266 = arith.addi %add3A_264, %add3A_265 : vector<16xi32>
      %get3A = arith.constant 0 : index
      %get3A_267 = tpu.vector_load %arg10[%get3A] {strides = array<i32>} : memref<80xi32, #tpu.memory_space<vmem>>, vector<16xi32>,
      %gather3A_268 = tpu.vector_load_idx %arg9[%add3A_266, %get3A_267] : memref<112x256xf32, #tpu.memory_space<vmem>>[vector<16xi32>, vector<16xi32>], vector<16xf32>,
      %swap3A_269 = arith.index_cast %scan3A_261 : i32 to index
      %swap3A_270 = arith.constant 0 : index
      %swap3A_271 = tpu.vector_load %arg11[%swap3A_269, %swap3A_270] {strides = array<i32>} : memref<20x80xf32, #tpu.memory_space<vmem>>, vector<16xf32>,
      tpu.vector_store %arg11[%swap3A_269, %swap3A_270], %gather3A_268 {strides = array<i32>} : memref<20x80xf32, #tpu.memory_space<vmem>>, vector<16xf32>,
      %add3A_272 = arith.constant 16 : i32
      %add3A_273 = vector.broadcast %add3A_272 : i32 to vector<16xi32>
      %add3A_274 = arith.addi %iota3A, %add3A_273 : vector<16xi32>
      %add3A_275 = vector.broadcast %scan3A_261 : i32 to vector<16xi32>
      %add3A_276 = arith.addi %add3A_274, %add3A_275 : vector<16xi32>
      %get3A_277 = arith.constant 16 : index
      %get3A_278 = tpu.vector_load %arg10[%get3A_277] {strides = array<i32>} : memref<80xi32, #tpu.memory_space<vmem>>, vector<16xi32>,
      %gather3A_279 = tpu.vector_load_idx %arg9[%add3A_276, %get3A_278] : memref<112x256xf32, #tpu.memory_space<vmem>>[vector<16xi32>, vector<16xi32>], vector<16xf32>,
      %swap3A_280 = arith.index_cast %scan3A_261 : i32 to index
      %swap3A_281 = arith.constant 16 : index
      %swap3A_282 = tpu.vector_load %arg11[%swap3A_280, %swap3A_281] {strides = array<i32>} : memref<20x80xf32, #tpu.memory_space<vmem>>, vector<16xf32>,
      tpu.vector_store %arg11[%swap3A_280, %swap3A_281], %gather3A_279 {strides = array<i32>} : memref<20x80xf32, #tpu.memory_space<vmem>>, vector<16xf32>,
      %add3A_283 = arith.constant 32 : i32
      %add3A_284 = vector.broadcast %add3A_283 : i32 to vector<16xi32>
      %add3A_285 = arith.addi %iota3A, %add3A_284 : vector<16xi32>
      %add3A_286 = vector.broadcast %scan3A_261 : i32 to vector<16xi32>
      %add3A_287 = arith.addi %add3A_285, %add3A_286 : vector<16xi32>
      %get3A_288 = arith.constant 32 : index
      %get3A_289 = tpu.vector_load %arg10[%get3A_288] {strides = array<i32>} : memref<80xi32, #tpu.memory_space<vmem>>, vector<16xi32>,
      %gather3A_290 = tpu.vector_load_idx %arg9[%add3A_287, %get3A_289] : memref<112x256xf32, #tpu.memory_space<vmem>>[vector<16xi32>, vector<16xi32>], vector<16xf32>,
      %swap3A_291 = arith.index_cast %scan3A_261 : i32 to index
      %swap3A_292 = arith.constant 32 : index
      %swap3A_293 = tpu.vector_load %arg11[%swap3A_291, %swap3A_292] {strides = array<i32>} : memref<20x80xf32, #tpu.memory_space<vmem>>, vector<16xf32>,
      tpu.vector_store %arg11[%swap3A_291, %swap3A_292], %gather3A_290 {strides = array<i32>} : memref<20x80xf32, #tpu.memory_space<vmem>>, vector<16xf32>,
      %add3A_294 = arith.constant 48 : i32
      %add3A_295 = vector.broadcast %add3A_294 : i32 to vector<16xi32>
      %add3A_296 = arith.addi %iota3A, %add3A_295 : vector<16xi32>
      %add3A_297 = vector.broadcast %scan3A_261 : i32 to vector<16xi32>
      %add3A_298 = arith.addi %add3A_296, %add3A_297 : vector<16xi32>
      %get3A_299 = arith.constant 48 : index
      %get3A_300 = tpu.vector_load %arg10[%get3A_299] {strides = array<i32>} : memref<80xi32, #tpu.memory_space<vmem>>, vector<16xi32>,
      %gather3A_301 = tpu.vector_load_idx %arg9[%add3A_298, %get3A_300] : memref<112x256xf32, #tpu.memory_space<vmem>>[vector<16xi32>, vector<16xi32>], vector<16xf32>,
      %swap3A_302 = arith.index_cast %scan3A_261 : i32 to index
      %swap3A_303 = arith.constant 48 : index
      %swap3A_304 = tpu.vector_load %arg11[%swap3A_302, %swap3A_303] {strides = array<i32>} : memref<20x80xf32, #tpu.memory_space<vmem>>, vector<16xf32>,
      tpu.vector_store %arg11[%swap3A_302, %swap3A_303], %gather3A_301 {strides = array<i32>} : memref<20x80xf32, #tpu.memory_space<vmem>>, vector<16xf32>,
      %add3A_305 = arith.constant 64 : i32
      %add3A_306 = vector.broadcast %add3A_305 : i32 to vector<16xi32>
      %add3A_307 = arith.addi %iota3A, %add3A_306 : vector<16xi32>
      %add3A_308 = vector.broadcast %scan3A_261 : i32 to vector<16xi32>
      %add3A_309 = arith.addi %add3A_307, %add3A_308 : vector<16xi32>
      %get3A_310 = arith.constant 64 : index
      %get3A_311 = tpu.vector_load %arg10[%get3A_310] {strides = array<i32>} : memref<80xi32, #tpu.memory_space<vmem>>, vector<16xi32>,
      %gather3A_312 = tpu.vector_load_idx %arg9[%add3A_309, %get3A_311] : memref<112x256xf32, #tpu.memory_space<vmem>>[vector<16xi32>, vector<16xi32>], vector<16xf32>,
      %swap3A_313 = arith.index_cast %scan3A_261 : i32 to index
      %swap3A_314 = arith.constant 64 : index
      %swap3A_315 = tpu.vector_load %arg11[%swap3A_313, %swap3A_314] {strides = array<i32>} : memref<20x80xf32, #tpu.memory_space<vmem>>, vector<16xf32>,
      tpu.vector_store %arg11[%swap3A_313, %swap3A_314], %gather3A_312 {strides = array<i32>} : memref<20x80xf32, #tpu.memory_space<vmem>>, vector<16xf32>,
    }
    %scan3A_256 = arith.constant 20 : i32
    %sub3A_257 = arith.constant 0 : i32
    %sub3A_258 = arith.subi %add3A_4, %sub3A_257 : i32
    %add3A_259 = arith.constant 1 : i32
    %add3A_260 = arith.addi %sub3A_258, %add3A_259 : i32
    "tpu.region"() ({
      %run_scoped3A = tpu.sem_alloc : memref<!tpu.dma_semaphore, #tpu.memory_space<semaphore_mem>>
      %dma_start3A_261 = arith.constant 0 : i32
      %dma_start3A_262 = arith.constant 0 : i32
      %dma_start3A_263 = tpu.memref_slice %arg4[%add3A_260, %dma_start3A_261, %dma_start3A_262] : memref<64x20x80xf32, #tpu.memory_space<hbm>> -> memref<1x20x80xf32, #tpu.memory_space<hbm>>
      %dma_start3A_264 = tpu.memref_squeeze %dma_start3A_263 : memref<1x20x80xf32, #tpu.memory_space<hbm>> -> memref<20x80xf32, #tpu.memory_space<hbm>>
      %dma_start3A_265 = arith.constant 0 : i32
      %dma_start3A_266 = arith.constant 0 : i32
      %dma_start3A_267 = tpu.memref_slice %arg4[%add3A_260, %dma_start3A_265, %dma_start3A_266] : memref<64x20x80xf32, #tpu.memory_space<hbm>> -> memref<1x20x80xf32, #tpu.memory_space<hbm>>
      %dma_start3A_268 = tpu.memref_squeeze %dma_start3A_267 : memref<1x20x80xf32, #tpu.memory_space<hbm>> -> memref<20x80xf32, #tpu.memory_space<hbm>>
      tpu.enqueue_dma source(%arg11 : memref<20x80xf32, #tpu.memory_space<vmem>>) target(%dma_start3A_268 : memref<20x80xf32, #tpu.memory_space<hbm>>) target_semaphore(%run_scoped3A : memref<!tpu.dma_semaphore, #tpu.memory_space<semaphore_mem>>)
      %dma_wait3A_269 = arith.constant 0 : i32
      %dma_wait3A_270 = arith.constant 0 : i32
      %dma_wait3A_271 = tpu.memref_slice %arg4[%add3A_260, %dma_wait3A_269, %dma_wait3A_270] : memref<64x20x80xf32, #tpu.memory_space<hbm>> -> memref<1x20x80xf32, #tpu.memory_space<hbm>>
      %dma_wait3A_272 = tpu.memref_squeeze %dma_wait3A_271 : memref<1x20x80xf32, #tpu.memory_space<hbm>> -> memref<20x80xf32, #tpu.memory_space<hbm>>
      %dma_wait3A_273 = arith.constant 0 : i32
      %dma_wait3A_274 = arith.constant 0 : i32
      %dma_wait3A_275 = tpu.memref_slice %arg4[%add3A_260, %dma_wait3A_273, %dma_wait3A_274] : memref<64x20x80xf32, #tpu.memory_space<hbm>> -> memref<1x20x80xf32, #tpu.memory_space<hbm>>
      %dma_wait3A_276 = tpu.memref_squeeze %dma_wait3A_275 : memref<1x20x80xf32, #tpu.memory_space<hbm>> -> memref<20x80xf32, #tpu.memory_space<hbm>>
      tpu.wait_dma2 semaphore(%run_scoped3A : memref<!tpu.dma_semaphore, #tpu.memory_space<semaphore_mem>>) src(%arg11 : memref<20x80xf32, #tpu.memory_space<vmem>>) dst(%dma_wait3A_276 : memref<20x80xf32, #tpu.memory_space<hbm>>)
      tpu.yield
    }) : () -> ()
    return
  }
}

module attributes {stable_mosaic.version = 14 : i64} {
  func.func @_tc_body(%arg0: i32, %arg1: memref<8x100x1xi32, #tpu.memory_space<vmem>>, %arg2: memref<8x1x100xf32, #tpu.memory_space<vmem>>, %arg3: memref<8x100x1xi32, #tpu.memory_space<vmem>>, %arg4: memref<8x20x80xf32, #tpu.memory_space<vmem>>, %arg5: memref<256x64xf32, #tpu.memory_space<vmem>>, %arg6: memref<128x64xf32, #tpu.memory_space<vmem>>, %arg7: memref<1x64xf32, #tpu.memory_space<vmem>>, %arg8: memref<1x64xf32, #tpu.memory_space<vmem>>, %arg9: memref<1x64xf32, #tpu.memory_space<vmem>>, %arg10: memref<64x64xf32, #tpu.memory_space<vmem>>, %arg11: memref<1x64xf32, #tpu.memory_space<vmem>>, %arg12: memref<1x64xf32, #tpu.memory_space<vmem>>, %arg13: memref<1x64xf32, #tpu.memory_space<vmem>>, %arg14: memref<64x64xf32, #tpu.memory_space<vmem>>, %arg15: memref<1x64xf32, #tpu.memory_space<vmem>>, %arg16: memref<64x64xf32, #tpu.memory_space<vmem>>, %arg17: memref<1x64xf32, #tpu.memory_space<vmem>>, %arg18: memref<1x64xf32, #tpu.memory_space<vmem>>, %arg19: memref<1x64xf32, #tpu.memory_space<vmem>>, %arg20: memref<64x64xf32, #tpu.memory_space<vmem>>, %arg21: memref<1x64xf32, #tpu.memory_space<vmem>>, %arg22: memref<1x64xf32, #tpu.memory_space<vmem>>, %arg23: memref<1x64xf32, #tpu.memory_space<vmem>>, %arg24: memref<64x2xf32, #tpu.memory_space<vmem>>, %arg25: memref<1x2xf32, #tpu.memory_space<vmem>>, %arg26: memref<80x1x8x1xf32, #tpu.memory_space<vmem>>, %arg27: memref<256x64xf32, #tpu.memory_space<vmem>>, %arg28: memref<256x64xf32, #tpu.memory_space<vmem>>) attributes {dimension_semantics = [#tpu.dimension_semantics<arbitrary>], iteration_bounds = array<i64: 8>, scalar_prefetch = 0 : i64, scratch_operands = 2 : i64, tpu.core_type = #tpu.core_type<tc>, window_params = [{transform_indices = @transform_0, window_bounds = array<i64: 8, 100, 1>}, {transform_indices = @transform_1, window_bounds = array<i64: 8, 1, 100>}, {transform_indices = @transform_2, window_bounds = array<i64: 8, 100, 1>}, {transform_indices = @transform_3, window_bounds = array<i64: 8, 20, 80>}, {pipeline_mode = #tpu.pipeline_mode<synchronous>, transform_indices = @transform_4, window_bounds = array<i64: 256, 64>}, {pipeline_mode = #tpu.pipeline_mode<synchronous>, transform_indices = @transform_5, window_bounds = array<i64: 128, 64>}, {pipeline_mode = #tpu.pipeline_mode<synchronous>, transform_indices = @transform_6, window_bounds = array<i64: 1, 64>}, {pipeline_mode = #tpu.pipeline_mode<synchronous>, transform_indices = @transform_7, window_bounds = array<i64: 1, 64>}, {pipeline_mode = #tpu.pipeline_mode<synchronous>, transform_indices = @transform_8, window_bounds = array<i64: 1, 64>}, {pipeline_mode = #tpu.pipeline_mode<synchronous>, transform_indices = @transform_9, window_bounds = array<i64: 64, 64>}, {pipeline_mode = #tpu.pipeline_mode<synchronous>, transform_indices = @transform_10, window_bounds = array<i64: 1, 64>}, {pipeline_mode = #tpu.pipeline_mode<synchronous>, transform_indices = @transform_11, window_bounds = array<i64: 1, 64>}, {pipeline_mode = #tpu.pipeline_mode<synchronous>, transform_indices = @transform_12, window_bounds = array<i64: 1, 64>}, {pipeline_mode = #tpu.pipeline_mode<synchronous>, transform_indices = @transform_13, window_bounds = array<i64: 64, 64>}, {pipeline_mode = #tpu.pipeline_mode<synchronous>, transform_indices = @transform_14, window_bounds = array<i64: 1, 64>}, {pipeline_mode = #tpu.pipeline_mode<synchronous>, transform_indices = @transform_15, window_bounds = array<i64: 64, 64>}, {pipeline_mode = #tpu.pipeline_mode<synchronous>, transform_indices = @transform_16, window_bounds = array<i64: 1, 64>}, {pipeline_mode = #tpu.pipeline_mode<synchronous>, transform_indices = @transform_17, window_bounds = array<i64: 1, 64>}, {pipeline_mode = #tpu.pipeline_mode<synchronous>, transform_indices = @transform_18, window_bounds = array<i64: 1, 64>}, {pipeline_mode = #tpu.pipeline_mode<synchronous>, transform_indices = @transform_19, window_bounds = array<i64: 64, 64>}, {pipeline_mode = #tpu.pipeline_mode<synchronous>, transform_indices = @transform_20, window_bounds = array<i64: 1, 64>}, {pipeline_mode = #tpu.pipeline_mode<synchronous>, transform_indices = @transform_21, window_bounds = array<i64: 1, 64>}, {pipeline_mode = #tpu.pipeline_mode<synchronous>, transform_indices = @transform_22, window_bounds = array<i64: 1, 64>}, {pipeline_mode = #tpu.pipeline_mode<synchronous>, transform_indices = @transform_23, window_bounds = array<i64: 64, 2>}, {pipeline_mode = #tpu.pipeline_mode<synchronous>, transform_indices = @transform_24, window_bounds = array<i64: 1, 2>}, {transform_indices = @transform_25, window_bounds = array<i64: 80, 1, 8, 1>}]} {
    %iota3A = tpu.iota {dimensions = array<i32: 0>} : vector<64x64xi32>
    %iota3A_0 = tpu.iota {dimensions = array<i32: 1>} : vector<64x64xi32>
    %broadcast_in_dim3A = arith.constant 1.562500e-02 : f32
    %broadcast_in_dim3A_1 = vector.broadcast %broadcast_in_dim3A : f32 to vector<64x64xf32>
    %eq3A = arith.cmpi eq, %iota3A, %iota3A_0 : vector<64x64xi32>
    %jit3A = arith.constant 9.843750e-01 : f32
    %jit3A_2 = arith.constant -1.562500e-02 : f32
    %broadcast_in_dim3A_3 = vector.broadcast %jit3A : f32 to vector<64x64xf32>
    %broadcast_in_dim3A_4 = vector.broadcast %jit3A_2 : f32 to vector<64x64xf32>
    %select_n3A = arith.select %eq3A, %broadcast_in_dim3A_3, %broadcast_in_dim3A_4 : vector<64x64xi1>, vector<64x64xf32>
    %eq3A_5 = arith.constant 0 : i32
    %eq3A_6 = arith.cmpi eq, %arg0, %eq3A_5 : i32
    %convert_element_type3A = arith.extui %eq3A_6 : i1 to i32
    %cond3A = arith.constant 0 : i32
    %cond3A_7 = arith.cmpi ne, %convert_element_type3A, %cond3A : i32
    scf.if %cond3A_7 {
      %get3A_1150 = arith.constant 0 : index
      %get3A_1151 = arith.constant 0 : index
      %get3A_1152 = vector.load %arg5[%get3A_1150, %get3A_1151] : memref<256x64xf32, #tpu.memory_space<vmem>>, vector<256x64xf32>
      %get3A_1153 = arith.constant 0 : index
      %get3A_1154 = arith.constant 0 : index
      %get3A_1155 = vector.load %arg6[%get3A_1153, %get3A_1154] : memref<128x64xf32, #tpu.memory_space<vmem>>, vector<64x64xf32>
      %dot_general3A_1156 = arith.constant dense<0.000000e+00> : vector<256x64xf32>
      %dot_general3A_1157 = tpu.matmul %get3A_1152, %get3A_1155, %dot_general3A_1156 {dimension_numbers = #tpu.dot_dimension_numbers<[1], [0], [0], [1], [0, 0, 1, 1], [], []>, transpose_lhs_hint = false} : vector<256x64xf32>, vector<64x64xf32>, vector<256x64xf32> -> vector<256x64xf32>
      %get3A_1158 = arith.constant 64 : index
      %get3A_1159 = arith.constant 0 : index
      %get3A_1160 = vector.load %arg6[%get3A_1158, %get3A_1159] : memref<128x64xf32, #tpu.memory_space<vmem>>, vector<64x64xf32>
      %dot_general3A_1161 = arith.constant dense<0.000000e+00> : vector<256x64xf32>
      %dot_general3A_1162 = tpu.matmul %get3A_1152, %get3A_1160, %dot_general3A_1161 {dimension_numbers = #tpu.dot_dimension_numbers<[1], [0], [0], [1], [0, 0, 1, 1], [], []>, transpose_lhs_hint = false} : vector<256x64xf32>, vector<64x64xf32>, vector<256x64xf32> -> vector<256x64xf32>
      %get3A_1163 = arith.constant 0 : index
      %get3A_1164 = arith.constant 0 : index
      %get3A_1165 = vector.load %arg7[%get3A_1163, %get3A_1164] : memref<1x64xf32, #tpu.memory_space<vmem>>, vector<1x64xf32>
      %get3A_1166 = arith.constant 0 : index
      %get3A_1167 = arith.constant 0 : index
      %get3A_1168 = vector.load %arg7[%get3A_1166, %get3A_1167] : memref<1x64xf32, #tpu.memory_space<vmem>>, vector<1x64xf32>
      %dot_general3A_1169 = arith.constant dense<0.000000e+00> : vector<1x64xf32>
      %dot_general3A_1170 = tpu.matmul %get3A_1168, %broadcast_in_dim3A_1, %dot_general3A_1169 {dimension_numbers = #tpu.dot_dimension_numbers<[1], [0], [0], [1], [0, 0, 1, 1], [], []>, transpose_lhs_hint = false} : vector<1x64xf32>, vector<64x64xf32>, vector<1x64xf32> -> vector<1x64xf32>
      %sub3A_1171 = arith.subf %get3A_1165, %dot_general3A_1170 : vector<1x64xf32>
      %dot_general3A_1172 = arith.constant dense<0.000000e+00> : vector<256x64xf32>
      %dot_general3A_1173 = tpu.matmul %dot_general3A_1157, %select_n3A, %dot_general3A_1172 {dimension_numbers = #tpu.dot_dimension_numbers<[1], [0], [0], [1], [0, 0, 1, 1], [], []>, transpose_lhs_hint = false} : vector<256x64xf32>, vector<64x64xf32>, vector<256x64xf32> -> vector<256x64xf32>
      %add3A_1174 = vector.broadcast %sub3A_1171 : vector<1x64xf32> to vector<256x64xf32>
      %add3A_1175 = arith.addf %dot_general3A_1173, %add3A_1174 : vector<256x64xf32>
      %swap3A_1176 = arith.constant 0 : index
      %swap3A_1177 = arith.constant 0 : index
      %swap3A_1178 = vector.load %arg27[%swap3A_1176, %swap3A_1177] : memref<256x64xf32, #tpu.memory_space<vmem>>, vector<256x64xf32>
      tpu.vector_store %arg27[%swap3A_1176, %swap3A_1177], %add3A_1175 {strides = array<i32>} : memref<256x64xf32, #tpu.memory_space<vmem>>, vector<256x64xf32>,
      %dot_general3A_1179 = arith.constant dense<0.000000e+00> : vector<256x64xf32>
      %dot_general3A_1180 = tpu.matmul %dot_general3A_1162, %select_n3A, %dot_general3A_1179 {dimension_numbers = #tpu.dot_dimension_numbers<[1], [0], [0], [1], [0, 0, 1, 1], [], []>, transpose_lhs_hint = false} : vector<256x64xf32>, vector<64x64xf32>, vector<256x64xf32> -> vector<256x64xf32>
      %swap3A_1181 = arith.constant 0 : index
      %swap3A_1182 = arith.constant 0 : index
      %swap3A_1183 = vector.load %arg28[%swap3A_1181, %swap3A_1182] : memref<256x64xf32, #tpu.memory_space<vmem>>, vector<256x64xf32>
      tpu.vector_store %arg28[%swap3A_1181, %swap3A_1182], %dot_general3A_1180 {strides = array<i32>} : memref<256x64xf32, #tpu.memory_space<vmem>>, vector<256x64xf32>,
    } else {
    }
    %get3A = arith.constant 0 : index
    %get3A_8 = arith.constant 0 : index
    %get3A_9 = vector.load %arg10[%get3A, %get3A_8] : memref<64x64xf32, #tpu.memory_space<vmem>>, vector<64x64xf32>
    %dot_general3A = arith.constant dense<0.000000e+00> : vector<64x64xf32>
    %dot_general3A_10 = tpu.matmul %get3A_9, %select_n3A, %dot_general3A {dimension_numbers = #tpu.dot_dimension_numbers<[1], [0], [0], [1], [0, 0, 1, 1], [], []>, transpose_lhs_hint = false} : vector<64x64xf32>, vector<64x64xf32>, vector<64x64xf32> -> vector<64x64xf32>
    %get3A_11 = arith.constant 0 : index
    %get3A_12 = arith.constant 0 : index
    %get3A_13 = vector.load %arg11[%get3A_11, %get3A_12] : memref<1x64xf32, #tpu.memory_space<vmem>>, vector<1x64xf32>
    %get3A_14 = arith.constant 0 : index
    %get3A_15 = arith.constant 0 : index
    %get3A_16 = vector.load %arg11[%get3A_14, %get3A_15] : memref<1x64xf32, #tpu.memory_space<vmem>>, vector<1x64xf32>
    %dot_general3A_17 = arith.constant dense<0.000000e+00> : vector<1x64xf32>
    %dot_general3A_18 = tpu.matmul %get3A_16, %broadcast_in_dim3A_1, %dot_general3A_17 {dimension_numbers = #tpu.dot_dimension_numbers<[1], [0], [0], [1], [0, 0, 1, 1], [], []>, transpose_lhs_hint = false} : vector<1x64xf32>, vector<64x64xf32>, vector<1x64xf32> -> vector<1x64xf32>
    %sub3A = arith.subf %get3A_13, %dot_general3A_18 : vector<1x64xf32>
    %get3A_19 = arith.constant 0 : index
    %get3A_20 = arith.constant 0 : index
    %get3A_21 = vector.load %arg16[%get3A_19, %get3A_20] : memref<64x64xf32, #tpu.memory_space<vmem>>, vector<64x64xf32>
    %dot_general3A_22 = arith.constant dense<0.000000e+00> : vector<64x64xf32>
    %dot_general3A_23 = tpu.matmul %get3A_21, %select_n3A, %dot_general3A_22 {dimension_numbers = #tpu.dot_dimension_numbers<[1], [0], [0], [1], [0, 0, 1, 1], [], []>, transpose_lhs_hint = false} : vector<64x64xf32>, vector<64x64xf32>, vector<64x64xf32> -> vector<64x64xf32>
    %get3A_24 = arith.constant 0 : index
    %get3A_25 = arith.constant 0 : index
    %get3A_26 = vector.load %arg17[%get3A_24, %get3A_25] : memref<1x64xf32, #tpu.memory_space<vmem>>, vector<1x64xf32>
    %get3A_27 = arith.constant 0 : index
    %get3A_28 = arith.constant 0 : index
    %get3A_29 = vector.load %arg17[%get3A_27, %get3A_28] : memref<1x64xf32, #tpu.memory_space<vmem>>, vector<1x64xf32>
    %dot_general3A_30 = arith.constant dense<0.000000e+00> : vector<1x64xf32>
    %dot_general3A_31 = tpu.matmul %get3A_29, %broadcast_in_dim3A_1, %dot_general3A_30 {dimension_numbers = #tpu.dot_dimension_numbers<[1], [0], [0], [1], [0, 0, 1, 1], [], []>, transpose_lhs_hint = false} : vector<1x64xf32>, vector<64x64xf32>, vector<1x64xf32> -> vector<1x64xf32>
    %sub3A_32 = arith.subf %get3A_26, %dot_general3A_31 : vector<1x64xf32>
    %get3A_33 = arith.constant 0 : index
    %get3A_34 = arith.constant 0 : index
    %get3A_35 = vector.load %arg20[%get3A_33, %get3A_34] : memref<64x64xf32, #tpu.memory_space<vmem>>, vector<64x64xf32>
    %dot_general3A_36 = arith.constant dense<0.000000e+00> : vector<64x64xf32>
    %dot_general3A_37 = tpu.matmul %get3A_35, %select_n3A, %dot_general3A_36 {dimension_numbers = #tpu.dot_dimension_numbers<[1], [0], [0], [1], [0, 0, 1, 1], [], []>, transpose_lhs_hint = false} : vector<64x64xf32>, vector<64x64xf32>, vector<64x64xf32> -> vector<64x64xf32>
    %get3A_38 = arith.constant 0 : index
    %get3A_39 = arith.constant 0 : index
    %get3A_40 = vector.load %arg21[%get3A_38, %get3A_39] : memref<1x64xf32, #tpu.memory_space<vmem>>, vector<1x64xf32>
    %get3A_41 = arith.constant 0 : index
    %get3A_42 = arith.constant 0 : index
    %get3A_43 = vector.load %arg21[%get3A_41, %get3A_42] : memref<1x64xf32, #tpu.memory_space<vmem>>, vector<1x64xf32>
    %dot_general3A_44 = arith.constant dense<0.000000e+00> : vector<1x64xf32>
    %dot_general3A_45 = tpu.matmul %get3A_43, %broadcast_in_dim3A_1, %dot_general3A_44 {dimension_numbers = #tpu.dot_dimension_numbers<[1], [0], [0], [1], [0, 0, 1, 1], [], []>, transpose_lhs_hint = false} : vector<1x64xf32>, vector<64x64xf32>, vector<1x64xf32> -> vector<1x64xf32>
    %sub3A_46 = arith.subf %get3A_40, %dot_general3A_45 : vector<1x64xf32>
    %iota3A_47 = tpu.iota {dimensions = array<i32: 1>} : vector<800x256xi32>
    %get3A_48 = arith.constant 0 : index
    %get3A_49 = arith.constant 0 : index
    %get3A_50 = arith.constant 0 : index
    %get3A_51 = vector.load %arg1[%get3A_48, %get3A_49, %get3A_50] : memref<8x100x1xi32, #tpu.memory_space<vmem>>, vector<8x100x1xi32>
    %reshape3A = vector.shape_cast %get3A_51 : vector<8x100x1xi32> to vector<800x1xi32>
    %eq3A_52 = vector.broadcast %reshape3A : vector<800x1xi32> to vector<800x256xi32>
    %eq3A_53 = arith.cmpi eq, %eq3A_52, %iota3A_47 : vector<800x256xi32>
    %convert_element_type3A_54 = arith.extui %eq3A_53 : vector<800x256xi1> to vector<800x256xi32>
    %convert_element_type3A_55 = arith.sitofp %convert_element_type3A_54 : vector<800x256xi32> to vector<800x256xf32>
    %get3A_56 = arith.constant 0 : index
    %get3A_57 = arith.constant 0 : index
    %get3A_58 = vector.load %arg27[%get3A_56, %get3A_57] : memref<256x64xf32, #tpu.memory_space<vmem>>, vector<256x64xf32>
    %dot_general3A_59 = arith.constant dense<0.000000e+00> : vector<800x64xf32>
    %dot_general3A_60 = tpu.matmul %convert_element_type3A_55, %get3A_58, %dot_general3A_59 {dimension_numbers = #tpu.dot_dimension_numbers<[1], [0], [0], [1], [0, 0, 1, 1], [], []>, transpose_lhs_hint = false} : vector<800x256xf32>, vector<256x64xf32>, vector<800x64xf32> -> vector<800x64xf32>
    %get3A_61 = arith.constant 0 : index
    %get3A_62 = arith.constant 0 : index
    %get3A_63 = vector.load %arg28[%get3A_61, %get3A_62] : memref<256x64xf32, #tpu.memory_space<vmem>>, vector<256x64xf32>
    %dot_general3A_64 = arith.constant dense<0.000000e+00> : vector<800x64xf32>
    %dot_general3A_65 = tpu.matmul %convert_element_type3A_55, %get3A_63, %dot_general3A_64 {dimension_numbers = #tpu.dot_dimension_numbers<[1], [0], [0], [1], [0, 0, 1, 1], [], []>, transpose_lhs_hint = false} : vector<800x256xf32>, vector<256x64xf32>, vector<800x64xf32> -> vector<800x64xf32>
    %get3A_66 = arith.constant 0 : index
    %get3A_67 = arith.constant 0 : index
    %get3A_68 = arith.constant 0 : index
    %get3A_69 = vector.load %arg3[%get3A_66, %get3A_67, %get3A_68] : memref<8x100x1xi32, #tpu.memory_space<vmem>>, vector<8x100x1xi32>
    %reshape3A_70 = vector.shape_cast %get3A_69 : vector<8x100x1xi32> to vector<800x1xi32>
    %eq3A_71 = arith.constant 0 : i32
    %eq3A_72 = vector.broadcast %eq3A_71 : i32 to vector<800x1xi32>
    %eq3A_73 = arith.cmpi eq, %reshape3A_70, %eq3A_72 : vector<800x1xi32>
    %jit3A_74 = arith.constant -2 : i32
    %broadcast_in_dim3A_75 = vector.broadcast %jit3A_74 : i32 to vector<800x1xi32>
    %select_n3A_76 = arith.select %eq3A_73, %broadcast_in_dim3A_75, %reshape3A_70 : vector<800x1xi1>, vector<800x1xi32>
    %eq3A_77 = arith.constant -1 : i32
    %eq3A_78 = vector.broadcast %eq3A_77 : i32 to vector<800x1xi32>
    %eq3A_79 = arith.cmpi eq, %select_n3A_76, %eq3A_78 : vector<800x1xi32>
    %jit3A_80 = arith.constant 0 : i32
    %broadcast_in_dim3A_81 = vector.broadcast %jit3A_80 : i32 to vector<800x1xi32>
    %select_n3A_82 = arith.select %eq3A_79, %broadcast_in_dim3A_81, %select_n3A_76 : vector<800x1xi1>, vector<800x1xi32>
    %eq3A_83 = arith.constant -2 : i32
    %eq3A_84 = vector.broadcast %eq3A_83 : i32 to vector<800x1xi32>
    %eq3A_85 = arith.cmpi eq, %select_n3A_82, %eq3A_84 : vector<800x1xi32>
    %jit3A_86 = arith.constant -1 : i32
    %broadcast_in_dim3A_87 = vector.broadcast %jit3A_86 : i32 to vector<800x1xi32>
    %select_n3A_88 = arith.select %eq3A_85, %broadcast_in_dim3A_87, %select_n3A_82 : vector<800x1xi1>, vector<800x1xi32>
    %convert_element_type3A_89 = arith.sitofp %select_n3A_88 : vector<800x1xi32> to vector<800x1xf32>
    %get3A_90 = arith.constant 0 : index
    %get3A_91 = arith.constant 0 : index
    %get3A_92 = arith.constant 0 : index
    %get3A_93 = vector.load %arg2[%get3A_90, %get3A_91, %get3A_92] : memref<8x1x100xf32, #tpu.memory_space<vmem>>, vector<8x1x100xf32>
    %reshape3A_94 = vector.shape_cast %get3A_93 : vector<8x1x100xf32> to vector<8x100xf32>
    %slice3A = vector.extract_strided_slice %dot_general3A_60 {offsets = [20, 0], sizes = [80, 64], strides = [1, 1]} : vector<800x64xf32> to vector<80x64xf32>
    %slice3A_95 = vector.extract_strided_slice %dot_general3A_60 {offsets = [120, 0], sizes = [80, 64], strides = [1, 1]} : vector<800x64xf32> to vector<80x64xf32>
    %slice3A_96 = vector.extract_strided_slice %dot_general3A_60 {offsets = [220, 0], sizes = [80, 64], strides = [1, 1]} : vector<800x64xf32> to vector<80x64xf32>
    %slice3A_97 = vector.extract_strided_slice %dot_general3A_60 {offsets = [320, 0], sizes = [80, 64], strides = [1, 1]} : vector<800x64xf32> to vector<80x64xf32>
    %slice3A_98 = vector.extract_strided_slice %dot_general3A_60 {offsets = [420, 0], sizes = [80, 64], strides = [1, 1]} : vector<800x64xf32> to vector<80x64xf32>
    %slice3A_99 = vector.extract_strided_slice %dot_general3A_60 {offsets = [520, 0], sizes = [80, 64], strides = [1, 1]} : vector<800x64xf32> to vector<80x64xf32>
    %slice3A_100 = vector.extract_strided_slice %dot_general3A_60 {offsets = [620, 0], sizes = [80, 64], strides = [1, 1]} : vector<800x64xf32> to vector<80x64xf32>
    %slice3A_101 = vector.extract_strided_slice %dot_general3A_60 {offsets = [720, 0], sizes = [80, 64], strides = [1, 1]} : vector<800x64xf32> to vector<80x64xf32>
    %concatenate3A = tpu.concatenate %slice3A, %slice3A_95, %slice3A_96, %slice3A_97, %slice3A_98, %slice3A_99, %slice3A_100, %slice3A_101 in 0 : vector<80x64xf32>, vector<80x64xf32>, vector<80x64xf32>, vector<80x64xf32>, vector<80x64xf32>, vector<80x64xf32>, vector<80x64xf32>, vector<80x64xf32> -> vector<640x64xf32>
    %mul3A = vector.broadcast %convert_element_type3A_89 : vector<800x1xf32> to vector<800x64xf32>
    %mul3A_102 = arith.mulf %mul3A, %dot_general3A_65 : vector<800x64xf32>
    %slice3A_103 = vector.extract_strided_slice %mul3A_102 {offsets = [0, 0], sizes = [790, 64], strides = [1, 1]} : vector<800x64xf32> to vector<790x64xf32>
    %slice3A_104 = vector.extract_strided_slice %mul3A_102 {offsets = [10, 0], sizes = [790, 64], strides = [1, 1]} : vector<800x64xf32> to vector<790x64xf32>
    %concatenate3A_105 = tpu.concatenate %slice3A_103, %slice3A_104 in 1 : vector<790x64xf32>, vector<790x64xf32> -> vector<790x128xf32>
    %slice3A_106 = vector.extract_strided_slice %reshape3A_94 {offsets = [0, 20], sizes = [1, 80], strides = [1, 1]} : vector<8x100xf32> to vector<1x80xf32>
    %slice3A_107 = vector.extract_strided_slice %reshape3A_94 {offsets = [0, 0], sizes = [1, 80], strides = [1, 1]} : vector<8x100xf32> to vector<1x80xf32>
    %sub3A_108 = arith.subf %slice3A_106, %slice3A_107 : vector<1x80xf32>
    %abs3A = math.absf %sub3A_108 : vector<1x80xf32>
    %slice3A_109 = vector.extract_strided_slice %reshape3A_94 {offsets = [1, 20], sizes = [1, 80], strides = [1, 1]} : vector<8x100xf32> to vector<1x80xf32>
    %slice3A_110 = vector.extract_strided_slice %reshape3A_94 {offsets = [1, 0], sizes = [1, 80], strides = [1, 1]} : vector<8x100xf32> to vector<1x80xf32>
    %sub3A_111 = arith.subf %slice3A_109, %slice3A_110 : vector<1x80xf32>
    %abs3A_112 = math.absf %sub3A_111 : vector<1x80xf32>
    %slice3A_113 = vector.extract_strided_slice %reshape3A_94 {offsets = [2, 20], sizes = [1, 80], strides = [1, 1]} : vector<8x100xf32> to vector<1x80xf32>
    %slice3A_114 = vector.extract_strided_slice %reshape3A_94 {offsets = [2, 0], sizes = [1, 80], strides = [1, 1]} : vector<8x100xf32> to vector<1x80xf32>
    %sub3A_115 = arith.subf %slice3A_113, %slice3A_114 : vector<1x80xf32>
    %abs3A_116 = math.absf %sub3A_115 : vector<1x80xf32>
    %slice3A_117 = vector.extract_strided_slice %reshape3A_94 {offsets = [3, 20], sizes = [1, 80], strides = [1, 1]} : vector<8x100xf32> to vector<1x80xf32>
    %slice3A_118 = vector.extract_strided_slice %reshape3A_94 {offsets = [3, 0], sizes = [1, 80], strides = [1, 1]} : vector<8x100xf32> to vector<1x80xf32>
    %sub3A_119 = arith.subf %slice3A_117, %slice3A_118 : vector<1x80xf32>
    %abs3A_120 = math.absf %sub3A_119 : vector<1x80xf32>
    %slice3A_121 = vector.extract_strided_slice %reshape3A_94 {offsets = [4, 20], sizes = [1, 80], strides = [1, 1]} : vector<8x100xf32> to vector<1x80xf32>
    %slice3A_122 = vector.extract_strided_slice %reshape3A_94 {offsets = [4, 0], sizes = [1, 80], strides = [1, 1]} : vector<8x100xf32> to vector<1x80xf32>
    %sub3A_123 = arith.subf %slice3A_121, %slice3A_122 : vector<1x80xf32>
    %abs3A_124 = math.absf %sub3A_123 : vector<1x80xf32>
    %slice3A_125 = vector.extract_strided_slice %reshape3A_94 {offsets = [5, 20], sizes = [1, 80], strides = [1, 1]} : vector<8x100xf32> to vector<1x80xf32>
    %slice3A_126 = vector.extract_strided_slice %reshape3A_94 {offsets = [5, 0], sizes = [1, 80], strides = [1, 1]} : vector<8x100xf32> to vector<1x80xf32>
    %sub3A_127 = arith.subf %slice3A_125, %slice3A_126 : vector<1x80xf32>
    %abs3A_128 = math.absf %sub3A_127 : vector<1x80xf32>
    %slice3A_129 = vector.extract_strided_slice %reshape3A_94 {offsets = [6, 20], sizes = [1, 80], strides = [1, 1]} : vector<8x100xf32> to vector<1x80xf32>
    %slice3A_130 = vector.extract_strided_slice %reshape3A_94 {offsets = [6, 0], sizes = [1, 80], strides = [1, 1]} : vector<8x100xf32> to vector<1x80xf32>
    %sub3A_131 = arith.subf %slice3A_129, %slice3A_130 : vector<1x80xf32>
    %abs3A_132 = math.absf %sub3A_131 : vector<1x80xf32>
    %slice3A_133 = vector.extract_strided_slice %reshape3A_94 {offsets = [7, 20], sizes = [1, 80], strides = [1, 1]} : vector<8x100xf32> to vector<1x80xf32>
    %slice3A_134 = vector.extract_strided_slice %reshape3A_94 {offsets = [7, 0], sizes = [1, 80], strides = [1, 1]} : vector<8x100xf32> to vector<1x80xf32>
    %sub3A_135 = arith.subf %slice3A_133, %slice3A_134 : vector<1x80xf32>
    %abs3A_136 = math.absf %sub3A_135 : vector<1x80xf32>
    %concatenate3A_137 = tpu.concatenate %abs3A, %abs3A_112, %abs3A_116, %abs3A_120, %abs3A_124, %abs3A_128, %abs3A_132, %abs3A_136 in 1 : vector<1x80xf32>, vector<1x80xf32>, vector<1x80xf32>, vector<1x80xf32>, vector<1x80xf32>, vector<1x80xf32>, vector<1x80xf32>, vector<1x80xf32> -> vector<1x640xf32>
    %slice3A_138 = vector.extract_strided_slice %reshape3A_94 {offsets = [0, 20], sizes = [1, 80], strides = [1, 1]} : vector<8x100xf32> to vector<1x80xf32>
    %slice3A_139 = vector.extract_strided_slice %reshape3A_94 {offsets = [0, 1], sizes = [1, 80], strides = [1, 1]} : vector<8x100xf32> to vector<1x80xf32>
    %sub3A_140 = arith.subf %slice3A_138, %slice3A_139 : vector<1x80xf32>
    %abs3A_141 = math.absf %sub3A_140 : vector<1x80xf32>
    %slice3A_142 = vector.extract_strided_slice %reshape3A_94 {offsets = [1, 20], sizes = [1, 80], strides = [1, 1]} : vector<8x100xf32> to vector<1x80xf32>
    %slice3A_143 = vector.extract_strided_slice %reshape3A_94 {offsets = [1, 1], sizes = [1, 80], strides = [1, 1]} : vector<8x100xf32> to vector<1x80xf32>
    %sub3A_144 = arith.subf %slice3A_142, %slice3A_143 : vector<1x80xf32>
    %abs3A_145 = math.absf %sub3A_144 : vector<1x80xf32>
    %slice3A_146 = vector.extract_strided_slice %reshape3A_94 {offsets = [2, 20], sizes = [1, 80], strides = [1, 1]} : vector<8x100xf32> to vector<1x80xf32>
    %slice3A_147 = vector.extract_strided_slice %reshape3A_94 {offsets = [2, 1], sizes = [1, 80], strides = [1, 1]} : vector<8x100xf32> to vector<1x80xf32>
    %sub3A_148 = arith.subf %slice3A_146, %slice3A_147 : vector<1x80xf32>
    %abs3A_149 = math.absf %sub3A_148 : vector<1x80xf32>
    %slice3A_150 = vector.extract_strided_slice %reshape3A_94 {offsets = [3, 20], sizes = [1, 80], strides = [1, 1]} : vector<8x100xf32> to vector<1x80xf32>
    %slice3A_151 = vector.extract_strided_slice %reshape3A_94 {offsets = [3, 1], sizes = [1, 80], strides = [1, 1]} : vector<8x100xf32> to vector<1x80xf32>
    %sub3A_152 = arith.subf %slice3A_150, %slice3A_151 : vector<1x80xf32>
    %abs3A_153 = math.absf %sub3A_152 : vector<1x80xf32>
    %slice3A_154 = vector.extract_strided_slice %reshape3A_94 {offsets = [4, 20], sizes = [1, 80], strides = [1, 1]} : vector<8x100xf32> to vector<1x80xf32>
    %slice3A_155 = vector.extract_strided_slice %reshape3A_94 {offsets = [4, 1], sizes = [1, 80], strides = [1, 1]} : vector<8x100xf32> to vector<1x80xf32>
    %sub3A_156 = arith.subf %slice3A_154, %slice3A_155 : vector<1x80xf32>
    %abs3A_157 = math.absf %sub3A_156 : vector<1x80xf32>
    %slice3A_158 = vector.extract_strided_slice %reshape3A_94 {offsets = [5, 20], sizes = [1, 80], strides = [1, 1]} : vector<8x100xf32> to vector<1x80xf32>
    %slice3A_159 = vector.extract_strided_slice %reshape3A_94 {offsets = [5, 1], sizes = [1, 80], strides = [1, 1]} : vector<8x100xf32> to vector<1x80xf32>
    %sub3A_160 = arith.subf %slice3A_158, %slice3A_159 : vector<1x80xf32>
    %abs3A_161 = math.absf %sub3A_160 : vector<1x80xf32>
    %slice3A_162 = vector.extract_strided_slice %reshape3A_94 {offsets = [6, 20], sizes = [1, 80], strides = [1, 1]} : vector<8x100xf32> to vector<1x80xf32>
    %slice3A_163 = vector.extract_strided_slice %reshape3A_94 {offsets = [6, 1], sizes = [1, 80], strides = [1, 1]} : vector<8x100xf32> to vector<1x80xf32>
    %sub3A_164 = arith.subf %slice3A_162, %slice3A_163 : vector<1x80xf32>
    %abs3A_165 = math.absf %sub3A_164 : vector<1x80xf32>
    %slice3A_166 = vector.extract_strided_slice %reshape3A_94 {offsets = [7, 20], sizes = [1, 80], strides = [1, 1]} : vector<8x100xf32> to vector<1x80xf32>
    %slice3A_167 = vector.extract_strided_slice %reshape3A_94 {offsets = [7, 1], sizes = [1, 80], strides = [1, 1]} : vector<8x100xf32> to vector<1x80xf32>
    %sub3A_168 = arith.subf %slice3A_166, %slice3A_167 : vector<1x80xf32>
    %abs3A_169 = math.absf %sub3A_168 : vector<1x80xf32>
    %concatenate3A_170 = tpu.concatenate %abs3A_141, %abs3A_145, %abs3A_149, %abs3A_153, %abs3A_157, %abs3A_161, %abs3A_165, %abs3A_169 in 1 : vector<1x80xf32>, vector<1x80xf32>, vector<1x80xf32>, vector<1x80xf32>, vector<1x80xf32>, vector<1x80xf32>, vector<1x80xf32>, vector<1x80xf32> -> vector<1x640xf32>
    %slice3A_171 = vector.extract_strided_slice %reshape3A_94 {offsets = [0, 20], sizes = [1, 80], strides = [1, 1]} : vector<8x100xf32> to vector<1x80xf32>
    %slice3A_172 = vector.extract_strided_slice %reshape3A_94 {offsets = [0, 2], sizes = [1, 80], strides = [1, 1]} : vector<8x100xf32> to vector<1x80xf32>
    %sub3A_173 = arith.subf %slice3A_171, %slice3A_172 : vector<1x80xf32>
    %abs3A_174 = math.absf %sub3A_173 : vector<1x80xf32>
    %slice3A_175 = vector.extract_strided_slice %reshape3A_94 {offsets = [1, 20], sizes = [1, 80], strides = [1, 1]} : vector<8x100xf32> to vector<1x80xf32>
    %slice3A_176 = vector.extract_strided_slice %reshape3A_94 {offsets = [1, 2], sizes = [1, 80], strides = [1, 1]} : vector<8x100xf32> to vector<1x80xf32>
    %sub3A_177 = arith.subf %slice3A_175, %slice3A_176 : vector<1x80xf32>
    %abs3A_178 = math.absf %sub3A_177 : vector<1x80xf32>
    %slice3A_179 = vector.extract_strided_slice %reshape3A_94 {offsets = [2, 20], sizes = [1, 80], strides = [1, 1]} : vector<8x100xf32> to vector<1x80xf32>
    %slice3A_180 = vector.extract_strided_slice %reshape3A_94 {offsets = [2, 2], sizes = [1, 80], strides = [1, 1]} : vector<8x100xf32> to vector<1x80xf32>
    %sub3A_181 = arith.subf %slice3A_179, %slice3A_180 : vector<1x80xf32>
    %abs3A_182 = math.absf %sub3A_181 : vector<1x80xf32>
    %slice3A_183 = vector.extract_strided_slice %reshape3A_94 {offsets = [3, 20], sizes = [1, 80], strides = [1, 1]} : vector<8x100xf32> to vector<1x80xf32>
    %slice3A_184 = vector.extract_strided_slice %reshape3A_94 {offsets = [3, 2], sizes = [1, 80], strides = [1, 1]} : vector<8x100xf32> to vector<1x80xf32>
    %sub3A_185 = arith.subf %slice3A_183, %slice3A_184 : vector<1x80xf32>
    %abs3A_186 = math.absf %sub3A_185 : vector<1x80xf32>
    %slice3A_187 = vector.extract_strided_slice %reshape3A_94 {offsets = [4, 20], sizes = [1, 80], strides = [1, 1]} : vector<8x100xf32> to vector<1x80xf32>
    %slice3A_188 = vector.extract_strided_slice %reshape3A_94 {offsets = [4, 2], sizes = [1, 80], strides = [1, 1]} : vector<8x100xf32> to vector<1x80xf32>
    %sub3A_189 = arith.subf %slice3A_187, %slice3A_188 : vector<1x80xf32>
    %abs3A_190 = math.absf %sub3A_189 : vector<1x80xf32>
    %slice3A_191 = vector.extract_strided_slice %reshape3A_94 {offsets = [5, 20], sizes = [1, 80], strides = [1, 1]} : vector<8x100xf32> to vector<1x80xf32>
    %slice3A_192 = vector.extract_strided_slice %reshape3A_94 {offsets = [5, 2], sizes = [1, 80], strides = [1, 1]} : vector<8x100xf32> to vector<1x80xf32>
    %sub3A_193 = arith.subf %slice3A_191, %slice3A_192 : vector<1x80xf32>
    %abs3A_194 = math.absf %sub3A_193 : vector<1x80xf32>
    %slice3A_195 = vector.extract_strided_slice %reshape3A_94 {offsets = [6, 20], sizes = [1, 80], strides = [1, 1]} : vector<8x100xf32> to vector<1x80xf32>
    %slice3A_196 = vector.extract_strided_slice %reshape3A_94 {offsets = [6, 2], sizes = [1, 80], strides = [1, 1]} : vector<8x100xf32> to vector<1x80xf32>
    %sub3A_197 = arith.subf %slice3A_195, %slice3A_196 : vector<1x80xf32>
    %abs3A_198 = math.absf %sub3A_197 : vector<1x80xf32>
    %slice3A_199 = vector.extract_strided_slice %reshape3A_94 {offsets = [7, 20], sizes = [1, 80], strides = [1, 1]} : vector<8x100xf32> to vector<1x80xf32>
    %slice3A_200 = vector.extract_strided_slice %reshape3A_94 {offsets = [7, 2], sizes = [1, 80], strides = [1, 1]} : vector<8x100xf32> to vector<1x80xf32>
    %sub3A_201 = arith.subf %slice3A_199, %slice3A_200 : vector<1x80xf32>
    %abs3A_202 = math.absf %sub3A_201 : vector<1x80xf32>
    %concatenate3A_203 = tpu.concatenate %abs3A_174, %abs3A_178, %abs3A_182, %abs3A_186, %abs3A_190, %abs3A_194, %abs3A_198, %abs3A_202 in 1 : vector<1x80xf32>, vector<1x80xf32>, vector<1x80xf32>, vector<1x80xf32>, vector<1x80xf32>, vector<1x80xf32>, vector<1x80xf32>, vector<1x80xf32> -> vector<1x640xf32>
    %slice3A_204 = vector.extract_strided_slice %reshape3A_94 {offsets = [0, 20], sizes = [1, 80], strides = [1, 1]} : vector<8x100xf32> to vector<1x80xf32>
    %slice3A_205 = vector.extract_strided_slice %reshape3A_94 {offsets = [0, 3], sizes = [1, 80], strides = [1, 1]} : vector<8x100xf32> to vector<1x80xf32>
    %sub3A_206 = arith.subf %slice3A_204, %slice3A_205 : vector<1x80xf32>
    %abs3A_207 = math.absf %sub3A_206 : vector<1x80xf32>
    %slice3A_208 = vector.extract_strided_slice %reshape3A_94 {offsets = [1, 20], sizes = [1, 80], strides = [1, 1]} : vector<8x100xf32> to vector<1x80xf32>
    %slice3A_209 = vector.extract_strided_slice %reshape3A_94 {offsets = [1, 3], sizes = [1, 80], strides = [1, 1]} : vector<8x100xf32> to vector<1x80xf32>
    %sub3A_210 = arith.subf %slice3A_208, %slice3A_209 : vector<1x80xf32>
    %abs3A_211 = math.absf %sub3A_210 : vector<1x80xf32>
    %slice3A_212 = vector.extract_strided_slice %reshape3A_94 {offsets = [2, 20], sizes = [1, 80], strides = [1, 1]} : vector<8x100xf32> to vector<1x80xf32>
    %slice3A_213 = vector.extract_strided_slice %reshape3A_94 {offsets = [2, 3], sizes = [1, 80], strides = [1, 1]} : vector<8x100xf32> to vector<1x80xf32>
    %sub3A_214 = arith.subf %slice3A_212, %slice3A_213 : vector<1x80xf32>
    %abs3A_215 = math.absf %sub3A_214 : vector<1x80xf32>
    %slice3A_216 = vector.extract_strided_slice %reshape3A_94 {offsets = [3, 20], sizes = [1, 80], strides = [1, 1]} : vector<8x100xf32> to vector<1x80xf32>
    %slice3A_217 = vector.extract_strided_slice %reshape3A_94 {offsets = [3, 3], sizes = [1, 80], strides = [1, 1]} : vector<8x100xf32> to vector<1x80xf32>
    %sub3A_218 = arith.subf %slice3A_216, %slice3A_217 : vector<1x80xf32>
    %abs3A_219 = math.absf %sub3A_218 : vector<1x80xf32>
    %slice3A_220 = vector.extract_strided_slice %reshape3A_94 {offsets = [4, 20], sizes = [1, 80], strides = [1, 1]} : vector<8x100xf32> to vector<1x80xf32>
    %slice3A_221 = vector.extract_strided_slice %reshape3A_94 {offsets = [4, 3], sizes = [1, 80], strides = [1, 1]} : vector<8x100xf32> to vector<1x80xf32>
    %sub3A_222 = arith.subf %slice3A_220, %slice3A_221 : vector<1x80xf32>
    %abs3A_223 = math.absf %sub3A_222 : vector<1x80xf32>
    %slice3A_224 = vector.extract_strided_slice %reshape3A_94 {offsets = [5, 20], sizes = [1, 80], strides = [1, 1]} : vector<8x100xf32> to vector<1x80xf32>
    %slice3A_225 = vector.extract_strided_slice %reshape3A_94 {offsets = [5, 3], sizes = [1, 80], strides = [1, 1]} : vector<8x100xf32> to vector<1x80xf32>
    %sub3A_226 = arith.subf %slice3A_224, %slice3A_225 : vector<1x80xf32>
    %abs3A_227 = math.absf %sub3A_226 : vector<1x80xf32>
    %slice3A_228 = vector.extract_strided_slice %reshape3A_94 {offsets = [6, 20], sizes = [1, 80], strides = [1, 1]} : vector<8x100xf32> to vector<1x80xf32>
    %slice3A_229 = vector.extract_strided_slice %reshape3A_94 {offsets = [6, 3], sizes = [1, 80], strides = [1, 1]} : vector<8x100xf32> to vector<1x80xf32>
    %sub3A_230 = arith.subf %slice3A_228, %slice3A_229 : vector<1x80xf32>
    %abs3A_231 = math.absf %sub3A_230 : vector<1x80xf32>
    %slice3A_232 = vector.extract_strided_slice %reshape3A_94 {offsets = [7, 20], sizes = [1, 80], strides = [1, 1]} : vector<8x100xf32> to vector<1x80xf32>
    %slice3A_233 = vector.extract_strided_slice %reshape3A_94 {offsets = [7, 3], sizes = [1, 80], strides = [1, 1]} : vector<8x100xf32> to vector<1x80xf32>
    %sub3A_234 = arith.subf %slice3A_232, %slice3A_233 : vector<1x80xf32>
    %abs3A_235 = math.absf %sub3A_234 : vector<1x80xf32>
    %concatenate3A_236 = tpu.concatenate %abs3A_207, %abs3A_211, %abs3A_215, %abs3A_219, %abs3A_223, %abs3A_227, %abs3A_231, %abs3A_235 in 1 : vector<1x80xf32>, vector<1x80xf32>, vector<1x80xf32>, vector<1x80xf32>, vector<1x80xf32>, vector<1x80xf32>, vector<1x80xf32>, vector<1x80xf32> -> vector<1x640xf32>
    %slice3A_237 = vector.extract_strided_slice %reshape3A_94 {offsets = [0, 20], sizes = [1, 80], strides = [1, 1]} : vector<8x100xf32> to vector<1x80xf32>
    %slice3A_238 = vector.extract_strided_slice %reshape3A_94 {offsets = [0, 4], sizes = [1, 80], strides = [1, 1]} : vector<8x100xf32> to vector<1x80xf32>
    %sub3A_239 = arith.subf %slice3A_237, %slice3A_238 : vector<1x80xf32>
    %abs3A_240 = math.absf %sub3A_239 : vector<1x80xf32>
    %slice3A_241 = vector.extract_strided_slice %reshape3A_94 {offsets = [1, 20], sizes = [1, 80], strides = [1, 1]} : vector<8x100xf32> to vector<1x80xf32>
    %slice3A_242 = vector.extract_strided_slice %reshape3A_94 {offsets = [1, 4], sizes = [1, 80], strides = [1, 1]} : vector<8x100xf32> to vector<1x80xf32>
    %sub3A_243 = arith.subf %slice3A_241, %slice3A_242 : vector<1x80xf32>
    %abs3A_244 = math.absf %sub3A_243 : vector<1x80xf32>
    %slice3A_245 = vector.extract_strided_slice %reshape3A_94 {offsets = [2, 20], sizes = [1, 80], strides = [1, 1]} : vector<8x100xf32> to vector<1x80xf32>
    %slice3A_246 = vector.extract_strided_slice %reshape3A_94 {offsets = [2, 4], sizes = [1, 80], strides = [1, 1]} : vector<8x100xf32> to vector<1x80xf32>
    %sub3A_247 = arith.subf %slice3A_245, %slice3A_246 : vector<1x80xf32>
    %abs3A_248 = math.absf %sub3A_247 : vector<1x80xf32>
    %slice3A_249 = vector.extract_strided_slice %reshape3A_94 {offsets = [3, 20], sizes = [1, 80], strides = [1, 1]} : vector<8x100xf32> to vector<1x80xf32>
    %slice3A_250 = vector.extract_strided_slice %reshape3A_94 {offsets = [3, 4], sizes = [1, 80], strides = [1, 1]} : vector<8x100xf32> to vector<1x80xf32>
    %sub3A_251 = arith.subf %slice3A_249, %slice3A_250 : vector<1x80xf32>
    %abs3A_252 = math.absf %sub3A_251 : vector<1x80xf32>
    %slice3A_253 = vector.extract_strided_slice %reshape3A_94 {offsets = [4, 20], sizes = [1, 80], strides = [1, 1]} : vector<8x100xf32> to vector<1x80xf32>
    %slice3A_254 = vector.extract_strided_slice %reshape3A_94 {offsets = [4, 4], sizes = [1, 80], strides = [1, 1]} : vector<8x100xf32> to vector<1x80xf32>
    %sub3A_255 = arith.subf %slice3A_253, %slice3A_254 : vector<1x80xf32>
    %abs3A_256 = math.absf %sub3A_255 : vector<1x80xf32>
    %slice3A_257 = vector.extract_strided_slice %reshape3A_94 {offsets = [5, 20], sizes = [1, 80], strides = [1, 1]} : vector<8x100xf32> to vector<1x80xf32>
    %slice3A_258 = vector.extract_strided_slice %reshape3A_94 {offsets = [5, 4], sizes = [1, 80], strides = [1, 1]} : vector<8x100xf32> to vector<1x80xf32>
    %sub3A_259 = arith.subf %slice3A_257, %slice3A_258 : vector<1x80xf32>
    %abs3A_260 = math.absf %sub3A_259 : vector<1x80xf32>
    %slice3A_261 = vector.extract_strided_slice %reshape3A_94 {offsets = [6, 20], sizes = [1, 80], strides = [1, 1]} : vector<8x100xf32> to vector<1x80xf32>
    %slice3A_262 = vector.extract_strided_slice %reshape3A_94 {offsets = [6, 4], sizes = [1, 80], strides = [1, 1]} : vector<8x100xf32> to vector<1x80xf32>
    %sub3A_263 = arith.subf %slice3A_261, %slice3A_262 : vector<1x80xf32>
    %abs3A_264 = math.absf %sub3A_263 : vector<1x80xf32>
    %slice3A_265 = vector.extract_strided_slice %reshape3A_94 {offsets = [7, 20], sizes = [1, 80], strides = [1, 1]} : vector<8x100xf32> to vector<1x80xf32>
    %slice3A_266 = vector.extract_strided_slice %reshape3A_94 {offsets = [7, 4], sizes = [1, 80], strides = [1, 1]} : vector<8x100xf32> to vector<1x80xf32>
    %sub3A_267 = arith.subf %slice3A_265, %slice3A_266 : vector<1x80xf32>
    %abs3A_268 = math.absf %sub3A_267 : vector<1x80xf32>
    %concatenate3A_269 = tpu.concatenate %abs3A_240, %abs3A_244, %abs3A_248, %abs3A_252, %abs3A_256, %abs3A_260, %abs3A_264, %abs3A_268 in 1 : vector<1x80xf32>, vector<1x80xf32>, vector<1x80xf32>, vector<1x80xf32>, vector<1x80xf32>, vector<1x80xf32>, vector<1x80xf32>, vector<1x80xf32> -> vector<1x640xf32>
    %slice3A_270 = vector.extract_strided_slice %reshape3A_94 {offsets = [0, 20], sizes = [1, 80], strides = [1, 1]} : vector<8x100xf32> to vector<1x80xf32>
    %slice3A_271 = vector.extract_strided_slice %reshape3A_94 {offsets = [0, 5], sizes = [1, 80], strides = [1, 1]} : vector<8x100xf32> to vector<1x80xf32>
    %sub3A_272 = arith.subf %slice3A_270, %slice3A_271 : vector<1x80xf32>
    %abs3A_273 = math.absf %sub3A_272 : vector<1x80xf32>
    %slice3A_274 = vector.extract_strided_slice %reshape3A_94 {offsets = [1, 20], sizes = [1, 80], strides = [1, 1]} : vector<8x100xf32> to vector<1x80xf32>
    %slice3A_275 = vector.extract_strided_slice %reshape3A_94 {offsets = [1, 5], sizes = [1, 80], strides = [1, 1]} : vector<8x100xf32> to vector<1x80xf32>
    %sub3A_276 = arith.subf %slice3A_274, %slice3A_275 : vector<1x80xf32>
    %abs3A_277 = math.absf %sub3A_276 : vector<1x80xf32>
    %slice3A_278 = vector.extract_strided_slice %reshape3A_94 {offsets = [2, 20], sizes = [1, 80], strides = [1, 1]} : vector<8x100xf32> to vector<1x80xf32>
    %slice3A_279 = vector.extract_strided_slice %reshape3A_94 {offsets = [2, 5], sizes = [1, 80], strides = [1, 1]} : vector<8x100xf32> to vector<1x80xf32>
    %sub3A_280 = arith.subf %slice3A_278, %slice3A_279 : vector<1x80xf32>
    %abs3A_281 = math.absf %sub3A_280 : vector<1x80xf32>
    %slice3A_282 = vector.extract_strided_slice %reshape3A_94 {offsets = [3, 20], sizes = [1, 80], strides = [1, 1]} : vector<8x100xf32> to vector<1x80xf32>
    %slice3A_283 = vector.extract_strided_slice %reshape3A_94 {offsets = [3, 5], sizes = [1, 80], strides = [1, 1]} : vector<8x100xf32> to vector<1x80xf32>
    %sub3A_284 = arith.subf %slice3A_282, %slice3A_283 : vector<1x80xf32>
    %abs3A_285 = math.absf %sub3A_284 : vector<1x80xf32>
    %slice3A_286 = vector.extract_strided_slice %reshape3A_94 {offsets = [4, 20], sizes = [1, 80], strides = [1, 1]} : vector<8x100xf32> to vector<1x80xf32>
    %slice3A_287 = vector.extract_strided_slice %reshape3A_94 {offsets = [4, 5], sizes = [1, 80], strides = [1, 1]} : vector<8x100xf32> to vector<1x80xf32>
    %sub3A_288 = arith.subf %slice3A_286, %slice3A_287 : vector<1x80xf32>
    %abs3A_289 = math.absf %sub3A_288 : vector<1x80xf32>
    %slice3A_290 = vector.extract_strided_slice %reshape3A_94 {offsets = [5, 20], sizes = [1, 80], strides = [1, 1]} : vector<8x100xf32> to vector<1x80xf32>
    %slice3A_291 = vector.extract_strided_slice %reshape3A_94 {offsets = [5, 5], sizes = [1, 80], strides = [1, 1]} : vector<8x100xf32> to vector<1x80xf32>
    %sub3A_292 = arith.subf %slice3A_290, %slice3A_291 : vector<1x80xf32>
    %abs3A_293 = math.absf %sub3A_292 : vector<1x80xf32>
    %slice3A_294 = vector.extract_strided_slice %reshape3A_94 {offsets = [6, 20], sizes = [1, 80], strides = [1, 1]} : vector<8x100xf32> to vector<1x80xf32>
    %slice3A_295 = vector.extract_strided_slice %reshape3A_94 {offsets = [6, 5], sizes = [1, 80], strides = [1, 1]} : vector<8x100xf32> to vector<1x80xf32>
    %sub3A_296 = arith.subf %slice3A_294, %slice3A_295 : vector<1x80xf32>
    %abs3A_297 = math.absf %sub3A_296 : vector<1x80xf32>
    %slice3A_298 = vector.extract_strided_slice %reshape3A_94 {offsets = [7, 20], sizes = [1, 80], strides = [1, 1]} : vector<8x100xf32> to vector<1x80xf32>
    %slice3A_299 = vector.extract_strided_slice %reshape3A_94 {offsets = [7, 5], sizes = [1, 80], strides = [1, 1]} : vector<8x100xf32> to vector<1x80xf32>
    %sub3A_300 = arith.subf %slice3A_298, %slice3A_299 : vector<1x80xf32>
    %abs3A_301 = math.absf %sub3A_300 : vector<1x80xf32>
    %concatenate3A_302 = tpu.concatenate %abs3A_273, %abs3A_277, %abs3A_281, %abs3A_285, %abs3A_289, %abs3A_293, %abs3A_297, %abs3A_301 in 1 : vector<1x80xf32>, vector<1x80xf32>, vector<1x80xf32>, vector<1x80xf32>, vector<1x80xf32>, vector<1x80xf32>, vector<1x80xf32>, vector<1x80xf32> -> vector<1x640xf32>
    %slice3A_303 = vector.extract_strided_slice %reshape3A_94 {offsets = [0, 20], sizes = [1, 80], strides = [1, 1]} : vector<8x100xf32> to vector<1x80xf32>
    %slice3A_304 = vector.extract_strided_slice %reshape3A_94 {offsets = [0, 6], sizes = [1, 80], strides = [1, 1]} : vector<8x100xf32> to vector<1x80xf32>
    %sub3A_305 = arith.subf %slice3A_303, %slice3A_304 : vector<1x80xf32>
    %abs3A_306 = math.absf %sub3A_305 : vector<1x80xf32>
    %slice3A_307 = vector.extract_strided_slice %reshape3A_94 {offsets = [1, 20], sizes = [1, 80], strides = [1, 1]} : vector<8x100xf32> to vector<1x80xf32>
    %slice3A_308 = vector.extract_strided_slice %reshape3A_94 {offsets = [1, 6], sizes = [1, 80], strides = [1, 1]} : vector<8x100xf32> to vector<1x80xf32>
    %sub3A_309 = arith.subf %slice3A_307, %slice3A_308 : vector<1x80xf32>
    %abs3A_310 = math.absf %sub3A_309 : vector<1x80xf32>
    %slice3A_311 = vector.extract_strided_slice %reshape3A_94 {offsets = [2, 20], sizes = [1, 80], strides = [1, 1]} : vector<8x100xf32> to vector<1x80xf32>
    %slice3A_312 = vector.extract_strided_slice %reshape3A_94 {offsets = [2, 6], sizes = [1, 80], strides = [1, 1]} : vector<8x100xf32> to vector<1x80xf32>
    %sub3A_313 = arith.subf %slice3A_311, %slice3A_312 : vector<1x80xf32>
    %abs3A_314 = math.absf %sub3A_313 : vector<1x80xf32>
    %slice3A_315 = vector.extract_strided_slice %reshape3A_94 {offsets = [3, 20], sizes = [1, 80], strides = [1, 1]} : vector<8x100xf32> to vector<1x80xf32>
    %slice3A_316 = vector.extract_strided_slice %reshape3A_94 {offsets = [3, 6], sizes = [1, 80], strides = [1, 1]} : vector<8x100xf32> to vector<1x80xf32>
    %sub3A_317 = arith.subf %slice3A_315, %slice3A_316 : vector<1x80xf32>
    %abs3A_318 = math.absf %sub3A_317 : vector<1x80xf32>
    %slice3A_319 = vector.extract_strided_slice %reshape3A_94 {offsets = [4, 20], sizes = [1, 80], strides = [1, 1]} : vector<8x100xf32> to vector<1x80xf32>
    %slice3A_320 = vector.extract_strided_slice %reshape3A_94 {offsets = [4, 6], sizes = [1, 80], strides = [1, 1]} : vector<8x100xf32> to vector<1x80xf32>
    %sub3A_321 = arith.subf %slice3A_319, %slice3A_320 : vector<1x80xf32>
    %abs3A_322 = math.absf %sub3A_321 : vector<1x80xf32>
    %slice3A_323 = vector.extract_strided_slice %reshape3A_94 {offsets = [5, 20], sizes = [1, 80], strides = [1, 1]} : vector<8x100xf32> to vector<1x80xf32>
    %slice3A_324 = vector.extract_strided_slice %reshape3A_94 {offsets = [5, 6], sizes = [1, 80], strides = [1, 1]} : vector<8x100xf32> to vector<1x80xf32>
    %sub3A_325 = arith.subf %slice3A_323, %slice3A_324 : vector<1x80xf32>
    %abs3A_326 = math.absf %sub3A_325 : vector<1x80xf32>
    %slice3A_327 = vector.extract_strided_slice %reshape3A_94 {offsets = [6, 20], sizes = [1, 80], strides = [1, 1]} : vector<8x100xf32> to vector<1x80xf32>
    %slice3A_328 = vector.extract_strided_slice %reshape3A_94 {offsets = [6, 6], sizes = [1, 80], strides = [1, 1]} : vector<8x100xf32> to vector<1x80xf32>
    %sub3A_329 = arith.subf %slice3A_327, %slice3A_328 : vector<1x80xf32>
    %abs3A_330 = math.absf %sub3A_329 : vector<1x80xf32>
    %slice3A_331 = vector.extract_strided_slice %reshape3A_94 {offsets = [7, 20], sizes = [1, 80], strides = [1, 1]} : vector<8x100xf32> to vector<1x80xf32>
    %slice3A_332 = vector.extract_strided_slice %reshape3A_94 {offsets = [7, 6], sizes = [1, 80], strides = [1, 1]} : vector<8x100xf32> to vector<1x80xf32>
    %sub3A_333 = arith.subf %slice3A_331, %slice3A_332 : vector<1x80xf32>
    %abs3A_334 = math.absf %sub3A_333 : vector<1x80xf32>
    %concatenate3A_335 = tpu.concatenate %abs3A_306, %abs3A_310, %abs3A_314, %abs3A_318, %abs3A_322, %abs3A_326, %abs3A_330, %abs3A_334 in 1 : vector<1x80xf32>, vector<1x80xf32>, vector<1x80xf32>, vector<1x80xf32>, vector<1x80xf32>, vector<1x80xf32>, vector<1x80xf32>, vector<1x80xf32> -> vector<1x640xf32>
    %slice3A_336 = vector.extract_strided_slice %reshape3A_94 {offsets = [0, 20], sizes = [1, 80], strides = [1, 1]} : vector<8x100xf32> to vector<1x80xf32>
    %slice3A_337 = vector.extract_strided_slice %reshape3A_94 {offsets = [0, 7], sizes = [1, 80], strides = [1, 1]} : vector<8x100xf32> to vector<1x80xf32>
    %sub3A_338 = arith.subf %slice3A_336, %slice3A_337 : vector<1x80xf32>
    %abs3A_339 = math.absf %sub3A_338 : vector<1x80xf32>
    %slice3A_340 = vector.extract_strided_slice %reshape3A_94 {offsets = [1, 20], sizes = [1, 80], strides = [1, 1]} : vector<8x100xf32> to vector<1x80xf32>
    %slice3A_341 = vector.extract_strided_slice %reshape3A_94 {offsets = [1, 7], sizes = [1, 80], strides = [1, 1]} : vector<8x100xf32> to vector<1x80xf32>
    %sub3A_342 = arith.subf %slice3A_340, %slice3A_341 : vector<1x80xf32>
    %abs3A_343 = math.absf %sub3A_342 : vector<1x80xf32>
    %slice3A_344 = vector.extract_strided_slice %reshape3A_94 {offsets = [2, 20], sizes = [1, 80], strides = [1, 1]} : vector<8x100xf32> to vector<1x80xf32>
    %slice3A_345 = vector.extract_strided_slice %reshape3A_94 {offsets = [2, 7], sizes = [1, 80], strides = [1, 1]} : vector<8x100xf32> to vector<1x80xf32>
    %sub3A_346 = arith.subf %slice3A_344, %slice3A_345 : vector<1x80xf32>
    %abs3A_347 = math.absf %sub3A_346 : vector<1x80xf32>
    %slice3A_348 = vector.extract_strided_slice %reshape3A_94 {offsets = [3, 20], sizes = [1, 80], strides = [1, 1]} : vector<8x100xf32> to vector<1x80xf32>
    %slice3A_349 = vector.extract_strided_slice %reshape3A_94 {offsets = [3, 7], sizes = [1, 80], strides = [1, 1]} : vector<8x100xf32> to vector<1x80xf32>
    %sub3A_350 = arith.subf %slice3A_348, %slice3A_349 : vector<1x80xf32>
    %abs3A_351 = math.absf %sub3A_350 : vector<1x80xf32>
    %slice3A_352 = vector.extract_strided_slice %reshape3A_94 {offsets = [4, 20], sizes = [1, 80], strides = [1, 1]} : vector<8x100xf32> to vector<1x80xf32>
    %slice3A_353 = vector.extract_strided_slice %reshape3A_94 {offsets = [4, 7], sizes = [1, 80], strides = [1, 1]} : vector<8x100xf32> to vector<1x80xf32>
    %sub3A_354 = arith.subf %slice3A_352, %slice3A_353 : vector<1x80xf32>
    %abs3A_355 = math.absf %sub3A_354 : vector<1x80xf32>
    %slice3A_356 = vector.extract_strided_slice %reshape3A_94 {offsets = [5, 20], sizes = [1, 80], strides = [1, 1]} : vector<8x100xf32> to vector<1x80xf32>
    %slice3A_357 = vector.extract_strided_slice %reshape3A_94 {offsets = [5, 7], sizes = [1, 80], strides = [1, 1]} : vector<8x100xf32> to vector<1x80xf32>
    %sub3A_358 = arith.subf %slice3A_356, %slice3A_357 : vector<1x80xf32>
    %abs3A_359 = math.absf %sub3A_358 : vector<1x80xf32>
    %slice3A_360 = vector.extract_strided_slice %reshape3A_94 {offsets = [6, 20], sizes = [1, 80], strides = [1, 1]} : vector<8x100xf32> to vector<1x80xf32>
    %slice3A_361 = vector.extract_strided_slice %reshape3A_94 {offsets = [6, 7], sizes = [1, 80], strides = [1, 1]} : vector<8x100xf32> to vector<1x80xf32>
    %sub3A_362 = arith.subf %slice3A_360, %slice3A_361 : vector<1x80xf32>
    %abs3A_363 = math.absf %sub3A_362 : vector<1x80xf32>
    %slice3A_364 = vector.extract_strided_slice %reshape3A_94 {offsets = [7, 20], sizes = [1, 80], strides = [1, 1]} : vector<8x100xf32> to vector<1x80xf32>
    %slice3A_365 = vector.extract_strided_slice %reshape3A_94 {offsets = [7, 7], sizes = [1, 80], strides = [1, 1]} : vector<8x100xf32> to vector<1x80xf32>
    %sub3A_366 = arith.subf %slice3A_364, %slice3A_365 : vector<1x80xf32>
    %abs3A_367 = math.absf %sub3A_366 : vector<1x80xf32>
    %concatenate3A_368 = tpu.concatenate %abs3A_339, %abs3A_343, %abs3A_347, %abs3A_351, %abs3A_355, %abs3A_359, %abs3A_363, %abs3A_367 in 1 : vector<1x80xf32>, vector<1x80xf32>, vector<1x80xf32>, vector<1x80xf32>, vector<1x80xf32>, vector<1x80xf32>, vector<1x80xf32>, vector<1x80xf32> -> vector<1x640xf32>
    %slice3A_369 = vector.extract_strided_slice %reshape3A_94 {offsets = [0, 20], sizes = [1, 80], strides = [1, 1]} : vector<8x100xf32> to vector<1x80xf32>
    %slice3A_370 = vector.extract_strided_slice %reshape3A_94 {offsets = [0, 8], sizes = [1, 80], strides = [1, 1]} : vector<8x100xf32> to vector<1x80xf32>
    %sub3A_371 = arith.subf %slice3A_369, %slice3A_370 : vector<1x80xf32>
    %abs3A_372 = math.absf %sub3A_371 : vector<1x80xf32>
    %slice3A_373 = vector.extract_strided_slice %reshape3A_94 {offsets = [1, 20], sizes = [1, 80], strides = [1, 1]} : vector<8x100xf32> to vector<1x80xf32>
    %slice3A_374 = vector.extract_strided_slice %reshape3A_94 {offsets = [1, 8], sizes = [1, 80], strides = [1, 1]} : vector<8x100xf32> to vector<1x80xf32>
    %sub3A_375 = arith.subf %slice3A_373, %slice3A_374 : vector<1x80xf32>
    %abs3A_376 = math.absf %sub3A_375 : vector<1x80xf32>
    %slice3A_377 = vector.extract_strided_slice %reshape3A_94 {offsets = [2, 20], sizes = [1, 80], strides = [1, 1]} : vector<8x100xf32> to vector<1x80xf32>
    %slice3A_378 = vector.extract_strided_slice %reshape3A_94 {offsets = [2, 8], sizes = [1, 80], strides = [1, 1]} : vector<8x100xf32> to vector<1x80xf32>
    %sub3A_379 = arith.subf %slice3A_377, %slice3A_378 : vector<1x80xf32>
    %abs3A_380 = math.absf %sub3A_379 : vector<1x80xf32>
    %slice3A_381 = vector.extract_strided_slice %reshape3A_94 {offsets = [3, 20], sizes = [1, 80], strides = [1, 1]} : vector<8x100xf32> to vector<1x80xf32>
    %slice3A_382 = vector.extract_strided_slice %reshape3A_94 {offsets = [3, 8], sizes = [1, 80], strides = [1, 1]} : vector<8x100xf32> to vector<1x80xf32>
    %sub3A_383 = arith.subf %slice3A_381, %slice3A_382 : vector<1x80xf32>
    %abs3A_384 = math.absf %sub3A_383 : vector<1x80xf32>
    %slice3A_385 = vector.extract_strided_slice %reshape3A_94 {offsets = [4, 20], sizes = [1, 80], strides = [1, 1]} : vector<8x100xf32> to vector<1x80xf32>
    %slice3A_386 = vector.extract_strided_slice %reshape3A_94 {offsets = [4, 8], sizes = [1, 80], strides = [1, 1]} : vector<8x100xf32> to vector<1x80xf32>
    %sub3A_387 = arith.subf %slice3A_385, %slice3A_386 : vector<1x80xf32>
    %abs3A_388 = math.absf %sub3A_387 : vector<1x80xf32>
    %slice3A_389 = vector.extract_strided_slice %reshape3A_94 {offsets = [5, 20], sizes = [1, 80], strides = [1, 1]} : vector<8x100xf32> to vector<1x80xf32>
    %slice3A_390 = vector.extract_strided_slice %reshape3A_94 {offsets = [5, 8], sizes = [1, 80], strides = [1, 1]} : vector<8x100xf32> to vector<1x80xf32>
    %sub3A_391 = arith.subf %slice3A_389, %slice3A_390 : vector<1x80xf32>
    %abs3A_392 = math.absf %sub3A_391 : vector<1x80xf32>
    %slice3A_393 = vector.extract_strided_slice %reshape3A_94 {offsets = [6, 20], sizes = [1, 80], strides = [1, 1]} : vector<8x100xf32> to vector<1x80xf32>
    %slice3A_394 = vector.extract_strided_slice %reshape3A_94 {offsets = [6, 8], sizes = [1, 80], strides = [1, 1]} : vector<8x100xf32> to vector<1x80xf32>
    %sub3A_395 = arith.subf %slice3A_393, %slice3A_394 : vector<1x80xf32>
    %abs3A_396 = math.absf %sub3A_395 : vector<1x80xf32>
    %slice3A_397 = vector.extract_strided_slice %reshape3A_94 {offsets = [7, 20], sizes = [1, 80], strides = [1, 1]} : vector<8x100xf32> to vector<1x80xf32>
    %slice3A_398 = vector.extract_strided_slice %reshape3A_94 {offsets = [7, 8], sizes = [1, 80], strides = [1, 1]} : vector<8x100xf32> to vector<1x80xf32>
    %sub3A_399 = arith.subf %slice3A_397, %slice3A_398 : vector<1x80xf32>
    %abs3A_400 = math.absf %sub3A_399 : vector<1x80xf32>
    %concatenate3A_401 = tpu.concatenate %abs3A_372, %abs3A_376, %abs3A_380, %abs3A_384, %abs3A_388, %abs3A_392, %abs3A_396, %abs3A_400 in 1 : vector<1x80xf32>, vector<1x80xf32>, vector<1x80xf32>, vector<1x80xf32>, vector<1x80xf32>, vector<1x80xf32>, vector<1x80xf32>, vector<1x80xf32> -> vector<1x640xf32>
    %slice3A_402 = vector.extract_strided_slice %reshape3A_94 {offsets = [0, 20], sizes = [1, 80], strides = [1, 1]} : vector<8x100xf32> to vector<1x80xf32>
    %slice3A_403 = vector.extract_strided_slice %reshape3A_94 {offsets = [0, 9], sizes = [1, 80], strides = [1, 1]} : vector<8x100xf32> to vector<1x80xf32>
    %sub3A_404 = arith.subf %slice3A_402, %slice3A_403 : vector<1x80xf32>
    %abs3A_405 = math.absf %sub3A_404 : vector<1x80xf32>
    %slice3A_406 = vector.extract_strided_slice %reshape3A_94 {offsets = [1, 20], sizes = [1, 80], strides = [1, 1]} : vector<8x100xf32> to vector<1x80xf32>
    %slice3A_407 = vector.extract_strided_slice %reshape3A_94 {offsets = [1, 9], sizes = [1, 80], strides = [1, 1]} : vector<8x100xf32> to vector<1x80xf32>
    %sub3A_408 = arith.subf %slice3A_406, %slice3A_407 : vector<1x80xf32>
    %abs3A_409 = math.absf %sub3A_408 : vector<1x80xf32>
    %slice3A_410 = vector.extract_strided_slice %reshape3A_94 {offsets = [2, 20], sizes = [1, 80], strides = [1, 1]} : vector<8x100xf32> to vector<1x80xf32>
    %slice3A_411 = vector.extract_strided_slice %reshape3A_94 {offsets = [2, 9], sizes = [1, 80], strides = [1, 1]} : vector<8x100xf32> to vector<1x80xf32>
    %sub3A_412 = arith.subf %slice3A_410, %slice3A_411 : vector<1x80xf32>
    %abs3A_413 = math.absf %sub3A_412 : vector<1x80xf32>
    %slice3A_414 = vector.extract_strided_slice %reshape3A_94 {offsets = [3, 20], sizes = [1, 80], strides = [1, 1]} : vector<8x100xf32> to vector<1x80xf32>
    %slice3A_415 = vector.extract_strided_slice %reshape3A_94 {offsets = [3, 9], sizes = [1, 80], strides = [1, 1]} : vector<8x100xf32> to vector<1x80xf32>
    %sub3A_416 = arith.subf %slice3A_414, %slice3A_415 : vector<1x80xf32>
    %abs3A_417 = math.absf %sub3A_416 : vector<1x80xf32>
    %slice3A_418 = vector.extract_strided_slice %reshape3A_94 {offsets = [4, 20], sizes = [1, 80], strides = [1, 1]} : vector<8x100xf32> to vector<1x80xf32>
    %slice3A_419 = vector.extract_strided_slice %reshape3A_94 {offsets = [4, 9], sizes = [1, 80], strides = [1, 1]} : vector<8x100xf32> to vector<1x80xf32>
    %sub3A_420 = arith.subf %slice3A_418, %slice3A_419 : vector<1x80xf32>
    %abs3A_421 = math.absf %sub3A_420 : vector<1x80xf32>
    %slice3A_422 = vector.extract_strided_slice %reshape3A_94 {offsets = [5, 20], sizes = [1, 80], strides = [1, 1]} : vector<8x100xf32> to vector<1x80xf32>
    %slice3A_423 = vector.extract_strided_slice %reshape3A_94 {offsets = [5, 9], sizes = [1, 80], strides = [1, 1]} : vector<8x100xf32> to vector<1x80xf32>
    %sub3A_424 = arith.subf %slice3A_422, %slice3A_423 : vector<1x80xf32>
    %abs3A_425 = math.absf %sub3A_424 : vector<1x80xf32>
    %slice3A_426 = vector.extract_strided_slice %reshape3A_94 {offsets = [6, 20], sizes = [1, 80], strides = [1, 1]} : vector<8x100xf32> to vector<1x80xf32>
    %slice3A_427 = vector.extract_strided_slice %reshape3A_94 {offsets = [6, 9], sizes = [1, 80], strides = [1, 1]} : vector<8x100xf32> to vector<1x80xf32>
    %sub3A_428 = arith.subf %slice3A_426, %slice3A_427 : vector<1x80xf32>
    %abs3A_429 = math.absf %sub3A_428 : vector<1x80xf32>
    %slice3A_430 = vector.extract_strided_slice %reshape3A_94 {offsets = [7, 20], sizes = [1, 80], strides = [1, 1]} : vector<8x100xf32> to vector<1x80xf32>
    %slice3A_431 = vector.extract_strided_slice %reshape3A_94 {offsets = [7, 9], sizes = [1, 80], strides = [1, 1]} : vector<8x100xf32> to vector<1x80xf32>
    %sub3A_432 = arith.subf %slice3A_430, %slice3A_431 : vector<1x80xf32>
    %abs3A_433 = math.absf %sub3A_432 : vector<1x80xf32>
    %concatenate3A_434 = tpu.concatenate %abs3A_405, %abs3A_409, %abs3A_413, %abs3A_417, %abs3A_421, %abs3A_425, %abs3A_429, %abs3A_433 in 1 : vector<1x80xf32>, vector<1x80xf32>, vector<1x80xf32>, vector<1x80xf32>, vector<1x80xf32>, vector<1x80xf32>, vector<1x80xf32>, vector<1x80xf32> -> vector<1x640xf32>
    %slice3A_435 = vector.extract_strided_slice %reshape3A_94 {offsets = [0, 20], sizes = [1, 80], strides = [1, 1]} : vector<8x100xf32> to vector<1x80xf32>
    %slice3A_436 = vector.extract_strided_slice %reshape3A_94 {offsets = [0, 10], sizes = [1, 80], strides = [1, 1]} : vector<8x100xf32> to vector<1x80xf32>
    %sub3A_437 = arith.subf %slice3A_435, %slice3A_436 : vector<1x80xf32>
    %abs3A_438 = math.absf %sub3A_437 : vector<1x80xf32>
    %slice3A_439 = vector.extract_strided_slice %reshape3A_94 {offsets = [1, 20], sizes = [1, 80], strides = [1, 1]} : vector<8x100xf32> to vector<1x80xf32>
    %slice3A_440 = vector.extract_strided_slice %reshape3A_94 {offsets = [1, 10], sizes = [1, 80], strides = [1, 1]} : vector<8x100xf32> to vector<1x80xf32>
    %sub3A_441 = arith.subf %slice3A_439, %slice3A_440 : vector<1x80xf32>
    %abs3A_442 = math.absf %sub3A_441 : vector<1x80xf32>
    %slice3A_443 = vector.extract_strided_slice %reshape3A_94 {offsets = [2, 20], sizes = [1, 80], strides = [1, 1]} : vector<8x100xf32> to vector<1x80xf32>
    %slice3A_444 = vector.extract_strided_slice %reshape3A_94 {offsets = [2, 10], sizes = [1, 80], strides = [1, 1]} : vector<8x100xf32> to vector<1x80xf32>
    %sub3A_445 = arith.subf %slice3A_443, %slice3A_444 : vector<1x80xf32>
    %abs3A_446 = math.absf %sub3A_445 : vector<1x80xf32>
    %slice3A_447 = vector.extract_strided_slice %reshape3A_94 {offsets = [3, 20], sizes = [1, 80], strides = [1, 1]} : vector<8x100xf32> to vector<1x80xf32>
    %slice3A_448 = vector.extract_strided_slice %reshape3A_94 {offsets = [3, 10], sizes = [1, 80], strides = [1, 1]} : vector<8x100xf32> to vector<1x80xf32>
    %sub3A_449 = arith.subf %slice3A_447, %slice3A_448 : vector<1x80xf32>
    %abs3A_450 = math.absf %sub3A_449 : vector<1x80xf32>
    %slice3A_451 = vector.extract_strided_slice %reshape3A_94 {offsets = [4, 20], sizes = [1, 80], strides = [1, 1]} : vector<8x100xf32> to vector<1x80xf32>
    %slice3A_452 = vector.extract_strided_slice %reshape3A_94 {offsets = [4, 10], sizes = [1, 80], strides = [1, 1]} : vector<8x100xf32> to vector<1x80xf32>
    %sub3A_453 = arith.subf %slice3A_451, %slice3A_452 : vector<1x80xf32>
    %abs3A_454 = math.absf %sub3A_453 : vector<1x80xf32>
    %slice3A_455 = vector.extract_strided_slice %reshape3A_94 {offsets = [5, 20], sizes = [1, 80], strides = [1, 1]} : vector<8x100xf32> to vector<1x80xf32>
    %slice3A_456 = vector.extract_strided_slice %reshape3A_94 {offsets = [5, 10], sizes = [1, 80], strides = [1, 1]} : vector<8x100xf32> to vector<1x80xf32>
    %sub3A_457 = arith.subf %slice3A_455, %slice3A_456 : vector<1x80xf32>
    %abs3A_458 = math.absf %sub3A_457 : vector<1x80xf32>
    %slice3A_459 = vector.extract_strided_slice %reshape3A_94 {offsets = [6, 20], sizes = [1, 80], strides = [1, 1]} : vector<8x100xf32> to vector<1x80xf32>
    %slice3A_460 = vector.extract_strided_slice %reshape3A_94 {offsets = [6, 10], sizes = [1, 80], strides = [1, 1]} : vector<8x100xf32> to vector<1x80xf32>
    %sub3A_461 = arith.subf %slice3A_459, %slice3A_460 : vector<1x80xf32>
    %abs3A_462 = math.absf %sub3A_461 : vector<1x80xf32>
    %slice3A_463 = vector.extract_strided_slice %reshape3A_94 {offsets = [7, 20], sizes = [1, 80], strides = [1, 1]} : vector<8x100xf32> to vector<1x80xf32>
    %slice3A_464 = vector.extract_strided_slice %reshape3A_94 {offsets = [7, 10], sizes = [1, 80], strides = [1, 1]} : vector<8x100xf32> to vector<1x80xf32>
    %sub3A_465 = arith.subf %slice3A_463, %slice3A_464 : vector<1x80xf32>
    %abs3A_466 = math.absf %sub3A_465 : vector<1x80xf32>
    %concatenate3A_467 = tpu.concatenate %abs3A_438, %abs3A_442, %abs3A_446, %abs3A_450, %abs3A_454, %abs3A_458, %abs3A_462, %abs3A_466 in 1 : vector<1x80xf32>, vector<1x80xf32>, vector<1x80xf32>, vector<1x80xf32>, vector<1x80xf32>, vector<1x80xf32>, vector<1x80xf32>, vector<1x80xf32> -> vector<1x640xf32>
    %slice3A_468 = vector.extract_strided_slice %reshape3A_94 {offsets = [0, 20], sizes = [1, 80], strides = [1, 1]} : vector<8x100xf32> to vector<1x80xf32>
    %slice3A_469 = vector.extract_strided_slice %reshape3A_94 {offsets = [0, 11], sizes = [1, 80], strides = [1, 1]} : vector<8x100xf32> to vector<1x80xf32>
    %sub3A_470 = arith.subf %slice3A_468, %slice3A_469 : vector<1x80xf32>
    %abs3A_471 = math.absf %sub3A_470 : vector<1x80xf32>
    %slice3A_472 = vector.extract_strided_slice %reshape3A_94 {offsets = [1, 20], sizes = [1, 80], strides = [1, 1]} : vector<8x100xf32> to vector<1x80xf32>
    %slice3A_473 = vector.extract_strided_slice %reshape3A_94 {offsets = [1, 11], sizes = [1, 80], strides = [1, 1]} : vector<8x100xf32> to vector<1x80xf32>
    %sub3A_474 = arith.subf %slice3A_472, %slice3A_473 : vector<1x80xf32>
    %abs3A_475 = math.absf %sub3A_474 : vector<1x80xf32>
    %slice3A_476 = vector.extract_strided_slice %reshape3A_94 {offsets = [2, 20], sizes = [1, 80], strides = [1, 1]} : vector<8x100xf32> to vector<1x80xf32>
    %slice3A_477 = vector.extract_strided_slice %reshape3A_94 {offsets = [2, 11], sizes = [1, 80], strides = [1, 1]} : vector<8x100xf32> to vector<1x80xf32>
    %sub3A_478 = arith.subf %slice3A_476, %slice3A_477 : vector<1x80xf32>
    %abs3A_479 = math.absf %sub3A_478 : vector<1x80xf32>
    %slice3A_480 = vector.extract_strided_slice %reshape3A_94 {offsets = [3, 20], sizes = [1, 80], strides = [1, 1]} : vector<8x100xf32> to vector<1x80xf32>
    %slice3A_481 = vector.extract_strided_slice %reshape3A_94 {offsets = [3, 11], sizes = [1, 80], strides = [1, 1]} : vector<8x100xf32> to vector<1x80xf32>
    %sub3A_482 = arith.subf %slice3A_480, %slice3A_481 : vector<1x80xf32>
    %abs3A_483 = math.absf %sub3A_482 : vector<1x80xf32>
    %slice3A_484 = vector.extract_strided_slice %reshape3A_94 {offsets = [4, 20], sizes = [1, 80], strides = [1, 1]} : vector<8x100xf32> to vector<1x80xf32>
    %slice3A_485 = vector.extract_strided_slice %reshape3A_94 {offsets = [4, 11], sizes = [1, 80], strides = [1, 1]} : vector<8x100xf32> to vector<1x80xf32>
    %sub3A_486 = arith.subf %slice3A_484, %slice3A_485 : vector<1x80xf32>
    %abs3A_487 = math.absf %sub3A_486 : vector<1x80xf32>
    %slice3A_488 = vector.extract_strided_slice %reshape3A_94 {offsets = [5, 20], sizes = [1, 80], strides = [1, 1]} : vector<8x100xf32> to vector<1x80xf32>
    %slice3A_489 = vector.extract_strided_slice %reshape3A_94 {offsets = [5, 11], sizes = [1, 80], strides = [1, 1]} : vector<8x100xf32> to vector<1x80xf32>
    %sub3A_490 = arith.subf %slice3A_488, %slice3A_489 : vector<1x80xf32>
    %abs3A_491 = math.absf %sub3A_490 : vector<1x80xf32>
    %slice3A_492 = vector.extract_strided_slice %reshape3A_94 {offsets = [6, 20], sizes = [1, 80], strides = [1, 1]} : vector<8x100xf32> to vector<1x80xf32>
    %slice3A_493 = vector.extract_strided_slice %reshape3A_94 {offsets = [6, 11], sizes = [1, 80], strides = [1, 1]} : vector<8x100xf32> to vector<1x80xf32>
    %sub3A_494 = arith.subf %slice3A_492, %slice3A_493 : vector<1x80xf32>
    %abs3A_495 = math.absf %sub3A_494 : vector<1x80xf32>
    %slice3A_496 = vector.extract_strided_slice %reshape3A_94 {offsets = [7, 20], sizes = [1, 80], strides = [1, 1]} : vector<8x100xf32> to vector<1x80xf32>
    %slice3A_497 = vector.extract_strided_slice %reshape3A_94 {offsets = [7, 11], sizes = [1, 80], strides = [1, 1]} : vector<8x100xf32> to vector<1x80xf32>
    %sub3A_498 = arith.subf %slice3A_496, %slice3A_497 : vector<1x80xf32>
    %abs3A_499 = math.absf %sub3A_498 : vector<1x80xf32>
    %concatenate3A_500 = tpu.concatenate %abs3A_471, %abs3A_475, %abs3A_479, %abs3A_483, %abs3A_487, %abs3A_491, %abs3A_495, %abs3A_499 in 1 : vector<1x80xf32>, vector<1x80xf32>, vector<1x80xf32>, vector<1x80xf32>, vector<1x80xf32>, vector<1x80xf32>, vector<1x80xf32>, vector<1x80xf32> -> vector<1x640xf32>
    %slice3A_501 = vector.extract_strided_slice %reshape3A_94 {offsets = [0, 20], sizes = [1, 80], strides = [1, 1]} : vector<8x100xf32> to vector<1x80xf32>
    %slice3A_502 = vector.extract_strided_slice %reshape3A_94 {offsets = [0, 12], sizes = [1, 80], strides = [1, 1]} : vector<8x100xf32> to vector<1x80xf32>
    %sub3A_503 = arith.subf %slice3A_501, %slice3A_502 : vector<1x80xf32>
    %abs3A_504 = math.absf %sub3A_503 : vector<1x80xf32>
    %slice3A_505 = vector.extract_strided_slice %reshape3A_94 {offsets = [1, 20], sizes = [1, 80], strides = [1, 1]} : vector<8x100xf32> to vector<1x80xf32>
    %slice3A_506 = vector.extract_strided_slice %reshape3A_94 {offsets = [1, 12], sizes = [1, 80], strides = [1, 1]} : vector<8x100xf32> to vector<1x80xf32>
    %sub3A_507 = arith.subf %slice3A_505, %slice3A_506 : vector<1x80xf32>
    %abs3A_508 = math.absf %sub3A_507 : vector<1x80xf32>
    %slice3A_509 = vector.extract_strided_slice %reshape3A_94 {offsets = [2, 20], sizes = [1, 80], strides = [1, 1]} : vector<8x100xf32> to vector<1x80xf32>
    %slice3A_510 = vector.extract_strided_slice %reshape3A_94 {offsets = [2, 12], sizes = [1, 80], strides = [1, 1]} : vector<8x100xf32> to vector<1x80xf32>
    %sub3A_511 = arith.subf %slice3A_509, %slice3A_510 : vector<1x80xf32>
    %abs3A_512 = math.absf %sub3A_511 : vector<1x80xf32>
    %slice3A_513 = vector.extract_strided_slice %reshape3A_94 {offsets = [3, 20], sizes = [1, 80], strides = [1, 1]} : vector<8x100xf32> to vector<1x80xf32>
    %slice3A_514 = vector.extract_strided_slice %reshape3A_94 {offsets = [3, 12], sizes = [1, 80], strides = [1, 1]} : vector<8x100xf32> to vector<1x80xf32>
    %sub3A_515 = arith.subf %slice3A_513, %slice3A_514 : vector<1x80xf32>
    %abs3A_516 = math.absf %sub3A_515 : vector<1x80xf32>
    %slice3A_517 = vector.extract_strided_slice %reshape3A_94 {offsets = [4, 20], sizes = [1, 80], strides = [1, 1]} : vector<8x100xf32> to vector<1x80xf32>
    %slice3A_518 = vector.extract_strided_slice %reshape3A_94 {offsets = [4, 12], sizes = [1, 80], strides = [1, 1]} : vector<8x100xf32> to vector<1x80xf32>
    %sub3A_519 = arith.subf %slice3A_517, %slice3A_518 : vector<1x80xf32>
    %abs3A_520 = math.absf %sub3A_519 : vector<1x80xf32>
    %slice3A_521 = vector.extract_strided_slice %reshape3A_94 {offsets = [5, 20], sizes = [1, 80], strides = [1, 1]} : vector<8x100xf32> to vector<1x80xf32>
    %slice3A_522 = vector.extract_strided_slice %reshape3A_94 {offsets = [5, 12], sizes = [1, 80], strides = [1, 1]} : vector<8x100xf32> to vector<1x80xf32>
    %sub3A_523 = arith.subf %slice3A_521, %slice3A_522 : vector<1x80xf32>
    %abs3A_524 = math.absf %sub3A_523 : vector<1x80xf32>
    %slice3A_525 = vector.extract_strided_slice %reshape3A_94 {offsets = [6, 20], sizes = [1, 80], strides = [1, 1]} : vector<8x100xf32> to vector<1x80xf32>
    %slice3A_526 = vector.extract_strided_slice %reshape3A_94 {offsets = [6, 12], sizes = [1, 80], strides = [1, 1]} : vector<8x100xf32> to vector<1x80xf32>
    %sub3A_527 = arith.subf %slice3A_525, %slice3A_526 : vector<1x80xf32>
    %abs3A_528 = math.absf %sub3A_527 : vector<1x80xf32>
    %slice3A_529 = vector.extract_strided_slice %reshape3A_94 {offsets = [7, 20], sizes = [1, 80], strides = [1, 1]} : vector<8x100xf32> to vector<1x80xf32>
    %slice3A_530 = vector.extract_strided_slice %reshape3A_94 {offsets = [7, 12], sizes = [1, 80], strides = [1, 1]} : vector<8x100xf32> to vector<1x80xf32>
    %sub3A_531 = arith.subf %slice3A_529, %slice3A_530 : vector<1x80xf32>
    %abs3A_532 = math.absf %sub3A_531 : vector<1x80xf32>
    %concatenate3A_533 = tpu.concatenate %abs3A_504, %abs3A_508, %abs3A_512, %abs3A_516, %abs3A_520, %abs3A_524, %abs3A_528, %abs3A_532 in 1 : vector<1x80xf32>, vector<1x80xf32>, vector<1x80xf32>, vector<1x80xf32>, vector<1x80xf32>, vector<1x80xf32>, vector<1x80xf32>, vector<1x80xf32> -> vector<1x640xf32>
    %slice3A_534 = vector.extract_strided_slice %reshape3A_94 {offsets = [0, 20], sizes = [1, 80], strides = [1, 1]} : vector<8x100xf32> to vector<1x80xf32>
    %slice3A_535 = vector.extract_strided_slice %reshape3A_94 {offsets = [0, 13], sizes = [1, 80], strides = [1, 1]} : vector<8x100xf32> to vector<1x80xf32>
    %sub3A_536 = arith.subf %slice3A_534, %slice3A_535 : vector<1x80xf32>
    %abs3A_537 = math.absf %sub3A_536 : vector<1x80xf32>
    %slice3A_538 = vector.extract_strided_slice %reshape3A_94 {offsets = [1, 20], sizes = [1, 80], strides = [1, 1]} : vector<8x100xf32> to vector<1x80xf32>
    %slice3A_539 = vector.extract_strided_slice %reshape3A_94 {offsets = [1, 13], sizes = [1, 80], strides = [1, 1]} : vector<8x100xf32> to vector<1x80xf32>
    %sub3A_540 = arith.subf %slice3A_538, %slice3A_539 : vector<1x80xf32>
    %abs3A_541 = math.absf %sub3A_540 : vector<1x80xf32>
    %slice3A_542 = vector.extract_strided_slice %reshape3A_94 {offsets = [2, 20], sizes = [1, 80], strides = [1, 1]} : vector<8x100xf32> to vector<1x80xf32>
    %slice3A_543 = vector.extract_strided_slice %reshape3A_94 {offsets = [2, 13], sizes = [1, 80], strides = [1, 1]} : vector<8x100xf32> to vector<1x80xf32>
    %sub3A_544 = arith.subf %slice3A_542, %slice3A_543 : vector<1x80xf32>
    %abs3A_545 = math.absf %sub3A_544 : vector<1x80xf32>
    %slice3A_546 = vector.extract_strided_slice %reshape3A_94 {offsets = [3, 20], sizes = [1, 80], strides = [1, 1]} : vector<8x100xf32> to vector<1x80xf32>
    %slice3A_547 = vector.extract_strided_slice %reshape3A_94 {offsets = [3, 13], sizes = [1, 80], strides = [1, 1]} : vector<8x100xf32> to vector<1x80xf32>
    %sub3A_548 = arith.subf %slice3A_546, %slice3A_547 : vector<1x80xf32>
    %abs3A_549 = math.absf %sub3A_548 : vector<1x80xf32>
    %slice3A_550 = vector.extract_strided_slice %reshape3A_94 {offsets = [4, 20], sizes = [1, 80], strides = [1, 1]} : vector<8x100xf32> to vector<1x80xf32>
    %slice3A_551 = vector.extract_strided_slice %reshape3A_94 {offsets = [4, 13], sizes = [1, 80], strides = [1, 1]} : vector<8x100xf32> to vector<1x80xf32>
    %sub3A_552 = arith.subf %slice3A_550, %slice3A_551 : vector<1x80xf32>
    %abs3A_553 = math.absf %sub3A_552 : vector<1x80xf32>
    %slice3A_554 = vector.extract_strided_slice %reshape3A_94 {offsets = [5, 20], sizes = [1, 80], strides = [1, 1]} : vector<8x100xf32> to vector<1x80xf32>
    %slice3A_555 = vector.extract_strided_slice %reshape3A_94 {offsets = [5, 13], sizes = [1, 80], strides = [1, 1]} : vector<8x100xf32> to vector<1x80xf32>
    %sub3A_556 = arith.subf %slice3A_554, %slice3A_555 : vector<1x80xf32>
    %abs3A_557 = math.absf %sub3A_556 : vector<1x80xf32>
    %slice3A_558 = vector.extract_strided_slice %reshape3A_94 {offsets = [6, 20], sizes = [1, 80], strides = [1, 1]} : vector<8x100xf32> to vector<1x80xf32>
    %slice3A_559 = vector.extract_strided_slice %reshape3A_94 {offsets = [6, 13], sizes = [1, 80], strides = [1, 1]} : vector<8x100xf32> to vector<1x80xf32>
    %sub3A_560 = arith.subf %slice3A_558, %slice3A_559 : vector<1x80xf32>
    %abs3A_561 = math.absf %sub3A_560 : vector<1x80xf32>
    %slice3A_562 = vector.extract_strided_slice %reshape3A_94 {offsets = [7, 20], sizes = [1, 80], strides = [1, 1]} : vector<8x100xf32> to vector<1x80xf32>
    %slice3A_563 = vector.extract_strided_slice %reshape3A_94 {offsets = [7, 13], sizes = [1, 80], strides = [1, 1]} : vector<8x100xf32> to vector<1x80xf32>
    %sub3A_564 = arith.subf %slice3A_562, %slice3A_563 : vector<1x80xf32>
    %abs3A_565 = math.absf %sub3A_564 : vector<1x80xf32>
    %concatenate3A_566 = tpu.concatenate %abs3A_537, %abs3A_541, %abs3A_545, %abs3A_549, %abs3A_553, %abs3A_557, %abs3A_561, %abs3A_565 in 1 : vector<1x80xf32>, vector<1x80xf32>, vector<1x80xf32>, vector<1x80xf32>, vector<1x80xf32>, vector<1x80xf32>, vector<1x80xf32>, vector<1x80xf32> -> vector<1x640xf32>
    %slice3A_567 = vector.extract_strided_slice %reshape3A_94 {offsets = [0, 20], sizes = [1, 80], strides = [1, 1]} : vector<8x100xf32> to vector<1x80xf32>
    %slice3A_568 = vector.extract_strided_slice %reshape3A_94 {offsets = [0, 14], sizes = [1, 80], strides = [1, 1]} : vector<8x100xf32> to vector<1x80xf32>
    %sub3A_569 = arith.subf %slice3A_567, %slice3A_568 : vector<1x80xf32>
    %abs3A_570 = math.absf %sub3A_569 : vector<1x80xf32>
    %slice3A_571 = vector.extract_strided_slice %reshape3A_94 {offsets = [1, 20], sizes = [1, 80], strides = [1, 1]} : vector<8x100xf32> to vector<1x80xf32>
    %slice3A_572 = vector.extract_strided_slice %reshape3A_94 {offsets = [1, 14], sizes = [1, 80], strides = [1, 1]} : vector<8x100xf32> to vector<1x80xf32>
    %sub3A_573 = arith.subf %slice3A_571, %slice3A_572 : vector<1x80xf32>
    %abs3A_574 = math.absf %sub3A_573 : vector<1x80xf32>
    %slice3A_575 = vector.extract_strided_slice %reshape3A_94 {offsets = [2, 20], sizes = [1, 80], strides = [1, 1]} : vector<8x100xf32> to vector<1x80xf32>
    %slice3A_576 = vector.extract_strided_slice %reshape3A_94 {offsets = [2, 14], sizes = [1, 80], strides = [1, 1]} : vector<8x100xf32> to vector<1x80xf32>
    %sub3A_577 = arith.subf %slice3A_575, %slice3A_576 : vector<1x80xf32>
    %abs3A_578 = math.absf %sub3A_577 : vector<1x80xf32>
    %slice3A_579 = vector.extract_strided_slice %reshape3A_94 {offsets = [3, 20], sizes = [1, 80], strides = [1, 1]} : vector<8x100xf32> to vector<1x80xf32>
    %slice3A_580 = vector.extract_strided_slice %reshape3A_94 {offsets = [3, 14], sizes = [1, 80], strides = [1, 1]} : vector<8x100xf32> to vector<1x80xf32>
    %sub3A_581 = arith.subf %slice3A_579, %slice3A_580 : vector<1x80xf32>
    %abs3A_582 = math.absf %sub3A_581 : vector<1x80xf32>
    %slice3A_583 = vector.extract_strided_slice %reshape3A_94 {offsets = [4, 20], sizes = [1, 80], strides = [1, 1]} : vector<8x100xf32> to vector<1x80xf32>
    %slice3A_584 = vector.extract_strided_slice %reshape3A_94 {offsets = [4, 14], sizes = [1, 80], strides = [1, 1]} : vector<8x100xf32> to vector<1x80xf32>
    %sub3A_585 = arith.subf %slice3A_583, %slice3A_584 : vector<1x80xf32>
    %abs3A_586 = math.absf %sub3A_585 : vector<1x80xf32>
    %slice3A_587 = vector.extract_strided_slice %reshape3A_94 {offsets = [5, 20], sizes = [1, 80], strides = [1, 1]} : vector<8x100xf32> to vector<1x80xf32>
    %slice3A_588 = vector.extract_strided_slice %reshape3A_94 {offsets = [5, 14], sizes = [1, 80], strides = [1, 1]} : vector<8x100xf32> to vector<1x80xf32>
    %sub3A_589 = arith.subf %slice3A_587, %slice3A_588 : vector<1x80xf32>
    %abs3A_590 = math.absf %sub3A_589 : vector<1x80xf32>
    %slice3A_591 = vector.extract_strided_slice %reshape3A_94 {offsets = [6, 20], sizes = [1, 80], strides = [1, 1]} : vector<8x100xf32> to vector<1x80xf32>
    %slice3A_592 = vector.extract_strided_slice %reshape3A_94 {offsets = [6, 14], sizes = [1, 80], strides = [1, 1]} : vector<8x100xf32> to vector<1x80xf32>
    %sub3A_593 = arith.subf %slice3A_591, %slice3A_592 : vector<1x80xf32>
    %abs3A_594 = math.absf %sub3A_593 : vector<1x80xf32>
    %slice3A_595 = vector.extract_strided_slice %reshape3A_94 {offsets = [7, 20], sizes = [1, 80], strides = [1, 1]} : vector<8x100xf32> to vector<1x80xf32>
    %slice3A_596 = vector.extract_strided_slice %reshape3A_94 {offsets = [7, 14], sizes = [1, 80], strides = [1, 1]} : vector<8x100xf32> to vector<1x80xf32>
    %sub3A_597 = arith.subf %slice3A_595, %slice3A_596 : vector<1x80xf32>
    %abs3A_598 = math.absf %sub3A_597 : vector<1x80xf32>
    %concatenate3A_599 = tpu.concatenate %abs3A_570, %abs3A_574, %abs3A_578, %abs3A_582, %abs3A_586, %abs3A_590, %abs3A_594, %abs3A_598 in 1 : vector<1x80xf32>, vector<1x80xf32>, vector<1x80xf32>, vector<1x80xf32>, vector<1x80xf32>, vector<1x80xf32>, vector<1x80xf32>, vector<1x80xf32> -> vector<1x640xf32>
    %slice3A_600 = vector.extract_strided_slice %reshape3A_94 {offsets = [0, 20], sizes = [1, 80], strides = [1, 1]} : vector<8x100xf32> to vector<1x80xf32>
    %slice3A_601 = vector.extract_strided_slice %reshape3A_94 {offsets = [0, 15], sizes = [1, 80], strides = [1, 1]} : vector<8x100xf32> to vector<1x80xf32>
    %sub3A_602 = arith.subf %slice3A_600, %slice3A_601 : vector<1x80xf32>
    %abs3A_603 = math.absf %sub3A_602 : vector<1x80xf32>
    %slice3A_604 = vector.extract_strided_slice %reshape3A_94 {offsets = [1, 20], sizes = [1, 80], strides = [1, 1]} : vector<8x100xf32> to vector<1x80xf32>
    %slice3A_605 = vector.extract_strided_slice %reshape3A_94 {offsets = [1, 15], sizes = [1, 80], strides = [1, 1]} : vector<8x100xf32> to vector<1x80xf32>
    %sub3A_606 = arith.subf %slice3A_604, %slice3A_605 : vector<1x80xf32>
    %abs3A_607 = math.absf %sub3A_606 : vector<1x80xf32>
    %slice3A_608 = vector.extract_strided_slice %reshape3A_94 {offsets = [2, 20], sizes = [1, 80], strides = [1, 1]} : vector<8x100xf32> to vector<1x80xf32>
    %slice3A_609 = vector.extract_strided_slice %reshape3A_94 {offsets = [2, 15], sizes = [1, 80], strides = [1, 1]} : vector<8x100xf32> to vector<1x80xf32>
    %sub3A_610 = arith.subf %slice3A_608, %slice3A_609 : vector<1x80xf32>
    %abs3A_611 = math.absf %sub3A_610 : vector<1x80xf32>
    %slice3A_612 = vector.extract_strided_slice %reshape3A_94 {offsets = [3, 20], sizes = [1, 80], strides = [1, 1]} : vector<8x100xf32> to vector<1x80xf32>
    %slice3A_613 = vector.extract_strided_slice %reshape3A_94 {offsets = [3, 15], sizes = [1, 80], strides = [1, 1]} : vector<8x100xf32> to vector<1x80xf32>
    %sub3A_614 = arith.subf %slice3A_612, %slice3A_613 : vector<1x80xf32>
    %abs3A_615 = math.absf %sub3A_614 : vector<1x80xf32>
    %slice3A_616 = vector.extract_strided_slice %reshape3A_94 {offsets = [4, 20], sizes = [1, 80], strides = [1, 1]} : vector<8x100xf32> to vector<1x80xf32>
    %slice3A_617 = vector.extract_strided_slice %reshape3A_94 {offsets = [4, 15], sizes = [1, 80], strides = [1, 1]} : vector<8x100xf32> to vector<1x80xf32>
    %sub3A_618 = arith.subf %slice3A_616, %slice3A_617 : vector<1x80xf32>
    %abs3A_619 = math.absf %sub3A_618 : vector<1x80xf32>
    %slice3A_620 = vector.extract_strided_slice %reshape3A_94 {offsets = [5, 20], sizes = [1, 80], strides = [1, 1]} : vector<8x100xf32> to vector<1x80xf32>
    %slice3A_621 = vector.extract_strided_slice %reshape3A_94 {offsets = [5, 15], sizes = [1, 80], strides = [1, 1]} : vector<8x100xf32> to vector<1x80xf32>
    %sub3A_622 = arith.subf %slice3A_620, %slice3A_621 : vector<1x80xf32>
    %abs3A_623 = math.absf %sub3A_622 : vector<1x80xf32>
    %slice3A_624 = vector.extract_strided_slice %reshape3A_94 {offsets = [6, 20], sizes = [1, 80], strides = [1, 1]} : vector<8x100xf32> to vector<1x80xf32>
    %slice3A_625 = vector.extract_strided_slice %reshape3A_94 {offsets = [6, 15], sizes = [1, 80], strides = [1, 1]} : vector<8x100xf32> to vector<1x80xf32>
    %sub3A_626 = arith.subf %slice3A_624, %slice3A_625 : vector<1x80xf32>
    %abs3A_627 = math.absf %sub3A_626 : vector<1x80xf32>
    %slice3A_628 = vector.extract_strided_slice %reshape3A_94 {offsets = [7, 20], sizes = [1, 80], strides = [1, 1]} : vector<8x100xf32> to vector<1x80xf32>
    %slice3A_629 = vector.extract_strided_slice %reshape3A_94 {offsets = [7, 15], sizes = [1, 80], strides = [1, 1]} : vector<8x100xf32> to vector<1x80xf32>
    %sub3A_630 = arith.subf %slice3A_628, %slice3A_629 : vector<1x80xf32>
    %abs3A_631 = math.absf %sub3A_630 : vector<1x80xf32>
    %concatenate3A_632 = tpu.concatenate %abs3A_603, %abs3A_607, %abs3A_611, %abs3A_615, %abs3A_619, %abs3A_623, %abs3A_627, %abs3A_631 in 1 : vector<1x80xf32>, vector<1x80xf32>, vector<1x80xf32>, vector<1x80xf32>, vector<1x80xf32>, vector<1x80xf32>, vector<1x80xf32>, vector<1x80xf32> -> vector<1x640xf32>
    %slice3A_633 = vector.extract_strided_slice %reshape3A_94 {offsets = [0, 20], sizes = [1, 80], strides = [1, 1]} : vector<8x100xf32> to vector<1x80xf32>
    %slice3A_634 = vector.extract_strided_slice %reshape3A_94 {offsets = [0, 16], sizes = [1, 80], strides = [1, 1]} : vector<8x100xf32> to vector<1x80xf32>
    %sub3A_635 = arith.subf %slice3A_633, %slice3A_634 : vector<1x80xf32>
    %abs3A_636 = math.absf %sub3A_635 : vector<1x80xf32>
    %slice3A_637 = vector.extract_strided_slice %reshape3A_94 {offsets = [1, 20], sizes = [1, 80], strides = [1, 1]} : vector<8x100xf32> to vector<1x80xf32>
    %slice3A_638 = vector.extract_strided_slice %reshape3A_94 {offsets = [1, 16], sizes = [1, 80], strides = [1, 1]} : vector<8x100xf32> to vector<1x80xf32>
    %sub3A_639 = arith.subf %slice3A_637, %slice3A_638 : vector<1x80xf32>
    %abs3A_640 = math.absf %sub3A_639 : vector<1x80xf32>
    %slice3A_641 = vector.extract_strided_slice %reshape3A_94 {offsets = [2, 20], sizes = [1, 80], strides = [1, 1]} : vector<8x100xf32> to vector<1x80xf32>
    %slice3A_642 = vector.extract_strided_slice %reshape3A_94 {offsets = [2, 16], sizes = [1, 80], strides = [1, 1]} : vector<8x100xf32> to vector<1x80xf32>
    %sub3A_643 = arith.subf %slice3A_641, %slice3A_642 : vector<1x80xf32>
    %abs3A_644 = math.absf %sub3A_643 : vector<1x80xf32>
    %slice3A_645 = vector.extract_strided_slice %reshape3A_94 {offsets = [3, 20], sizes = [1, 80], strides = [1, 1]} : vector<8x100xf32> to vector<1x80xf32>
    %slice3A_646 = vector.extract_strided_slice %reshape3A_94 {offsets = [3, 16], sizes = [1, 80], strides = [1, 1]} : vector<8x100xf32> to vector<1x80xf32>
    %sub3A_647 = arith.subf %slice3A_645, %slice3A_646 : vector<1x80xf32>
    %abs3A_648 = math.absf %sub3A_647 : vector<1x80xf32>
    %slice3A_649 = vector.extract_strided_slice %reshape3A_94 {offsets = [4, 20], sizes = [1, 80], strides = [1, 1]} : vector<8x100xf32> to vector<1x80xf32>
    %slice3A_650 = vector.extract_strided_slice %reshape3A_94 {offsets = [4, 16], sizes = [1, 80], strides = [1, 1]} : vector<8x100xf32> to vector<1x80xf32>
    %sub3A_651 = arith.subf %slice3A_649, %slice3A_650 : vector<1x80xf32>
    %abs3A_652 = math.absf %sub3A_651 : vector<1x80xf32>
    %slice3A_653 = vector.extract_strided_slice %reshape3A_94 {offsets = [5, 20], sizes = [1, 80], strides = [1, 1]} : vector<8x100xf32> to vector<1x80xf32>
    %slice3A_654 = vector.extract_strided_slice %reshape3A_94 {offsets = [5, 16], sizes = [1, 80], strides = [1, 1]} : vector<8x100xf32> to vector<1x80xf32>
    %sub3A_655 = arith.subf %slice3A_653, %slice3A_654 : vector<1x80xf32>
    %abs3A_656 = math.absf %sub3A_655 : vector<1x80xf32>
    %slice3A_657 = vector.extract_strided_slice %reshape3A_94 {offsets = [6, 20], sizes = [1, 80], strides = [1, 1]} : vector<8x100xf32> to vector<1x80xf32>
    %slice3A_658 = vector.extract_strided_slice %reshape3A_94 {offsets = [6, 16], sizes = [1, 80], strides = [1, 1]} : vector<8x100xf32> to vector<1x80xf32>
    %sub3A_659 = arith.subf %slice3A_657, %slice3A_658 : vector<1x80xf32>
    %abs3A_660 = math.absf %sub3A_659 : vector<1x80xf32>
    %slice3A_661 = vector.extract_strided_slice %reshape3A_94 {offsets = [7, 20], sizes = [1, 80], strides = [1, 1]} : vector<8x100xf32> to vector<1x80xf32>
    %slice3A_662 = vector.extract_strided_slice %reshape3A_94 {offsets = [7, 16], sizes = [1, 80], strides = [1, 1]} : vector<8x100xf32> to vector<1x80xf32>
    %sub3A_663 = arith.subf %slice3A_661, %slice3A_662 : vector<1x80xf32>
    %abs3A_664 = math.absf %sub3A_663 : vector<1x80xf32>
    %concatenate3A_665 = tpu.concatenate %abs3A_636, %abs3A_640, %abs3A_644, %abs3A_648, %abs3A_652, %abs3A_656, %abs3A_660, %abs3A_664 in 1 : vector<1x80xf32>, vector<1x80xf32>, vector<1x80xf32>, vector<1x80xf32>, vector<1x80xf32>, vector<1x80xf32>, vector<1x80xf32>, vector<1x80xf32> -> vector<1x640xf32>
    %slice3A_666 = vector.extract_strided_slice %reshape3A_94 {offsets = [0, 20], sizes = [1, 80], strides = [1, 1]} : vector<8x100xf32> to vector<1x80xf32>
    %slice3A_667 = vector.extract_strided_slice %reshape3A_94 {offsets = [0, 17], sizes = [1, 80], strides = [1, 1]} : vector<8x100xf32> to vector<1x80xf32>
    %sub3A_668 = arith.subf %slice3A_666, %slice3A_667 : vector<1x80xf32>
    %abs3A_669 = math.absf %sub3A_668 : vector<1x80xf32>
    %slice3A_670 = vector.extract_strided_slice %reshape3A_94 {offsets = [1, 20], sizes = [1, 80], strides = [1, 1]} : vector<8x100xf32> to vector<1x80xf32>
    %slice3A_671 = vector.extract_strided_slice %reshape3A_94 {offsets = [1, 17], sizes = [1, 80], strides = [1, 1]} : vector<8x100xf32> to vector<1x80xf32>
    %sub3A_672 = arith.subf %slice3A_670, %slice3A_671 : vector<1x80xf32>
    %abs3A_673 = math.absf %sub3A_672 : vector<1x80xf32>
    %slice3A_674 = vector.extract_strided_slice %reshape3A_94 {offsets = [2, 20], sizes = [1, 80], strides = [1, 1]} : vector<8x100xf32> to vector<1x80xf32>
    %slice3A_675 = vector.extract_strided_slice %reshape3A_94 {offsets = [2, 17], sizes = [1, 80], strides = [1, 1]} : vector<8x100xf32> to vector<1x80xf32>
    %sub3A_676 = arith.subf %slice3A_674, %slice3A_675 : vector<1x80xf32>
    %abs3A_677 = math.absf %sub3A_676 : vector<1x80xf32>
    %slice3A_678 = vector.extract_strided_slice %reshape3A_94 {offsets = [3, 20], sizes = [1, 80], strides = [1, 1]} : vector<8x100xf32> to vector<1x80xf32>
    %slice3A_679 = vector.extract_strided_slice %reshape3A_94 {offsets = [3, 17], sizes = [1, 80], strides = [1, 1]} : vector<8x100xf32> to vector<1x80xf32>
    %sub3A_680 = arith.subf %slice3A_678, %slice3A_679 : vector<1x80xf32>
    %abs3A_681 = math.absf %sub3A_680 : vector<1x80xf32>
    %slice3A_682 = vector.extract_strided_slice %reshape3A_94 {offsets = [4, 20], sizes = [1, 80], strides = [1, 1]} : vector<8x100xf32> to vector<1x80xf32>
    %slice3A_683 = vector.extract_strided_slice %reshape3A_94 {offsets = [4, 17], sizes = [1, 80], strides = [1, 1]} : vector<8x100xf32> to vector<1x80xf32>
    %sub3A_684 = arith.subf %slice3A_682, %slice3A_683 : vector<1x80xf32>
    %abs3A_685 = math.absf %sub3A_684 : vector<1x80xf32>
    %slice3A_686 = vector.extract_strided_slice %reshape3A_94 {offsets = [5, 20], sizes = [1, 80], strides = [1, 1]} : vector<8x100xf32> to vector<1x80xf32>
    %slice3A_687 = vector.extract_strided_slice %reshape3A_94 {offsets = [5, 17], sizes = [1, 80], strides = [1, 1]} : vector<8x100xf32> to vector<1x80xf32>
    %sub3A_688 = arith.subf %slice3A_686, %slice3A_687 : vector<1x80xf32>
    %abs3A_689 = math.absf %sub3A_688 : vector<1x80xf32>
    %slice3A_690 = vector.extract_strided_slice %reshape3A_94 {offsets = [6, 20], sizes = [1, 80], strides = [1, 1]} : vector<8x100xf32> to vector<1x80xf32>
    %slice3A_691 = vector.extract_strided_slice %reshape3A_94 {offsets = [6, 17], sizes = [1, 80], strides = [1, 1]} : vector<8x100xf32> to vector<1x80xf32>
    %sub3A_692 = arith.subf %slice3A_690, %slice3A_691 : vector<1x80xf32>
    %abs3A_693 = math.absf %sub3A_692 : vector<1x80xf32>
    %slice3A_694 = vector.extract_strided_slice %reshape3A_94 {offsets = [7, 20], sizes = [1, 80], strides = [1, 1]} : vector<8x100xf32> to vector<1x80xf32>
    %slice3A_695 = vector.extract_strided_slice %reshape3A_94 {offsets = [7, 17], sizes = [1, 80], strides = [1, 1]} : vector<8x100xf32> to vector<1x80xf32>
    %sub3A_696 = arith.subf %slice3A_694, %slice3A_695 : vector<1x80xf32>
    %abs3A_697 = math.absf %sub3A_696 : vector<1x80xf32>
    %concatenate3A_698 = tpu.concatenate %abs3A_669, %abs3A_673, %abs3A_677, %abs3A_681, %abs3A_685, %abs3A_689, %abs3A_693, %abs3A_697 in 1 : vector<1x80xf32>, vector<1x80xf32>, vector<1x80xf32>, vector<1x80xf32>, vector<1x80xf32>, vector<1x80xf32>, vector<1x80xf32>, vector<1x80xf32> -> vector<1x640xf32>
    %slice3A_699 = vector.extract_strided_slice %reshape3A_94 {offsets = [0, 20], sizes = [1, 80], strides = [1, 1]} : vector<8x100xf32> to vector<1x80xf32>
    %slice3A_700 = vector.extract_strided_slice %reshape3A_94 {offsets = [0, 18], sizes = [1, 80], strides = [1, 1]} : vector<8x100xf32> to vector<1x80xf32>
    %sub3A_701 = arith.subf %slice3A_699, %slice3A_700 : vector<1x80xf32>
    %abs3A_702 = math.absf %sub3A_701 : vector<1x80xf32>
    %slice3A_703 = vector.extract_strided_slice %reshape3A_94 {offsets = [1, 20], sizes = [1, 80], strides = [1, 1]} : vector<8x100xf32> to vector<1x80xf32>
    %slice3A_704 = vector.extract_strided_slice %reshape3A_94 {offsets = [1, 18], sizes = [1, 80], strides = [1, 1]} : vector<8x100xf32> to vector<1x80xf32>
    %sub3A_705 = arith.subf %slice3A_703, %slice3A_704 : vector<1x80xf32>
    %abs3A_706 = math.absf %sub3A_705 : vector<1x80xf32>
    %slice3A_707 = vector.extract_strided_slice %reshape3A_94 {offsets = [2, 20], sizes = [1, 80], strides = [1, 1]} : vector<8x100xf32> to vector<1x80xf32>
    %slice3A_708 = vector.extract_strided_slice %reshape3A_94 {offsets = [2, 18], sizes = [1, 80], strides = [1, 1]} : vector<8x100xf32> to vector<1x80xf32>
    %sub3A_709 = arith.subf %slice3A_707, %slice3A_708 : vector<1x80xf32>
    %abs3A_710 = math.absf %sub3A_709 : vector<1x80xf32>
    %slice3A_711 = vector.extract_strided_slice %reshape3A_94 {offsets = [3, 20], sizes = [1, 80], strides = [1, 1]} : vector<8x100xf32> to vector<1x80xf32>
    %slice3A_712 = vector.extract_strided_slice %reshape3A_94 {offsets = [3, 18], sizes = [1, 80], strides = [1, 1]} : vector<8x100xf32> to vector<1x80xf32>
    %sub3A_713 = arith.subf %slice3A_711, %slice3A_712 : vector<1x80xf32>
    %abs3A_714 = math.absf %sub3A_713 : vector<1x80xf32>
    %slice3A_715 = vector.extract_strided_slice %reshape3A_94 {offsets = [4, 20], sizes = [1, 80], strides = [1, 1]} : vector<8x100xf32> to vector<1x80xf32>
    %slice3A_716 = vector.extract_strided_slice %reshape3A_94 {offsets = [4, 18], sizes = [1, 80], strides = [1, 1]} : vector<8x100xf32> to vector<1x80xf32>
    %sub3A_717 = arith.subf %slice3A_715, %slice3A_716 : vector<1x80xf32>
    %abs3A_718 = math.absf %sub3A_717 : vector<1x80xf32>
    %slice3A_719 = vector.extract_strided_slice %reshape3A_94 {offsets = [5, 20], sizes = [1, 80], strides = [1, 1]} : vector<8x100xf32> to vector<1x80xf32>
    %slice3A_720 = vector.extract_strided_slice %reshape3A_94 {offsets = [5, 18], sizes = [1, 80], strides = [1, 1]} : vector<8x100xf32> to vector<1x80xf32>
    %sub3A_721 = arith.subf %slice3A_719, %slice3A_720 : vector<1x80xf32>
    %abs3A_722 = math.absf %sub3A_721 : vector<1x80xf32>
    %slice3A_723 = vector.extract_strided_slice %reshape3A_94 {offsets = [6, 20], sizes = [1, 80], strides = [1, 1]} : vector<8x100xf32> to vector<1x80xf32>
    %slice3A_724 = vector.extract_strided_slice %reshape3A_94 {offsets = [6, 18], sizes = [1, 80], strides = [1, 1]} : vector<8x100xf32> to vector<1x80xf32>
    %sub3A_725 = arith.subf %slice3A_723, %slice3A_724 : vector<1x80xf32>
    %abs3A_726 = math.absf %sub3A_725 : vector<1x80xf32>
    %slice3A_727 = vector.extract_strided_slice %reshape3A_94 {offsets = [7, 20], sizes = [1, 80], strides = [1, 1]} : vector<8x100xf32> to vector<1x80xf32>
    %slice3A_728 = vector.extract_strided_slice %reshape3A_94 {offsets = [7, 18], sizes = [1, 80], strides = [1, 1]} : vector<8x100xf32> to vector<1x80xf32>
    %sub3A_729 = arith.subf %slice3A_727, %slice3A_728 : vector<1x80xf32>
    %abs3A_730 = math.absf %sub3A_729 : vector<1x80xf32>
    %concatenate3A_731 = tpu.concatenate %abs3A_702, %abs3A_706, %abs3A_710, %abs3A_714, %abs3A_718, %abs3A_722, %abs3A_726, %abs3A_730 in 1 : vector<1x80xf32>, vector<1x80xf32>, vector<1x80xf32>, vector<1x80xf32>, vector<1x80xf32>, vector<1x80xf32>, vector<1x80xf32>, vector<1x80xf32> -> vector<1x640xf32>
    %slice3A_732 = vector.extract_strided_slice %reshape3A_94 {offsets = [0, 20], sizes = [1, 80], strides = [1, 1]} : vector<8x100xf32> to vector<1x80xf32>
    %slice3A_733 = vector.extract_strided_slice %reshape3A_94 {offsets = [0, 19], sizes = [1, 80], strides = [1, 1]} : vector<8x100xf32> to vector<1x80xf32>
    %sub3A_734 = arith.subf %slice3A_732, %slice3A_733 : vector<1x80xf32>
    %abs3A_735 = math.absf %sub3A_734 : vector<1x80xf32>
    %slice3A_736 = vector.extract_strided_slice %reshape3A_94 {offsets = [1, 20], sizes = [1, 80], strides = [1, 1]} : vector<8x100xf32> to vector<1x80xf32>
    %slice3A_737 = vector.extract_strided_slice %reshape3A_94 {offsets = [1, 19], sizes = [1, 80], strides = [1, 1]} : vector<8x100xf32> to vector<1x80xf32>
    %sub3A_738 = arith.subf %slice3A_736, %slice3A_737 : vector<1x80xf32>
    %abs3A_739 = math.absf %sub3A_738 : vector<1x80xf32>
    %slice3A_740 = vector.extract_strided_slice %reshape3A_94 {offsets = [2, 20], sizes = [1, 80], strides = [1, 1]} : vector<8x100xf32> to vector<1x80xf32>
    %slice3A_741 = vector.extract_strided_slice %reshape3A_94 {offsets = [2, 19], sizes = [1, 80], strides = [1, 1]} : vector<8x100xf32> to vector<1x80xf32>
    %sub3A_742 = arith.subf %slice3A_740, %slice3A_741 : vector<1x80xf32>
    %abs3A_743 = math.absf %sub3A_742 : vector<1x80xf32>
    %slice3A_744 = vector.extract_strided_slice %reshape3A_94 {offsets = [3, 20], sizes = [1, 80], strides = [1, 1]} : vector<8x100xf32> to vector<1x80xf32>
    %slice3A_745 = vector.extract_strided_slice %reshape3A_94 {offsets = [3, 19], sizes = [1, 80], strides = [1, 1]} : vector<8x100xf32> to vector<1x80xf32>
    %sub3A_746 = arith.subf %slice3A_744, %slice3A_745 : vector<1x80xf32>
    %abs3A_747 = math.absf %sub3A_746 : vector<1x80xf32>
    %slice3A_748 = vector.extract_strided_slice %reshape3A_94 {offsets = [4, 20], sizes = [1, 80], strides = [1, 1]} : vector<8x100xf32> to vector<1x80xf32>
    %slice3A_749 = vector.extract_strided_slice %reshape3A_94 {offsets = [4, 19], sizes = [1, 80], strides = [1, 1]} : vector<8x100xf32> to vector<1x80xf32>
    %sub3A_750 = arith.subf %slice3A_748, %slice3A_749 : vector<1x80xf32>
    %abs3A_751 = math.absf %sub3A_750 : vector<1x80xf32>
    %slice3A_752 = vector.extract_strided_slice %reshape3A_94 {offsets = [5, 20], sizes = [1, 80], strides = [1, 1]} : vector<8x100xf32> to vector<1x80xf32>
    %slice3A_753 = vector.extract_strided_slice %reshape3A_94 {offsets = [5, 19], sizes = [1, 80], strides = [1, 1]} : vector<8x100xf32> to vector<1x80xf32>
    %sub3A_754 = arith.subf %slice3A_752, %slice3A_753 : vector<1x80xf32>
    %abs3A_755 = math.absf %sub3A_754 : vector<1x80xf32>
    %slice3A_756 = vector.extract_strided_slice %reshape3A_94 {offsets = [6, 20], sizes = [1, 80], strides = [1, 1]} : vector<8x100xf32> to vector<1x80xf32>
    %slice3A_757 = vector.extract_strided_slice %reshape3A_94 {offsets = [6, 19], sizes = [1, 80], strides = [1, 1]} : vector<8x100xf32> to vector<1x80xf32>
    %sub3A_758 = arith.subf %slice3A_756, %slice3A_757 : vector<1x80xf32>
    %abs3A_759 = math.absf %sub3A_758 : vector<1x80xf32>
    %slice3A_760 = vector.extract_strided_slice %reshape3A_94 {offsets = [7, 20], sizes = [1, 80], strides = [1, 1]} : vector<8x100xf32> to vector<1x80xf32>
    %slice3A_761 = vector.extract_strided_slice %reshape3A_94 {offsets = [7, 19], sizes = [1, 80], strides = [1, 1]} : vector<8x100xf32> to vector<1x80xf32>
    %sub3A_762 = arith.subf %slice3A_760, %slice3A_761 : vector<1x80xf32>
    %abs3A_763 = math.absf %sub3A_762 : vector<1x80xf32>
    %concatenate3A_764 = tpu.concatenate %abs3A_735, %abs3A_739, %abs3A_743, %abs3A_747, %abs3A_751, %abs3A_755, %abs3A_759, %abs3A_763 in 1 : vector<1x80xf32>, vector<1x80xf32>, vector<1x80xf32>, vector<1x80xf32>, vector<1x80xf32>, vector<1x80xf32>, vector<1x80xf32>, vector<1x80xf32> -> vector<1x640xf32>
    %slice3A_765 = vector.extract_strided_slice %concatenate3A_105 {offsets = [0, 0], sizes = [80, 128], strides = [1, 1]} : vector<790x128xf32> to vector<80x128xf32>
    %slice3A_766 = vector.extract_strided_slice %concatenate3A_105 {offsets = [100, 0], sizes = [80, 128], strides = [1, 1]} : vector<790x128xf32> to vector<80x128xf32>
    %slice3A_767 = vector.extract_strided_slice %concatenate3A_105 {offsets = [200, 0], sizes = [80, 128], strides = [1, 1]} : vector<790x128xf32> to vector<80x128xf32>
    %slice3A_768 = vector.extract_strided_slice %concatenate3A_105 {offsets = [300, 0], sizes = [80, 128], strides = [1, 1]} : vector<790x128xf32> to vector<80x128xf32>
    %slice3A_769 = vector.extract_strided_slice %concatenate3A_105 {offsets = [400, 0], sizes = [80, 128], strides = [1, 1]} : vector<790x128xf32> to vector<80x128xf32>
    %slice3A_770 = vector.extract_strided_slice %concatenate3A_105 {offsets = [500, 0], sizes = [80, 128], strides = [1, 1]} : vector<790x128xf32> to vector<80x128xf32>
    %slice3A_771 = vector.extract_strided_slice %concatenate3A_105 {offsets = [600, 0], sizes = [80, 128], strides = [1, 1]} : vector<790x128xf32> to vector<80x128xf32>
    %slice3A_772 = vector.extract_strided_slice %concatenate3A_105 {offsets = [700, 0], sizes = [80, 128], strides = [1, 1]} : vector<790x128xf32> to vector<80x128xf32>
    %concatenate3A_773 = tpu.concatenate %slice3A_765, %slice3A_766, %slice3A_767, %slice3A_768, %slice3A_769, %slice3A_770, %slice3A_771, %slice3A_772 in 0 : vector<80x128xf32>, vector<80x128xf32>, vector<80x128xf32>, vector<80x128xf32>, vector<80x128xf32>, vector<80x128xf32>, vector<80x128xf32>, vector<80x128xf32> -> vector<640x128xf32>
    %slice3A_774 = vector.extract_strided_slice %concatenate3A_105 {offsets = [1, 0], sizes = [80, 128], strides = [1, 1]} : vector<790x128xf32> to vector<80x128xf32>
    %slice3A_775 = vector.extract_strided_slice %concatenate3A_105 {offsets = [101, 0], sizes = [80, 128], strides = [1, 1]} : vector<790x128xf32> to vector<80x128xf32>
    %slice3A_776 = vector.extract_strided_slice %concatenate3A_105 {offsets = [201, 0], sizes = [80, 128], strides = [1, 1]} : vector<790x128xf32> to vector<80x128xf32>
    %slice3A_777 = vector.extract_strided_slice %concatenate3A_105 {offsets = [301, 0], sizes = [80, 128], strides = [1, 1]} : vector<790x128xf32> to vector<80x128xf32>
    %slice3A_778 = vector.extract_strided_slice %concatenate3A_105 {offsets = [401, 0], sizes = [80, 128], strides = [1, 1]} : vector<790x128xf32> to vector<80x128xf32>
    %slice3A_779 = vector.extract_strided_slice %concatenate3A_105 {offsets = [501, 0], sizes = [80, 128], strides = [1, 1]} : vector<790x128xf32> to vector<80x128xf32>
    %slice3A_780 = vector.extract_strided_slice %concatenate3A_105 {offsets = [601, 0], sizes = [80, 128], strides = [1, 1]} : vector<790x128xf32> to vector<80x128xf32>
    %slice3A_781 = vector.extract_strided_slice %concatenate3A_105 {offsets = [701, 0], sizes = [80, 128], strides = [1, 1]} : vector<790x128xf32> to vector<80x128xf32>
    %concatenate3A_782 = tpu.concatenate %slice3A_774, %slice3A_775, %slice3A_776, %slice3A_777, %slice3A_778, %slice3A_779, %slice3A_780, %slice3A_781 in 0 : vector<80x128xf32>, vector<80x128xf32>, vector<80x128xf32>, vector<80x128xf32>, vector<80x128xf32>, vector<80x128xf32>, vector<80x128xf32>, vector<80x128xf32> -> vector<640x128xf32>
    %slice3A_783 = vector.extract_strided_slice %concatenate3A_105 {offsets = [2, 0], sizes = [80, 128], strides = [1, 1]} : vector<790x128xf32> to vector<80x128xf32>
    %slice3A_784 = vector.extract_strided_slice %concatenate3A_105 {offsets = [102, 0], sizes = [80, 128], strides = [1, 1]} : vector<790x128xf32> to vector<80x128xf32>
    %slice3A_785 = vector.extract_strided_slice %concatenate3A_105 {offsets = [202, 0], sizes = [80, 128], strides = [1, 1]} : vector<790x128xf32> to vector<80x128xf32>
    %slice3A_786 = vector.extract_strided_slice %concatenate3A_105 {offsets = [302, 0], sizes = [80, 128], strides = [1, 1]} : vector<790x128xf32> to vector<80x128xf32>
    %slice3A_787 = vector.extract_strided_slice %concatenate3A_105 {offsets = [402, 0], sizes = [80, 128], strides = [1, 1]} : vector<790x128xf32> to vector<80x128xf32>
    %slice3A_788 = vector.extract_strided_slice %concatenate3A_105 {offsets = [502, 0], sizes = [80, 128], strides = [1, 1]} : vector<790x128xf32> to vector<80x128xf32>
    %slice3A_789 = vector.extract_strided_slice %concatenate3A_105 {offsets = [602, 0], sizes = [80, 128], strides = [1, 1]} : vector<790x128xf32> to vector<80x128xf32>
    %slice3A_790 = vector.extract_strided_slice %concatenate3A_105 {offsets = [702, 0], sizes = [80, 128], strides = [1, 1]} : vector<790x128xf32> to vector<80x128xf32>
    %concatenate3A_791 = tpu.concatenate %slice3A_783, %slice3A_784, %slice3A_785, %slice3A_786, %slice3A_787, %slice3A_788, %slice3A_789, %slice3A_790 in 0 : vector<80x128xf32>, vector<80x128xf32>, vector<80x128xf32>, vector<80x128xf32>, vector<80x128xf32>, vector<80x128xf32>, vector<80x128xf32>, vector<80x128xf32> -> vector<640x128xf32>
    %slice3A_792 = vector.extract_strided_slice %concatenate3A_105 {offsets = [3, 0], sizes = [80, 128], strides = [1, 1]} : vector<790x128xf32> to vector<80x128xf32>
    %slice3A_793 = vector.extract_strided_slice %concatenate3A_105 {offsets = [103, 0], sizes = [80, 128], strides = [1, 1]} : vector<790x128xf32> to vector<80x128xf32>
    %slice3A_794 = vector.extract_strided_slice %concatenate3A_105 {offsets = [203, 0], sizes = [80, 128], strides = [1, 1]} : vector<790x128xf32> to vector<80x128xf32>
    %slice3A_795 = vector.extract_strided_slice %concatenate3A_105 {offsets = [303, 0], sizes = [80, 128], strides = [1, 1]} : vector<790x128xf32> to vector<80x128xf32>
    %slice3A_796 = vector.extract_strided_slice %concatenate3A_105 {offsets = [403, 0], sizes = [80, 128], strides = [1, 1]} : vector<790x128xf32> to vector<80x128xf32>
    %slice3A_797 = vector.extract_strided_slice %concatenate3A_105 {offsets = [503, 0], sizes = [80, 128], strides = [1, 1]} : vector<790x128xf32> to vector<80x128xf32>
    %slice3A_798 = vector.extract_strided_slice %concatenate3A_105 {offsets = [603, 0], sizes = [80, 128], strides = [1, 1]} : vector<790x128xf32> to vector<80x128xf32>
    %slice3A_799 = vector.extract_strided_slice %concatenate3A_105 {offsets = [703, 0], sizes = [80, 128], strides = [1, 1]} : vector<790x128xf32> to vector<80x128xf32>
    %concatenate3A_800 = tpu.concatenate %slice3A_792, %slice3A_793, %slice3A_794, %slice3A_795, %slice3A_796, %slice3A_797, %slice3A_798, %slice3A_799 in 0 : vector<80x128xf32>, vector<80x128xf32>, vector<80x128xf32>, vector<80x128xf32>, vector<80x128xf32>, vector<80x128xf32>, vector<80x128xf32>, vector<80x128xf32> -> vector<640x128xf32>
    %slice3A_801 = vector.extract_strided_slice %concatenate3A_105 {offsets = [4, 0], sizes = [80, 128], strides = [1, 1]} : vector<790x128xf32> to vector<80x128xf32>
    %slice3A_802 = vector.extract_strided_slice %concatenate3A_105 {offsets = [104, 0], sizes = [80, 128], strides = [1, 1]} : vector<790x128xf32> to vector<80x128xf32>
    %slice3A_803 = vector.extract_strided_slice %concatenate3A_105 {offsets = [204, 0], sizes = [80, 128], strides = [1, 1]} : vector<790x128xf32> to vector<80x128xf32>
    %slice3A_804 = vector.extract_strided_slice %concatenate3A_105 {offsets = [304, 0], sizes = [80, 128], strides = [1, 1]} : vector<790x128xf32> to vector<80x128xf32>
    %slice3A_805 = vector.extract_strided_slice %concatenate3A_105 {offsets = [404, 0], sizes = [80, 128], strides = [1, 1]} : vector<790x128xf32> to vector<80x128xf32>
    %slice3A_806 = vector.extract_strided_slice %concatenate3A_105 {offsets = [504, 0], sizes = [80, 128], strides = [1, 1]} : vector<790x128xf32> to vector<80x128xf32>
    %slice3A_807 = vector.extract_strided_slice %concatenate3A_105 {offsets = [604, 0], sizes = [80, 128], strides = [1, 1]} : vector<790x128xf32> to vector<80x128xf32>
    %slice3A_808 = vector.extract_strided_slice %concatenate3A_105 {offsets = [704, 0], sizes = [80, 128], strides = [1, 1]} : vector<790x128xf32> to vector<80x128xf32>
    %concatenate3A_809 = tpu.concatenate %slice3A_801, %slice3A_802, %slice3A_803, %slice3A_804, %slice3A_805, %slice3A_806, %slice3A_807, %slice3A_808 in 0 : vector<80x128xf32>, vector<80x128xf32>, vector<80x128xf32>, vector<80x128xf32>, vector<80x128xf32>, vector<80x128xf32>, vector<80x128xf32>, vector<80x128xf32> -> vector<640x128xf32>
    %slice3A_810 = vector.extract_strided_slice %concatenate3A_105 {offsets = [5, 0], sizes = [80, 128], strides = [1, 1]} : vector<790x128xf32> to vector<80x128xf32>
    %slice3A_811 = vector.extract_strided_slice %concatenate3A_105 {offsets = [105, 0], sizes = [80, 128], strides = [1, 1]} : vector<790x128xf32> to vector<80x128xf32>
    %slice3A_812 = vector.extract_strided_slice %concatenate3A_105 {offsets = [205, 0], sizes = [80, 128], strides = [1, 1]} : vector<790x128xf32> to vector<80x128xf32>
    %slice3A_813 = vector.extract_strided_slice %concatenate3A_105 {offsets = [305, 0], sizes = [80, 128], strides = [1, 1]} : vector<790x128xf32> to vector<80x128xf32>
    %slice3A_814 = vector.extract_strided_slice %concatenate3A_105 {offsets = [405, 0], sizes = [80, 128], strides = [1, 1]} : vector<790x128xf32> to vector<80x128xf32>
    %slice3A_815 = vector.extract_strided_slice %concatenate3A_105 {offsets = [505, 0], sizes = [80, 128], strides = [1, 1]} : vector<790x128xf32> to vector<80x128xf32>
    %slice3A_816 = vector.extract_strided_slice %concatenate3A_105 {offsets = [605, 0], sizes = [80, 128], strides = [1, 1]} : vector<790x128xf32> to vector<80x128xf32>
    %slice3A_817 = vector.extract_strided_slice %concatenate3A_105 {offsets = [705, 0], sizes = [80, 128], strides = [1, 1]} : vector<790x128xf32> to vector<80x128xf32>
    %concatenate3A_818 = tpu.concatenate %slice3A_810, %slice3A_811, %slice3A_812, %slice3A_813, %slice3A_814, %slice3A_815, %slice3A_816, %slice3A_817 in 0 : vector<80x128xf32>, vector<80x128xf32>, vector<80x128xf32>, vector<80x128xf32>, vector<80x128xf32>, vector<80x128xf32>, vector<80x128xf32>, vector<80x128xf32> -> vector<640x128xf32>
    %slice3A_819 = vector.extract_strided_slice %concatenate3A_105 {offsets = [6, 0], sizes = [80, 128], strides = [1, 1]} : vector<790x128xf32> to vector<80x128xf32>
    %slice3A_820 = vector.extract_strided_slice %concatenate3A_105 {offsets = [106, 0], sizes = [80, 128], strides = [1, 1]} : vector<790x128xf32> to vector<80x128xf32>
    %slice3A_821 = vector.extract_strided_slice %concatenate3A_105 {offsets = [206, 0], sizes = [80, 128], strides = [1, 1]} : vector<790x128xf32> to vector<80x128xf32>
    %slice3A_822 = vector.extract_strided_slice %concatenate3A_105 {offsets = [306, 0], sizes = [80, 128], strides = [1, 1]} : vector<790x128xf32> to vector<80x128xf32>
    %slice3A_823 = vector.extract_strided_slice %concatenate3A_105 {offsets = [406, 0], sizes = [80, 128], strides = [1, 1]} : vector<790x128xf32> to vector<80x128xf32>
    %slice3A_824 = vector.extract_strided_slice %concatenate3A_105 {offsets = [506, 0], sizes = [80, 128], strides = [1, 1]} : vector<790x128xf32> to vector<80x128xf32>
    %slice3A_825 = vector.extract_strided_slice %concatenate3A_105 {offsets = [606, 0], sizes = [80, 128], strides = [1, 1]} : vector<790x128xf32> to vector<80x128xf32>
    %slice3A_826 = vector.extract_strided_slice %concatenate3A_105 {offsets = [706, 0], sizes = [80, 128], strides = [1, 1]} : vector<790x128xf32> to vector<80x128xf32>
    %concatenate3A_827 = tpu.concatenate %slice3A_819, %slice3A_820, %slice3A_821, %slice3A_822, %slice3A_823, %slice3A_824, %slice3A_825, %slice3A_826 in 0 : vector<80x128xf32>, vector<80x128xf32>, vector<80x128xf32>, vector<80x128xf32>, vector<80x128xf32>, vector<80x128xf32>, vector<80x128xf32>, vector<80x128xf32> -> vector<640x128xf32>
    %slice3A_828 = vector.extract_strided_slice %concatenate3A_105 {offsets = [7, 0], sizes = [80, 128], strides = [1, 1]} : vector<790x128xf32> to vector<80x128xf32>
    %slice3A_829 = vector.extract_strided_slice %concatenate3A_105 {offsets = [107, 0], sizes = [80, 128], strides = [1, 1]} : vector<790x128xf32> to vector<80x128xf32>
    %slice3A_830 = vector.extract_strided_slice %concatenate3A_105 {offsets = [207, 0], sizes = [80, 128], strides = [1, 1]} : vector<790x128xf32> to vector<80x128xf32>
    %slice3A_831 = vector.extract_strided_slice %concatenate3A_105 {offsets = [307, 0], sizes = [80, 128], strides = [1, 1]} : vector<790x128xf32> to vector<80x128xf32>
    %slice3A_832 = vector.extract_strided_slice %concatenate3A_105 {offsets = [407, 0], sizes = [80, 128], strides = [1, 1]} : vector<790x128xf32> to vector<80x128xf32>
    %slice3A_833 = vector.extract_strided_slice %concatenate3A_105 {offsets = [507, 0], sizes = [80, 128], strides = [1, 1]} : vector<790x128xf32> to vector<80x128xf32>
    %slice3A_834 = vector.extract_strided_slice %concatenate3A_105 {offsets = [607, 0], sizes = [80, 128], strides = [1, 1]} : vector<790x128xf32> to vector<80x128xf32>
    %slice3A_835 = vector.extract_strided_slice %concatenate3A_105 {offsets = [707, 0], sizes = [80, 128], strides = [1, 1]} : vector<790x128xf32> to vector<80x128xf32>
    %concatenate3A_836 = tpu.concatenate %slice3A_828, %slice3A_829, %slice3A_830, %slice3A_831, %slice3A_832, %slice3A_833, %slice3A_834, %slice3A_835 in 0 : vector<80x128xf32>, vector<80x128xf32>, vector<80x128xf32>, vector<80x128xf32>, vector<80x128xf32>, vector<80x128xf32>, vector<80x128xf32>, vector<80x128xf32> -> vector<640x128xf32>
    %slice3A_837 = vector.extract_strided_slice %concatenate3A_105 {offsets = [8, 0], sizes = [80, 128], strides = [1, 1]} : vector<790x128xf32> to vector<80x128xf32>
    %slice3A_838 = vector.extract_strided_slice %concatenate3A_105 {offsets = [108, 0], sizes = [80, 128], strides = [1, 1]} : vector<790x128xf32> to vector<80x128xf32>
    %slice3A_839 = vector.extract_strided_slice %concatenate3A_105 {offsets = [208, 0], sizes = [80, 128], strides = [1, 1]} : vector<790x128xf32> to vector<80x128xf32>
    %slice3A_840 = vector.extract_strided_slice %concatenate3A_105 {offsets = [308, 0], sizes = [80, 128], strides = [1, 1]} : vector<790x128xf32> to vector<80x128xf32>
    %slice3A_841 = vector.extract_strided_slice %concatenate3A_105 {offsets = [408, 0], sizes = [80, 128], strides = [1, 1]} : vector<790x128xf32> to vector<80x128xf32>
    %slice3A_842 = vector.extract_strided_slice %concatenate3A_105 {offsets = [508, 0], sizes = [80, 128], strides = [1, 1]} : vector<790x128xf32> to vector<80x128xf32>
    %slice3A_843 = vector.extract_strided_slice %concatenate3A_105 {offsets = [608, 0], sizes = [80, 128], strides = [1, 1]} : vector<790x128xf32> to vector<80x128xf32>
    %slice3A_844 = vector.extract_strided_slice %concatenate3A_105 {offsets = [708, 0], sizes = [80, 128], strides = [1, 1]} : vector<790x128xf32> to vector<80x128xf32>
    %concatenate3A_845 = tpu.concatenate %slice3A_837, %slice3A_838, %slice3A_839, %slice3A_840, %slice3A_841, %slice3A_842, %slice3A_843, %slice3A_844 in 0 : vector<80x128xf32>, vector<80x128xf32>, vector<80x128xf32>, vector<80x128xf32>, vector<80x128xf32>, vector<80x128xf32>, vector<80x128xf32>, vector<80x128xf32> -> vector<640x128xf32>
    %slice3A_846 = vector.extract_strided_slice %concatenate3A_105 {offsets = [9, 0], sizes = [80, 128], strides = [1, 1]} : vector<790x128xf32> to vector<80x128xf32>
    %slice3A_847 = vector.extract_strided_slice %concatenate3A_105 {offsets = [109, 0], sizes = [80, 128], strides = [1, 1]} : vector<790x128xf32> to vector<80x128xf32>
    %slice3A_848 = vector.extract_strided_slice %concatenate3A_105 {offsets = [209, 0], sizes = [80, 128], strides = [1, 1]} : vector<790x128xf32> to vector<80x128xf32>
    %slice3A_849 = vector.extract_strided_slice %concatenate3A_105 {offsets = [309, 0], sizes = [80, 128], strides = [1, 1]} : vector<790x128xf32> to vector<80x128xf32>
    %slice3A_850 = vector.extract_strided_slice %concatenate3A_105 {offsets = [409, 0], sizes = [80, 128], strides = [1, 1]} : vector<790x128xf32> to vector<80x128xf32>
    %slice3A_851 = vector.extract_strided_slice %concatenate3A_105 {offsets = [509, 0], sizes = [80, 128], strides = [1, 1]} : vector<790x128xf32> to vector<80x128xf32>
    %slice3A_852 = vector.extract_strided_slice %concatenate3A_105 {offsets = [609, 0], sizes = [80, 128], strides = [1, 1]} : vector<790x128xf32> to vector<80x128xf32>
    %slice3A_853 = vector.extract_strided_slice %concatenate3A_105 {offsets = [709, 0], sizes = [80, 128], strides = [1, 1]} : vector<790x128xf32> to vector<80x128xf32>
    %concatenate3A_854 = tpu.concatenate %slice3A_846, %slice3A_847, %slice3A_848, %slice3A_849, %slice3A_850, %slice3A_851, %slice3A_852, %slice3A_853 in 0 : vector<80x128xf32>, vector<80x128xf32>, vector<80x128xf32>, vector<80x128xf32>, vector<80x128xf32>, vector<80x128xf32>, vector<80x128xf32>, vector<80x128xf32> -> vector<640x128xf32>
    %concatenate3A_855 = tpu.concatenate %concatenate3A_137, %concatenate3A_170, %concatenate3A_203, %concatenate3A_236, %concatenate3A_269, %concatenate3A_302, %concatenate3A_335, %concatenate3A_368, %concatenate3A_401, %concatenate3A_434, %concatenate3A_467, %concatenate3A_500, %concatenate3A_533, %concatenate3A_566, %concatenate3A_599, %concatenate3A_632, %concatenate3A_665, %concatenate3A_698, %concatenate3A_731, %concatenate3A_764 in 0 : vector<1x640xf32>, vector<1x640xf32>, vector<1x640xf32>, vector<1x640xf32>, vector<1x640xf32>, vector<1x640xf32>, vector<1x640xf32>, vector<1x640xf32>, vector<1x640xf32>, vector<1x640xf32>, vector<1x640xf32>, vector<1x640xf32>, vector<1x640xf32>, vector<1x640xf32>, vector<1x640xf32>, vector<1x640xf32>, vector<1x640xf32>, vector<1x640xf32>, vector<1x640xf32>, vector<1x640xf32> -> vector<20x640xf32>
    %stack3A = vector.shape_cast %concatenate3A_773 : vector<640x128xf32> to vector<1x640x128xf32>
    %stack3A_856 = vector.shape_cast %concatenate3A_782 : vector<640x128xf32> to vector<1x640x128xf32>
    %stack3A_857 = vector.shape_cast %concatenate3A_791 : vector<640x128xf32> to vector<1x640x128xf32>
    %stack3A_858 = vector.shape_cast %concatenate3A_800 : vector<640x128xf32> to vector<1x640x128xf32>
    %stack3A_859 = vector.shape_cast %concatenate3A_809 : vector<640x128xf32> to vector<1x640x128xf32>
    %stack3A_860 = vector.shape_cast %concatenate3A_818 : vector<640x128xf32> to vector<1x640x128xf32>
    %stack3A_861 = vector.shape_cast %concatenate3A_827 : vector<640x128xf32> to vector<1x640x128xf32>
    %stack3A_862 = vector.shape_cast %concatenate3A_836 : vector<640x128xf32> to vector<1x640x128xf32>
    %stack3A_863 = vector.shape_cast %concatenate3A_845 : vector<640x128xf32> to vector<1x640x128xf32>
    %stack3A_864 = vector.shape_cast %concatenate3A_854 : vector<640x128xf32> to vector<1x640x128xf32>
    %stack3A_865 = tpu.concatenate %stack3A, %stack3A_856, %stack3A_857, %stack3A_858, %stack3A_859, %stack3A_860, %stack3A_861, %stack3A_862, %stack3A_863, %stack3A_864 in 0 : vector<1x640x128xf32>, vector<1x640x128xf32>, vector<1x640x128xf32>, vector<1x640x128xf32>, vector<1x640x128xf32>, vector<1x640x128xf32>, vector<1x640x128xf32>, vector<1x640x128xf32>, vector<1x640x128xf32>, vector<1x640x128xf32> -> vector<10x640x128xf32>
    %add3A = arith.constant 1.000000e-10 : f32
    %add3A_866 = vector.broadcast %add3A : f32 to vector<20x640xf32>
    %add3A_867 = arith.addf %concatenate3A_855, %add3A_866 : vector<20x640xf32>
    %log3A = math.log %add3A_867 : vector<20x640xf32>
    %neg3A = arith.constant 0.000000e+00 : f32
    %neg3A_868 = vector.broadcast %neg3A : f32 to vector<20x640xf32>
    %neg3A_869 = arith.subf %neg3A_868, %log3A : vector<20x640xf32>
    %div3A = arith.constant 1.60943794 : f32
    %div3A_870 = vector.broadcast %div3A : f32 to vector<20x640xf32>
    %div3A_871 = arith.divf %neg3A_869, %div3A_870 : vector<20x640xf32>
    %exp3A = math.exp %div3A_871 : vector<20x640xf32>
    %get3A_872 = arith.constant 0 : index
    %get3A_873 = arith.constant 0 : index
    %get3A_874 = arith.constant 0 : index
    %get3A_875 = vector.load %arg4[%get3A_872, %get3A_873, %get3A_874] : memref<8x20x80xf32, #tpu.memory_space<vmem>>, vector<1x20x80xf32>
    %get3A_876 = vector.shape_cast %get3A_875 : vector<1x20x80xf32> to vector<20x80xf32>
    %get3A_877 = arith.constant 1 : index
    %get3A_878 = arith.constant 0 : index
    %get3A_879 = arith.constant 0 : index
    %get3A_880 = vector.load %arg4[%get3A_877, %get3A_878, %get3A_879] : memref<8x20x80xf32, #tpu.memory_space<vmem>>, vector<1x20x80xf32>
    %get3A_881 = vector.shape_cast %get3A_880 : vector<1x20x80xf32> to vector<20x80xf32>
    %get3A_882 = arith.constant 2 : index
    %get3A_883 = arith.constant 0 : index
    %get3A_884 = arith.constant 0 : index
    %get3A_885 = vector.load %arg4[%get3A_882, %get3A_883, %get3A_884] : memref<8x20x80xf32, #tpu.memory_space<vmem>>, vector<1x20x80xf32>
    %get3A_886 = vector.shape_cast %get3A_885 : vector<1x20x80xf32> to vector<20x80xf32>
    %get3A_887 = arith.constant 3 : index
    %get3A_888 = arith.constant 0 : index
    %get3A_889 = arith.constant 0 : index
    %get3A_890 = vector.load %arg4[%get3A_887, %get3A_888, %get3A_889] : memref<8x20x80xf32, #tpu.memory_space<vmem>>, vector<1x20x80xf32>
    %get3A_891 = vector.shape_cast %get3A_890 : vector<1x20x80xf32> to vector<20x80xf32>
    %get3A_892 = arith.constant 4 : index
    %get3A_893 = arith.constant 0 : index
    %get3A_894 = arith.constant 0 : index
    %get3A_895 = vector.load %arg4[%get3A_892, %get3A_893, %get3A_894] : memref<8x20x80xf32, #tpu.memory_space<vmem>>, vector<1x20x80xf32>
    %get3A_896 = vector.shape_cast %get3A_895 : vector<1x20x80xf32> to vector<20x80xf32>
    %get3A_897 = arith.constant 5 : index
    %get3A_898 = arith.constant 0 : index
    %get3A_899 = arith.constant 0 : index
    %get3A_900 = vector.load %arg4[%get3A_897, %get3A_898, %get3A_899] : memref<8x20x80xf32, #tpu.memory_space<vmem>>, vector<1x20x80xf32>
    %get3A_901 = vector.shape_cast %get3A_900 : vector<1x20x80xf32> to vector<20x80xf32>
    %get3A_902 = arith.constant 6 : index
    %get3A_903 = arith.constant 0 : index
    %get3A_904 = arith.constant 0 : index
    %get3A_905 = vector.load %arg4[%get3A_902, %get3A_903, %get3A_904] : memref<8x20x80xf32, #tpu.memory_space<vmem>>, vector<1x20x80xf32>
    %get3A_906 = vector.shape_cast %get3A_905 : vector<1x20x80xf32> to vector<20x80xf32>
    %get3A_907 = arith.constant 7 : index
    %get3A_908 = arith.constant 0 : index
    %get3A_909 = arith.constant 0 : index
    %get3A_910 = vector.load %arg4[%get3A_907, %get3A_908, %get3A_909] : memref<8x20x80xf32, #tpu.memory_space<vmem>>, vector<1x20x80xf32>
    %get3A_911 = vector.shape_cast %get3A_910 : vector<1x20x80xf32> to vector<20x80xf32>
    %concatenate3A_912 = tpu.concatenate %get3A_876, %get3A_881, %get3A_886, %get3A_891, %get3A_896, %get3A_901, %get3A_906, %get3A_911 in 1 : vector<20x80xf32>, vector<20x80xf32>, vector<20x80xf32>, vector<20x80xf32>, vector<20x80xf32>, vector<20x80xf32>, vector<20x80xf32>, vector<20x80xf32> -> vector<20x640xf32>
    %mul3A_913 = arith.mulf %concatenate3A_912, %exp3A : vector<20x640xf32>
    %iota3A_914 = tpu.iota {dimensions = array<i32: 0>} : vector<128x128xi32>
    %iota3A_915 = tpu.iota {dimensions = array<i32: 1>} : vector<128x128xi32>
    %jit3A_916 = arith.constant 64 : i32
    %div3A_917 = vector.broadcast %jit3A_916 : i32 to vector<128x128xi32>
    %div3A_918 = arith.divsi %iota3A_914, %div3A_917 : vector<128x128xi32>
    %sign3A = arith.constant 0 : i32
    %sign3A_919 = vector.broadcast %sign3A : i32 to vector<128x128xi32>
    %sign3A_920 = arith.cmpi sgt, %iota3A_914, %sign3A_919 : vector<128x128xi32>
    %sign3A_921 = arith.extui %sign3A_920 : vector<128x128xi1> to vector<128x128xi32>
    %sign3A_922 = arith.constant 0 : i32
    %sign3A_923 = vector.broadcast %sign3A_922 : i32 to vector<128x128xi32>
    %sign3A_924 = arith.cmpi slt, %iota3A_914, %sign3A_923 : vector<128x128xi32>
    %sign3A_925 = arith.extui %sign3A_924 : vector<128x128xi1> to vector<128x128xi32>
    %sign3A_926 = arith.subi %sign3A_921, %sign3A_925 : vector<128x128xi32>
    %sign3A_927 = arith.constant 0 : i32
    %sign3A_928 = arith.cmpi sgt, %jit3A_916, %sign3A_927 : i32
    %sign3A_929 = arith.extui %sign3A_928 : i1 to i32
    %sign3A_930 = arith.constant 0 : i32
    %sign3A_931 = arith.cmpi slt, %jit3A_916, %sign3A_930 : i32
    %sign3A_932 = arith.extui %sign3A_931 : i1 to i32
    %sign3A_933 = arith.subi %sign3A_929, %sign3A_932 : i32
    %ne3A = vector.broadcast %sign3A_933 : i32 to vector<128x128xi32>
    %ne3A_934 = arith.cmpi ne, %sign3A_926, %ne3A : vector<128x128xi32>
    %rem3A = vector.broadcast %jit3A_916 : i32 to vector<128x128xi32>
    %rem3A_935 = arith.remsi %iota3A_914, %rem3A : vector<128x128xi32>
    %ne3A_936 = arith.constant 0 : i32
    %ne3A_937 = vector.broadcast %ne3A_936 : i32 to vector<128x128xi32>
    %ne3A_938 = arith.cmpi ne, %rem3A_935, %ne3A_937 : vector<128x128xi32>
    %and3A = arith.andi %ne3A_934, %ne3A_938 : vector<128x128xi1>
    %sub3A_939 = arith.constant 1 : i32
    %sub3A_940 = vector.broadcast %sub3A_939 : i32 to vector<128x128xi32>
    %sub3A_941 = arith.subi %div3A_918, %sub3A_940 : vector<128x128xi32>
    %select_n3A_942 = arith.select %and3A, %sub3A_941, %div3A_918 : vector<128x128xi1>, vector<128x128xi32>
    %jit3A_943 = arith.constant 64 : i32
    %div3A_944 = vector.broadcast %jit3A_943 : i32 to vector<128x128xi32>
    %div3A_945 = arith.divsi %iota3A_915, %div3A_944 : vector<128x128xi32>
    %sign3A_946 = arith.constant 0 : i32
    %sign3A_947 = vector.broadcast %sign3A_946 : i32 to vector<128x128xi32>
    %sign3A_948 = arith.cmpi sgt, %iota3A_915, %sign3A_947 : vector<128x128xi32>
    %sign3A_949 = arith.extui %sign3A_948 : vector<128x128xi1> to vector<128x128xi32>
    %sign3A_950 = arith.constant 0 : i32
    %sign3A_951 = vector.broadcast %sign3A_950 : i32 to vector<128x128xi32>
    %sign3A_952 = arith.cmpi slt, %iota3A_915, %sign3A_951 : vector<128x128xi32>
    %sign3A_953 = arith.extui %sign3A_952 : vector<128x128xi1> to vector<128x128xi32>
    %sign3A_954 = arith.subi %sign3A_949, %sign3A_953 : vector<128x128xi32>
    %sign3A_955 = arith.constant 0 : i32
    %sign3A_956 = arith.cmpi sgt, %jit3A_943, %sign3A_955 : i32
    %sign3A_957 = arith.extui %sign3A_956 : i1 to i32
    %sign3A_958 = arith.constant 0 : i32
    %sign3A_959 = arith.cmpi slt, %jit3A_943, %sign3A_958 : i32
    %sign3A_960 = arith.extui %sign3A_959 : i1 to i32
    %sign3A_961 = arith.subi %sign3A_957, %sign3A_960 : i32
    %ne3A_962 = vector.broadcast %sign3A_961 : i32 to vector<128x128xi32>
    %ne3A_963 = arith.cmpi ne, %sign3A_954, %ne3A_962 : vector<128x128xi32>
    %rem3A_964 = vector.broadcast %jit3A_943 : i32 to vector<128x128xi32>
    %rem3A_965 = arith.remsi %iota3A_915, %rem3A_964 : vector<128x128xi32>
    %ne3A_966 = arith.constant 0 : i32
    %ne3A_967 = vector.broadcast %ne3A_966 : i32 to vector<128x128xi32>
    %ne3A_968 = arith.cmpi ne, %rem3A_965, %ne3A_967 : vector<128x128xi32>
    %and3A_969 = arith.andi %ne3A_963, %ne3A_968 : vector<128x128xi1>
    %sub3A_970 = arith.constant 1 : i32
    %sub3A_971 = vector.broadcast %sub3A_970 : i32 to vector<128x128xi32>
    %sub3A_972 = arith.subi %div3A_945, %sub3A_971 : vector<128x128xi32>
    %select_n3A_973 = arith.select %and3A_969, %sub3A_972, %div3A_945 : vector<128x128xi1>, vector<128x128xi32>
    %eq3A_974 = arith.cmpi eq, %select_n3A_942, %select_n3A_973 : vector<128x128xi32>
    %jit3A_975 = arith.constant 1.562500e-02 : f32
    %jit3A_976 = arith.constant 0.000000e+00 : f32
    %broadcast_in_dim3A_977 = vector.broadcast %jit3A_975 : f32 to vector<128x128xf32>
    %broadcast_in_dim3A_978 = vector.broadcast %jit3A_976 : f32 to vector<128x128xf32>
    %select_n3A_979 = arith.select %eq3A_974, %broadcast_in_dim3A_977, %broadcast_in_dim3A_978 : vector<128x128xi1>, vector<128x128xf32>
    %broadcast_in_dim3A_980 = arith.constant 0.000000e+00 : f32
    %broadcast_in_dim3A_981 = vector.broadcast %broadcast_in_dim3A_980 : f32 to vector<64x64xf32>
    %concatenate3A_982 = tpu.concatenate %dot_general3A_10, %broadcast_in_dim3A_981 in 1 : vector<64x64xf32>, vector<64x64xf32> -> vector<64x128xf32>
    %concatenate3A_983 = tpu.concatenate %broadcast_in_dim3A_981, %dot_general3A_10 in 1 : vector<64x64xf32>, vector<64x64xf32> -> vector<64x128xf32>
    %concatenate3A_984 = tpu.concatenate %concatenate3A_982, %concatenate3A_983 in 0 : vector<64x128xf32>, vector<64x128xf32> -> vector<128x128xf32>
    %concatenate3A_985 = tpu.concatenate %concatenate3A, %concatenate3A in 1 : vector<640x64xf32>, vector<640x64xf32> -> vector<640x128xf32>
    %broadcast_in_dim3A_986 = vector.shape_cast %concatenate3A_985 : vector<640x128xf32> to vector<1x640x128xf32>
    %add3A_987 = vector.broadcast %broadcast_in_dim3A_986 : vector<1x640x128xf32> to vector<10x640x128xf32>
    %add3A_988 = arith.addf %add3A_987, %stack3A_865 : vector<10x640x128xf32>
    %reshape3A_989 = vector.shape_cast %add3A_988 : vector<10x640x128xf32> to vector<6400x128xf32>
    %get3A_990 = arith.constant 0 : index
    %get3A_991 = arith.constant 0 : index
    %get3A_992 = vector.load %arg8[%get3A_990, %get3A_991] : memref<1x64xf32, #tpu.memory_space<vmem>>, vector<1x64xf32>
    %concatenate3A_993 = tpu.concatenate %get3A_992, %get3A_992 in 1 : vector<1x64xf32>, vector<1x64xf32> -> vector<1x128xf32>
    %get3A_994 = arith.constant 0 : index
    %get3A_995 = arith.constant 0 : index
    %get3A_996 = vector.load %arg9[%get3A_994, %get3A_995] : memref<1x64xf32, #tpu.memory_space<vmem>>, vector<1x64xf32>
    %concatenate3A_997 = tpu.concatenate %get3A_996, %get3A_996 in 1 : vector<1x64xf32>, vector<1x64xf32> -> vector<1x128xf32>
    %mul3A_998 = arith.mulf %reshape3A_989, %reshape3A_989 : vector<6400x128xf32>
    %dot_general3A_999 = arith.constant dense<0.000000e+00> : vector<6400x128xf32>
    %dot_general3A_1000 = tpu.matmul %mul3A_998, %select_n3A_979, %dot_general3A_999 {dimension_numbers = #tpu.dot_dimension_numbers<[1], [0], [0], [1], [0, 0, 1, 1], [], []>, transpose_lhs_hint = false} : vector<6400x128xf32>, vector<128x128xf32>, vector<6400x128xf32> -> vector<6400x128xf32>
    %add3A_1001 = arith.constant 9.99999974E-6 : f32
    %add3A_1002 = vector.broadcast %add3A_1001 : f32 to vector<6400x128xf32>
    %add3A_1003 = arith.addf %dot_general3A_1000, %add3A_1002 : vector<6400x128xf32>
    %rsqrt3A = math.rsqrt %add3A_1003 : vector<6400x128xf32>
    %mul3A_1004 = arith.mulf %reshape3A_989, %rsqrt3A : vector<6400x128xf32>
    %mul3A_1005 = vector.broadcast %concatenate3A_993 : vector<1x128xf32> to vector<6400x128xf32>
    %mul3A_1006 = arith.mulf %mul3A_1004, %mul3A_1005 : vector<6400x128xf32>
    %add3A_1007 = vector.broadcast %concatenate3A_997 : vector<1x128xf32> to vector<6400x128xf32>
    %add3A_1008 = arith.addf %mul3A_1006, %add3A_1007 : vector<6400x128xf32>
    %mul3A_1009 = arith.constant 0.00999999977 : f32
    %mul3A_1010 = vector.broadcast %mul3A_1009 : f32 to vector<6400x128xf32>
    %mul3A_1011 = arith.mulf %mul3A_1010, %add3A_1008 : vector<6400x128xf32>
    %max3A = arith.maximumf %add3A_1008, %mul3A_1011 : vector<6400x128xf32>
    %dot_general3A_1012 = arith.constant dense<0.000000e+00> : vector<6400x128xf32>
    %dot_general3A_1013 = tpu.matmul %max3A, %concatenate3A_984, %dot_general3A_1012 {dimension_numbers = #tpu.dot_dimension_numbers<[1], [0], [0], [1], [0, 0, 1, 1], [], []>, transpose_lhs_hint = false} : vector<6400x128xf32>, vector<128x128xf32>, vector<6400x128xf32> -> vector<6400x128xf32>
    %concatenate3A_1014 = tpu.concatenate %sub3A, %sub3A in 1 : vector<1x64xf32>, vector<1x64xf32> -> vector<1x128xf32>
    %add3A_1015 = vector.broadcast %concatenate3A_1014 : vector<1x128xf32> to vector<6400x128xf32>
    %add3A_1016 = arith.addf %dot_general3A_1013, %add3A_1015 : vector<6400x128xf32>
    %get3A_1017 = arith.constant 0 : index
    %get3A_1018 = arith.constant 0 : index
    %get3A_1019 = vector.load %arg12[%get3A_1017, %get3A_1018] : memref<1x64xf32, #tpu.memory_space<vmem>>, vector<1x64xf32>
    %concatenate3A_1020 = tpu.concatenate %get3A_1019, %get3A_1019 in 1 : vector<1x64xf32>, vector<1x64xf32> -> vector<1x128xf32>
    %get3A_1021 = arith.constant 0 : index
    %get3A_1022 = arith.constant 0 : index
    %get3A_1023 = vector.load %arg13[%get3A_1021, %get3A_1022] : memref<1x64xf32, #tpu.memory_space<vmem>>, vector<1x64xf32>
    %concatenate3A_1024 = tpu.concatenate %get3A_1023, %get3A_1023 in 1 : vector<1x64xf32>, vector<1x64xf32> -> vector<1x128xf32>
    %mul3A_1025 = arith.mulf %add3A_1016, %add3A_1016 : vector<6400x128xf32>
    %dot_general3A_1026 = arith.constant dense<0.000000e+00> : vector<6400x128xf32>
    %dot_general3A_1027 = tpu.matmul %mul3A_1025, %select_n3A_979, %dot_general3A_1026 {dimension_numbers = #tpu.dot_dimension_numbers<[1], [0], [0], [1], [0, 0, 1, 1], [], []>, transpose_lhs_hint = false} : vector<6400x128xf32>, vector<128x128xf32>, vector<6400x128xf32> -> vector<6400x128xf32>
    %add3A_1028 = arith.constant 9.99999974E-6 : f32
    %add3A_1029 = vector.broadcast %add3A_1028 : f32 to vector<6400x128xf32>
    %add3A_1030 = arith.addf %dot_general3A_1027, %add3A_1029 : vector<6400x128xf32>
    %rsqrt3A_1031 = math.rsqrt %add3A_1030 : vector<6400x128xf32>
    %mul3A_1032 = arith.mulf %add3A_1016, %rsqrt3A_1031 : vector<6400x128xf32>
    %mul3A_1033 = vector.broadcast %concatenate3A_1020 : vector<1x128xf32> to vector<6400x128xf32>
    %mul3A_1034 = arith.mulf %mul3A_1032, %mul3A_1033 : vector<6400x128xf32>
    %add3A_1035 = vector.broadcast %concatenate3A_1024 : vector<1x128xf32> to vector<6400x128xf32>
    %add3A_1036 = arith.addf %mul3A_1034, %add3A_1035 : vector<6400x128xf32>
    %mul3A_1037 = arith.constant 0.00999999977 : f32
    %mul3A_1038 = vector.broadcast %mul3A_1037 : f32 to vector<6400x128xf32>
    %mul3A_1039 = arith.mulf %mul3A_1038, %add3A_1036 : vector<6400x128xf32>
    %max3A_1040 = arith.maximumf %add3A_1036, %mul3A_1039 : vector<6400x128xf32>
    %add3A_1041 = arith.addf %max3A, %max3A_1040 : vector<6400x128xf32>
    %reshape3A_1042 = vector.shape_cast %add3A_1041 : vector<6400x128xf32> to vector<10x640x128xf32>
    %slice3A_1043 = vector.extract_strided_slice %mul3A_913 {offsets = [0, 0], sizes = [10, 640], strides = [1, 1]} : vector<20x640xf32> to vector<10x640xf32>
    %broadcast_in_dim3A_1044 = vector.shape_cast %slice3A_1043 : vector<10x640xf32> to vector<10x640x1xf32>
    %broadcast_in_dim3A_1045 = vector.shape_cast %broadcast_in_dim3A_1044 : vector<10x640x1xf32> to vector<10x640x1xf32>
    %broadcast_in_dim3A_1046 = vector.broadcast %broadcast_in_dim3A_1045 : vector<10x640x1xf32> to vector<10x640x64xf32>
    %slice3A_1047 = vector.extract_strided_slice %mul3A_913 {offsets = [10, 0], sizes = [10, 640], strides = [1, 1]} : vector<20x640xf32> to vector<10x640xf32>
    %broadcast_in_dim3A_1048 = vector.shape_cast %slice3A_1047 : vector<10x640xf32> to vector<10x640x1xf32>
    %broadcast_in_dim3A_1049 = vector.shape_cast %broadcast_in_dim3A_1048 : vector<10x640x1xf32> to vector<10x640x1xf32>
    %broadcast_in_dim3A_1050 = vector.broadcast %broadcast_in_dim3A_1049 : vector<10x640x1xf32> to vector<10x640x64xf32>
    %concatenate3A_1051 = tpu.concatenate %broadcast_in_dim3A_1046, %broadcast_in_dim3A_1050 in 2 : vector<10x640x64xf32>, vector<10x640x64xf32> -> vector<10x640x128xf32>
    %mul3A_1052 = arith.mulf %concatenate3A_1051, %reshape3A_1042 : vector<10x640x128xf32>
    %reduce_sum3A = arith.constant dense<0.000000e+00> : vector<640x128xf32>
    %reduce_sum3A_1053 = vector.multi_reduction <add>, %mul3A_1052, %reduce_sum3A [0] : vector<10x640x128xf32> to vector<640x128xf32>
    %slice3A_1054 = vector.extract_strided_slice %reduce_sum3A_1053 {offsets = [0, 0], sizes = [640, 64], strides = [1, 1]} : vector<640x128xf32> to vector<640x64xf32>
    %slice3A_1055 = vector.extract_strided_slice %reduce_sum3A_1053 {offsets = [0, 64], sizes = [640, 64], strides = [1, 1]} : vector<640x128xf32> to vector<640x64xf32>
    %add3A_1056 = arith.addf %slice3A_1054, %slice3A_1055 : vector<640x64xf32>
    %broadcast_in_dim3A_1057 = vector.shape_cast %mul3A_913 : vector<20x640xf32> to vector<20x640x1xf32>
    %reduce_sum3A_1058 = arith.constant dense<0.000000e+00> : vector<640x1xf32>
    %reduce_sum3A_1059 = vector.multi_reduction <add>, %broadcast_in_dim3A_1057, %reduce_sum3A_1058 [0] : vector<20x640x1xf32> to vector<640x1xf32>
    %get3A_1060 = arith.constant 0 : index
    %get3A_1061 = arith.constant 0 : index
    %get3A_1062 = vector.load %arg14[%get3A_1060, %get3A_1061] : memref<64x64xf32, #tpu.memory_space<vmem>>, vector<64x64xf32>
    %dot_general3A_1063 = arith.constant dense<0.000000e+00> : vector<640x64xf32>
    %dot_general3A_1064 = tpu.matmul %add3A_1056, %get3A_1062, %dot_general3A_1063 {dimension_numbers = #tpu.dot_dimension_numbers<[1], [0], [0], [1], [0, 0, 1, 1], [], []>, transpose_lhs_hint = false} : vector<640x64xf32>, vector<64x64xf32>, vector<640x64xf32> -> vector<640x64xf32>
    %get3A_1065 = arith.constant 0 : index
    %get3A_1066 = arith.constant 0 : index
    %get3A_1067 = vector.load %arg15[%get3A_1065, %get3A_1066] : memref<1x64xf32, #tpu.memory_space<vmem>>, vector<1x64xf32>
    %mul3A_1068 = vector.broadcast %reduce_sum3A_1059 : vector<640x1xf32> to vector<640x64xf32>
    %mul3A_1069 = vector.broadcast %get3A_1067 : vector<1x64xf32> to vector<640x64xf32>
    %mul3A_1070 = arith.mulf %mul3A_1068, %mul3A_1069 : vector<640x64xf32>
    %add3A_1071 = arith.addf %dot_general3A_1064, %mul3A_1070 : vector<640x64xf32>
    %dot_general3A_1072 = arith.constant dense<0.000000e+00> : vector<640x64xf32>
    %dot_general3A_1073 = tpu.matmul %add3A_1071, %dot_general3A_23, %dot_general3A_1072 {dimension_numbers = #tpu.dot_dimension_numbers<[1], [0], [0], [1], [0, 0, 1, 1], [], []>, transpose_lhs_hint = false} : vector<640x64xf32>, vector<64x64xf32>, vector<640x64xf32> -> vector<640x64xf32>
    %add3A_1074 = vector.broadcast %sub3A_32 : vector<1x64xf32> to vector<640x64xf32>
    %add3A_1075 = arith.addf %dot_general3A_1073, %add3A_1074 : vector<640x64xf32>
    %get3A_1076 = arith.constant 0 : index
    %get3A_1077 = arith.constant 0 : index
    %get3A_1078 = vector.load %arg18[%get3A_1076, %get3A_1077] : memref<1x64xf32, #tpu.memory_space<vmem>>, vector<1x64xf32>
    %get3A_1079 = arith.constant 0 : index
    %get3A_1080 = arith.constant 0 : index
    %get3A_1081 = vector.load %arg19[%get3A_1079, %get3A_1080] : memref<1x64xf32, #tpu.memory_space<vmem>>, vector<1x64xf32>
    %mul3A_1082 = arith.mulf %add3A_1075, %add3A_1075 : vector<640x64xf32>
    %dot_general3A_1083 = arith.constant dense<0.000000e+00> : vector<640x64xf32>
    %dot_general3A_1084 = tpu.matmul %mul3A_1082, %broadcast_in_dim3A_1, %dot_general3A_1083 {dimension_numbers = #tpu.dot_dimension_numbers<[1], [0], [0], [1], [0, 0, 1, 1], [], []>, transpose_lhs_hint = false} : vector<640x64xf32>, vector<64x64xf32>, vector<640x64xf32> -> vector<640x64xf32>
    %add3A_1085 = arith.constant 9.99999974E-6 : f32
    %add3A_1086 = vector.broadcast %add3A_1085 : f32 to vector<640x64xf32>
    %add3A_1087 = arith.addf %dot_general3A_1084, %add3A_1086 : vector<640x64xf32>
    %rsqrt3A_1088 = math.rsqrt %add3A_1087 : vector<640x64xf32>
    %mul3A_1089 = arith.mulf %add3A_1075, %rsqrt3A_1088 : vector<640x64xf32>
    %mul3A_1090 = vector.broadcast %get3A_1078 : vector<1x64xf32> to vector<640x64xf32>
    %mul3A_1091 = arith.mulf %mul3A_1089, %mul3A_1090 : vector<640x64xf32>
    %add3A_1092 = vector.broadcast %get3A_1081 : vector<1x64xf32> to vector<640x64xf32>
    %add3A_1093 = arith.addf %mul3A_1091, %add3A_1092 : vector<640x64xf32>
    %mul3A_1094 = arith.constant 0.00999999977 : f32
    %mul3A_1095 = vector.broadcast %mul3A_1094 : f32 to vector<640x64xf32>
    %mul3A_1096 = arith.mulf %mul3A_1095, %add3A_1093 : vector<640x64xf32>
    %max3A_1097 = arith.maximumf %add3A_1093, %mul3A_1096 : vector<640x64xf32>
    %add3A_1098 = arith.addf %add3A_1071, %max3A_1097 : vector<640x64xf32>
    %dot_general3A_1099 = arith.constant dense<0.000000e+00> : vector<640x64xf32>
    %dot_general3A_1100 = tpu.matmul %add3A_1098, %dot_general3A_37, %dot_general3A_1099 {dimension_numbers = #tpu.dot_dimension_numbers<[1], [0], [0], [1], [0, 0, 1, 1], [], []>, transpose_lhs_hint = false} : vector<640x64xf32>, vector<64x64xf32>, vector<640x64xf32> -> vector<640x64xf32>
    %add3A_1101 = vector.broadcast %sub3A_46 : vector<1x64xf32> to vector<640x64xf32>
    %add3A_1102 = arith.addf %dot_general3A_1100, %add3A_1101 : vector<640x64xf32>
    %get3A_1103 = arith.constant 0 : index
    %get3A_1104 = arith.constant 0 : index
    %get3A_1105 = vector.load %arg22[%get3A_1103, %get3A_1104] : memref<1x64xf32, #tpu.memory_space<vmem>>, vector<1x64xf32>
    %get3A_1106 = arith.constant 0 : index
    %get3A_1107 = arith.constant 0 : index
    %get3A_1108 = vector.load %arg23[%get3A_1106, %get3A_1107] : memref<1x64xf32, #tpu.memory_space<vmem>>, vector<1x64xf32>
    %mul3A_1109 = arith.mulf %add3A_1102, %add3A_1102 : vector<640x64xf32>
    %dot_general3A_1110 = arith.constant dense<0.000000e+00> : vector<640x64xf32>
    %dot_general3A_1111 = tpu.matmul %mul3A_1109, %broadcast_in_dim3A_1, %dot_general3A_1110 {dimension_numbers = #tpu.dot_dimension_numbers<[1], [0], [0], [1], [0, 0, 1, 1], [], []>, transpose_lhs_hint = false} : vector<640x64xf32>, vector<64x64xf32>, vector<640x64xf32> -> vector<640x64xf32>
    %add3A_1112 = arith.constant 9.99999974E-6 : f32
    %add3A_1113 = vector.broadcast %add3A_1112 : f32 to vector<640x64xf32>
    %add3A_1114 = arith.addf %dot_general3A_1111, %add3A_1113 : vector<640x64xf32>
    %rsqrt3A_1115 = math.rsqrt %add3A_1114 : vector<640x64xf32>
    %mul3A_1116 = arith.mulf %add3A_1102, %rsqrt3A_1115 : vector<640x64xf32>
    %mul3A_1117 = vector.broadcast %get3A_1105 : vector<1x64xf32> to vector<640x64xf32>
    %mul3A_1118 = arith.mulf %mul3A_1116, %mul3A_1117 : vector<640x64xf32>
    %add3A_1119 = vector.broadcast %get3A_1108 : vector<1x64xf32> to vector<640x64xf32>
    %add3A_1120 = arith.addf %mul3A_1118, %add3A_1119 : vector<640x64xf32>
    %mul3A_1121 = arith.constant 0.00999999977 : f32
    %mul3A_1122 = vector.broadcast %mul3A_1121 : f32 to vector<640x64xf32>
    %mul3A_1123 = arith.mulf %mul3A_1122, %add3A_1120 : vector<640x64xf32>
    %max3A_1124 = arith.maximumf %add3A_1120, %mul3A_1123 : vector<640x64xf32>
    %add3A_1125 = arith.addf %add3A_1098, %max3A_1124 : vector<640x64xf32>
    %get3A_1126 = arith.constant 0 : index
    %get3A_1127 = arith.constant 0 : index
    %get3A_1128 = vector.load %arg24[%get3A_1126, %get3A_1127] : memref<64x2xf32, #tpu.memory_space<vmem>>, vector<64x2xf32>
    %dot_general3A_1129 = arith.constant dense<0.000000e+00> : vector<640x2xf32>
    %dot_general3A_1130 = tpu.matmul %add3A_1125, %get3A_1128, %dot_general3A_1129 {dimension_numbers = #tpu.dot_dimension_numbers<[1], [0], [0], [1], [0, 0, 1, 1], [], []>, transpose_lhs_hint = false} : vector<640x64xf32>, vector<64x2xf32>, vector<640x2xf32> -> vector<640x2xf32>
    %get3A_1131 = arith.constant 0 : index
    %get3A_1132 = arith.constant 0 : index
    %get3A_1133 = vector.load %arg25[%get3A_1131, %get3A_1132] : memref<1x2xf32, #tpu.memory_space<vmem>>, vector<1x2xf32>
    %add3A_1134 = vector.broadcast %get3A_1133 : vector<1x2xf32> to vector<640x2xf32>
    %add3A_1135 = arith.addf %dot_general3A_1130, %add3A_1134 : vector<640x2xf32>
    %slice3A_1136 = vector.extract_strided_slice %add3A_1135 {offsets = [0, 1], sizes = [640, 1], strides = [1, 1]} : vector<640x2xf32> to vector<640x1xf32>
    %slice3A_1137 = vector.extract_strided_slice %add3A_1135 {offsets = [0, 0], sizes = [640, 1], strides = [1, 1]} : vector<640x2xf32> to vector<640x1xf32>
    %sub3A_1138 = arith.subf %slice3A_1136, %slice3A_1137 : vector<640x1xf32>
    %logistic3A = arith.negf %sub3A_1138 : vector<640x1xf32>
    %logistic3A_1139 = math.exp %logistic3A : vector<640x1xf32>
    %logistic3A_1140 = arith.constant 1.000000e+00 : f32
    %logistic3A_1141 = vector.broadcast %logistic3A_1140 : f32 to vector<640x1xf32>
    %logistic3A_1142 = arith.addf %logistic3A_1141, %logistic3A_1139 : vector<640x1xf32>
    %logistic3A_1143 = arith.divf %logistic3A_1141, %logistic3A_1142 : vector<640x1xf32>
    %reshape3A_1144 = vector.shape_cast %logistic3A_1143 : vector<640x1xf32> to vector<8x80xf32>
    %transpose3A = tpu.transpose %reshape3A_1144, [1, 0] : vector<8x80xf32> -> vector<80x8xf32>
    %reshape3A_1145 = vector.shape_cast %transpose3A : vector<80x8xf32> to vector<80x1x8x1xf32>
    %swap3A = arith.constant 0 : index
    %swap3A_1146 = arith.constant 0 : index
    %swap3A_1147 = arith.constant 0 : index
    %swap3A_1148 = arith.constant 0 : index
    %swap3A_1149 = vector.load %arg26[%swap3A, %swap3A_1146, %swap3A_1147, %swap3A_1148] : memref<80x1x8x1xf32, #tpu.memory_space<vmem>>, vector<80x1x8x1xf32>
    tpu.vector_store %arg26[%swap3A, %swap3A_1146, %swap3A_1147, %swap3A_1148], %reshape3A_1145 {strides = array<i32>} : memref<80x1x8x1xf32, #tpu.memory_space<vmem>>, vector<80x1x8x1xf32>,
    return
  }
  func.func @transform_0(%arg0: i32) -> (i32, i32, i32) {
    %add3A = arith.constant 8 : i32
    %add3A_0 = arith.addi %arg0, %add3A : i32
    %c0_i32 = arith.constant 0 : i32
    %c0_i32_1 = arith.constant 0 : i32
    %c0_i32_2 = arith.constant 0 : i32
    return %add3A_0, %c0_i32, %c0_i32_1 : i32, i32, i32
  }
  func.func @transform_1(%arg0: i32) -> (i32, i32, i32) {
    %add3A = arith.constant 8 : i32
    %add3A_0 = arith.addi %arg0, %add3A : i32
    %c0_i32 = arith.constant 0 : i32
    %c0_i32_1 = arith.constant 0 : i32
    %c0_i32_2 = arith.constant 0 : i32
    return %add3A_0, %c0_i32, %c0_i32_1 : i32, i32, i32
  }
  func.func @transform_2(%arg0: i32) -> (i32, i32, i32) {
    %add3A = arith.constant 8 : i32
    %add3A_0 = arith.addi %arg0, %add3A : i32
    %c0_i32 = arith.constant 0 : i32
    %c0_i32_1 = arith.constant 0 : i32
    %c0_i32_2 = arith.constant 0 : i32
    return %add3A_0, %c0_i32, %c0_i32_1 : i32, i32, i32
  }
  func.func @transform_3(%arg0: i32) -> (i32, i32, i32) {
    %c0_i32 = arith.constant 0 : i32
    %c0_i32_0 = arith.constant 0 : i32
    %c0_i32_1 = arith.constant 0 : i32
    return %arg0, %c0_i32, %c0_i32_0 : i32, i32, i32
  }
  func.func @transform_4(%arg0: i32) -> (i32, i32) {
    %c0_i32 = arith.constant 0 : i32
    %c0_i32_0 = arith.constant 0 : i32
    %c0_i32_1 = arith.constant 0 : i32
    return %c0_i32, %c0_i32_0 : i32, i32
  }
  func.func @transform_5(%arg0: i32) -> (i32, i32) {
    %c0_i32 = arith.constant 0 : i32
    %c0_i32_0 = arith.constant 0 : i32
    %c0_i32_1 = arith.constant 0 : i32
    return %c0_i32, %c0_i32_0 : i32, i32
  }
  func.func @transform_6(%arg0: i32) -> (i32, i32) {
    %c0_i32 = arith.constant 0 : i32
    %c0_i32_0 = arith.constant 0 : i32
    %c0_i32_1 = arith.constant 0 : i32
    return %c0_i32, %c0_i32_0 : i32, i32
  }
  func.func @transform_7(%arg0: i32) -> (i32, i32) {
    %c0_i32 = arith.constant 0 : i32
    %c0_i32_0 = arith.constant 0 : i32
    %c0_i32_1 = arith.constant 0 : i32
    return %c0_i32, %c0_i32_0 : i32, i32
  }
  func.func @transform_8(%arg0: i32) -> (i32, i32) {
    %c0_i32 = arith.constant 0 : i32
    %c0_i32_0 = arith.constant 0 : i32
    %c0_i32_1 = arith.constant 0 : i32
    return %c0_i32, %c0_i32_0 : i32, i32
  }
  func.func @transform_9(%arg0: i32) -> (i32, i32) {
    %c0_i32 = arith.constant 0 : i32
    %c0_i32_0 = arith.constant 0 : i32
    %c0_i32_1 = arith.constant 0 : i32
    return %c0_i32, %c0_i32_0 : i32, i32
  }
  func.func @transform_10(%arg0: i32) -> (i32, i32) {
    %c0_i32 = arith.constant 0 : i32
    %c0_i32_0 = arith.constant 0 : i32
    %c0_i32_1 = arith.constant 0 : i32
    return %c0_i32, %c0_i32_0 : i32, i32
  }
  func.func @transform_11(%arg0: i32) -> (i32, i32) {
    %c0_i32 = arith.constant 0 : i32
    %c0_i32_0 = arith.constant 0 : i32
    %c0_i32_1 = arith.constant 0 : i32
    return %c0_i32, %c0_i32_0 : i32, i32
  }
  func.func @transform_12(%arg0: i32) -> (i32, i32) {
    %c0_i32 = arith.constant 0 : i32
    %c0_i32_0 = arith.constant 0 : i32
    %c0_i32_1 = arith.constant 0 : i32
    return %c0_i32, %c0_i32_0 : i32, i32
  }
  func.func @transform_13(%arg0: i32) -> (i32, i32) {
    %c0_i32 = arith.constant 0 : i32
    %c0_i32_0 = arith.constant 0 : i32
    %c0_i32_1 = arith.constant 0 : i32
    return %c0_i32, %c0_i32_0 : i32, i32
  }
  func.func @transform_14(%arg0: i32) -> (i32, i32) {
    %c0_i32 = arith.constant 0 : i32
    %c0_i32_0 = arith.constant 0 : i32
    %c0_i32_1 = arith.constant 0 : i32
    return %c0_i32, %c0_i32_0 : i32, i32
  }
  func.func @transform_15(%arg0: i32) -> (i32, i32) {
    %c0_i32 = arith.constant 0 : i32
    %c0_i32_0 = arith.constant 0 : i32
    %c0_i32_1 = arith.constant 0 : i32
    return %c0_i32, %c0_i32_0 : i32, i32
  }
  func.func @transform_16(%arg0: i32) -> (i32, i32) {
    %c0_i32 = arith.constant 0 : i32
    %c0_i32_0 = arith.constant 0 : i32
    %c0_i32_1 = arith.constant 0 : i32
    return %c0_i32, %c0_i32_0 : i32, i32
  }
  func.func @transform_17(%arg0: i32) -> (i32, i32) {
    %c0_i32 = arith.constant 0 : i32
    %c0_i32_0 = arith.constant 0 : i32
    %c0_i32_1 = arith.constant 0 : i32
    return %c0_i32, %c0_i32_0 : i32, i32
  }
  func.func @transform_18(%arg0: i32) -> (i32, i32) {
    %c0_i32 = arith.constant 0 : i32
    %c0_i32_0 = arith.constant 0 : i32
    %c0_i32_1 = arith.constant 0 : i32
    return %c0_i32, %c0_i32_0 : i32, i32
  }
  func.func @transform_19(%arg0: i32) -> (i32, i32) {
    %c0_i32 = arith.constant 0 : i32
    %c0_i32_0 = arith.constant 0 : i32
    %c0_i32_1 = arith.constant 0 : i32
    return %c0_i32, %c0_i32_0 : i32, i32
  }
  func.func @transform_20(%arg0: i32) -> (i32, i32) {
    %c0_i32 = arith.constant 0 : i32
    %c0_i32_0 = arith.constant 0 : i32
    %c0_i32_1 = arith.constant 0 : i32
    return %c0_i32, %c0_i32_0 : i32, i32
  }
  func.func @transform_21(%arg0: i32) -> (i32, i32) {
    %c0_i32 = arith.constant 0 : i32
    %c0_i32_0 = arith.constant 0 : i32
    %c0_i32_1 = arith.constant 0 : i32
    return %c0_i32, %c0_i32_0 : i32, i32
  }
  func.func @transform_22(%arg0: i32) -> (i32, i32) {
    %c0_i32 = arith.constant 0 : i32
    %c0_i32_0 = arith.constant 0 : i32
    %c0_i32_1 = arith.constant 0 : i32
    return %c0_i32, %c0_i32_0 : i32, i32
  }
  func.func @transform_23(%arg0: i32) -> (i32, i32) {
    %c0_i32 = arith.constant 0 : i32
    %c0_i32_0 = arith.constant 0 : i32
    %c0_i32_1 = arith.constant 0 : i32
    return %c0_i32, %c0_i32_0 : i32, i32
  }
  func.func @transform_24(%arg0: i32) -> (i32, i32) {
    %c0_i32 = arith.constant 0 : i32
    %c0_i32_0 = arith.constant 0 : i32
    %c0_i32_1 = arith.constant 0 : i32
    return %c0_i32, %c0_i32_0 : i32, i32
  }
  func.func @transform_25(%arg0: i32) -> (i32, i32, i32, i32) {
    %c0_i32 = arith.constant 0 : i32
    %c0_i32_0 = arith.constant 0 : i32
    %c0_i32_1 = arith.constant 0 : i32
    %c0_i32_2 = arith.constant 0 : i32
    return %c0_i32, %c0_i32_0, %arg0, %c0_i32_1 : i32, i32, i32, i32
  }
}

module attributes {stable_mosaic.version = 14 : i64} {
  func.func @_tc_body(%arg0: i32, %arg1: memref<8x100x1xi32, #tpu.memory_space<vmem>>, %arg2: memref<8x1x100xf32, #tpu.memory_space<vmem>>, %arg3: memref<8x100x1xi32, #tpu.memory_space<vmem>>, %arg4: memref<8x20x80xf32, #tpu.memory_space<vmem>>, %arg5: memref<256x64xf32, #tpu.memory_space<vmem>>, %arg6: memref<128x64xf32, #tpu.memory_space<vmem>>, %arg7: memref<1x64xf32, #tpu.memory_space<vmem>>, %arg8: memref<1x64xf32, #tpu.memory_space<vmem>>, %arg9: memref<1x64xf32, #tpu.memory_space<vmem>>, %arg10: memref<64x64xf32, #tpu.memory_space<vmem>>, %arg11: memref<1x64xf32, #tpu.memory_space<vmem>>, %arg12: memref<1x64xf32, #tpu.memory_space<vmem>>, %arg13: memref<1x64xf32, #tpu.memory_space<vmem>>, %arg14: memref<64x64xf32, #tpu.memory_space<vmem>>, %arg15: memref<1x64xf32, #tpu.memory_space<vmem>>, %arg16: memref<64x64xf32, #tpu.memory_space<vmem>>, %arg17: memref<1x64xf32, #tpu.memory_space<vmem>>, %arg18: memref<1x64xf32, #tpu.memory_space<vmem>>, %arg19: memref<1x64xf32, #tpu.memory_space<vmem>>, %arg20: memref<64x64xf32, #tpu.memory_space<vmem>>, %arg21: memref<1x64xf32, #tpu.memory_space<vmem>>, %arg22: memref<1x64xf32, #tpu.memory_space<vmem>>, %arg23: memref<1x64xf32, #tpu.memory_space<vmem>>, %arg24: memref<64x2xf32, #tpu.memory_space<vmem>>, %arg25: memref<1x2xf32, #tpu.memory_space<vmem>>, %arg26: memref<80x1x8x1xf32, #tpu.memory_space<vmem>>, %arg27: memref<256x64xf32, #tpu.memory_space<vmem>>, %arg28: memref<256x64xf32, #tpu.memory_space<vmem>>) attributes {dimension_semantics = [#tpu.dimension_semantics<arbitrary>], iteration_bounds = array<i64: 8>, scalar_prefetch = 0 : i64, scratch_operands = 2 : i64, tpu.core_type = #tpu.core_type<tc>, window_params = [{transform_indices = @transform_0, window_bounds = array<i64: 8, 100, 1>}, {transform_indices = @transform_1, window_bounds = array<i64: 8, 1, 100>}, {transform_indices = @transform_2, window_bounds = array<i64: 8, 100, 1>}, {transform_indices = @transform_3, window_bounds = array<i64: 8, 20, 80>}, {pipeline_mode = #tpu.pipeline_mode<synchronous>, transform_indices = @transform_4, window_bounds = array<i64: 256, 64>}, {pipeline_mode = #tpu.pipeline_mode<synchronous>, transform_indices = @transform_5, window_bounds = array<i64: 128, 64>}, {pipeline_mode = #tpu.pipeline_mode<synchronous>, transform_indices = @transform_6, window_bounds = array<i64: 1, 64>}, {pipeline_mode = #tpu.pipeline_mode<synchronous>, transform_indices = @transform_7, window_bounds = array<i64: 1, 64>}, {pipeline_mode = #tpu.pipeline_mode<synchronous>, transform_indices = @transform_8, window_bounds = array<i64: 1, 64>}, {pipeline_mode = #tpu.pipeline_mode<synchronous>, transform_indices = @transform_9, window_bounds = array<i64: 64, 64>}, {pipeline_mode = #tpu.pipeline_mode<synchronous>, transform_indices = @transform_10, window_bounds = array<i64: 1, 64>}, {pipeline_mode = #tpu.pipeline_mode<synchronous>, transform_indices = @transform_11, window_bounds = array<i64: 1, 64>}, {pipeline_mode = #tpu.pipeline_mode<synchronous>, transform_indices = @transform_12, window_bounds = array<i64: 1, 64>}, {pipeline_mode = #tpu.pipeline_mode<synchronous>, transform_indices = @transform_13, window_bounds = array<i64: 64, 64>}, {pipeline_mode = #tpu.pipeline_mode<synchronous>, transform_indices = @transform_14, window_bounds = array<i64: 1, 64>}, {pipeline_mode = #tpu.pipeline_mode<synchronous>, transform_indices = @transform_15, window_bounds = array<i64: 64, 64>}, {pipeline_mode = #tpu.pipeline_mode<synchronous>, transform_indices = @transform_16, window_bounds = array<i64: 1, 64>}, {pipeline_mode = #tpu.pipeline_mode<synchronous>, transform_indices = @transform_17, window_bounds = array<i64: 1, 64>}, {pipeline_mode = #tpu.pipeline_mode<synchronous>, transform_indices = @transform_18, window_bounds = array<i64: 1, 64>}, {pipeline_mode = #tpu.pipeline_mode<synchronous>, transform_indices = @transform_19, window_bounds = array<i64: 64, 64>}, {pipeline_mode = #tpu.pipeline_mode<synchronous>, transform_indices = @transform_20, window_bounds = array<i64: 1, 64>}, {pipeline_mode = #tpu.pipeline_mode<synchronous>, transform_indices = @transform_21, window_bounds = array<i64: 1, 64>}, {pipeline_mode = #tpu.pipeline_mode<synchronous>, transform_indices = @transform_22, window_bounds = array<i64: 1, 64>}, {pipeline_mode = #tpu.pipeline_mode<synchronous>, transform_indices = @transform_23, window_bounds = array<i64: 64, 2>}, {pipeline_mode = #tpu.pipeline_mode<synchronous>, transform_indices = @transform_24, window_bounds = array<i64: 1, 2>}, {transform_indices = @transform_25, window_bounds = array<i64: 80, 1, 8, 1>}]} {
    %iota3A = tpu.iota {dimensions = array<i32: 0>} : vector<64x64xi32>
    %iota3A_0 = tpu.iota {dimensions = array<i32: 1>} : vector<64x64xi32>
    %broadcast_in_dim3A = arith.constant 1.562500e-02 : f32
    %broadcast_in_dim3A_1 = vector.broadcast %broadcast_in_dim3A : f32 to vector<64x64xf32>
    %eq3A = arith.cmpi eq, %iota3A, %iota3A_0 : vector<64x64xi32>
    %jit3A = arith.constant 9.843750e-01 : f32
    %jit3A_2 = arith.constant -1.562500e-02 : f32
    %broadcast_in_dim3A_3 = vector.broadcast %jit3A : f32 to vector<64x64xf32>
    %broadcast_in_dim3A_4 = vector.broadcast %jit3A_2 : f32 to vector<64x64xf32>
    %select_n3A = arith.select %eq3A, %broadcast_in_dim3A_3, %broadcast_in_dim3A_4 : vector<64x64xi1>, vector<64x64xf32>
    %eq3A_5 = arith.constant 0 : i32
    %eq3A_6 = arith.cmpi eq, %arg0, %eq3A_5 : i32
    %convert_element_type3A = arith.extui %eq3A_6 : i1 to i32
    %cond3A = arith.constant 0 : i32
    %cond3A_7 = arith.cmpi ne, %convert_element_type3A, %cond3A : i32
    scf.if %cond3A_7 {
      %get3A_1150 = arith.constant 0 : index
      %get3A_1151 = arith.constant 0 : index
      %get3A_1152 = vector.load %arg5[%get3A_1150, %get3A_1151] : memref<256x64xf32, #tpu.memory_space<vmem>>, vector<256x64xf32>
      %get3A_1153 = arith.constant 0 : index
      %get3A_1154 = arith.constant 0 : index
      %get3A_1155 = vector.load %arg6[%get3A_1153, %get3A_1154] : memref<128x64xf32, #tpu.memory_space<vmem>>, vector<64x64xf32>
      %dot_general3A_1156 = arith.constant dense<0.000000e+00> : vector<256x64xf32>
      %dot_general3A_1157 = tpu.matmul %get3A_1152, %get3A_1155, %dot_general3A_1156 {dimension_numbers = #tpu.dot_dimension_numbers<[1], [0], [0], [1], [0, 0, 1, 1], [], []>, transpose_lhs_hint = false} : vector<256x64xf32>, vector<64x64xf32>, vector<256x64xf32> -> vector<256x64xf32>
      %get3A_1158 = arith.constant 64 : index
      %get3A_1159 = arith.constant 0 : index
      %get3A_1160 = vector.load %arg6[%get3A_1158, %get3A_1159] : memref<128x64xf32, #tpu.memory_space<vmem>>, vector<64x64xf32>
      %dot_general3A_1161 = arith.constant dense<0.000000e+00> : vector<256x64xf32>
      %dot_general3A_1162 = tpu.matmul %get3A_1152, %get3A_1160, %dot_general3A_1161 {dimension_numbers = #tpu.dot_dimension_numbers<[1], [0], [0], [1], [0, 0, 1, 1], [], []>, transpose_lhs_hint = false} : vector<256x64xf32>, vector<64x64xf32>, vector<256x64xf32> -> vector<256x64xf32>
      %get3A_1163 = arith.constant 0 : index
      %get3A_1164 = arith.constant 0 : index
      %get3A_1165 = vector.load %arg7[%get3A_1163, %get3A_1164] : memref<1x64xf32, #tpu.memory_space<vmem>>, vector<1x64xf32>
      %get3A_1166 = arith.constant 0 : index
      %get3A_1167 = arith.constant 0 : index
      %get3A_1168 = vector.load %arg7[%get3A_1166, %get3A_1167] : memref<1x64xf32, #tpu.memory_space<vmem>>, vector<1x64xf32>
      %dot_general3A_1169 = arith.constant dense<0.000000e+00> : vector<1x64xf32>
      %dot_general3A_1170 = tpu.matmul %get3A_1168, %broadcast_in_dim3A_1, %dot_general3A_1169 {dimension_numbers = #tpu.dot_dimension_numbers<[1], [0], [0], [1], [0, 0, 1, 1], [], []>, transpose_lhs_hint = false} : vector<1x64xf32>, vector<64x64xf32>, vector<1x64xf32> -> vector<1x64xf32>
      %sub3A_1171 = arith.subf %get3A_1165, %dot_general3A_1170 : vector<1x64xf32>
      %dot_general3A_1172 = arith.constant dense<0.000000e+00> : vector<256x64xf32>
      %dot_general3A_1173 = tpu.matmul %dot_general3A_1157, %select_n3A, %dot_general3A_1172 {dimension_numbers = #tpu.dot_dimension_numbers<[1], [0], [0], [1], [0, 0, 1, 1], [], []>, transpose_lhs_hint = false} : vector<256x64xf32>, vector<64x64xf32>, vector<256x64xf32> -> vector<256x64xf32>
      %add3A_1174 = vector.broadcast %sub3A_1171 : vector<1x64xf32> to vector<256x64xf32>
      %add3A_1175 = arith.addf %dot_general3A_1173, %add3A_1174 : vector<256x64xf32>
      %swap3A_1176 = arith.constant 0 : index
      %swap3A_1177 = arith.constant 0 : index
      %swap3A_1178 = vector.load %arg27[%swap3A_1176, %swap3A_1177] : memref<256x64xf32, #tpu.memory_space<vmem>>, vector<256x64xf32>
      tpu.vector_store %arg27[%swap3A_1176, %swap3A_1177], %add3A_1175 {strides = array<i32>} : memref<256x64xf32, #tpu.memory_space<vmem>>, vector<256x64xf32>,
      %dot_general3A_1179 = arith.constant dense<0.000000e+00> : vector<256x64xf32>
      %dot_general3A_1180 = tpu.matmul %dot_general3A_1162, %select_n3A, %dot_general3A_1179 {dimension_numbers = #tpu.dot_dimension_numbers<[1], [0], [0], [1], [0, 0, 1, 1], [], []>, transpose_lhs_hint = false} : vector<256x64xf32>, vector<64x64xf32>, vector<256x64xf32> -> vector<256x64xf32>
      %swap3A_1181 = arith.constant 0 : index
      %swap3A_1182 = arith.constant 0 : index
      %swap3A_1183 = vector.load %arg28[%swap3A_1181, %swap3A_1182] : memref<256x64xf32, #tpu.memory_space<vmem>>, vector<256x64xf32>
      tpu.vector_store %arg28[%swap3A_1181, %swap3A_1182], %dot_general3A_1180 {strides = array<i32>} : memref<256x64xf32, #tpu.memory_space<vmem>>, vector<256x64xf32>,
    } else {
    }
    %get3A = arith.constant 0 : index
    %get3A_8 = arith.constant 0 : index
    %get3A_9 = vector.load %arg10[%get3A, %get3A_8] : memref<64x64xf32, #tpu.memory_space<vmem>>, vector<64x64xf32>
    %dot_general3A = arith.constant dense<0.000000e+00> : vector<64x64xf32>
    %dot_general3A_10 = tpu.matmul %get3A_9, %select_n3A, %dot_general3A {dimension_numbers = #tpu.dot_dimension_numbers<[1], [0], [0], [1], [0, 0, 1, 1], [], []>, transpose_lhs_hint = false} : vector<64x64xf32>, vector<64x64xf32>, vector<64x64xf32> -> vector<64x64xf32>
    %get3A_11 = arith.constant 0 : index
    %get3A_12 = arith.constant 0 : index
    %get3A_13 = vector.load %arg11[%get3A_11, %get3A_12] : memref<1x64xf32, #tpu.memory_space<vmem>>, vector<1x64xf32>
    %get3A_14 = arith.constant 0 : index
    %get3A_15 = arith.constant 0 : index
    %get3A_16 = vector.load %arg11[%get3A_14, %get3A_15] : memref<1x64xf32, #tpu.memory_space<vmem>>, vector<1x64xf32>
    %dot_general3A_17 = arith.constant dense<0.000000e+00> : vector<1x64xf32>
    %dot_general3A_18 = tpu.matmul %get3A_16, %broadcast_in_dim3A_1, %dot_general3A_17 {dimension_numbers = #tpu.dot_dimension_numbers<[1], [0], [0], [1], [0, 0, 1, 1], [], []>, transpose_lhs_hint = false} : vector<1x64xf32>, vector<64x64xf32>, vector<1x64xf32> -> vector<1x64xf32>
    %sub3A = arith.subf %get3A_13, %dot_general3A_18 : vector<1x64xf32>
    %get3A_19 = arith.constant 0 : index
    %get3A_20 = arith.constant 0 : index
    %get3A_21 = vector.load %arg16[%get3A_19, %get3A_20] : memref<64x64xf32, #tpu.memory_space<vmem>>, vector<64x64xf32>
    %dot_general3A_22 = arith.constant dense<0.000000e+00> : vector<64x64xf32>
    %dot_general3A_23 = tpu.matmul %get3A_21, %select_n3A, %dot_general3A_22 {dimension_numbers = #tpu.dot_dimension_numbers<[1], [0], [0], [1], [0, 0, 1, 1], [], []>, transpose_lhs_hint = false} : vector<64x64xf32>, vector<64x64xf32>, vector<64x64xf32> -> vector<64x64xf32>
    %get3A_24 = arith.constant 0 : index
    %get3A_25 = arith.constant 0 : index
    %get3A_26 = vector.load %arg17[%get3A_24, %get3A_25] : memref<1x64xf32, #tpu.memory_space<vmem>>, vector<1x64xf32>
    %get3A_27 = arith.constant 0 : index
    %get3A_28 = arith.constant 0 : index
    %get3A_29 = vector.load %arg17[%get3A_27, %get3A_28] : memref<1x64xf32, #tpu.memory_space<vmem>>, vector<1x64xf32>
    %dot_general3A_30 = arith.constant dense<0.000000e+00> : vector<1x64xf32>
    %dot_general3A_31 = tpu.matmul %get3A_29, %broadcast_in_dim3A_1, %dot_general3A_30 {dimension_numbers = #tpu.dot_dimension_numbers<[1], [0], [0], [1], [0, 0, 1, 1], [], []>, transpose_lhs_hint = false} : vector<1x64xf32>, vector<64x64xf32>, vector<1x64xf32> -> vector<1x64xf32>
    %sub3A_32 = arith.subf %get3A_26, %dot_general3A_31 : vector<1x64xf32>
    %get3A_33 = arith.constant 0 : index
    %get3A_34 = arith.constant 0 : index
    %get3A_35 = vector.load %arg20[%get3A_33, %get3A_34] : memref<64x64xf32, #tpu.memory_space<vmem>>, vector<64x64xf32>
    %dot_general3A_36 = arith.constant dense<0.000000e+00> : vector<64x64xf32>
    %dot_general3A_37 = tpu.matmul %get3A_35, %select_n3A, %dot_general3A_36 {dimension_numbers = #tpu.dot_dimension_numbers<[1], [0], [0], [1], [0, 0, 1, 1], [], []>, transpose_lhs_hint = false} : vector<64x64xf32>, vector<64x64xf32>, vector<64x64xf32> -> vector<64x64xf32>
    %get3A_38 = arith.constant 0 : index
    %get3A_39 = arith.constant 0 : index
    %get3A_40 = vector.load %arg21[%get3A_38, %get3A_39] : memref<1x64xf32, #tpu.memory_space<vmem>>, vector<1x64xf32>
    %get3A_41 = arith.constant 0 : index
    %get3A_42 = arith.constant 0 : index
    %get3A_43 = vector.load %arg21[%get3A_41, %get3A_42] : memref<1x64xf32, #tpu.memory_space<vmem>>, vector<1x64xf32>
    %dot_general3A_44 = arith.constant dense<0.000000e+00> : vector<1x64xf32>
    %dot_general3A_45 = tpu.matmul %get3A_43, %broadcast_in_dim3A_1, %dot_general3A_44 {dimension_numbers = #tpu.dot_dimension_numbers<[1], [0], [0], [1], [0, 0, 1, 1], [], []>, transpose_lhs_hint = false} : vector<1x64xf32>, vector<64x64xf32>, vector<1x64xf32> -> vector<1x64xf32>
    %sub3A_46 = arith.subf %get3A_40, %dot_general3A_45 : vector<1x64xf32>
    %iota3A_47 = tpu.iota {dimensions = array<i32: 1>} : vector<800x256xi32>
    %get3A_48 = arith.constant 0 : index
    %get3A_49 = arith.constant 0 : index
    %get3A_50 = arith.constant 0 : index
    %get3A_51 = vector.load %arg1[%get3A_48, %get3A_49, %get3A_50] : memref<8x100x1xi32, #tpu.memory_space<vmem>>, vector<8x100x1xi32>
    %reshape3A = vector.shape_cast %get3A_51 : vector<8x100x1xi32> to vector<800x1xi32>
    %eq3A_52 = vector.broadcast %reshape3A : vector<800x1xi32> to vector<800x256xi32>
    %eq3A_53 = arith.cmpi eq, %eq3A_52, %iota3A_47 : vector<800x256xi32>
    %convert_element_type3A_54 = arith.extui %eq3A_53 : vector<800x256xi1> to vector<800x256xi32>
    %convert_element_type3A_55 = arith.sitofp %convert_element_type3A_54 : vector<800x256xi32> to vector<800x256xf32>
    %get3A_56 = arith.constant 0 : index
    %get3A_57 = arith.constant 0 : index
    %get3A_58 = vector.load %arg27[%get3A_56, %get3A_57] : memref<256x64xf32, #tpu.memory_space<vmem>>, vector<256x64xf32>
    %dot_general3A_59 = arith.constant dense<0.000000e+00> : vector<800x64xf32>
    %dot_general3A_60 = tpu.matmul %convert_element_type3A_55, %get3A_58, %dot_general3A_59 {dimension_numbers = #tpu.dot_dimension_numbers<[1], [0], [0], [1], [0, 0, 1, 1], [], []>, transpose_lhs_hint = false} : vector<800x256xf32>, vector<256x64xf32>, vector<800x64xf32> -> vector<800x64xf32>
    %get3A_61 = arith.constant 0 : index
    %get3A_62 = arith.constant 0 : index
    %get3A_63 = vector.load %arg28[%get3A_61, %get3A_62] : memref<256x64xf32, #tpu.memory_space<vmem>>, vector<256x64xf32>
    %dot_general3A_64 = arith.constant dense<0.000000e+00> : vector<800x64xf32>
    %dot_general3A_65 = tpu.matmul %convert_element_type3A_55, %get3A_63, %dot_general3A_64 {dimension_numbers = #tpu.dot_dimension_numbers<[1], [0], [0], [1], [0, 0, 1, 1], [], []>, transpose_lhs_hint = false} : vector<800x256xf32>, vector<256x64xf32>, vector<800x64xf32> -> vector<800x64xf32>
    %get3A_66 = arith.constant 0 : index
    %get3A_67 = arith.constant 0 : index
    %get3A_68 = arith.constant 0 : index
    %get3A_69 = vector.load %arg3[%get3A_66, %get3A_67, %get3A_68] : memref<8x100x1xi32, #tpu.memory_space<vmem>>, vector<8x100x1xi32>
    %reshape3A_70 = vector.shape_cast %get3A_69 : vector<8x100x1xi32> to vector<800x1xi32>
    %eq3A_71 = arith.constant 0 : i32
    %eq3A_72 = vector.broadcast %eq3A_71 : i32 to vector<800x1xi32>
    %eq3A_73 = arith.cmpi eq, %reshape3A_70, %eq3A_72 : vector<800x1xi32>
    %jit3A_74 = arith.constant -2 : i32
    %broadcast_in_dim3A_75 = vector.broadcast %jit3A_74 : i32 to vector<800x1xi32>
    %select_n3A_76 = arith.select %eq3A_73, %broadcast_in_dim3A_75, %reshape3A_70 : vector<800x1xi1>, vector<800x1xi32>
    %eq3A_77 = arith.constant -1 : i32
    %eq3A_78 = vector.broadcast %eq3A_77 : i32 to vector<800x1xi32>
    %eq3A_79 = arith.cmpi eq, %select_n3A_76, %eq3A_78 : vector<800x1xi32>
    %jit3A_80 = arith.constant 0 : i32
    %broadcast_in_dim3A_81 = vector.broadcast %jit3A_80 : i32 to vector<800x1xi32>
    %select_n3A_82 = arith.select %eq3A_79, %broadcast_in_dim3A_81, %select_n3A_76 : vector<800x1xi1>, vector<800x1xi32>
    %eq3A_83 = arith.constant -2 : i32
    %eq3A_84 = vector.broadcast %eq3A_83 : i32 to vector<800x1xi32>
    %eq3A_85 = arith.cmpi eq, %select_n3A_82, %eq3A_84 : vector<800x1xi32>
    %jit3A_86 = arith.constant -1 : i32
    %broadcast_in_dim3A_87 = vector.broadcast %jit3A_86 : i32 to vector<800x1xi32>
    %select_n3A_88 = arith.select %eq3A_85, %broadcast_in_dim3A_87, %select_n3A_82 : vector<800x1xi1>, vector<800x1xi32>
    %convert_element_type3A_89 = arith.sitofp %select_n3A_88 : vector<800x1xi32> to vector<800x1xf32>
    %get3A_90 = arith.constant 0 : index
    %get3A_91 = arith.constant 0 : index
    %get3A_92 = arith.constant 0 : index
    %get3A_93 = vector.load %arg2[%get3A_90, %get3A_91, %get3A_92] : memref<8x1x100xf32, #tpu.memory_space<vmem>>, vector<8x1x100xf32>
    %reshape3A_94 = vector.shape_cast %get3A_93 : vector<8x1x100xf32> to vector<8x100xf32>
    %slice3A = vector.extract_strided_slice %dot_general3A_60 {offsets = [20, 0], sizes = [80, 64], strides = [1, 1]} : vector<800x64xf32> to vector<80x64xf32>
    %slice3A_95 = vector.extract_strided_slice %dot_general3A_60 {offsets = [120, 0], sizes = [80, 64], strides = [1, 1]} : vector<800x64xf32> to vector<80x64xf32>
    %slice3A_96 = vector.extract_strided_slice %dot_general3A_60 {offsets = [220, 0], sizes = [80, 64], strides = [1, 1]} : vector<800x64xf32> to vector<80x64xf32>
    %slice3A_97 = vector.extract_strided_slice %dot_general3A_60 {offsets = [320, 0], sizes = [80, 64], strides = [1, 1]} : vector<800x64xf32> to vector<80x64xf32>
    %slice3A_98 = vector.extract_strided_slice %dot_general3A_60 {offsets = [420, 0], sizes = [80, 64], strides = [1, 1]} : vector<800x64xf32> to vector<80x64xf32>
    %slice3A_99 = vector.extract_strided_slice %dot_general3A_60 {offsets = [520, 0], sizes = [80, 64], strides = [1, 1]} : vector<800x64xf32> to vector<80x64xf32>
    %slice3A_100 = vector.extract_strided_slice %dot_general3A_60 {offsets = [620, 0], sizes = [80, 64], strides = [1, 1]} : vector<800x64xf32> to vector<80x64xf32>
    %slice3A_101 = vector.extract_strided_slice %dot_general3A_60 {offsets = [720, 0], sizes = [80, 64], strides = [1, 1]} : vector<800x64xf32> to vector<80x64xf32>
    %concatenate3A = tpu.concatenate %slice3A, %slice3A_95, %slice3A_96, %slice3A_97, %slice3A_98, %slice3A_99, %slice3A_100, %slice3A_101 in 0 : vector<80x64xf32>, vector<80x64xf32>, vector<80x64xf32>, vector<80x64xf32>, vector<80x64xf32>, vector<80x64xf32>, vector<80x64xf32>, vector<80x64xf32> -> vector<640x64xf32>
    %mul3A = vector.broadcast %convert_element_type3A_89 : vector<800x1xf32> to vector<800x64xf32>
    %mul3A_102 = arith.mulf %mul3A, %dot_general3A_65 : vector<800x64xf32>
    %slice3A_103 = vector.extract_strided_slice %mul3A_102 {offsets = [0, 0], sizes = [790, 64], strides = [1, 1]} : vector<800x64xf32> to vector<790x64xf32>
    %slice3A_104 = vector.extract_strided_slice %mul3A_102 {offsets = [10, 0], sizes = [790, 64], strides = [1, 1]} : vector<800x64xf32> to vector<790x64xf32>
    %concatenate3A_105 = tpu.concatenate %slice3A_103, %slice3A_104 in 1 : vector<790x64xf32>, vector<790x64xf32> -> vector<790x128xf32>
    %slice3A_106 = vector.extract_strided_slice %reshape3A_94 {offsets = [0, 20], sizes = [1, 80], strides = [1, 1]} : vector<8x100xf32> to vector<1x80xf32>
    %slice3A_107 = vector.extract_strided_slice %reshape3A_94 {offsets = [0, 0], sizes = [1, 80], strides = [1, 1]} : vector<8x100xf32> to vector<1x80xf32>
    %sub3A_108 = arith.subf %slice3A_106, %slice3A_107 : vector<1x80xf32>
    %abs3A = math.absf %sub3A_108 : vector<1x80xf32>
    %slice3A_109 = vector.extract_strided_slice %reshape3A_94 {offsets = [1, 20], sizes = [1, 80], strides = [1, 1]} : vector<8x100xf32> to vector<1x80xf32>
    %slice3A_110 = vector.extract_strided_slice %reshape3A_94 {offsets = [1, 0], sizes = [1, 80], strides = [1, 1]} : vector<8x100xf32> to vector<1x80xf32>
    %sub3A_111 = arith.subf %slice3A_109, %slice3A_110 : vector<1x80xf32>
    %abs3A_112 = math.absf %sub3A_111 : vector<1x80xf32>
    %slice3A_113 = vector.extract_strided_slice %reshape3A_94 {offsets = [2, 20], sizes = [1, 80], strides = [1, 1]} : vector<8x100xf32> to vector<1x80xf32>
    %slice3A_114 = vector.extract_strided_slice %reshape3A_94 {offsets = [2, 0], sizes = [1, 80], strides = [1, 1]} : vector<8x100xf32> to vector<1x80xf32>
    %sub3A_115 = arith.subf %slice3A_113, %slice3A_114 : vector<1x80xf32>
    %abs3A_116 = math.absf %sub3A_115 : vector<1x80xf32>
    %slice3A_117 = vector.extract_strided_slice %reshape3A_94 {offsets = [3, 20], sizes = [1, 80], strides = [1, 1]} : vector<8x100xf32> to vector<1x80xf32>
    %slice3A_118 = vector.extract_strided_slice %reshape3A_94 {offsets = [3, 0], sizes = [1, 80], strides = [1, 1]} : vector<8x100xf32> to vector<1x80xf32>
    %sub3A_119 = arith.subf %slice3A_117, %slice3A_118 : vector<1x80xf32>
    %abs3A_120 = math.absf %sub3A_119 : vector<1x80xf32>
    %slice3A_121 = vector.extract_strided_slice %reshape3A_94 {offsets = [4, 20], sizes = [1, 80], strides = [1, 1]} : vector<8x100xf32> to vector<1x80xf32>
    %slice3A_122 = vector.extract_strided_slice %reshape3A_94 {offsets = [4, 0], sizes = [1, 80], strides = [1, 1]} : vector<8x100xf32> to vector<1x80xf32>
    %sub3A_123 = arith.subf %slice3A_121, %slice3A_122 : vector<1x80xf32>
    %abs3A_124 = math.absf %sub3A_123 : vector<1x80xf32>
    %slice3A_125 = vector.extract_strided_slice %reshape3A_94 {offsets = [5, 20], sizes = [1, 80], strides = [1, 1]} : vector<8x100xf32> to vector<1x80xf32>
    %slice3A_126 = vector.extract_strided_slice %reshape3A_94 {offsets = [5, 0], sizes = [1, 80], strides = [1, 1]} : vector<8x100xf32> to vector<1x80xf32>
    %sub3A_127 = arith.subf %slice3A_125, %slice3A_126 : vector<1x80xf32>
    %abs3A_128 = math.absf %sub3A_127 : vector<1x80xf32>
    %slice3A_129 = vector.extract_strided_slice %reshape3A_94 {offsets = [6, 20], sizes = [1, 80], strides = [1, 1]} : vector<8x100xf32> to vector<1x80xf32>
    %slice3A_130 = vector.extract_strided_slice %reshape3A_94 {offsets = [6, 0], sizes = [1, 80], strides = [1, 1]} : vector<8x100xf32> to vector<1x80xf32>
    %sub3A_131 = arith.subf %slice3A_129, %slice3A_130 : vector<1x80xf32>
    %abs3A_132 = math.absf %sub3A_131 : vector<1x80xf32>
    %slice3A_133 = vector.extract_strided_slice %reshape3A_94 {offsets = [7, 20], sizes = [1, 80], strides = [1, 1]} : vector<8x100xf32> to vector<1x80xf32>
    %slice3A_134 = vector.extract_strided_slice %reshape3A_94 {offsets = [7, 0], sizes = [1, 80], strides = [1, 1]} : vector<8x100xf32> to vector<1x80xf32>
    %sub3A_135 = arith.subf %slice3A_133, %slice3A_134 : vector<1x80xf32>
    %abs3A_136 = math.absf %sub3A_135 : vector<1x80xf32>
    %concatenate3A_137 = tpu.concatenate %abs3A, %abs3A_112, %abs3A_116, %abs3A_120, %abs3A_124, %abs3A_128, %abs3A_132, %abs3A_136 in 1 : vector<1x80xf32>, vector<1x80xf32>, vector<1x80xf32>, vector<1x80xf32>, vector<1x80xf32>, vector<1x80xf32>, vector<1x80xf32>, vector<1x80xf32> -> vector<1x640xf32>
    %slice3A_138 = vector.extract_strided_slice %reshape3A_94 {offsets = [0, 20], sizes = [1, 80], strides = [1, 1]} : vector<8x100xf32> to vector<1x80xf32>
    %slice3A_139 = vector.extract_strided_slice %reshape3A_94 {offsets = [0, 1], sizes = [1, 80], strides = [1, 1]} : vector<8x100xf32> to vector<1x80xf32>
    %sub3A_140 = arith.subf %slice3A_138, %slice3A_139 : vector<1x80xf32>
    %abs3A_141 = math.absf %sub3A_140 : vector<1x80xf32>
    %slice3A_142 = vector.extract_strided_slice %reshape3A_94 {offsets = [1, 20], sizes = [1, 80], strides = [1, 1]} : vector<8x100xf32> to vector<1x80xf32>
    %slice3A_143 = vector.extract_strided_slice %reshape3A_94 {offsets = [1, 1], sizes = [1, 80], strides = [1, 1]} : vector<8x100xf32> to vector<1x80xf32>
    %sub3A_144 = arith.subf %slice3A_142, %slice3A_143 : vector<1x80xf32>
    %abs3A_145 = math.absf %sub3A_144 : vector<1x80xf32>
    %slice3A_146 = vector.extract_strided_slice %reshape3A_94 {offsets = [2, 20], sizes = [1, 80], strides = [1, 1]} : vector<8x100xf32> to vector<1x80xf32>
    %slice3A_147 = vector.extract_strided_slice %reshape3A_94 {offsets = [2, 1], sizes = [1, 80], strides = [1, 1]} : vector<8x100xf32> to vector<1x80xf32>
    %sub3A_148 = arith.subf %slice3A_146, %slice3A_147 : vector<1x80xf32>
    %abs3A_149 = math.absf %sub3A_148 : vector<1x80xf32>
    %slice3A_150 = vector.extract_strided_slice %reshape3A_94 {offsets = [3, 20], sizes = [1, 80], strides = [1, 1]} : vector<8x100xf32> to vector<1x80xf32>
    %slice3A_151 = vector.extract_strided_slice %reshape3A_94 {offsets = [3, 1], sizes = [1, 80], strides = [1, 1]} : vector<8x100xf32> to vector<1x80xf32>
    %sub3A_152 = arith.subf %slice3A_150, %slice3A_151 : vector<1x80xf32>
    %abs3A_153 = math.absf %sub3A_152 : vector<1x80xf32>
    %slice3A_154 = vector.extract_strided_slice %reshape3A_94 {offsets = [4, 20], sizes = [1, 80], strides = [1, 1]} : vector<8x100xf32> to vector<1x80xf32>
    %slice3A_155 = vector.extract_strided_slice %reshape3A_94 {offsets = [4, 1], sizes = [1, 80], strides = [1, 1]} : vector<8x100xf32> to vector<1x80xf32>
    %sub3A_156 = arith.subf %slice3A_154, %slice3A_155 : vector<1x80xf32>
    %abs3A_157 = math.absf %sub3A_156 : vector<1x80xf32>
    %slice3A_158 = vector.extract_strided_slice %reshape3A_94 {offsets = [5, 20], sizes = [1, 80], strides = [1, 1]} : vector<8x100xf32> to vector<1x80xf32>
    %slice3A_159 = vector.extract_strided_slice %reshape3A_94 {offsets = [5, 1], sizes = [1, 80], strides = [1, 1]} : vector<8x100xf32> to vector<1x80xf32>
    %sub3A_160 = arith.subf %slice3A_158, %slice3A_159 : vector<1x80xf32>
    %abs3A_161 = math.absf %sub3A_160 : vector<1x80xf32>
    %slice3A_162 = vector.extract_strided_slice %reshape3A_94 {offsets = [6, 20], sizes = [1, 80], strides = [1, 1]} : vector<8x100xf32> to vector<1x80xf32>
    %slice3A_163 = vector.extract_strided_slice %reshape3A_94 {offsets = [6, 1], sizes = [1, 80], strides = [1, 1]} : vector<8x100xf32> to vector<1x80xf32>
    %sub3A_164 = arith.subf %slice3A_162, %slice3A_163 : vector<1x80xf32>
    %abs3A_165 = math.absf %sub3A_164 : vector<1x80xf32>
    %slice3A_166 = vector.extract_strided_slice %reshape3A_94 {offsets = [7, 20], sizes = [1, 80], strides = [1, 1]} : vector<8x100xf32> to vector<1x80xf32>
    %slice3A_167 = vector.extract_strided_slice %reshape3A_94 {offsets = [7, 1], sizes = [1, 80], strides = [1, 1]} : vector<8x100xf32> to vector<1x80xf32>
    %sub3A_168 = arith.subf %slice3A_166, %slice3A_167 : vector<1x80xf32>
    %abs3A_169 = math.absf %sub3A_168 : vector<1x80xf32>
    %concatenate3A_170 = tpu.concatenate %abs3A_141, %abs3A_145, %abs3A_149, %abs3A_153, %abs3A_157, %abs3A_161, %abs3A_165, %abs3A_169 in 1 : vector<1x80xf32>, vector<1x80xf32>, vector<1x80xf32>, vector<1x80xf32>, vector<1x80xf32>, vector<1x80xf32>, vector<1x80xf32>, vector<1x80xf32> -> vector<1x640xf32>
    %slice3A_171 = vector.extract_strided_slice %reshape3A_94 {offsets = [0, 20], sizes = [1, 80], strides = [1, 1]} : vector<8x100xf32> to vector<1x80xf32>
    %slice3A_172 = vector.extract_strided_slice %reshape3A_94 {offsets = [0, 2], sizes = [1, 80], strides = [1, 1]} : vector<8x100xf32> to vector<1x80xf32>
    %sub3A_173 = arith.subf %slice3A_171, %slice3A_172 : vector<1x80xf32>
    %abs3A_174 = math.absf %sub3A_173 : vector<1x80xf32>
    %slice3A_175 = vector.extract_strided_slice %reshape3A_94 {offsets = [1, 20], sizes = [1, 80], strides = [1, 1]} : vector<8x100xf32> to vector<1x80xf32>
    %slice3A_176 = vector.extract_strided_slice %reshape3A_94 {offsets = [1, 2], sizes = [1, 80], strides = [1, 1]} : vector<8x100xf32> to vector<1x80xf32>
    %sub3A_177 = arith.subf %slice3A_175, %slice3A_176 : vector<1x80xf32>
    %abs3A_178 = math.absf %sub3A_177 : vector<1x80xf32>
    %slice3A_179 = vector.extract_strided_slice %reshape3A_94 {offsets = [2, 20], sizes = [1, 80], strides = [1, 1]} : vector<8x100xf32> to vector<1x80xf32>
    %slice3A_180 = vector.extract_strided_slice %reshape3A_94 {offsets = [2, 2], sizes = [1, 80], strides = [1, 1]} : vector<8x100xf32> to vector<1x80xf32>
    %sub3A_181 = arith.subf %slice3A_179, %slice3A_180 : vector<1x80xf32>
    %abs3A_182 = math.absf %sub3A_181 : vector<1x80xf32>
    %slice3A_183 = vector.extract_strided_slice %reshape3A_94 {offsets = [3, 20], sizes = [1, 80], strides = [1, 1]} : vector<8x100xf32> to vector<1x80xf32>
    %slice3A_184 = vector.extract_strided_slice %reshape3A_94 {offsets = [3, 2], sizes = [1, 80], strides = [1, 1]} : vector<8x100xf32> to vector<1x80xf32>
    %sub3A_185 = arith.subf %slice3A_183, %slice3A_184 : vector<1x80xf32>
    %abs3A_186 = math.absf %sub3A_185 : vector<1x80xf32>
    %slice3A_187 = vector.extract_strided_slice %reshape3A_94 {offsets = [4, 20], sizes = [1, 80], strides = [1, 1]} : vector<8x100xf32> to vector<1x80xf32>
    %slice3A_188 = vector.extract_strided_slice %reshape3A_94 {offsets = [4, 2], sizes = [1, 80], strides = [1, 1]} : vector<8x100xf32> to vector<1x80xf32>
    %sub3A_189 = arith.subf %slice3A_187, %slice3A_188 : vector<1x80xf32>
    %abs3A_190 = math.absf %sub3A_189 : vector<1x80xf32>
    %slice3A_191 = vector.extract_strided_slice %reshape3A_94 {offsets = [5, 20], sizes = [1, 80], strides = [1, 1]} : vector<8x100xf32> to vector<1x80xf32>
    %slice3A_192 = vector.extract_strided_slice %reshape3A_94 {offsets = [5, 2], sizes = [1, 80], strides = [1, 1]} : vector<8x100xf32> to vector<1x80xf32>
    %sub3A_193 = arith.subf %slice3A_191, %slice3A_192 : vector<1x80xf32>
    %abs3A_194 = math.absf %sub3A_193 : vector<1x80xf32>
    %slice3A_195 = vector.extract_strided_slice %reshape3A_94 {offsets = [6, 20], sizes = [1, 80], strides = [1, 1]} : vector<8x100xf32> to vector<1x80xf32>
    %slice3A_196 = vector.extract_strided_slice %reshape3A_94 {offsets = [6, 2], sizes = [1, 80], strides = [1, 1]} : vector<8x100xf32> to vector<1x80xf32>
    %sub3A_197 = arith.subf %slice3A_195, %slice3A_196 : vector<1x80xf32>
    %abs3A_198 = math.absf %sub3A_197 : vector<1x80xf32>
    %slice3A_199 = vector.extract_strided_slice %reshape3A_94 {offsets = [7, 20], sizes = [1, 80], strides = [1, 1]} : vector<8x100xf32> to vector<1x80xf32>
    %slice3A_200 = vector.extract_strided_slice %reshape3A_94 {offsets = [7, 2], sizes = [1, 80], strides = [1, 1]} : vector<8x100xf32> to vector<1x80xf32>
    %sub3A_201 = arith.subf %slice3A_199, %slice3A_200 : vector<1x80xf32>
    %abs3A_202 = math.absf %sub3A_201 : vector<1x80xf32>
    %concatenate3A_203 = tpu.concatenate %abs3A_174, %abs3A_178, %abs3A_182, %abs3A_186, %abs3A_190, %abs3A_194, %abs3A_198, %abs3A_202 in 1 : vector<1x80xf32>, vector<1x80xf32>, vector<1x80xf32>, vector<1x80xf32>, vector<1x80xf32>, vector<1x80xf32>, vector<1x80xf32>, vector<1x80xf32> -> vector<1x640xf32>
    %slice3A_204 = vector.extract_strided_slice %reshape3A_94 {offsets = [0, 20], sizes = [1, 80], strides = [1, 1]} : vector<8x100xf32> to vector<1x80xf32>
    %slice3A_205 = vector.extract_strided_slice %reshape3A_94 {offsets = [0, 3], sizes = [1, 80], strides = [1, 1]} : vector<8x100xf32> to vector<1x80xf32>
    %sub3A_206 = arith.subf %slice3A_204, %slice3A_205 : vector<1x80xf32>
    %abs3A_207 = math.absf %sub3A_206 : vector<1x80xf32>
    %slice3A_208 = vector.extract_strided_slice %reshape3A_94 {offsets = [1, 20], sizes = [1, 80], strides = [1, 1]} : vector<8x100xf32> to vector<1x80xf32>
    %slice3A_209 = vector.extract_strided_slice %reshape3A_94 {offsets = [1, 3], sizes = [1, 80], strides = [1, 1]} : vector<8x100xf32> to vector<1x80xf32>
    %sub3A_210 = arith.subf %slice3A_208, %slice3A_209 : vector<1x80xf32>
    %abs3A_211 = math.absf %sub3A_210 : vector<1x80xf32>
    %slice3A_212 = vector.extract_strided_slice %reshape3A_94 {offsets = [2, 20], sizes = [1, 80], strides = [1, 1]} : vector<8x100xf32> to vector<1x80xf32>
    %slice3A_213 = vector.extract_strided_slice %reshape3A_94 {offsets = [2, 3], sizes = [1, 80], strides = [1, 1]} : vector<8x100xf32> to vector<1x80xf32>
    %sub3A_214 = arith.subf %slice3A_212, %slice3A_213 : vector<1x80xf32>
    %abs3A_215 = math.absf %sub3A_214 : vector<1x80xf32>
    %slice3A_216 = vector.extract_strided_slice %reshape3A_94 {offsets = [3, 20], sizes = [1, 80], strides = [1, 1]} : vector<8x100xf32> to vector<1x80xf32>
    %slice3A_217 = vector.extract_strided_slice %reshape3A_94 {offsets = [3, 3], sizes = [1, 80], strides = [1, 1]} : vector<8x100xf32> to vector<1x80xf32>
    %sub3A_218 = arith.subf %slice3A_216, %slice3A_217 : vector<1x80xf32>
    %abs3A_219 = math.absf %sub3A_218 : vector<1x80xf32>
    %slice3A_220 = vector.extract_strided_slice %reshape3A_94 {offsets = [4, 20], sizes = [1, 80], strides = [1, 1]} : vector<8x100xf32> to vector<1x80xf32>
    %slice3A_221 = vector.extract_strided_slice %reshape3A_94 {offsets = [4, 3], sizes = [1, 80], strides = [1, 1]} : vector<8x100xf32> to vector<1x80xf32>
    %sub3A_222 = arith.subf %slice3A_220, %slice3A_221 : vector<1x80xf32>
    %abs3A_223 = math.absf %sub3A_222 : vector<1x80xf32>
    %slice3A_224 = vector.extract_strided_slice %reshape3A_94 {offsets = [5, 20], sizes = [1, 80], strides = [1, 1]} : vector<8x100xf32> to vector<1x80xf32>
    %slice3A_225 = vector.extract_strided_slice %reshape3A_94 {offsets = [5, 3], sizes = [1, 80], strides = [1, 1]} : vector<8x100xf32> to vector<1x80xf32>
    %sub3A_226 = arith.subf %slice3A_224, %slice3A_225 : vector<1x80xf32>
    %abs3A_227 = math.absf %sub3A_226 : vector<1x80xf32>
    %slice3A_228 = vector.extract_strided_slice %reshape3A_94 {offsets = [6, 20], sizes = [1, 80], strides = [1, 1]} : vector<8x100xf32> to vector<1x80xf32>
    %slice3A_229 = vector.extract_strided_slice %reshape3A_94 {offsets = [6, 3], sizes = [1, 80], strides = [1, 1]} : vector<8x100xf32> to vector<1x80xf32>
    %sub3A_230 = arith.subf %slice3A_228, %slice3A_229 : vector<1x80xf32>
    %abs3A_231 = math.absf %sub3A_230 : vector<1x80xf32>
    %slice3A_232 = vector.extract_strided_slice %reshape3A_94 {offsets = [7, 20], sizes = [1, 80], strides = [1, 1]} : vector<8x100xf32> to vector<1x80xf32>
    %slice3A_233 = vector.extract_strided_slice %reshape3A_94 {offsets = [7, 3], sizes = [1, 80], strides = [1, 1]} : vector<8x100xf32> to vector<1x80xf32>
    %sub3A_234 = arith.subf %slice3A_232, %slice3A_233 : vector<1x80xf32>
    %abs3A_235 = math.absf %sub3A_234 : vector<1x80xf32>
    %concatenate3A_236 = tpu.concatenate %abs3A_207, %abs3A_211, %abs3A_215, %abs3A_219, %abs3A_223, %abs3A_227, %abs3A_231, %abs3A_235 in 1 : vector<1x80xf32>, vector<1x80xf32>, vector<1x80xf32>, vector<1x80xf32>, vector<1x80xf32>, vector<1x80xf32>, vector<1x80xf32>, vector<1x80xf32> -> vector<1x640xf32>
    %slice3A_237 = vector.extract_strided_slice %reshape3A_94 {offsets = [0, 20], sizes = [1, 80], strides = [1, 1]} : vector<8x100xf32> to vector<1x80xf32>
    %slice3A_238 = vector.extract_strided_slice %reshape3A_94 {offsets = [0, 4], sizes = [1, 80], strides = [1, 1]} : vector<8x100xf32> to vector<1x80xf32>
    %sub3A_239 = arith.subf %slice3A_237, %slice3A_238 : vector<1x80xf32>
    %abs3A_240 = math.absf %sub3A_239 : vector<1x80xf32>
    %slice3A_241 = vector.extract_strided_slice %reshape3A_94 {offsets = [1, 20], sizes = [1, 80], strides = [1, 1]} : vector<8x100xf32> to vector<1x80xf32>
    %slice3A_242 = vector.extract_strided_slice %reshape3A_94 {offsets = [1, 4], sizes = [1, 80], strides = [1, 1]} : vector<8x100xf32> to vector<1x80xf32>
    %sub3A_243 = arith.subf %slice3A_241, %slice3A_242 : vector<1x80xf32>
    %abs3A_244 = math.absf %sub3A_243 : vector<1x80xf32>
    %slice3A_245 = vector.extract_strided_slice %reshape3A_94 {offsets = [2, 20], sizes = [1, 80], strides = [1, 1]} : vector<8x100xf32> to vector<1x80xf32>
    %slice3A_246 = vector.extract_strided_slice %reshape3A_94 {offsets = [2, 4], sizes = [1, 80], strides = [1, 1]} : vector<8x100xf32> to vector<1x80xf32>
    %sub3A_247 = arith.subf %slice3A_245, %slice3A_246 : vector<1x80xf32>
    %abs3A_248 = math.absf %sub3A_247 : vector<1x80xf32>
    %slice3A_249 = vector.extract_strided_slice %reshape3A_94 {offsets = [3, 20], sizes = [1, 80], strides = [1, 1]} : vector<8x100xf32> to vector<1x80xf32>
    %slice3A_250 = vector.extract_strided_slice %reshape3A_94 {offsets = [3, 4], sizes = [1, 80], strides = [1, 1]} : vector<8x100xf32> to vector<1x80xf32>
    %sub3A_251 = arith.subf %slice3A_249, %slice3A_250 : vector<1x80xf32>
    %abs3A_252 = math.absf %sub3A_251 : vector<1x80xf32>
    %slice3A_253 = vector.extract_strided_slice %reshape3A_94 {offsets = [4, 20], sizes = [1, 80], strides = [1, 1]} : vector<8x100xf32> to vector<1x80xf32>
    %slice3A_254 = vector.extract_strided_slice %reshape3A_94 {offsets = [4, 4], sizes = [1, 80], strides = [1, 1]} : vector<8x100xf32> to vector<1x80xf32>
    %sub3A_255 = arith.subf %slice3A_253, %slice3A_254 : vector<1x80xf32>
    %abs3A_256 = math.absf %sub3A_255 : vector<1x80xf32>
    %slice3A_257 = vector.extract_strided_slice %reshape3A_94 {offsets = [5, 20], sizes = [1, 80], strides = [1, 1]} : vector<8x100xf32> to vector<1x80xf32>
    %slice3A_258 = vector.extract_strided_slice %reshape3A_94 {offsets = [5, 4], sizes = [1, 80], strides = [1, 1]} : vector<8x100xf32> to vector<1x80xf32>
    %sub3A_259 = arith.subf %slice3A_257, %slice3A_258 : vector<1x80xf32>
    %abs3A_260 = math.absf %sub3A_259 : vector<1x80xf32>
    %slice3A_261 = vector.extract_strided_slice %reshape3A_94 {offsets = [6, 20], sizes = [1, 80], strides = [1, 1]} : vector<8x100xf32> to vector<1x80xf32>
    %slice3A_262 = vector.extract_strided_slice %reshape3A_94 {offsets = [6, 4], sizes = [1, 80], strides = [1, 1]} : vector<8x100xf32> to vector<1x80xf32>
    %sub3A_263 = arith.subf %slice3A_261, %slice3A_262 : vector<1x80xf32>
    %abs3A_264 = math.absf %sub3A_263 : vector<1x80xf32>
    %slice3A_265 = vector.extract_strided_slice %reshape3A_94 {offsets = [7, 20], sizes = [1, 80], strides = [1, 1]} : vector<8x100xf32> to vector<1x80xf32>
    %slice3A_266 = vector.extract_strided_slice %reshape3A_94 {offsets = [7, 4], sizes = [1, 80], strides = [1, 1]} : vector<8x100xf32> to vector<1x80xf32>
    %sub3A_267 = arith.subf %slice3A_265, %slice3A_266 : vector<1x80xf32>
    %abs3A_268 = math.absf %sub3A_267 : vector<1x80xf32>
    %concatenate3A_269 = tpu.concatenate %abs3A_240, %abs3A_244, %abs3A_248, %abs3A_252, %abs3A_256, %abs3A_260, %abs3A_264, %abs3A_268 in 1 : vector<1x80xf32>, vector<1x80xf32>, vector<1x80xf32>, vector<1x80xf32>, vector<1x80xf32>, vector<1x80xf32>, vector<1x80xf32>, vector<1x80xf32> -> vector<1x640xf32>
    %slice3A_270 = vector.extract_strided_slice %reshape3A_94 {offsets = [0, 20], sizes = [1, 80], strides = [1, 1]} : vector<8x100xf32> to vector<1x80xf32>
    %slice3A_271 = vector.extract_strided_slice %reshape3A_94 {offsets = [0, 5], sizes = [1, 80], strides = [1, 1]} : vector<8x100xf32> to vector<1x80xf32>
    %sub3A_272 = arith.subf %slice3A_270, %slice3A_271 : vector<1x80xf32>
    %abs3A_273 = math.absf %sub3A_272 : vector<1x80xf32>
    %slice3A_274 = vector.extract_strided_slice %reshape3A_94 {offsets = [1, 20], sizes = [1, 80], strides = [1, 1]} : vector<8x100xf32> to vector<1x80xf32>
    %slice3A_275 = vector.extract_strided_slice %reshape3A_94 {offsets = [1, 5], sizes = [1, 80], strides = [1, 1]} : vector<8x100xf32> to vector<1x80xf32>
    %sub3A_276 = arith.subf %slice3A_274, %slice3A_275 : vector<1x80xf32>
    %abs3A_277 = math.absf %sub3A_276 : vector<1x80xf32>
    %slice3A_278 = vector.extract_strided_slice %reshape3A_94 {offsets = [2, 20], sizes = [1, 80], strides = [1, 1]} : vector<8x100xf32> to vector<1x80xf32>
    %slice3A_279 = vector.extract_strided_slice %reshape3A_94 {offsets = [2, 5], sizes = [1, 80], strides = [1, 1]} : vector<8x100xf32> to vector<1x80xf32>
    %sub3A_280 = arith.subf %slice3A_278, %slice3A_279 : vector<1x80xf32>
    %abs3A_281 = math.absf %sub3A_280 : vector<1x80xf32>
    %slice3A_282 = vector.extract_strided_slice %reshape3A_94 {offsets = [3, 20], sizes = [1, 80], strides = [1, 1]} : vector<8x100xf32> to vector<1x80xf32>
    %slice3A_283 = vector.extract_strided_slice %reshape3A_94 {offsets = [3, 5], sizes = [1, 80], strides = [1, 1]} : vector<8x100xf32> to vector<1x80xf32>
    %sub3A_284 = arith.subf %slice3A_282, %slice3A_283 : vector<1x80xf32>
    %abs3A_285 = math.absf %sub3A_284 : vector<1x80xf32>
    %slice3A_286 = vector.extract_strided_slice %reshape3A_94 {offsets = [4, 20], sizes = [1, 80], strides = [1, 1]} : vector<8x100xf32> to vector<1x80xf32>
    %slice3A_287 = vector.extract_strided_slice %reshape3A_94 {offsets = [4, 5], sizes = [1, 80], strides = [1, 1]} : vector<8x100xf32> to vector<1x80xf32>
    %sub3A_288 = arith.subf %slice3A_286, %slice3A_287 : vector<1x80xf32>
    %abs3A_289 = math.absf %sub3A_288 : vector<1x80xf32>
    %slice3A_290 = vector.extract_strided_slice %reshape3A_94 {offsets = [5, 20], sizes = [1, 80], strides = [1, 1]} : vector<8x100xf32> to vector<1x80xf32>
    %slice3A_291 = vector.extract_strided_slice %reshape3A_94 {offsets = [5, 5], sizes = [1, 80], strides = [1, 1]} : vector<8x100xf32> to vector<1x80xf32>
    %sub3A_292 = arith.subf %slice3A_290, %slice3A_291 : vector<1x80xf32>
    %abs3A_293 = math.absf %sub3A_292 : vector<1x80xf32>
    %slice3A_294 = vector.extract_strided_slice %reshape3A_94 {offsets = [6, 20], sizes = [1, 80], strides = [1, 1]} : vector<8x100xf32> to vector<1x80xf32>
    %slice3A_295 = vector.extract_strided_slice %reshape3A_94 {offsets = [6, 5], sizes = [1, 80], strides = [1, 1]} : vector<8x100xf32> to vector<1x80xf32>
    %sub3A_296 = arith.subf %slice3A_294, %slice3A_295 : vector<1x80xf32>
    %abs3A_297 = math.absf %sub3A_296 : vector<1x80xf32>
    %slice3A_298 = vector.extract_strided_slice %reshape3A_94 {offsets = [7, 20], sizes = [1, 80], strides = [1, 1]} : vector<8x100xf32> to vector<1x80xf32>
    %slice3A_299 = vector.extract_strided_slice %reshape3A_94 {offsets = [7, 5], sizes = [1, 80], strides = [1, 1]} : vector<8x100xf32> to vector<1x80xf32>
    %sub3A_300 = arith.subf %slice3A_298, %slice3A_299 : vector<1x80xf32>
    %abs3A_301 = math.absf %sub3A_300 : vector<1x80xf32>
    %concatenate3A_302 = tpu.concatenate %abs3A_273, %abs3A_277, %abs3A_281, %abs3A_285, %abs3A_289, %abs3A_293, %abs3A_297, %abs3A_301 in 1 : vector<1x80xf32>, vector<1x80xf32>, vector<1x80xf32>, vector<1x80xf32>, vector<1x80xf32>, vector<1x80xf32>, vector<1x80xf32>, vector<1x80xf32> -> vector<1x640xf32>
    %slice3A_303 = vector.extract_strided_slice %reshape3A_94 {offsets = [0, 20], sizes = [1, 80], strides = [1, 1]} : vector<8x100xf32> to vector<1x80xf32>
    %slice3A_304 = vector.extract_strided_slice %reshape3A_94 {offsets = [0, 6], sizes = [1, 80], strides = [1, 1]} : vector<8x100xf32> to vector<1x80xf32>
    %sub3A_305 = arith.subf %slice3A_303, %slice3A_304 : vector<1x80xf32>
    %abs3A_306 = math.absf %sub3A_305 : vector<1x80xf32>
    %slice3A_307 = vector.extract_strided_slice %reshape3A_94 {offsets = [1, 20], sizes = [1, 80], strides = [1, 1]} : vector<8x100xf32> to vector<1x80xf32>
    %slice3A_308 = vector.extract_strided_slice %reshape3A_94 {offsets = [1, 6], sizes = [1, 80], strides = [1, 1]} : vector<8x100xf32> to vector<1x80xf32>
    %sub3A_309 = arith.subf %slice3A_307, %slice3A_308 : vector<1x80xf32>
    %abs3A_310 = math.absf %sub3A_309 : vector<1x80xf32>
    %slice3A_311 = vector.extract_strided_slice %reshape3A_94 {offsets = [2, 20], sizes = [1, 80], strides = [1, 1]} : vector<8x100xf32> to vector<1x80xf32>
    %slice3A_312 = vector.extract_strided_slice %reshape3A_94 {offsets = [2, 6], sizes = [1, 80], strides = [1, 1]} : vector<8x100xf32> to vector<1x80xf32>
    %sub3A_313 = arith.subf %slice3A_311, %slice3A_312 : vector<1x80xf32>
    %abs3A_314 = math.absf %sub3A_313 : vector<1x80xf32>
    %slice3A_315 = vector.extract_strided_slice %reshape3A_94 {offsets = [3, 20], sizes = [1, 80], strides = [1, 1]} : vector<8x100xf32> to vector<1x80xf32>
    %slice3A_316 = vector.extract_strided_slice %reshape3A_94 {offsets = [3, 6], sizes = [1, 80], strides = [1, 1]} : vector<8x100xf32> to vector<1x80xf32>
    %sub3A_317 = arith.subf %slice3A_315, %slice3A_316 : vector<1x80xf32>
    %abs3A_318 = math.absf %sub3A_317 : vector<1x80xf32>
    %slice3A_319 = vector.extract_strided_slice %reshape3A_94 {offsets = [4, 20], sizes = [1, 80], strides = [1, 1]} : vector<8x100xf32> to vector<1x80xf32>
    %slice3A_320 = vector.extract_strided_slice %reshape3A_94 {offsets = [4, 6], sizes = [1, 80], strides = [1, 1]} : vector<8x100xf32> to vector<1x80xf32>
    %sub3A_321 = arith.subf %slice3A_319, %slice3A_320 : vector<1x80xf32>
    %abs3A_322 = math.absf %sub3A_321 : vector<1x80xf32>
    %slice3A_323 = vector.extract_strided_slice %reshape3A_94 {offsets = [5, 20], sizes = [1, 80], strides = [1, 1]} : vector<8x100xf32> to vector<1x80xf32>
    %slice3A_324 = vector.extract_strided_slice %reshape3A_94 {offsets = [5, 6], sizes = [1, 80], strides = [1, 1]} : vector<8x100xf32> to vector<1x80xf32>
    %sub3A_325 = arith.subf %slice3A_323, %slice3A_324 : vector<1x80xf32>
    %abs3A_326 = math.absf %sub3A_325 : vector<1x80xf32>
    %slice3A_327 = vector.extract_strided_slice %reshape3A_94 {offsets = [6, 20], sizes = [1, 80], strides = [1, 1]} : vector<8x100xf32> to vector<1x80xf32>
    %slice3A_328 = vector.extract_strided_slice %reshape3A_94 {offsets = [6, 6], sizes = [1, 80], strides = [1, 1]} : vector<8x100xf32> to vector<1x80xf32>
    %sub3A_329 = arith.subf %slice3A_327, %slice3A_328 : vector<1x80xf32>
    %abs3A_330 = math.absf %sub3A_329 : vector<1x80xf32>
    %slice3A_331 = vector.extract_strided_slice %reshape3A_94 {offsets = [7, 20], sizes = [1, 80], strides = [1, 1]} : vector<8x100xf32> to vector<1x80xf32>
    %slice3A_332 = vector.extract_strided_slice %reshape3A_94 {offsets = [7, 6], sizes = [1, 80], strides = [1, 1]} : vector<8x100xf32> to vector<1x80xf32>
    %sub3A_333 = arith.subf %slice3A_331, %slice3A_332 : vector<1x80xf32>
    %abs3A_334 = math.absf %sub3A_333 : vector<1x80xf32>
    %concatenate3A_335 = tpu.concatenate %abs3A_306, %abs3A_310, %abs3A_314, %abs3A_318, %abs3A_322, %abs3A_326, %abs3A_330, %abs3A_334 in 1 : vector<1x80xf32>, vector<1x80xf32>, vector<1x80xf32>, vector<1x80xf32>, vector<1x80xf32>, vector<1x80xf32>, vector<1x80xf32>, vector<1x80xf32> -> vector<1x640xf32>
    %slice3A_336 = vector.extract_strided_slice %reshape3A_94 {offsets = [0, 20], sizes = [1, 80], strides = [1, 1]} : vector<8x100xf32> to vector<1x80xf32>
    %slice3A_337 = vector.extract_strided_slice %reshape3A_94 {offsets = [0, 7], sizes = [1, 80], strides = [1, 1]} : vector<8x100xf32> to vector<1x80xf32>
    %sub3A_338 = arith.subf %slice3A_336, %slice3A_337 : vector<1x80xf32>
    %abs3A_339 = math.absf %sub3A_338 : vector<1x80xf32>
    %slice3A_340 = vector.extract_strided_slice %reshape3A_94 {offsets = [1, 20], sizes = [1, 80], strides = [1, 1]} : vector<8x100xf32> to vector<1x80xf32>
    %slice3A_341 = vector.extract_strided_slice %reshape3A_94 {offsets = [1, 7], sizes = [1, 80], strides = [1, 1]} : vector<8x100xf32> to vector<1x80xf32>
    %sub3A_342 = arith.subf %slice3A_340, %slice3A_341 : vector<1x80xf32>
    %abs3A_343 = math.absf %sub3A_342 : vector<1x80xf32>
    %slice3A_344 = vector.extract_strided_slice %reshape3A_94 {offsets = [2, 20], sizes = [1, 80], strides = [1, 1]} : vector<8x100xf32> to vector<1x80xf32>
    %slice3A_345 = vector.extract_strided_slice %reshape3A_94 {offsets = [2, 7], sizes = [1, 80], strides = [1, 1]} : vector<8x100xf32> to vector<1x80xf32>
    %sub3A_346 = arith.subf %slice3A_344, %slice3A_345 : vector<1x80xf32>
    %abs3A_347 = math.absf %sub3A_346 : vector<1x80xf32>
    %slice3A_348 = vector.extract_strided_slice %reshape3A_94 {offsets = [3, 20], sizes = [1, 80], strides = [1, 1]} : vector<8x100xf32> to vector<1x80xf32>
    %slice3A_349 = vector.extract_strided_slice %reshape3A_94 {offsets = [3, 7], sizes = [1, 80], strides = [1, 1]} : vector<8x100xf32> to vector<1x80xf32>
    %sub3A_350 = arith.subf %slice3A_348, %slice3A_349 : vector<1x80xf32>
    %abs3A_351 = math.absf %sub3A_350 : vector<1x80xf32>
    %slice3A_352 = vector.extract_strided_slice %reshape3A_94 {offsets = [4, 20], sizes = [1, 80], strides = [1, 1]} : vector<8x100xf32> to vector<1x80xf32>
    %slice3A_353 = vector.extract_strided_slice %reshape3A_94 {offsets = [4, 7], sizes = [1, 80], strides = [1, 1]} : vector<8x100xf32> to vector<1x80xf32>
    %sub3A_354 = arith.subf %slice3A_352, %slice3A_353 : vector<1x80xf32>
    %abs3A_355 = math.absf %sub3A_354 : vector<1x80xf32>
    %slice3A_356 = vector.extract_strided_slice %reshape3A_94 {offsets = [5, 20], sizes = [1, 80], strides = [1, 1]} : vector<8x100xf32> to vector<1x80xf32>
    %slice3A_357 = vector.extract_strided_slice %reshape3A_94 {offsets = [5, 7], sizes = [1, 80], strides = [1, 1]} : vector<8x100xf32> to vector<1x80xf32>
    %sub3A_358 = arith.subf %slice3A_356, %slice3A_357 : vector<1x80xf32>
    %abs3A_359 = math.absf %sub3A_358 : vector<1x80xf32>
    %slice3A_360 = vector.extract_strided_slice %reshape3A_94 {offsets = [6, 20], sizes = [1, 80], strides = [1, 1]} : vector<8x100xf32> to vector<1x80xf32>
    %slice3A_361 = vector.extract_strided_slice %reshape3A_94 {offsets = [6, 7], sizes = [1, 80], strides = [1, 1]} : vector<8x100xf32> to vector<1x80xf32>
    %sub3A_362 = arith.subf %slice3A_360, %slice3A_361 : vector<1x80xf32>
    %abs3A_363 = math.absf %sub3A_362 : vector<1x80xf32>
    %slice3A_364 = vector.extract_strided_slice %reshape3A_94 {offsets = [7, 20], sizes = [1, 80], strides = [1, 1]} : vector<8x100xf32> to vector<1x80xf32>
    %slice3A_365 = vector.extract_strided_slice %reshape3A_94 {offsets = [7, 7], sizes = [1, 80], strides = [1, 1]} : vector<8x100xf32> to vector<1x80xf32>
    %sub3A_366 = arith.subf %slice3A_364, %slice3A_365 : vector<1x80xf32>
    %abs3A_367 = math.absf %sub3A_366 : vector<1x80xf32>
    %concatenate3A_368 = tpu.concatenate %abs3A_339, %abs3A_343, %abs3A_347, %abs3A_351, %abs3A_355, %abs3A_359, %abs3A_363, %abs3A_367 in 1 : vector<1x80xf32>, vector<1x80xf32>, vector<1x80xf32>, vector<1x80xf32>, vector<1x80xf32>, vector<1x80xf32>, vector<1x80xf32>, vector<1x80xf32> -> vector<1x640xf32>
    %slice3A_369 = vector.extract_strided_slice %reshape3A_94 {offsets = [0, 20], sizes = [1, 80], strides = [1, 1]} : vector<8x100xf32> to vector<1x80xf32>
    %slice3A_370 = vector.extract_strided_slice %reshape3A_94 {offsets = [0, 8], sizes = [1, 80], strides = [1, 1]} : vector<8x100xf32> to vector<1x80xf32>
    %sub3A_371 = arith.subf %slice3A_369, %slice3A_370 : vector<1x80xf32>
    %abs3A_372 = math.absf %sub3A_371 : vector<1x80xf32>
    %slice3A_373 = vector.extract_strided_slice %reshape3A_94 {offsets = [1, 20], sizes = [1, 80], strides = [1, 1]} : vector<8x100xf32> to vector<1x80xf32>
    %slice3A_374 = vector.extract_strided_slice %reshape3A_94 {offsets = [1, 8], sizes = [1, 80], strides = [1, 1]} : vector<8x100xf32> to vector<1x80xf32>
    %sub3A_375 = arith.subf %slice3A_373, %slice3A_374 : vector<1x80xf32>
    %abs3A_376 = math.absf %sub3A_375 : vector<1x80xf32>
    %slice3A_377 = vector.extract_strided_slice %reshape3A_94 {offsets = [2, 20], sizes = [1, 80], strides = [1, 1]} : vector<8x100xf32> to vector<1x80xf32>
    %slice3A_378 = vector.extract_strided_slice %reshape3A_94 {offsets = [2, 8], sizes = [1, 80], strides = [1, 1]} : vector<8x100xf32> to vector<1x80xf32>
    %sub3A_379 = arith.subf %slice3A_377, %slice3A_378 : vector<1x80xf32>
    %abs3A_380 = math.absf %sub3A_379 : vector<1x80xf32>
    %slice3A_381 = vector.extract_strided_slice %reshape3A_94 {offsets = [3, 20], sizes = [1, 80], strides = [1, 1]} : vector<8x100xf32> to vector<1x80xf32>
    %slice3A_382 = vector.extract_strided_slice %reshape3A_94 {offsets = [3, 8], sizes = [1, 80], strides = [1, 1]} : vector<8x100xf32> to vector<1x80xf32>
    %sub3A_383 = arith.subf %slice3A_381, %slice3A_382 : vector<1x80xf32>
    %abs3A_384 = math.absf %sub3A_383 : vector<1x80xf32>
    %slice3A_385 = vector.extract_strided_slice %reshape3A_94 {offsets = [4, 20], sizes = [1, 80], strides = [1, 1]} : vector<8x100xf32> to vector<1x80xf32>
    %slice3A_386 = vector.extract_strided_slice %reshape3A_94 {offsets = [4, 8], sizes = [1, 80], strides = [1, 1]} : vector<8x100xf32> to vector<1x80xf32>
    %sub3A_387 = arith.subf %slice3A_385, %slice3A_386 : vector<1x80xf32>
    %abs3A_388 = math.absf %sub3A_387 : vector<1x80xf32>
    %slice3A_389 = vector.extract_strided_slice %reshape3A_94 {offsets = [5, 20], sizes = [1, 80], strides = [1, 1]} : vector<8x100xf32> to vector<1x80xf32>
    %slice3A_390 = vector.extract_strided_slice %reshape3A_94 {offsets = [5, 8], sizes = [1, 80], strides = [1, 1]} : vector<8x100xf32> to vector<1x80xf32>
    %sub3A_391 = arith.subf %slice3A_389, %slice3A_390 : vector<1x80xf32>
    %abs3A_392 = math.absf %sub3A_391 : vector<1x80xf32>
    %slice3A_393 = vector.extract_strided_slice %reshape3A_94 {offsets = [6, 20], sizes = [1, 80], strides = [1, 1]} : vector<8x100xf32> to vector<1x80xf32>
    %slice3A_394 = vector.extract_strided_slice %reshape3A_94 {offsets = [6, 8], sizes = [1, 80], strides = [1, 1]} : vector<8x100xf32> to vector<1x80xf32>
    %sub3A_395 = arith.subf %slice3A_393, %slice3A_394 : vector<1x80xf32>
    %abs3A_396 = math.absf %sub3A_395 : vector<1x80xf32>
    %slice3A_397 = vector.extract_strided_slice %reshape3A_94 {offsets = [7, 20], sizes = [1, 80], strides = [1, 1]} : vector<8x100xf32> to vector<1x80xf32>
    %slice3A_398 = vector.extract_strided_slice %reshape3A_94 {offsets = [7, 8], sizes = [1, 80], strides = [1, 1]} : vector<8x100xf32> to vector<1x80xf32>
    %sub3A_399 = arith.subf %slice3A_397, %slice3A_398 : vector<1x80xf32>
    %abs3A_400 = math.absf %sub3A_399 : vector<1x80xf32>
    %concatenate3A_401 = tpu.concatenate %abs3A_372, %abs3A_376, %abs3A_380, %abs3A_384, %abs3A_388, %abs3A_392, %abs3A_396, %abs3A_400 in 1 : vector<1x80xf32>, vector<1x80xf32>, vector<1x80xf32>, vector<1x80xf32>, vector<1x80xf32>, vector<1x80xf32>, vector<1x80xf32>, vector<1x80xf32> -> vector<1x640xf32>
    %slice3A_402 = vector.extract_strided_slice %reshape3A_94 {offsets = [0, 20], sizes = [1, 80], strides = [1, 1]} : vector<8x100xf32> to vector<1x80xf32>
    %slice3A_403 = vector.extract_strided_slice %reshape3A_94 {offsets = [0, 9], sizes = [1, 80], strides = [1, 1]} : vector<8x100xf32> to vector<1x80xf32>
    %sub3A_404 = arith.subf %slice3A_402, %slice3A_403 : vector<1x80xf32>
    %abs3A_405 = math.absf %sub3A_404 : vector<1x80xf32>
    %slice3A_406 = vector.extract_strided_slice %reshape3A_94 {offsets = [1, 20], sizes = [1, 80], strides = [1, 1]} : vector<8x100xf32> to vector<1x80xf32>
    %slice3A_407 = vector.extract_strided_slice %reshape3A_94 {offsets = [1, 9], sizes = [1, 80], strides = [1, 1]} : vector<8x100xf32> to vector<1x80xf32>
    %sub3A_408 = arith.subf %slice3A_406, %slice3A_407 : vector<1x80xf32>
    %abs3A_409 = math.absf %sub3A_408 : vector<1x80xf32>
    %slice3A_410 = vector.extract_strided_slice %reshape3A_94 {offsets = [2, 20], sizes = [1, 80], strides = [1, 1]} : vector<8x100xf32> to vector<1x80xf32>
    %slice3A_411 = vector.extract_strided_slice %reshape3A_94 {offsets = [2, 9], sizes = [1, 80], strides = [1, 1]} : vector<8x100xf32> to vector<1x80xf32>
    %sub3A_412 = arith.subf %slice3A_410, %slice3A_411 : vector<1x80xf32>
    %abs3A_413 = math.absf %sub3A_412 : vector<1x80xf32>
    %slice3A_414 = vector.extract_strided_slice %reshape3A_94 {offsets = [3, 20], sizes = [1, 80], strides = [1, 1]} : vector<8x100xf32> to vector<1x80xf32>
    %slice3A_415 = vector.extract_strided_slice %reshape3A_94 {offsets = [3, 9], sizes = [1, 80], strides = [1, 1]} : vector<8x100xf32> to vector<1x80xf32>
    %sub3A_416 = arith.subf %slice3A_414, %slice3A_415 : vector<1x80xf32>
    %abs3A_417 = math.absf %sub3A_416 : vector<1x80xf32>
    %slice3A_418 = vector.extract_strided_slice %reshape3A_94 {offsets = [4, 20], sizes = [1, 80], strides = [1, 1]} : vector<8x100xf32> to vector<1x80xf32>
    %slice3A_419 = vector.extract_strided_slice %reshape3A_94 {offsets = [4, 9], sizes = [1, 80], strides = [1, 1]} : vector<8x100xf32> to vector<1x80xf32>
    %sub3A_420 = arith.subf %slice3A_418, %slice3A_419 : vector<1x80xf32>
    %abs3A_421 = math.absf %sub3A_420 : vector<1x80xf32>
    %slice3A_422 = vector.extract_strided_slice %reshape3A_94 {offsets = [5, 20], sizes = [1, 80], strides = [1, 1]} : vector<8x100xf32> to vector<1x80xf32>
    %slice3A_423 = vector.extract_strided_slice %reshape3A_94 {offsets = [5, 9], sizes = [1, 80], strides = [1, 1]} : vector<8x100xf32> to vector<1x80xf32>
    %sub3A_424 = arith.subf %slice3A_422, %slice3A_423 : vector<1x80xf32>
    %abs3A_425 = math.absf %sub3A_424 : vector<1x80xf32>
    %slice3A_426 = vector.extract_strided_slice %reshape3A_94 {offsets = [6, 20], sizes = [1, 80], strides = [1, 1]} : vector<8x100xf32> to vector<1x80xf32>
    %slice3A_427 = vector.extract_strided_slice %reshape3A_94 {offsets = [6, 9], sizes = [1, 80], strides = [1, 1]} : vector<8x100xf32> to vector<1x80xf32>
    %sub3A_428 = arith.subf %slice3A_426, %slice3A_427 : vector<1x80xf32>
    %abs3A_429 = math.absf %sub3A_428 : vector<1x80xf32>
    %slice3A_430 = vector.extract_strided_slice %reshape3A_94 {offsets = [7, 20], sizes = [1, 80], strides = [1, 1]} : vector<8x100xf32> to vector<1x80xf32>
    %slice3A_431 = vector.extract_strided_slice %reshape3A_94 {offsets = [7, 9], sizes = [1, 80], strides = [1, 1]} : vector<8x100xf32> to vector<1x80xf32>
    %sub3A_432 = arith.subf %slice3A_430, %slice3A_431 : vector<1x80xf32>
    %abs3A_433 = math.absf %sub3A_432 : vector<1x80xf32>
    %concatenate3A_434 = tpu.concatenate %abs3A_405, %abs3A_409, %abs3A_413, %abs3A_417, %abs3A_421, %abs3A_425, %abs3A_429, %abs3A_433 in 1 : vector<1x80xf32>, vector<1x80xf32>, vector<1x80xf32>, vector<1x80xf32>, vector<1x80xf32>, vector<1x80xf32>, vector<1x80xf32>, vector<1x80xf32> -> vector<1x640xf32>
    %slice3A_435 = vector.extract_strided_slice %reshape3A_94 {offsets = [0, 20], sizes = [1, 80], strides = [1, 1]} : vector<8x100xf32> to vector<1x80xf32>
    %slice3A_436 = vector.extract_strided_slice %reshape3A_94 {offsets = [0, 10], sizes = [1, 80], strides = [1, 1]} : vector<8x100xf32> to vector<1x80xf32>
    %sub3A_437 = arith.subf %slice3A_435, %slice3A_436 : vector<1x80xf32>
    %abs3A_438 = math.absf %sub3A_437 : vector<1x80xf32>
    %slice3A_439 = vector.extract_strided_slice %reshape3A_94 {offsets = [1, 20], sizes = [1, 80], strides = [1, 1]} : vector<8x100xf32> to vector<1x80xf32>
    %slice3A_440 = vector.extract_strided_slice %reshape3A_94 {offsets = [1, 10], sizes = [1, 80], strides = [1, 1]} : vector<8x100xf32> to vector<1x80xf32>
    %sub3A_441 = arith.subf %slice3A_439, %slice3A_440 : vector<1x80xf32>
    %abs3A_442 = math.absf %sub3A_441 : vector<1x80xf32>
    %slice3A_443 = vector.extract_strided_slice %reshape3A_94 {offsets = [2, 20], sizes = [1, 80], strides = [1, 1]} : vector<8x100xf32> to vector<1x80xf32>
    %slice3A_444 = vector.extract_strided_slice %reshape3A_94 {offsets = [2, 10], sizes = [1, 80], strides = [1, 1]} : vector<8x100xf32> to vector<1x80xf32>
    %sub3A_445 = arith.subf %slice3A_443, %slice3A_444 : vector<1x80xf32>
    %abs3A_446 = math.absf %sub3A_445 : vector<1x80xf32>
    %slice3A_447 = vector.extract_strided_slice %reshape3A_94 {offsets = [3, 20], sizes = [1, 80], strides = [1, 1]} : vector<8x100xf32> to vector<1x80xf32>
    %slice3A_448 = vector.extract_strided_slice %reshape3A_94 {offsets = [3, 10], sizes = [1, 80], strides = [1, 1]} : vector<8x100xf32> to vector<1x80xf32>
    %sub3A_449 = arith.subf %slice3A_447, %slice3A_448 : vector<1x80xf32>
    %abs3A_450 = math.absf %sub3A_449 : vector<1x80xf32>
    %slice3A_451 = vector.extract_strided_slice %reshape3A_94 {offsets = [4, 20], sizes = [1, 80], strides = [1, 1]} : vector<8x100xf32> to vector<1x80xf32>
    %slice3A_452 = vector.extract_strided_slice %reshape3A_94 {offsets = [4, 10], sizes = [1, 80], strides = [1, 1]} : vector<8x100xf32> to vector<1x80xf32>
    %sub3A_453 = arith.subf %slice3A_451, %slice3A_452 : vector<1x80xf32>
    %abs3A_454 = math.absf %sub3A_453 : vector<1x80xf32>
    %slice3A_455 = vector.extract_strided_slice %reshape3A_94 {offsets = [5, 20], sizes = [1, 80], strides = [1, 1]} : vector<8x100xf32> to vector<1x80xf32>
    %slice3A_456 = vector.extract_strided_slice %reshape3A_94 {offsets = [5, 10], sizes = [1, 80], strides = [1, 1]} : vector<8x100xf32> to vector<1x80xf32>
    %sub3A_457 = arith.subf %slice3A_455, %slice3A_456 : vector<1x80xf32>
    %abs3A_458 = math.absf %sub3A_457 : vector<1x80xf32>
    %slice3A_459 = vector.extract_strided_slice %reshape3A_94 {offsets = [6, 20], sizes = [1, 80], strides = [1, 1]} : vector<8x100xf32> to vector<1x80xf32>
    %slice3A_460 = vector.extract_strided_slice %reshape3A_94 {offsets = [6, 10], sizes = [1, 80], strides = [1, 1]} : vector<8x100xf32> to vector<1x80xf32>
    %sub3A_461 = arith.subf %slice3A_459, %slice3A_460 : vector<1x80xf32>
    %abs3A_462 = math.absf %sub3A_461 : vector<1x80xf32>
    %slice3A_463 = vector.extract_strided_slice %reshape3A_94 {offsets = [7, 20], sizes = [1, 80], strides = [1, 1]} : vector<8x100xf32> to vector<1x80xf32>
    %slice3A_464 = vector.extract_strided_slice %reshape3A_94 {offsets = [7, 10], sizes = [1, 80], strides = [1, 1]} : vector<8x100xf32> to vector<1x80xf32>
    %sub3A_465 = arith.subf %slice3A_463, %slice3A_464 : vector<1x80xf32>
    %abs3A_466 = math.absf %sub3A_465 : vector<1x80xf32>
    %concatenate3A_467 = tpu.concatenate %abs3A_438, %abs3A_442, %abs3A_446, %abs3A_450, %abs3A_454, %abs3A_458, %abs3A_462, %abs3A_466 in 1 : vector<1x80xf32>, vector<1x80xf32>, vector<1x80xf32>, vector<1x80xf32>, vector<1x80xf32>, vector<1x80xf32>, vector<1x80xf32>, vector<1x80xf32> -> vector<1x640xf32>
    %slice3A_468 = vector.extract_strided_slice %reshape3A_94 {offsets = [0, 20], sizes = [1, 80], strides = [1, 1]} : vector<8x100xf32> to vector<1x80xf32>
    %slice3A_469 = vector.extract_strided_slice %reshape3A_94 {offsets = [0, 11], sizes = [1, 80], strides = [1, 1]} : vector<8x100xf32> to vector<1x80xf32>
    %sub3A_470 = arith.subf %slice3A_468, %slice3A_469 : vector<1x80xf32>
    %abs3A_471 = math.absf %sub3A_470 : vector<1x80xf32>
    %slice3A_472 = vector.extract_strided_slice %reshape3A_94 {offsets = [1, 20], sizes = [1, 80], strides = [1, 1]} : vector<8x100xf32> to vector<1x80xf32>
    %slice3A_473 = vector.extract_strided_slice %reshape3A_94 {offsets = [1, 11], sizes = [1, 80], strides = [1, 1]} : vector<8x100xf32> to vector<1x80xf32>
    %sub3A_474 = arith.subf %slice3A_472, %slice3A_473 : vector<1x80xf32>
    %abs3A_475 = math.absf %sub3A_474 : vector<1x80xf32>
    %slice3A_476 = vector.extract_strided_slice %reshape3A_94 {offsets = [2, 20], sizes = [1, 80], strides = [1, 1]} : vector<8x100xf32> to vector<1x80xf32>
    %slice3A_477 = vector.extract_strided_slice %reshape3A_94 {offsets = [2, 11], sizes = [1, 80], strides = [1, 1]} : vector<8x100xf32> to vector<1x80xf32>
    %sub3A_478 = arith.subf %slice3A_476, %slice3A_477 : vector<1x80xf32>
    %abs3A_479 = math.absf %sub3A_478 : vector<1x80xf32>
    %slice3A_480 = vector.extract_strided_slice %reshape3A_94 {offsets = [3, 20], sizes = [1, 80], strides = [1, 1]} : vector<8x100xf32> to vector<1x80xf32>
    %slice3A_481 = vector.extract_strided_slice %reshape3A_94 {offsets = [3, 11], sizes = [1, 80], strides = [1, 1]} : vector<8x100xf32> to vector<1x80xf32>
    %sub3A_482 = arith.subf %slice3A_480, %slice3A_481 : vector<1x80xf32>
    %abs3A_483 = math.absf %sub3A_482 : vector<1x80xf32>
    %slice3A_484 = vector.extract_strided_slice %reshape3A_94 {offsets = [4, 20], sizes = [1, 80], strides = [1, 1]} : vector<8x100xf32> to vector<1x80xf32>
    %slice3A_485 = vector.extract_strided_slice %reshape3A_94 {offsets = [4, 11], sizes = [1, 80], strides = [1, 1]} : vector<8x100xf32> to vector<1x80xf32>
    %sub3A_486 = arith.subf %slice3A_484, %slice3A_485 : vector<1x80xf32>
    %abs3A_487 = math.absf %sub3A_486 : vector<1x80xf32>
    %slice3A_488 = vector.extract_strided_slice %reshape3A_94 {offsets = [5, 20], sizes = [1, 80], strides = [1, 1]} : vector<8x100xf32> to vector<1x80xf32>
    %slice3A_489 = vector.extract_strided_slice %reshape3A_94 {offsets = [5, 11], sizes = [1, 80], strides = [1, 1]} : vector<8x100xf32> to vector<1x80xf32>
    %sub3A_490 = arith.subf %slice3A_488, %slice3A_489 : vector<1x80xf32>
    %abs3A_491 = math.absf %sub3A_490 : vector<1x80xf32>
    %slice3A_492 = vector.extract_strided_slice %reshape3A_94 {offsets = [6, 20], sizes = [1, 80], strides = [1, 1]} : vector<8x100xf32> to vector<1x80xf32>
    %slice3A_493 = vector.extract_strided_slice %reshape3A_94 {offsets = [6, 11], sizes = [1, 80], strides = [1, 1]} : vector<8x100xf32> to vector<1x80xf32>
    %sub3A_494 = arith.subf %slice3A_492, %slice3A_493 : vector<1x80xf32>
    %abs3A_495 = math.absf %sub3A_494 : vector<1x80xf32>
    %slice3A_496 = vector.extract_strided_slice %reshape3A_94 {offsets = [7, 20], sizes = [1, 80], strides = [1, 1]} : vector<8x100xf32> to vector<1x80xf32>
    %slice3A_497 = vector.extract_strided_slice %reshape3A_94 {offsets = [7, 11], sizes = [1, 80], strides = [1, 1]} : vector<8x100xf32> to vector<1x80xf32>
    %sub3A_498 = arith.subf %slice3A_496, %slice3A_497 : vector<1x80xf32>
    %abs3A_499 = math.absf %sub3A_498 : vector<1x80xf32>
    %concatenate3A_500 = tpu.concatenate %abs3A_471, %abs3A_475, %abs3A_479, %abs3A_483, %abs3A_487, %abs3A_491, %abs3A_495, %abs3A_499 in 1 : vector<1x80xf32>, vector<1x80xf32>, vector<1x80xf32>, vector<1x80xf32>, vector<1x80xf32>, vector<1x80xf32>, vector<1x80xf32>, vector<1x80xf32> -> vector<1x640xf32>
    %slice3A_501 = vector.extract_strided_slice %reshape3A_94 {offsets = [0, 20], sizes = [1, 80], strides = [1, 1]} : vector<8x100xf32> to vector<1x80xf32>
    %slice3A_502 = vector.extract_strided_slice %reshape3A_94 {offsets = [0, 12], sizes = [1, 80], strides = [1, 1]} : vector<8x100xf32> to vector<1x80xf32>
    %sub3A_503 = arith.subf %slice3A_501, %slice3A_502 : vector<1x80xf32>
    %abs3A_504 = math.absf %sub3A_503 : vector<1x80xf32>
    %slice3A_505 = vector.extract_strided_slice %reshape3A_94 {offsets = [1, 20], sizes = [1, 80], strides = [1, 1]} : vector<8x100xf32> to vector<1x80xf32>
    %slice3A_506 = vector.extract_strided_slice %reshape3A_94 {offsets = [1, 12], sizes = [1, 80], strides = [1, 1]} : vector<8x100xf32> to vector<1x80xf32>
    %sub3A_507 = arith.subf %slice3A_505, %slice3A_506 : vector<1x80xf32>
    %abs3A_508 = math.absf %sub3A_507 : vector<1x80xf32>
    %slice3A_509 = vector.extract_strided_slice %reshape3A_94 {offsets = [2, 20], sizes = [1, 80], strides = [1, 1]} : vector<8x100xf32> to vector<1x80xf32>
    %slice3A_510 = vector.extract_strided_slice %reshape3A_94 {offsets = [2, 12], sizes = [1, 80], strides = [1, 1]} : vector<8x100xf32> to vector<1x80xf32>
    %sub3A_511 = arith.subf %slice3A_509, %slice3A_510 : vector<1x80xf32>
    %abs3A_512 = math.absf %sub3A_511 : vector<1x80xf32>
    %slice3A_513 = vector.extract_strided_slice %reshape3A_94 {offsets = [3, 20], sizes = [1, 80], strides = [1, 1]} : vector<8x100xf32> to vector<1x80xf32>
    %slice3A_514 = vector.extract_strided_slice %reshape3A_94 {offsets = [3, 12], sizes = [1, 80], strides = [1, 1]} : vector<8x100xf32> to vector<1x80xf32>
    %sub3A_515 = arith.subf %slice3A_513, %slice3A_514 : vector<1x80xf32>
    %abs3A_516 = math.absf %sub3A_515 : vector<1x80xf32>
    %slice3A_517 = vector.extract_strided_slice %reshape3A_94 {offsets = [4, 20], sizes = [1, 80], strides = [1, 1]} : vector<8x100xf32> to vector<1x80xf32>
    %slice3A_518 = vector.extract_strided_slice %reshape3A_94 {offsets = [4, 12], sizes = [1, 80], strides = [1, 1]} : vector<8x100xf32> to vector<1x80xf32>
    %sub3A_519 = arith.subf %slice3A_517, %slice3A_518 : vector<1x80xf32>
    %abs3A_520 = math.absf %sub3A_519 : vector<1x80xf32>
    %slice3A_521 = vector.extract_strided_slice %reshape3A_94 {offsets = [5, 20], sizes = [1, 80], strides = [1, 1]} : vector<8x100xf32> to vector<1x80xf32>
    %slice3A_522 = vector.extract_strided_slice %reshape3A_94 {offsets = [5, 12], sizes = [1, 80], strides = [1, 1]} : vector<8x100xf32> to vector<1x80xf32>
    %sub3A_523 = arith.subf %slice3A_521, %slice3A_522 : vector<1x80xf32>
    %abs3A_524 = math.absf %sub3A_523 : vector<1x80xf32>
    %slice3A_525 = vector.extract_strided_slice %reshape3A_94 {offsets = [6, 20], sizes = [1, 80], strides = [1, 1]} : vector<8x100xf32> to vector<1x80xf32>
    %slice3A_526 = vector.extract_strided_slice %reshape3A_94 {offsets = [6, 12], sizes = [1, 80], strides = [1, 1]} : vector<8x100xf32> to vector<1x80xf32>
    %sub3A_527 = arith.subf %slice3A_525, %slice3A_526 : vector<1x80xf32>
    %abs3A_528 = math.absf %sub3A_527 : vector<1x80xf32>
    %slice3A_529 = vector.extract_strided_slice %reshape3A_94 {offsets = [7, 20], sizes = [1, 80], strides = [1, 1]} : vector<8x100xf32> to vector<1x80xf32>
    %slice3A_530 = vector.extract_strided_slice %reshape3A_94 {offsets = [7, 12], sizes = [1, 80], strides = [1, 1]} : vector<8x100xf32> to vector<1x80xf32>
    %sub3A_531 = arith.subf %slice3A_529, %slice3A_530 : vector<1x80xf32>
    %abs3A_532 = math.absf %sub3A_531 : vector<1x80xf32>
    %concatenate3A_533 = tpu.concatenate %abs3A_504, %abs3A_508, %abs3A_512, %abs3A_516, %abs3A_520, %abs3A_524, %abs3A_528, %abs3A_532 in 1 : vector<1x80xf32>, vector<1x80xf32>, vector<1x80xf32>, vector<1x80xf32>, vector<1x80xf32>, vector<1x80xf32>, vector<1x80xf32>, vector<1x80xf32> -> vector<1x640xf32>
    %slice3A_534 = vector.extract_strided_slice %reshape3A_94 {offsets = [0, 20], sizes = [1, 80], strides = [1, 1]} : vector<8x100xf32> to vector<1x80xf32>
    %slice3A_535 = vector.extract_strided_slice %reshape3A_94 {offsets = [0, 13], sizes = [1, 80], strides = [1, 1]} : vector<8x100xf32> to vector<1x80xf32>
    %sub3A_536 = arith.subf %slice3A_534, %slice3A_535 : vector<1x80xf32>
    %abs3A_537 = math.absf %sub3A_536 : vector<1x80xf32>
    %slice3A_538 = vector.extract_strided_slice %reshape3A_94 {offsets = [1, 20], sizes = [1, 80], strides = [1, 1]} : vector<8x100xf32> to vector<1x80xf32>
    %slice3A_539 = vector.extract_strided_slice %reshape3A_94 {offsets = [1, 13], sizes = [1, 80], strides = [1, 1]} : vector<8x100xf32> to vector<1x80xf32>
    %sub3A_540 = arith.subf %slice3A_538, %slice3A_539 : vector<1x80xf32>
    %abs3A_541 = math.absf %sub3A_540 : vector<1x80xf32>
    %slice3A_542 = vector.extract_strided_slice %reshape3A_94 {offsets = [2, 20], sizes = [1, 80], strides = [1, 1]} : vector<8x100xf32> to vector<1x80xf32>
    %slice3A_543 = vector.extract_strided_slice %reshape3A_94 {offsets = [2, 13], sizes = [1, 80], strides = [1, 1]} : vector<8x100xf32> to vector<1x80xf32>
    %sub3A_544 = arith.subf %slice3A_542, %slice3A_543 : vector<1x80xf32>
    %abs3A_545 = math.absf %sub3A_544 : vector<1x80xf32>
    %slice3A_546 = vector.extract_strided_slice %reshape3A_94 {offsets = [3, 20], sizes = [1, 80], strides = [1, 1]} : vector<8x100xf32> to vector<1x80xf32>
    %slice3A_547 = vector.extract_strided_slice %reshape3A_94 {offsets = [3, 13], sizes = [1, 80], strides = [1, 1]} : vector<8x100xf32> to vector<1x80xf32>
    %sub3A_548 = arith.subf %slice3A_546, %slice3A_547 : vector<1x80xf32>
    %abs3A_549 = math.absf %sub3A_548 : vector<1x80xf32>
    %slice3A_550 = vector.extract_strided_slice %reshape3A_94 {offsets = [4, 20], sizes = [1, 80], strides = [1, 1]} : vector<8x100xf32> to vector<1x80xf32>
    %slice3A_551 = vector.extract_strided_slice %reshape3A_94 {offsets = [4, 13], sizes = [1, 80], strides = [1, 1]} : vector<8x100xf32> to vector<1x80xf32>
    %sub3A_552 = arith.subf %slice3A_550, %slice3A_551 : vector<1x80xf32>
    %abs3A_553 = math.absf %sub3A_552 : vector<1x80xf32>
    %slice3A_554 = vector.extract_strided_slice %reshape3A_94 {offsets = [5, 20], sizes = [1, 80], strides = [1, 1]} : vector<8x100xf32> to vector<1x80xf32>
    %slice3A_555 = vector.extract_strided_slice %reshape3A_94 {offsets = [5, 13], sizes = [1, 80], strides = [1, 1]} : vector<8x100xf32> to vector<1x80xf32>
    %sub3A_556 = arith.subf %slice3A_554, %slice3A_555 : vector<1x80xf32>
    %abs3A_557 = math.absf %sub3A_556 : vector<1x80xf32>
    %slice3A_558 = vector.extract_strided_slice %reshape3A_94 {offsets = [6, 20], sizes = [1, 80], strides = [1, 1]} : vector<8x100xf32> to vector<1x80xf32>
    %slice3A_559 = vector.extract_strided_slice %reshape3A_94 {offsets = [6, 13], sizes = [1, 80], strides = [1, 1]} : vector<8x100xf32> to vector<1x80xf32>
    %sub3A_560 = arith.subf %slice3A_558, %slice3A_559 : vector<1x80xf32>
    %abs3A_561 = math.absf %sub3A_560 : vector<1x80xf32>
    %slice3A_562 = vector.extract_strided_slice %reshape3A_94 {offsets = [7, 20], sizes = [1, 80], strides = [1, 1]} : vector<8x100xf32> to vector<1x80xf32>
    %slice3A_563 = vector.extract_strided_slice %reshape3A_94 {offsets = [7, 13], sizes = [1, 80], strides = [1, 1]} : vector<8x100xf32> to vector<1x80xf32>
    %sub3A_564 = arith.subf %slice3A_562, %slice3A_563 : vector<1x80xf32>
    %abs3A_565 = math.absf %sub3A_564 : vector<1x80xf32>
    %concatenate3A_566 = tpu.concatenate %abs3A_537, %abs3A_541, %abs3A_545, %abs3A_549, %abs3A_553, %abs3A_557, %abs3A_561, %abs3A_565 in 1 : vector<1x80xf32>, vector<1x80xf32>, vector<1x80xf32>, vector<1x80xf32>, vector<1x80xf32>, vector<1x80xf32>, vector<1x80xf32>, vector<1x80xf32> -> vector<1x640xf32>
    %slice3A_567 = vector.extract_strided_slice %reshape3A_94 {offsets = [0, 20], sizes = [1, 80], strides = [1, 1]} : vector<8x100xf32> to vector<1x80xf32>
    %slice3A_568 = vector.extract_strided_slice %reshape3A_94 {offsets = [0, 14], sizes = [1, 80], strides = [1, 1]} : vector<8x100xf32> to vector<1x80xf32>
    %sub3A_569 = arith.subf %slice3A_567, %slice3A_568 : vector<1x80xf32>
    %abs3A_570 = math.absf %sub3A_569 : vector<1x80xf32>
    %slice3A_571 = vector.extract_strided_slice %reshape3A_94 {offsets = [1, 20], sizes = [1, 80], strides = [1, 1]} : vector<8x100xf32> to vector<1x80xf32>
    %slice3A_572 = vector.extract_strided_slice %reshape3A_94 {offsets = [1, 14], sizes = [1, 80], strides = [1, 1]} : vector<8x100xf32> to vector<1x80xf32>
    %sub3A_573 = arith.subf %slice3A_571, %slice3A_572 : vector<1x80xf32>
    %abs3A_574 = math.absf %sub3A_573 : vector<1x80xf32>
    %slice3A_575 = vector.extract_strided_slice %reshape3A_94 {offsets = [2, 20], sizes = [1, 80], strides = [1, 1]} : vector<8x100xf32> to vector<1x80xf32>
    %slice3A_576 = vector.extract_strided_slice %reshape3A_94 {offsets = [2, 14], sizes = [1, 80], strides = [1, 1]} : vector<8x100xf32> to vector<1x80xf32>
    %sub3A_577 = arith.subf %slice3A_575, %slice3A_576 : vector<1x80xf32>
    %abs3A_578 = math.absf %sub3A_577 : vector<1x80xf32>
    %slice3A_579 = vector.extract_strided_slice %reshape3A_94 {offsets = [3, 20], sizes = [1, 80], strides = [1, 1]} : vector<8x100xf32> to vector<1x80xf32>
    %slice3A_580 = vector.extract_strided_slice %reshape3A_94 {offsets = [3, 14], sizes = [1, 80], strides = [1, 1]} : vector<8x100xf32> to vector<1x80xf32>
    %sub3A_581 = arith.subf %slice3A_579, %slice3A_580 : vector<1x80xf32>
    %abs3A_582 = math.absf %sub3A_581 : vector<1x80xf32>
    %slice3A_583 = vector.extract_strided_slice %reshape3A_94 {offsets = [4, 20], sizes = [1, 80], strides = [1, 1]} : vector<8x100xf32> to vector<1x80xf32>
    %slice3A_584 = vector.extract_strided_slice %reshape3A_94 {offsets = [4, 14], sizes = [1, 80], strides = [1, 1]} : vector<8x100xf32> to vector<1x80xf32>
    %sub3A_585 = arith.subf %slice3A_583, %slice3A_584 : vector<1x80xf32>
    %abs3A_586 = math.absf %sub3A_585 : vector<1x80xf32>
    %slice3A_587 = vector.extract_strided_slice %reshape3A_94 {offsets = [5, 20], sizes = [1, 80], strides = [1, 1]} : vector<8x100xf32> to vector<1x80xf32>
    %slice3A_588 = vector.extract_strided_slice %reshape3A_94 {offsets = [5, 14], sizes = [1, 80], strides = [1, 1]} : vector<8x100xf32> to vector<1x80xf32>
    %sub3A_589 = arith.subf %slice3A_587, %slice3A_588 : vector<1x80xf32>
    %abs3A_590 = math.absf %sub3A_589 : vector<1x80xf32>
    %slice3A_591 = vector.extract_strided_slice %reshape3A_94 {offsets = [6, 20], sizes = [1, 80], strides = [1, 1]} : vector<8x100xf32> to vector<1x80xf32>
    %slice3A_592 = vector.extract_strided_slice %reshape3A_94 {offsets = [6, 14], sizes = [1, 80], strides = [1, 1]} : vector<8x100xf32> to vector<1x80xf32>
    %sub3A_593 = arith.subf %slice3A_591, %slice3A_592 : vector<1x80xf32>
    %abs3A_594 = math.absf %sub3A_593 : vector<1x80xf32>
    %slice3A_595 = vector.extract_strided_slice %reshape3A_94 {offsets = [7, 20], sizes = [1, 80], strides = [1, 1]} : vector<8x100xf32> to vector<1x80xf32>
    %slice3A_596 = vector.extract_strided_slice %reshape3A_94 {offsets = [7, 14], sizes = [1, 80], strides = [1, 1]} : vector<8x100xf32> to vector<1x80xf32>
    %sub3A_597 = arith.subf %slice3A_595, %slice3A_596 : vector<1x80xf32>
    %abs3A_598 = math.absf %sub3A_597 : vector<1x80xf32>
    %concatenate3A_599 = tpu.concatenate %abs3A_570, %abs3A_574, %abs3A_578, %abs3A_582, %abs3A_586, %abs3A_590, %abs3A_594, %abs3A_598 in 1 : vector<1x80xf32>, vector<1x80xf32>, vector<1x80xf32>, vector<1x80xf32>, vector<1x80xf32>, vector<1x80xf32>, vector<1x80xf32>, vector<1x80xf32> -> vector<1x640xf32>
    %slice3A_600 = vector.extract_strided_slice %reshape3A_94 {offsets = [0, 20], sizes = [1, 80], strides = [1, 1]} : vector<8x100xf32> to vector<1x80xf32>
    %slice3A_601 = vector.extract_strided_slice %reshape3A_94 {offsets = [0, 15], sizes = [1, 80], strides = [1, 1]} : vector<8x100xf32> to vector<1x80xf32>
    %sub3A_602 = arith.subf %slice3A_600, %slice3A_601 : vector<1x80xf32>
    %abs3A_603 = math.absf %sub3A_602 : vector<1x80xf32>
    %slice3A_604 = vector.extract_strided_slice %reshape3A_94 {offsets = [1, 20], sizes = [1, 80], strides = [1, 1]} : vector<8x100xf32> to vector<1x80xf32>
    %slice3A_605 = vector.extract_strided_slice %reshape3A_94 {offsets = [1, 15], sizes = [1, 80], strides = [1, 1]} : vector<8x100xf32> to vector<1x80xf32>
    %sub3A_606 = arith.subf %slice3A_604, %slice3A_605 : vector<1x80xf32>
    %abs3A_607 = math.absf %sub3A_606 : vector<1x80xf32>
    %slice3A_608 = vector.extract_strided_slice %reshape3A_94 {offsets = [2, 20], sizes = [1, 80], strides = [1, 1]} : vector<8x100xf32> to vector<1x80xf32>
    %slice3A_609 = vector.extract_strided_slice %reshape3A_94 {offsets = [2, 15], sizes = [1, 80], strides = [1, 1]} : vector<8x100xf32> to vector<1x80xf32>
    %sub3A_610 = arith.subf %slice3A_608, %slice3A_609 : vector<1x80xf32>
    %abs3A_611 = math.absf %sub3A_610 : vector<1x80xf32>
    %slice3A_612 = vector.extract_strided_slice %reshape3A_94 {offsets = [3, 20], sizes = [1, 80], strides = [1, 1]} : vector<8x100xf32> to vector<1x80xf32>
    %slice3A_613 = vector.extract_strided_slice %reshape3A_94 {offsets = [3, 15], sizes = [1, 80], strides = [1, 1]} : vector<8x100xf32> to vector<1x80xf32>
    %sub3A_614 = arith.subf %slice3A_612, %slice3A_613 : vector<1x80xf32>
    %abs3A_615 = math.absf %sub3A_614 : vector<1x80xf32>
    %slice3A_616 = vector.extract_strided_slice %reshape3A_94 {offsets = [4, 20], sizes = [1, 80], strides = [1, 1]} : vector<8x100xf32> to vector<1x80xf32>
    %slice3A_617 = vector.extract_strided_slice %reshape3A_94 {offsets = [4, 15], sizes = [1, 80], strides = [1, 1]} : vector<8x100xf32> to vector<1x80xf32>
    %sub3A_618 = arith.subf %slice3A_616, %slice3A_617 : vector<1x80xf32>
    %abs3A_619 = math.absf %sub3A_618 : vector<1x80xf32>
    %slice3A_620 = vector.extract_strided_slice %reshape3A_94 {offsets = [5, 20], sizes = [1, 80], strides = [1, 1]} : vector<8x100xf32> to vector<1x80xf32>
    %slice3A_621 = vector.extract_strided_slice %reshape3A_94 {offsets = [5, 15], sizes = [1, 80], strides = [1, 1]} : vector<8x100xf32> to vector<1x80xf32>
    %sub3A_622 = arith.subf %slice3A_620, %slice3A_621 : vector<1x80xf32>
    %abs3A_623 = math.absf %sub3A_622 : vector<1x80xf32>
    %slice3A_624 = vector.extract_strided_slice %reshape3A_94 {offsets = [6, 20], sizes = [1, 80], strides = [1, 1]} : vector<8x100xf32> to vector<1x80xf32>
    %slice3A_625 = vector.extract_strided_slice %reshape3A_94 {offsets = [6, 15], sizes = [1, 80], strides = [1, 1]} : vector<8x100xf32> to vector<1x80xf32>
    %sub3A_626 = arith.subf %slice3A_624, %slice3A_625 : vector<1x80xf32>
    %abs3A_627 = math.absf %sub3A_626 : vector<1x80xf32>
    %slice3A_628 = vector.extract_strided_slice %reshape3A_94 {offsets = [7, 20], sizes = [1, 80], strides = [1, 1]} : vector<8x100xf32> to vector<1x80xf32>
    %slice3A_629 = vector.extract_strided_slice %reshape3A_94 {offsets = [7, 15], sizes = [1, 80], strides = [1, 1]} : vector<8x100xf32> to vector<1x80xf32>
    %sub3A_630 = arith.subf %slice3A_628, %slice3A_629 : vector<1x80xf32>
    %abs3A_631 = math.absf %sub3A_630 : vector<1x80xf32>
    %concatenate3A_632 = tpu.concatenate %abs3A_603, %abs3A_607, %abs3A_611, %abs3A_615, %abs3A_619, %abs3A_623, %abs3A_627, %abs3A_631 in 1 : vector<1x80xf32>, vector<1x80xf32>, vector<1x80xf32>, vector<1x80xf32>, vector<1x80xf32>, vector<1x80xf32>, vector<1x80xf32>, vector<1x80xf32> -> vector<1x640xf32>
    %slice3A_633 = vector.extract_strided_slice %reshape3A_94 {offsets = [0, 20], sizes = [1, 80], strides = [1, 1]} : vector<8x100xf32> to vector<1x80xf32>
    %slice3A_634 = vector.extract_strided_slice %reshape3A_94 {offsets = [0, 16], sizes = [1, 80], strides = [1, 1]} : vector<8x100xf32> to vector<1x80xf32>
    %sub3A_635 = arith.subf %slice3A_633, %slice3A_634 : vector<1x80xf32>
    %abs3A_636 = math.absf %sub3A_635 : vector<1x80xf32>
    %slice3A_637 = vector.extract_strided_slice %reshape3A_94 {offsets = [1, 20], sizes = [1, 80], strides = [1, 1]} : vector<8x100xf32> to vector<1x80xf32>
    %slice3A_638 = vector.extract_strided_slice %reshape3A_94 {offsets = [1, 16], sizes = [1, 80], strides = [1, 1]} : vector<8x100xf32> to vector<1x80xf32>
    %sub3A_639 = arith.subf %slice3A_637, %slice3A_638 : vector<1x80xf32>
    %abs3A_640 = math.absf %sub3A_639 : vector<1x80xf32>
    %slice3A_641 = vector.extract_strided_slice %reshape3A_94 {offsets = [2, 20], sizes = [1, 80], strides = [1, 1]} : vector<8x100xf32> to vector<1x80xf32>
    %slice3A_642 = vector.extract_strided_slice %reshape3A_94 {offsets = [2, 16], sizes = [1, 80], strides = [1, 1]} : vector<8x100xf32> to vector<1x80xf32>
    %sub3A_643 = arith.subf %slice3A_641, %slice3A_642 : vector<1x80xf32>
    %abs3A_644 = math.absf %sub3A_643 : vector<1x80xf32>
    %slice3A_645 = vector.extract_strided_slice %reshape3A_94 {offsets = [3, 20], sizes = [1, 80], strides = [1, 1]} : vector<8x100xf32> to vector<1x80xf32>
    %slice3A_646 = vector.extract_strided_slice %reshape3A_94 {offsets = [3, 16], sizes = [1, 80], strides = [1, 1]} : vector<8x100xf32> to vector<1x80xf32>
    %sub3A_647 = arith.subf %slice3A_645, %slice3A_646 : vector<1x80xf32>
    %abs3A_648 = math.absf %sub3A_647 : vector<1x80xf32>
    %slice3A_649 = vector.extract_strided_slice %reshape3A_94 {offsets = [4, 20], sizes = [1, 80], strides = [1, 1]} : vector<8x100xf32> to vector<1x80xf32>
    %slice3A_650 = vector.extract_strided_slice %reshape3A_94 {offsets = [4, 16], sizes = [1, 80], strides = [1, 1]} : vector<8x100xf32> to vector<1x80xf32>
    %sub3A_651 = arith.subf %slice3A_649, %slice3A_650 : vector<1x80xf32>
    %abs3A_652 = math.absf %sub3A_651 : vector<1x80xf32>
    %slice3A_653 = vector.extract_strided_slice %reshape3A_94 {offsets = [5, 20], sizes = [1, 80], strides = [1, 1]} : vector<8x100xf32> to vector<1x80xf32>
    %slice3A_654 = vector.extract_strided_slice %reshape3A_94 {offsets = [5, 16], sizes = [1, 80], strides = [1, 1]} : vector<8x100xf32> to vector<1x80xf32>
    %sub3A_655 = arith.subf %slice3A_653, %slice3A_654 : vector<1x80xf32>
    %abs3A_656 = math.absf %sub3A_655 : vector<1x80xf32>
    %slice3A_657 = vector.extract_strided_slice %reshape3A_94 {offsets = [6, 20], sizes = [1, 80], strides = [1, 1]} : vector<8x100xf32> to vector<1x80xf32>
    %slice3A_658 = vector.extract_strided_slice %reshape3A_94 {offsets = [6, 16], sizes = [1, 80], strides = [1, 1]} : vector<8x100xf32> to vector<1x80xf32>
    %sub3A_659 = arith.subf %slice3A_657, %slice3A_658 : vector<1x80xf32>
    %abs3A_660 = math.absf %sub3A_659 : vector<1x80xf32>
    %slice3A_661 = vector.extract_strided_slice %reshape3A_94 {offsets = [7, 20], sizes = [1, 80], strides = [1, 1]} : vector<8x100xf32> to vector<1x80xf32>
    %slice3A_662 = vector.extract_strided_slice %reshape3A_94 {offsets = [7, 16], sizes = [1, 80], strides = [1, 1]} : vector<8x100xf32> to vector<1x80xf32>
    %sub3A_663 = arith.subf %slice3A_661, %slice3A_662 : vector<1x80xf32>
    %abs3A_664 = math.absf %sub3A_663 : vector<1x80xf32>
    %concatenate3A_665 = tpu.concatenate %abs3A_636, %abs3A_640, %abs3A_644, %abs3A_648, %abs3A_652, %abs3A_656, %abs3A_660, %abs3A_664 in 1 : vector<1x80xf32>, vector<1x80xf32>, vector<1x80xf32>, vector<1x80xf32>, vector<1x80xf32>, vector<1x80xf32>, vector<1x80xf32>, vector<1x80xf32> -> vector<1x640xf32>
    %slice3A_666 = vector.extract_strided_slice %reshape3A_94 {offsets = [0, 20], sizes = [1, 80], strides = [1, 1]} : vector<8x100xf32> to vector<1x80xf32>
    %slice3A_667 = vector.extract_strided_slice %reshape3A_94 {offsets = [0, 17], sizes = [1, 80], strides = [1, 1]} : vector<8x100xf32> to vector<1x80xf32>
    %sub3A_668 = arith.subf %slice3A_666, %slice3A_667 : vector<1x80xf32>
    %abs3A_669 = math.absf %sub3A_668 : vector<1x80xf32>
    %slice3A_670 = vector.extract_strided_slice %reshape3A_94 {offsets = [1, 20], sizes = [1, 80], strides = [1, 1]} : vector<8x100xf32> to vector<1x80xf32>
    %slice3A_671 = vector.extract_strided_slice %reshape3A_94 {offsets = [1, 17], sizes = [1, 80], strides = [1, 1]} : vector<8x100xf32> to vector<1x80xf32>
    %sub3A_672 = arith.subf %slice3A_670, %slice3A_671 : vector<1x80xf32>
    %abs3A_673 = math.absf %sub3A_672 : vector<1x80xf32>
    %slice3A_674 = vector.extract_strided_slice %reshape3A_94 {offsets = [2, 20], sizes = [1, 80], strides = [1, 1]} : vector<8x100xf32> to vector<1x80xf32>
    %slice3A_675 = vector.extract_strided_slice %reshape3A_94 {offsets = [2, 17], sizes = [1, 80], strides = [1, 1]} : vector<8x100xf32> to vector<1x80xf32>
    %sub3A_676 = arith.subf %slice3A_674, %slice3A_675 : vector<1x80xf32>
    %abs3A_677 = math.absf %sub3A_676 : vector<1x80xf32>
    %slice3A_678 = vector.extract_strided_slice %reshape3A_94 {offsets = [3, 20], sizes = [1, 80], strides = [1, 1]} : vector<8x100xf32> to vector<1x80xf32>
    %slice3A_679 = vector.extract_strided_slice %reshape3A_94 {offsets = [3, 17], sizes = [1, 80], strides = [1, 1]} : vector<8x100xf32> to vector<1x80xf32>
    %sub3A_680 = arith.subf %slice3A_678, %slice3A_679 : vector<1x80xf32>
    %abs3A_681 = math.absf %sub3A_680 : vector<1x80xf32>
    %slice3A_682 = vector.extract_strided_slice %reshape3A_94 {offsets = [4, 20], sizes = [1, 80], strides = [1, 1]} : vector<8x100xf32> to vector<1x80xf32>
    %slice3A_683 = vector.extract_strided_slice %reshape3A_94 {offsets = [4, 17], sizes = [1, 80], strides = [1, 1]} : vector<8x100xf32> to vector<1x80xf32>
    %sub3A_684 = arith.subf %slice3A_682, %slice3A_683 : vector<1x80xf32>
    %abs3A_685 = math.absf %sub3A_684 : vector<1x80xf32>
    %slice3A_686 = vector.extract_strided_slice %reshape3A_94 {offsets = [5, 20], sizes = [1, 80], strides = [1, 1]} : vector<8x100xf32> to vector<1x80xf32>
    %slice3A_687 = vector.extract_strided_slice %reshape3A_94 {offsets = [5, 17], sizes = [1, 80], strides = [1, 1]} : vector<8x100xf32> to vector<1x80xf32>
    %sub3A_688 = arith.subf %slice3A_686, %slice3A_687 : vector<1x80xf32>
    %abs3A_689 = math.absf %sub3A_688 : vector<1x80xf32>
    %slice3A_690 = vector.extract_strided_slice %reshape3A_94 {offsets = [6, 20], sizes = [1, 80], strides = [1, 1]} : vector<8x100xf32> to vector<1x80xf32>
    %slice3A_691 = vector.extract_strided_slice %reshape3A_94 {offsets = [6, 17], sizes = [1, 80], strides = [1, 1]} : vector<8x100xf32> to vector<1x80xf32>
    %sub3A_692 = arith.subf %slice3A_690, %slice3A_691 : vector<1x80xf32>
    %abs3A_693 = math.absf %sub3A_692 : vector<1x80xf32>
    %slice3A_694 = vector.extract_strided_slice %reshape3A_94 {offsets = [7, 20], sizes = [1, 80], strides = [1, 1]} : vector<8x100xf32> to vector<1x80xf32>
    %slice3A_695 = vector.extract_strided_slice %reshape3A_94 {offsets = [7, 17], sizes = [1, 80], strides = [1, 1]} : vector<8x100xf32> to vector<1x80xf32>
    %sub3A_696 = arith.subf %slice3A_694, %slice3A_695 : vector<1x80xf32>
    %abs3A_697 = math.absf %sub3A_696 : vector<1x80xf32>
    %concatenate3A_698 = tpu.concatenate %abs3A_669, %abs3A_673, %abs3A_677, %abs3A_681, %abs3A_685, %abs3A_689, %abs3A_693, %abs3A_697 in 1 : vector<1x80xf32>, vector<1x80xf32>, vector<1x80xf32>, vector<1x80xf32>, vector<1x80xf32>, vector<1x80xf32>, vector<1x80xf32>, vector<1x80xf32> -> vector<1x640xf32>
    %slice3A_699 = vector.extract_strided_slice %reshape3A_94 {offsets = [0, 20], sizes = [1, 80], strides = [1, 1]} : vector<8x100xf32> to vector<1x80xf32>
    %slice3A_700 = vector.extract_strided_slice %reshape3A_94 {offsets = [0, 18], sizes = [1, 80], strides = [1, 1]} : vector<8x100xf32> to vector<1x80xf32>
    %sub3A_701 = arith.subf %slice3A_699, %slice3A_700 : vector<1x80xf32>
    %abs3A_702 = math.absf %sub3A_701 : vector<1x80xf32>
    %slice3A_703 = vector.extract_strided_slice %reshape3A_94 {offsets = [1, 20], sizes = [1, 80], strides = [1, 1]} : vector<8x100xf32> to vector<1x80xf32>
    %slice3A_704 = vector.extract_strided_slice %reshape3A_94 {offsets = [1, 18], sizes = [1, 80], strides = [1, 1]} : vector<8x100xf32> to vector<1x80xf32>
    %sub3A_705 = arith.subf %slice3A_703, %slice3A_704 : vector<1x80xf32>
    %abs3A_706 = math.absf %sub3A_705 : vector<1x80xf32>
    %slice3A_707 = vector.extract_strided_slice %reshape3A_94 {offsets = [2, 20], sizes = [1, 80], strides = [1, 1]} : vector<8x100xf32> to vector<1x80xf32>
    %slice3A_708 = vector.extract_strided_slice %reshape3A_94 {offsets = [2, 18], sizes = [1, 80], strides = [1, 1]} : vector<8x100xf32> to vector<1x80xf32>
    %sub3A_709 = arith.subf %slice3A_707, %slice3A_708 : vector<1x80xf32>
    %abs3A_710 = math.absf %sub3A_709 : vector<1x80xf32>
    %slice3A_711 = vector.extract_strided_slice %reshape3A_94 {offsets = [3, 20], sizes = [1, 80], strides = [1, 1]} : vector<8x100xf32> to vector<1x80xf32>
    %slice3A_712 = vector.extract_strided_slice %reshape3A_94 {offsets = [3, 18], sizes = [1, 80], strides = [1, 1]} : vector<8x100xf32> to vector<1x80xf32>
    %sub3A_713 = arith.subf %slice3A_711, %slice3A_712 : vector<1x80xf32>
    %abs3A_714 = math.absf %sub3A_713 : vector<1x80xf32>
    %slice3A_715 = vector.extract_strided_slice %reshape3A_94 {offsets = [4, 20], sizes = [1, 80], strides = [1, 1]} : vector<8x100xf32> to vector<1x80xf32>
    %slice3A_716 = vector.extract_strided_slice %reshape3A_94 {offsets = [4, 18], sizes = [1, 80], strides = [1, 1]} : vector<8x100xf32> to vector<1x80xf32>
    %sub3A_717 = arith.subf %slice3A_715, %slice3A_716 : vector<1x80xf32>
    %abs3A_718 = math.absf %sub3A_717 : vector<1x80xf32>
    %slice3A_719 = vector.extract_strided_slice %reshape3A_94 {offsets = [5, 20], sizes = [1, 80], strides = [1, 1]} : vector<8x100xf32> to vector<1x80xf32>
    %slice3A_720 = vector.extract_strided_slice %reshape3A_94 {offsets = [5, 18], sizes = [1, 80], strides = [1, 1]} : vector<8x100xf32> to vector<1x80xf32>
    %sub3A_721 = arith.subf %slice3A_719, %slice3A_720 : vector<1x80xf32>
    %abs3A_722 = math.absf %sub3A_721 : vector<1x80xf32>
    %slice3A_723 = vector.extract_strided_slice %reshape3A_94 {offsets = [6, 20], sizes = [1, 80], strides = [1, 1]} : vector<8x100xf32> to vector<1x80xf32>
    %slice3A_724 = vector.extract_strided_slice %reshape3A_94 {offsets = [6, 18], sizes = [1, 80], strides = [1, 1]} : vector<8x100xf32> to vector<1x80xf32>
    %sub3A_725 = arith.subf %slice3A_723, %slice3A_724 : vector<1x80xf32>
    %abs3A_726 = math.absf %sub3A_725 : vector<1x80xf32>
    %slice3A_727 = vector.extract_strided_slice %reshape3A_94 {offsets = [7, 20], sizes = [1, 80], strides = [1, 1]} : vector<8x100xf32> to vector<1x80xf32>
    %slice3A_728 = vector.extract_strided_slice %reshape3A_94 {offsets = [7, 18], sizes = [1, 80], strides = [1, 1]} : vector<8x100xf32> to vector<1x80xf32>
    %sub3A_729 = arith.subf %slice3A_727, %slice3A_728 : vector<1x80xf32>
    %abs3A_730 = math.absf %sub3A_729 : vector<1x80xf32>
    %concatenate3A_731 = tpu.concatenate %abs3A_702, %abs3A_706, %abs3A_710, %abs3A_714, %abs3A_718, %abs3A_722, %abs3A_726, %abs3A_730 in 1 : vector<1x80xf32>, vector<1x80xf32>, vector<1x80xf32>, vector<1x80xf32>, vector<1x80xf32>, vector<1x80xf32>, vector<1x80xf32>, vector<1x80xf32> -> vector<1x640xf32>
    %slice3A_732 = vector.extract_strided_slice %reshape3A_94 {offsets = [0, 20], sizes = [1, 80], strides = [1, 1]} : vector<8x100xf32> to vector<1x80xf32>
    %slice3A_733 = vector.extract_strided_slice %reshape3A_94 {offsets = [0, 19], sizes = [1, 80], strides = [1, 1]} : vector<8x100xf32> to vector<1x80xf32>
    %sub3A_734 = arith.subf %slice3A_732, %slice3A_733 : vector<1x80xf32>
    %abs3A_735 = math.absf %sub3A_734 : vector<1x80xf32>
    %slice3A_736 = vector.extract_strided_slice %reshape3A_94 {offsets = [1, 20], sizes = [1, 80], strides = [1, 1]} : vector<8x100xf32> to vector<1x80xf32>
    %slice3A_737 = vector.extract_strided_slice %reshape3A_94 {offsets = [1, 19], sizes = [1, 80], strides = [1, 1]} : vector<8x100xf32> to vector<1x80xf32>
    %sub3A_738 = arith.subf %slice3A_736, %slice3A_737 : vector<1x80xf32>
    %abs3A_739 = math.absf %sub3A_738 : vector<1x80xf32>
    %slice3A_740 = vector.extract_strided_slice %reshape3A_94 {offsets = [2, 20], sizes = [1, 80], strides = [1, 1]} : vector<8x100xf32> to vector<1x80xf32>
    %slice3A_741 = vector.extract_strided_slice %reshape3A_94 {offsets = [2, 19], sizes = [1, 80], strides = [1, 1]} : vector<8x100xf32> to vector<1x80xf32>
    %sub3A_742 = arith.subf %slice3A_740, %slice3A_741 : vector<1x80xf32>
    %abs3A_743 = math.absf %sub3A_742 : vector<1x80xf32>
    %slice3A_744 = vector.extract_strided_slice %reshape3A_94 {offsets = [3, 20], sizes = [1, 80], strides = [1, 1]} : vector<8x100xf32> to vector<1x80xf32>
    %slice3A_745 = vector.extract_strided_slice %reshape3A_94 {offsets = [3, 19], sizes = [1, 80], strides = [1, 1]} : vector<8x100xf32> to vector<1x80xf32>
    %sub3A_746 = arith.subf %slice3A_744, %slice3A_745 : vector<1x80xf32>
    %abs3A_747 = math.absf %sub3A_746 : vector<1x80xf32>
    %slice3A_748 = vector.extract_strided_slice %reshape3A_94 {offsets = [4, 20], sizes = [1, 80], strides = [1, 1]} : vector<8x100xf32> to vector<1x80xf32>
    %slice3A_749 = vector.extract_strided_slice %reshape3A_94 {offsets = [4, 19], sizes = [1, 80], strides = [1, 1]} : vector<8x100xf32> to vector<1x80xf32>
    %sub3A_750 = arith.subf %slice3A_748, %slice3A_749 : vector<1x80xf32>
    %abs3A_751 = math.absf %sub3A_750 : vector<1x80xf32>
    %slice3A_752 = vector.extract_strided_slice %reshape3A_94 {offsets = [5, 20], sizes = [1, 80], strides = [1, 1]} : vector<8x100xf32> to vector<1x80xf32>
    %slice3A_753 = vector.extract_strided_slice %reshape3A_94 {offsets = [5, 19], sizes = [1, 80], strides = [1, 1]} : vector<8x100xf32> to vector<1x80xf32>
    %sub3A_754 = arith.subf %slice3A_752, %slice3A_753 : vector<1x80xf32>
    %abs3A_755 = math.absf %sub3A_754 : vector<1x80xf32>
    %slice3A_756 = vector.extract_strided_slice %reshape3A_94 {offsets = [6, 20], sizes = [1, 80], strides = [1, 1]} : vector<8x100xf32> to vector<1x80xf32>
    %slice3A_757 = vector.extract_strided_slice %reshape3A_94 {offsets = [6, 19], sizes = [1, 80], strides = [1, 1]} : vector<8x100xf32> to vector<1x80xf32>
    %sub3A_758 = arith.subf %slice3A_756, %slice3A_757 : vector<1x80xf32>
    %abs3A_759 = math.absf %sub3A_758 : vector<1x80xf32>
    %slice3A_760 = vector.extract_strided_slice %reshape3A_94 {offsets = [7, 20], sizes = [1, 80], strides = [1, 1]} : vector<8x100xf32> to vector<1x80xf32>
    %slice3A_761 = vector.extract_strided_slice %reshape3A_94 {offsets = [7, 19], sizes = [1, 80], strides = [1, 1]} : vector<8x100xf32> to vector<1x80xf32>
    %sub3A_762 = arith.subf %slice3A_760, %slice3A_761 : vector<1x80xf32>
    %abs3A_763 = math.absf %sub3A_762 : vector<1x80xf32>
    %concatenate3A_764 = tpu.concatenate %abs3A_735, %abs3A_739, %abs3A_743, %abs3A_747, %abs3A_751, %abs3A_755, %abs3A_759, %abs3A_763 in 1 : vector<1x80xf32>, vector<1x80xf32>, vector<1x80xf32>, vector<1x80xf32>, vector<1x80xf32>, vector<1x80xf32>, vector<1x80xf32>, vector<1x80xf32> -> vector<1x640xf32>
    %slice3A_765 = vector.extract_strided_slice %concatenate3A_105 {offsets = [0, 0], sizes = [80, 128], strides = [1, 1]} : vector<790x128xf32> to vector<80x128xf32>
    %slice3A_766 = vector.extract_strided_slice %concatenate3A_105 {offsets = [100, 0], sizes = [80, 128], strides = [1, 1]} : vector<790x128xf32> to vector<80x128xf32>
    %slice3A_767 = vector.extract_strided_slice %concatenate3A_105 {offsets = [200, 0], sizes = [80, 128], strides = [1, 1]} : vector<790x128xf32> to vector<80x128xf32>
    %slice3A_768 = vector.extract_strided_slice %concatenate3A_105 {offsets = [300, 0], sizes = [80, 128], strides = [1, 1]} : vector<790x128xf32> to vector<80x128xf32>
    %slice3A_769 = vector.extract_strided_slice %concatenate3A_105 {offsets = [400, 0], sizes = [80, 128], strides = [1, 1]} : vector<790x128xf32> to vector<80x128xf32>
    %slice3A_770 = vector.extract_strided_slice %concatenate3A_105 {offsets = [500, 0], sizes = [80, 128], strides = [1, 1]} : vector<790x128xf32> to vector<80x128xf32>
    %slice3A_771 = vector.extract_strided_slice %concatenate3A_105 {offsets = [600, 0], sizes = [80, 128], strides = [1, 1]} : vector<790x128xf32> to vector<80x128xf32>
    %slice3A_772 = vector.extract_strided_slice %concatenate3A_105 {offsets = [700, 0], sizes = [80, 128], strides = [1, 1]} : vector<790x128xf32> to vector<80x128xf32>
    %concatenate3A_773 = tpu.concatenate %slice3A_765, %slice3A_766, %slice3A_767, %slice3A_768, %slice3A_769, %slice3A_770, %slice3A_771, %slice3A_772 in 0 : vector<80x128xf32>, vector<80x128xf32>, vector<80x128xf32>, vector<80x128xf32>, vector<80x128xf32>, vector<80x128xf32>, vector<80x128xf32>, vector<80x128xf32> -> vector<640x128xf32>
    %slice3A_774 = vector.extract_strided_slice %concatenate3A_105 {offsets = [1, 0], sizes = [80, 128], strides = [1, 1]} : vector<790x128xf32> to vector<80x128xf32>
    %slice3A_775 = vector.extract_strided_slice %concatenate3A_105 {offsets = [101, 0], sizes = [80, 128], strides = [1, 1]} : vector<790x128xf32> to vector<80x128xf32>
    %slice3A_776 = vector.extract_strided_slice %concatenate3A_105 {offsets = [201, 0], sizes = [80, 128], strides = [1, 1]} : vector<790x128xf32> to vector<80x128xf32>
    %slice3A_777 = vector.extract_strided_slice %concatenate3A_105 {offsets = [301, 0], sizes = [80, 128], strides = [1, 1]} : vector<790x128xf32> to vector<80x128xf32>
    %slice3A_778 = vector.extract_strided_slice %concatenate3A_105 {offsets = [401, 0], sizes = [80, 128], strides = [1, 1]} : vector<790x128xf32> to vector<80x128xf32>
    %slice3A_779 = vector.extract_strided_slice %concatenate3A_105 {offsets = [501, 0], sizes = [80, 128], strides = [1, 1]} : vector<790x128xf32> to vector<80x128xf32>
    %slice3A_780 = vector.extract_strided_slice %concatenate3A_105 {offsets = [601, 0], sizes = [80, 128], strides = [1, 1]} : vector<790x128xf32> to vector<80x128xf32>
    %slice3A_781 = vector.extract_strided_slice %concatenate3A_105 {offsets = [701, 0], sizes = [80, 128], strides = [1, 1]} : vector<790x128xf32> to vector<80x128xf32>
    %concatenate3A_782 = tpu.concatenate %slice3A_774, %slice3A_775, %slice3A_776, %slice3A_777, %slice3A_778, %slice3A_779, %slice3A_780, %slice3A_781 in 0 : vector<80x128xf32>, vector<80x128xf32>, vector<80x128xf32>, vector<80x128xf32>, vector<80x128xf32>, vector<80x128xf32>, vector<80x128xf32>, vector<80x128xf32> -> vector<640x128xf32>
    %slice3A_783 = vector.extract_strided_slice %concatenate3A_105 {offsets = [2, 0], sizes = [80, 128], strides = [1, 1]} : vector<790x128xf32> to vector<80x128xf32>
    %slice3A_784 = vector.extract_strided_slice %concatenate3A_105 {offsets = [102, 0], sizes = [80, 128], strides = [1, 1]} : vector<790x128xf32> to vector<80x128xf32>
    %slice3A_785 = vector.extract_strided_slice %concatenate3A_105 {offsets = [202, 0], sizes = [80, 128], strides = [1, 1]} : vector<790x128xf32> to vector<80x128xf32>
    %slice3A_786 = vector.extract_strided_slice %concatenate3A_105 {offsets = [302, 0], sizes = [80, 128], strides = [1, 1]} : vector<790x128xf32> to vector<80x128xf32>
    %slice3A_787 = vector.extract_strided_slice %concatenate3A_105 {offsets = [402, 0], sizes = [80, 128], strides = [1, 1]} : vector<790x128xf32> to vector<80x128xf32>
    %slice3A_788 = vector.extract_strided_slice %concatenate3A_105 {offsets = [502, 0], sizes = [80, 128], strides = [1, 1]} : vector<790x128xf32> to vector<80x128xf32>
    %slice3A_789 = vector.extract_strided_slice %concatenate3A_105 {offsets = [602, 0], sizes = [80, 128], strides = [1, 1]} : vector<790x128xf32> to vector<80x128xf32>
    %slice3A_790 = vector.extract_strided_slice %concatenate3A_105 {offsets = [702, 0], sizes = [80, 128], strides = [1, 1]} : vector<790x128xf32> to vector<80x128xf32>
    %concatenate3A_791 = tpu.concatenate %slice3A_783, %slice3A_784, %slice3A_785, %slice3A_786, %slice3A_787, %slice3A_788, %slice3A_789, %slice3A_790 in 0 : vector<80x128xf32>, vector<80x128xf32>, vector<80x128xf32>, vector<80x128xf32>, vector<80x128xf32>, vector<80x128xf32>, vector<80x128xf32>, vector<80x128xf32> -> vector<640x128xf32>
    %slice3A_792 = vector.extract_strided_slice %concatenate3A_105 {offsets = [3, 0], sizes = [80, 128], strides = [1, 1]} : vector<790x128xf32> to vector<80x128xf32>
    %slice3A_793 = vector.extract_strided_slice %concatenate3A_105 {offsets = [103, 0], sizes = [80, 128], strides = [1, 1]} : vector<790x128xf32> to vector<80x128xf32>
    %slice3A_794 = vector.extract_strided_slice %concatenate3A_105 {offsets = [203, 0], sizes = [80, 128], strides = [1, 1]} : vector<790x128xf32> to vector<80x128xf32>
    %slice3A_795 = vector.extract_strided_slice %concatenate3A_105 {offsets = [303, 0], sizes = [80, 128], strides = [1, 1]} : vector<790x128xf32> to vector<80x128xf32>
    %slice3A_796 = vector.extract_strided_slice %concatenate3A_105 {offsets = [403, 0], sizes = [80, 128], strides = [1, 1]} : vector<790x128xf32> to vector<80x128xf32>
    %slice3A_797 = vector.extract_strided_slice %concatenate3A_105 {offsets = [503, 0], sizes = [80, 128], strides = [1, 1]} : vector<790x128xf32> to vector<80x128xf32>
    %slice3A_798 = vector.extract_strided_slice %concatenate3A_105 {offsets = [603, 0], sizes = [80, 128], strides = [1, 1]} : vector<790x128xf32> to vector<80x128xf32>
    %slice3A_799 = vector.extract_strided_slice %concatenate3A_105 {offsets = [703, 0], sizes = [80, 128], strides = [1, 1]} : vector<790x128xf32> to vector<80x128xf32>
    %concatenate3A_800 = tpu.concatenate %slice3A_792, %slice3A_793, %slice3A_794, %slice3A_795, %slice3A_796, %slice3A_797, %slice3A_798, %slice3A_799 in 0 : vector<80x128xf32>, vector<80x128xf32>, vector<80x128xf32>, vector<80x128xf32>, vector<80x128xf32>, vector<80x128xf32>, vector<80x128xf32>, vector<80x128xf32> -> vector<640x128xf32>
    %slice3A_801 = vector.extract_strided_slice %concatenate3A_105 {offsets = [4, 0], sizes = [80, 128], strides = [1, 1]} : vector<790x128xf32> to vector<80x128xf32>
    %slice3A_802 = vector.extract_strided_slice %concatenate3A_105 {offsets = [104, 0], sizes = [80, 128], strides = [1, 1]} : vector<790x128xf32> to vector<80x128xf32>
    %slice3A_803 = vector.extract_strided_slice %concatenate3A_105 {offsets = [204, 0], sizes = [80, 128], strides = [1, 1]} : vector<790x128xf32> to vector<80x128xf32>
    %slice3A_804 = vector.extract_strided_slice %concatenate3A_105 {offsets = [304, 0], sizes = [80, 128], strides = [1, 1]} : vector<790x128xf32> to vector<80x128xf32>
    %slice3A_805 = vector.extract_strided_slice %concatenate3A_105 {offsets = [404, 0], sizes = [80, 128], strides = [1, 1]} : vector<790x128xf32> to vector<80x128xf32>
    %slice3A_806 = vector.extract_strided_slice %concatenate3A_105 {offsets = [504, 0], sizes = [80, 128], strides = [1, 1]} : vector<790x128xf32> to vector<80x128xf32>
    %slice3A_807 = vector.extract_strided_slice %concatenate3A_105 {offsets = [604, 0], sizes = [80, 128], strides = [1, 1]} : vector<790x128xf32> to vector<80x128xf32>
    %slice3A_808 = vector.extract_strided_slice %concatenate3A_105 {offsets = [704, 0], sizes = [80, 128], strides = [1, 1]} : vector<790x128xf32> to vector<80x128xf32>
    %concatenate3A_809 = tpu.concatenate %slice3A_801, %slice3A_802, %slice3A_803, %slice3A_804, %slice3A_805, %slice3A_806, %slice3A_807, %slice3A_808 in 0 : vector<80x128xf32>, vector<80x128xf32>, vector<80x128xf32>, vector<80x128xf32>, vector<80x128xf32>, vector<80x128xf32>, vector<80x128xf32>, vector<80x128xf32> -> vector<640x128xf32>
    %slice3A_810 = vector.extract_strided_slice %concatenate3A_105 {offsets = [5, 0], sizes = [80, 128], strides = [1, 1]} : vector<790x128xf32> to vector<80x128xf32>
    %slice3A_811 = vector.extract_strided_slice %concatenate3A_105 {offsets = [105, 0], sizes = [80, 128], strides = [1, 1]} : vector<790x128xf32> to vector<80x128xf32>
    %slice3A_812 = vector.extract_strided_slice %concatenate3A_105 {offsets = [205, 0], sizes = [80, 128], strides = [1, 1]} : vector<790x128xf32> to vector<80x128xf32>
    %slice3A_813 = vector.extract_strided_slice %concatenate3A_105 {offsets = [305, 0], sizes = [80, 128], strides = [1, 1]} : vector<790x128xf32> to vector<80x128xf32>
    %slice3A_814 = vector.extract_strided_slice %concatenate3A_105 {offsets = [405, 0], sizes = [80, 128], strides = [1, 1]} : vector<790x128xf32> to vector<80x128xf32>
    %slice3A_815 = vector.extract_strided_slice %concatenate3A_105 {offsets = [505, 0], sizes = [80, 128], strides = [1, 1]} : vector<790x128xf32> to vector<80x128xf32>
    %slice3A_816 = vector.extract_strided_slice %concatenate3A_105 {offsets = [605, 0], sizes = [80, 128], strides = [1, 1]} : vector<790x128xf32> to vector<80x128xf32>
    %slice3A_817 = vector.extract_strided_slice %concatenate3A_105 {offsets = [705, 0], sizes = [80, 128], strides = [1, 1]} : vector<790x128xf32> to vector<80x128xf32>
    %concatenate3A_818 = tpu.concatenate %slice3A_810, %slice3A_811, %slice3A_812, %slice3A_813, %slice3A_814, %slice3A_815, %slice3A_816, %slice3A_817 in 0 : vector<80x128xf32>, vector<80x128xf32>, vector<80x128xf32>, vector<80x128xf32>, vector<80x128xf32>, vector<80x128xf32>, vector<80x128xf32>, vector<80x128xf32> -> vector<640x128xf32>
    %slice3A_819 = vector.extract_strided_slice %concatenate3A_105 {offsets = [6, 0], sizes = [80, 128], strides = [1, 1]} : vector<790x128xf32> to vector<80x128xf32>
    %slice3A_820 = vector.extract_strided_slice %concatenate3A_105 {offsets = [106, 0], sizes = [80, 128], strides = [1, 1]} : vector<790x128xf32> to vector<80x128xf32>
    %slice3A_821 = vector.extract_strided_slice %concatenate3A_105 {offsets = [206, 0], sizes = [80, 128], strides = [1, 1]} : vector<790x128xf32> to vector<80x128xf32>
    %slice3A_822 = vector.extract_strided_slice %concatenate3A_105 {offsets = [306, 0], sizes = [80, 128], strides = [1, 1]} : vector<790x128xf32> to vector<80x128xf32>
    %slice3A_823 = vector.extract_strided_slice %concatenate3A_105 {offsets = [406, 0], sizes = [80, 128], strides = [1, 1]} : vector<790x128xf32> to vector<80x128xf32>
    %slice3A_824 = vector.extract_strided_slice %concatenate3A_105 {offsets = [506, 0], sizes = [80, 128], strides = [1, 1]} : vector<790x128xf32> to vector<80x128xf32>
    %slice3A_825 = vector.extract_strided_slice %concatenate3A_105 {offsets = [606, 0], sizes = [80, 128], strides = [1, 1]} : vector<790x128xf32> to vector<80x128xf32>
    %slice3A_826 = vector.extract_strided_slice %concatenate3A_105 {offsets = [706, 0], sizes = [80, 128], strides = [1, 1]} : vector<790x128xf32> to vector<80x128xf32>
    %concatenate3A_827 = tpu.concatenate %slice3A_819, %slice3A_820, %slice3A_821, %slice3A_822, %slice3A_823, %slice3A_824, %slice3A_825, %slice3A_826 in 0 : vector<80x128xf32>, vector<80x128xf32>, vector<80x128xf32>, vector<80x128xf32>, vector<80x128xf32>, vector<80x128xf32>, vector<80x128xf32>, vector<80x128xf32> -> vector<640x128xf32>
    %slice3A_828 = vector.extract_strided_slice %concatenate3A_105 {offsets = [7, 0], sizes = [80, 128], strides = [1, 1]} : vector<790x128xf32> to vector<80x128xf32>
    %slice3A_829 = vector.extract_strided_slice %concatenate3A_105 {offsets = [107, 0], sizes = [80, 128], strides = [1, 1]} : vector<790x128xf32> to vector<80x128xf32>
    %slice3A_830 = vector.extract_strided_slice %concatenate3A_105 {offsets = [207, 0], sizes = [80, 128], strides = [1, 1]} : vector<790x128xf32> to vector<80x128xf32>
    %slice3A_831 = vector.extract_strided_slice %concatenate3A_105 {offsets = [307, 0], sizes = [80, 128], strides = [1, 1]} : vector<790x128xf32> to vector<80x128xf32>
    %slice3A_832 = vector.extract_strided_slice %concatenate3A_105 {offsets = [407, 0], sizes = [80, 128], strides = [1, 1]} : vector<790x128xf32> to vector<80x128xf32>
    %slice3A_833 = vector.extract_strided_slice %concatenate3A_105 {offsets = [507, 0], sizes = [80, 128], strides = [1, 1]} : vector<790x128xf32> to vector<80x128xf32>
    %slice3A_834 = vector.extract_strided_slice %concatenate3A_105 {offsets = [607, 0], sizes = [80, 128], strides = [1, 1]} : vector<790x128xf32> to vector<80x128xf32>
    %slice3A_835 = vector.extract_strided_slice %concatenate3A_105 {offsets = [707, 0], sizes = [80, 128], strides = [1, 1]} : vector<790x128xf32> to vector<80x128xf32>
    %concatenate3A_836 = tpu.concatenate %slice3A_828, %slice3A_829, %slice3A_830, %slice3A_831, %slice3A_832, %slice3A_833, %slice3A_834, %slice3A_835 in 0 : vector<80x128xf32>, vector<80x128xf32>, vector<80x128xf32>, vector<80x128xf32>, vector<80x128xf32>, vector<80x128xf32>, vector<80x128xf32>, vector<80x128xf32> -> vector<640x128xf32>
    %slice3A_837 = vector.extract_strided_slice %concatenate3A_105 {offsets = [8, 0], sizes = [80, 128], strides = [1, 1]} : vector<790x128xf32> to vector<80x128xf32>
    %slice3A_838 = vector.extract_strided_slice %concatenate3A_105 {offsets = [108, 0], sizes = [80, 128], strides = [1, 1]} : vector<790x128xf32> to vector<80x128xf32>
    %slice3A_839 = vector.extract_strided_slice %concatenate3A_105 {offsets = [208, 0], sizes = [80, 128], strides = [1, 1]} : vector<790x128xf32> to vector<80x128xf32>
    %slice3A_840 = vector.extract_strided_slice %concatenate3A_105 {offsets = [308, 0], sizes = [80, 128], strides = [1, 1]} : vector<790x128xf32> to vector<80x128xf32>
    %slice3A_841 = vector.extract_strided_slice %concatenate3A_105 {offsets = [408, 0], sizes = [80, 128], strides = [1, 1]} : vector<790x128xf32> to vector<80x128xf32>
    %slice3A_842 = vector.extract_strided_slice %concatenate3A_105 {offsets = [508, 0], sizes = [80, 128], strides = [1, 1]} : vector<790x128xf32> to vector<80x128xf32>
    %slice3A_843 = vector.extract_strided_slice %concatenate3A_105 {offsets = [608, 0], sizes = [80, 128], strides = [1, 1]} : vector<790x128xf32> to vector<80x128xf32>
    %slice3A_844 = vector.extract_strided_slice %concatenate3A_105 {offsets = [708, 0], sizes = [80, 128], strides = [1, 1]} : vector<790x128xf32> to vector<80x128xf32>
    %concatenate3A_845 = tpu.concatenate %slice3A_837, %slice3A_838, %slice3A_839, %slice3A_840, %slice3A_841, %slice3A_842, %slice3A_843, %slice3A_844 in 0 : vector<80x128xf32>, vector<80x128xf32>, vector<80x128xf32>, vector<80x128xf32>, vector<80x128xf32>, vector<80x128xf32>, vector<80x128xf32>, vector<80x128xf32> -> vector<640x128xf32>
    %slice3A_846 = vector.extract_strided_slice %concatenate3A_105 {offsets = [9, 0], sizes = [80, 128], strides = [1, 1]} : vector<790x128xf32> to vector<80x128xf32>
    %slice3A_847 = vector.extract_strided_slice %concatenate3A_105 {offsets = [109, 0], sizes = [80, 128], strides = [1, 1]} : vector<790x128xf32> to vector<80x128xf32>
    %slice3A_848 = vector.extract_strided_slice %concatenate3A_105 {offsets = [209, 0], sizes = [80, 128], strides = [1, 1]} : vector<790x128xf32> to vector<80x128xf32>
    %slice3A_849 = vector.extract_strided_slice %concatenate3A_105 {offsets = [309, 0], sizes = [80, 128], strides = [1, 1]} : vector<790x128xf32> to vector<80x128xf32>
    %slice3A_850 = vector.extract_strided_slice %concatenate3A_105 {offsets = [409, 0], sizes = [80, 128], strides = [1, 1]} : vector<790x128xf32> to vector<80x128xf32>
    %slice3A_851 = vector.extract_strided_slice %concatenate3A_105 {offsets = [509, 0], sizes = [80, 128], strides = [1, 1]} : vector<790x128xf32> to vector<80x128xf32>
    %slice3A_852 = vector.extract_strided_slice %concatenate3A_105 {offsets = [609, 0], sizes = [80, 128], strides = [1, 1]} : vector<790x128xf32> to vector<80x128xf32>
    %slice3A_853 = vector.extract_strided_slice %concatenate3A_105 {offsets = [709, 0], sizes = [80, 128], strides = [1, 1]} : vector<790x128xf32> to vector<80x128xf32>
    %concatenate3A_854 = tpu.concatenate %slice3A_846, %slice3A_847, %slice3A_848, %slice3A_849, %slice3A_850, %slice3A_851, %slice3A_852, %slice3A_853 in 0 : vector<80x128xf32>, vector<80x128xf32>, vector<80x128xf32>, vector<80x128xf32>, vector<80x128xf32>, vector<80x128xf32>, vector<80x128xf32>, vector<80x128xf32> -> vector<640x128xf32>
    %concatenate3A_855 = tpu.concatenate %concatenate3A_137, %concatenate3A_170, %concatenate3A_203, %concatenate3A_236, %concatenate3A_269, %concatenate3A_302, %concatenate3A_335, %concatenate3A_368, %concatenate3A_401, %concatenate3A_434, %concatenate3A_467, %concatenate3A_500, %concatenate3A_533, %concatenate3A_566, %concatenate3A_599, %concatenate3A_632, %concatenate3A_665, %concatenate3A_698, %concatenate3A_731, %concatenate3A_764 in 0 : vector<1x640xf32>, vector<1x640xf32>, vector<1x640xf32>, vector<1x640xf32>, vector<1x640xf32>, vector<1x640xf32>, vector<1x640xf32>, vector<1x640xf32>, vector<1x640xf32>, vector<1x640xf32>, vector<1x640xf32>, vector<1x640xf32>, vector<1x640xf32>, vector<1x640xf32>, vector<1x640xf32>, vector<1x640xf32>, vector<1x640xf32>, vector<1x640xf32>, vector<1x640xf32>, vector<1x640xf32> -> vector<20x640xf32>
    %stack3A = vector.shape_cast %concatenate3A_773 : vector<640x128xf32> to vector<1x640x128xf32>
    %stack3A_856 = vector.shape_cast %concatenate3A_782 : vector<640x128xf32> to vector<1x640x128xf32>
    %stack3A_857 = vector.shape_cast %concatenate3A_791 : vector<640x128xf32> to vector<1x640x128xf32>
    %stack3A_858 = vector.shape_cast %concatenate3A_800 : vector<640x128xf32> to vector<1x640x128xf32>
    %stack3A_859 = vector.shape_cast %concatenate3A_809 : vector<640x128xf32> to vector<1x640x128xf32>
    %stack3A_860 = vector.shape_cast %concatenate3A_818 : vector<640x128xf32> to vector<1x640x128xf32>
    %stack3A_861 = vector.shape_cast %concatenate3A_827 : vector<640x128xf32> to vector<1x640x128xf32>
    %stack3A_862 = vector.shape_cast %concatenate3A_836 : vector<640x128xf32> to vector<1x640x128xf32>
    %stack3A_863 = vector.shape_cast %concatenate3A_845 : vector<640x128xf32> to vector<1x640x128xf32>
    %stack3A_864 = vector.shape_cast %concatenate3A_854 : vector<640x128xf32> to vector<1x640x128xf32>
    %stack3A_865 = tpu.concatenate %stack3A, %stack3A_856, %stack3A_857, %stack3A_858, %stack3A_859, %stack3A_860, %stack3A_861, %stack3A_862, %stack3A_863, %stack3A_864 in 0 : vector<1x640x128xf32>, vector<1x640x128xf32>, vector<1x640x128xf32>, vector<1x640x128xf32>, vector<1x640x128xf32>, vector<1x640x128xf32>, vector<1x640x128xf32>, vector<1x640x128xf32>, vector<1x640x128xf32>, vector<1x640x128xf32> -> vector<10x640x128xf32>
    %add3A = arith.constant 1.000000e-10 : f32
    %add3A_866 = vector.broadcast %add3A : f32 to vector<20x640xf32>
    %add3A_867 = arith.addf %concatenate3A_855, %add3A_866 : vector<20x640xf32>
    %log3A = math.log %add3A_867 : vector<20x640xf32>
    %neg3A = arith.constant 0.000000e+00 : f32
    %neg3A_868 = vector.broadcast %neg3A : f32 to vector<20x640xf32>
    %neg3A_869 = arith.subf %neg3A_868, %log3A : vector<20x640xf32>
    %div3A = arith.constant 1.60943794 : f32
    %div3A_870 = vector.broadcast %div3A : f32 to vector<20x640xf32>
    %div3A_871 = arith.divf %neg3A_869, %div3A_870 : vector<20x640xf32>
    %exp3A = math.exp %div3A_871 : vector<20x640xf32>
    %get3A_872 = arith.constant 0 : index
    %get3A_873 = arith.constant 0 : index
    %get3A_874 = arith.constant 0 : index
    %get3A_875 = vector.load %arg4[%get3A_872, %get3A_873, %get3A_874] : memref<8x20x80xf32, #tpu.memory_space<vmem>>, vector<1x20x80xf32>
    %get3A_876 = vector.shape_cast %get3A_875 : vector<1x20x80xf32> to vector<20x80xf32>
    %get3A_877 = arith.constant 1 : index
    %get3A_878 = arith.constant 0 : index
    %get3A_879 = arith.constant 0 : index
    %get3A_880 = vector.load %arg4[%get3A_877, %get3A_878, %get3A_879] : memref<8x20x80xf32, #tpu.memory_space<vmem>>, vector<1x20x80xf32>
    %get3A_881 = vector.shape_cast %get3A_880 : vector<1x20x80xf32> to vector<20x80xf32>
    %get3A_882 = arith.constant 2 : index
    %get3A_883 = arith.constant 0 : index
    %get3A_884 = arith.constant 0 : index
    %get3A_885 = vector.load %arg4[%get3A_882, %get3A_883, %get3A_884] : memref<8x20x80xf32, #tpu.memory_space<vmem>>, vector<1x20x80xf32>
    %get3A_886 = vector.shape_cast %get3A_885 : vector<1x20x80xf32> to vector<20x80xf32>
    %get3A_887 = arith.constant 3 : index
    %get3A_888 = arith.constant 0 : index
    %get3A_889 = arith.constant 0 : index
    %get3A_890 = vector.load %arg4[%get3A_887, %get3A_888, %get3A_889] : memref<8x20x80xf32, #tpu.memory_space<vmem>>, vector<1x20x80xf32>
    %get3A_891 = vector.shape_cast %get3A_890 : vector<1x20x80xf32> to vector<20x80xf32>
    %get3A_892 = arith.constant 4 : index
    %get3A_893 = arith.constant 0 : index
    %get3A_894 = arith.constant 0 : index
    %get3A_895 = vector.load %arg4[%get3A_892, %get3A_893, %get3A_894] : memref<8x20x80xf32, #tpu.memory_space<vmem>>, vector<1x20x80xf32>
    %get3A_896 = vector.shape_cast %get3A_895 : vector<1x20x80xf32> to vector<20x80xf32>
    %get3A_897 = arith.constant 5 : index
    %get3A_898 = arith.constant 0 : index
    %get3A_899 = arith.constant 0 : index
    %get3A_900 = vector.load %arg4[%get3A_897, %get3A_898, %get3A_899] : memref<8x20x80xf32, #tpu.memory_space<vmem>>, vector<1x20x80xf32>
    %get3A_901 = vector.shape_cast %get3A_900 : vector<1x20x80xf32> to vector<20x80xf32>
    %get3A_902 = arith.constant 6 : index
    %get3A_903 = arith.constant 0 : index
    %get3A_904 = arith.constant 0 : index
    %get3A_905 = vector.load %arg4[%get3A_902, %get3A_903, %get3A_904] : memref<8x20x80xf32, #tpu.memory_space<vmem>>, vector<1x20x80xf32>
    %get3A_906 = vector.shape_cast %get3A_905 : vector<1x20x80xf32> to vector<20x80xf32>
    %get3A_907 = arith.constant 7 : index
    %get3A_908 = arith.constant 0 : index
    %get3A_909 = arith.constant 0 : index
    %get3A_910 = vector.load %arg4[%get3A_907, %get3A_908, %get3A_909] : memref<8x20x80xf32, #tpu.memory_space<vmem>>, vector<1x20x80xf32>
    %get3A_911 = vector.shape_cast %get3A_910 : vector<1x20x80xf32> to vector<20x80xf32>
    %concatenate3A_912 = tpu.concatenate %get3A_876, %get3A_881, %get3A_886, %get3A_891, %get3A_896, %get3A_901, %get3A_906, %get3A_911 in 1 : vector<20x80xf32>, vector<20x80xf32>, vector<20x80xf32>, vector<20x80xf32>, vector<20x80xf32>, vector<20x80xf32>, vector<20x80xf32>, vector<20x80xf32> -> vector<20x640xf32>
    %mul3A_913 = arith.mulf %concatenate3A_912, %exp3A : vector<20x640xf32>
    %iota3A_914 = tpu.iota {dimensions = array<i32: 0>} : vector<128x128xi32>
    %iota3A_915 = tpu.iota {dimensions = array<i32: 1>} : vector<128x128xi32>
    %jit3A_916 = arith.constant 64 : i32
    %div3A_917 = vector.broadcast %jit3A_916 : i32 to vector<128x128xi32>
    %div3A_918 = arith.divsi %iota3A_914, %div3A_917 : vector<128x128xi32>
    %sign3A = arith.constant 0 : i32
    %sign3A_919 = vector.broadcast %sign3A : i32 to vector<128x128xi32>
    %sign3A_920 = arith.cmpi sgt, %iota3A_914, %sign3A_919 : vector<128x128xi32>
    %sign3A_921 = arith.extui %sign3A_920 : vector<128x128xi1> to vector<128x128xi32>
    %sign3A_922 = arith.constant 0 : i32
    %sign3A_923 = vector.broadcast %sign3A_922 : i32 to vector<128x128xi32>
    %sign3A_924 = arith.cmpi slt, %iota3A_914, %sign3A_923 : vector<128x128xi32>
    %sign3A_925 = arith.extui %sign3A_924 : vector<128x128xi1> to vector<128x128xi32>
    %sign3A_926 = arith.subi %sign3A_921, %sign3A_925 : vector<128x128xi32>
    %sign3A_927 = arith.constant 0 : i32
    %sign3A_928 = arith.cmpi sgt, %jit3A_916, %sign3A_927 : i32
    %sign3A_929 = arith.extui %sign3A_928 : i1 to i32
    %sign3A_930 = arith.constant 0 : i32
    %sign3A_931 = arith.cmpi slt, %jit3A_916, %sign3A_930 : i32
    %sign3A_932 = arith.extui %sign3A_931 : i1 to i32
    %sign3A_933 = arith.subi %sign3A_929, %sign3A_932 : i32
    %ne3A = vector.broadcast %sign3A_933 : i32 to vector<128x128xi32>
    %ne3A_934 = arith.cmpi ne, %sign3A_926, %ne3A : vector<128x128xi32>
    %rem3A = vector.broadcast %jit3A_916 : i32 to vector<128x128xi32>
    %rem3A_935 = arith.remsi %iota3A_914, %rem3A : vector<128x128xi32>
    %ne3A_936 = arith.constant 0 : i32
    %ne3A_937 = vector.broadcast %ne3A_936 : i32 to vector<128x128xi32>
    %ne3A_938 = arith.cmpi ne, %rem3A_935, %ne3A_937 : vector<128x128xi32>
    %and3A = arith.andi %ne3A_934, %ne3A_938 : vector<128x128xi1>
    %sub3A_939 = arith.constant 1 : i32
    %sub3A_940 = vector.broadcast %sub3A_939 : i32 to vector<128x128xi32>
    %sub3A_941 = arith.subi %div3A_918, %sub3A_940 : vector<128x128xi32>
    %select_n3A_942 = arith.select %and3A, %sub3A_941, %div3A_918 : vector<128x128xi1>, vector<128x128xi32>
    %jit3A_943 = arith.constant 64 : i32
    %div3A_944 = vector.broadcast %jit3A_943 : i32 to vector<128x128xi32>
    %div3A_945 = arith.divsi %iota3A_915, %div3A_944 : vector<128x128xi32>
    %sign3A_946 = arith.constant 0 : i32
    %sign3A_947 = vector.broadcast %sign3A_946 : i32 to vector<128x128xi32>
    %sign3A_948 = arith.cmpi sgt, %iota3A_915, %sign3A_947 : vector<128x128xi32>
    %sign3A_949 = arith.extui %sign3A_948 : vector<128x128xi1> to vector<128x128xi32>
    %sign3A_950 = arith.constant 0 : i32
    %sign3A_951 = vector.broadcast %sign3A_950 : i32 to vector<128x128xi32>
    %sign3A_952 = arith.cmpi slt, %iota3A_915, %sign3A_951 : vector<128x128xi32>
    %sign3A_953 = arith.extui %sign3A_952 : vector<128x128xi1> to vector<128x128xi32>
    %sign3A_954 = arith.subi %sign3A_949, %sign3A_953 : vector<128x128xi32>
    %sign3A_955 = arith.constant 0 : i32
    %sign3A_956 = arith.cmpi sgt, %jit3A_943, %sign3A_955 : i32
    %sign3A_957 = arith.extui %sign3A_956 : i1 to i32
    %sign3A_958 = arith.constant 0 : i32
    %sign3A_959 = arith.cmpi slt, %jit3A_943, %sign3A_958 : i32
    %sign3A_960 = arith.extui %sign3A_959 : i1 to i32
    %sign3A_961 = arith.subi %sign3A_957, %sign3A_960 : i32
    %ne3A_962 = vector.broadcast %sign3A_961 : i32 to vector<128x128xi32>
    %ne3A_963 = arith.cmpi ne, %sign3A_954, %ne3A_962 : vector<128x128xi32>
    %rem3A_964 = vector.broadcast %jit3A_943 : i32 to vector<128x128xi32>
    %rem3A_965 = arith.remsi %iota3A_915, %rem3A_964 : vector<128x128xi32>
    %ne3A_966 = arith.constant 0 : i32
    %ne3A_967 = vector.broadcast %ne3A_966 : i32 to vector<128x128xi32>
    %ne3A_968 = arith.cmpi ne, %rem3A_965, %ne3A_967 : vector<128x128xi32>
    %and3A_969 = arith.andi %ne3A_963, %ne3A_968 : vector<128x128xi1>
    %sub3A_970 = arith.constant 1 : i32
    %sub3A_971 = vector.broadcast %sub3A_970 : i32 to vector<128x128xi32>
    %sub3A_972 = arith.subi %div3A_945, %sub3A_971 : vector<128x128xi32>
    %select_n3A_973 = arith.select %and3A_969, %sub3A_972, %div3A_945 : vector<128x128xi1>, vector<128x128xi32>
    %eq3A_974 = arith.cmpi eq, %select_n3A_942, %select_n3A_973 : vector<128x128xi32>
    %jit3A_975 = arith.constant 1.562500e-02 : f32
    %jit3A_976 = arith.constant 0.000000e+00 : f32
    %broadcast_in_dim3A_977 = vector.broadcast %jit3A_975 : f32 to vector<128x128xf32>
    %broadcast_in_dim3A_978 = vector.broadcast %jit3A_976 : f32 to vector<128x128xf32>
    %select_n3A_979 = arith.select %eq3A_974, %broadcast_in_dim3A_977, %broadcast_in_dim3A_978 : vector<128x128xi1>, vector<128x128xf32>
    %broadcast_in_dim3A_980 = arith.constant 0.000000e+00 : f32
    %broadcast_in_dim3A_981 = vector.broadcast %broadcast_in_dim3A_980 : f32 to vector<64x64xf32>
    %concatenate3A_982 = tpu.concatenate %dot_general3A_10, %broadcast_in_dim3A_981 in 1 : vector<64x64xf32>, vector<64x64xf32> -> vector<64x128xf32>
    %concatenate3A_983 = tpu.concatenate %broadcast_in_dim3A_981, %dot_general3A_10 in 1 : vector<64x64xf32>, vector<64x64xf32> -> vector<64x128xf32>
    %concatenate3A_984 = tpu.concatenate %concatenate3A_982, %concatenate3A_983 in 0 : vector<64x128xf32>, vector<64x128xf32> -> vector<128x128xf32>
    %concatenate3A_985 = tpu.concatenate %concatenate3A, %concatenate3A in 1 : vector<640x64xf32>, vector<640x64xf32> -> vector<640x128xf32>
    %broadcast_in_dim3A_986 = vector.shape_cast %concatenate3A_985 : vector<640x128xf32> to vector<1x640x128xf32>
    %add3A_987 = vector.broadcast %broadcast_in_dim3A_986 : vector<1x640x128xf32> to vector<10x640x128xf32>
    %add3A_988 = arith.addf %add3A_987, %stack3A_865 : vector<10x640x128xf32>
    %reshape3A_989 = vector.shape_cast %add3A_988 : vector<10x640x128xf32> to vector<6400x128xf32>
    %get3A_990 = arith.constant 0 : index
    %get3A_991 = arith.constant 0 : index
    %get3A_992 = vector.load %arg8[%get3A_990, %get3A_991] : memref<1x64xf32, #tpu.memory_space<vmem>>, vector<1x64xf32>
    %concatenate3A_993 = tpu.concatenate %get3A_992, %get3A_992 in 1 : vector<1x64xf32>, vector<1x64xf32> -> vector<1x128xf32>
    %get3A_994 = arith.constant 0 : index
    %get3A_995 = arith.constant 0 : index
    %get3A_996 = vector.load %arg9[%get3A_994, %get3A_995] : memref<1x64xf32, #tpu.memory_space<vmem>>, vector<1x64xf32>
    %concatenate3A_997 = tpu.concatenate %get3A_996, %get3A_996 in 1 : vector<1x64xf32>, vector<1x64xf32> -> vector<1x128xf32>
    %mul3A_998 = arith.mulf %reshape3A_989, %reshape3A_989 : vector<6400x128xf32>
    %dot_general3A_999 = arith.constant dense<0.000000e+00> : vector<6400x128xf32>
    %dot_general3A_1000 = tpu.matmul %mul3A_998, %select_n3A_979, %dot_general3A_999 {dimension_numbers = #tpu.dot_dimension_numbers<[1], [0], [0], [1], [0, 0, 1, 1], [], []>, transpose_lhs_hint = false} : vector<6400x128xf32>, vector<128x128xf32>, vector<6400x128xf32> -> vector<6400x128xf32>
    %add3A_1001 = arith.constant 9.99999974E-6 : f32
    %add3A_1002 = vector.broadcast %add3A_1001 : f32 to vector<6400x128xf32>
    %add3A_1003 = arith.addf %dot_general3A_1000, %add3A_1002 : vector<6400x128xf32>
    %rsqrt3A = math.rsqrt %add3A_1003 : vector<6400x128xf32>
    %mul3A_1004 = arith.mulf %reshape3A_989, %rsqrt3A : vector<6400x128xf32>
    %mul3A_1005 = vector.broadcast %concatenate3A_993 : vector<1x128xf32> to vector<6400x128xf32>
    %mul3A_1006 = arith.mulf %mul3A_1004, %mul3A_1005 : vector<6400x128xf32>
    %add3A_1007 = vector.broadcast %concatenate3A_997 : vector<1x128xf32> to vector<6400x128xf32>
    %add3A_1008 = arith.addf %mul3A_1006, %add3A_1007 : vector<6400x128xf32>
    %mul3A_1009 = arith.constant 0.00999999977 : f32
    %mul3A_1010 = vector.broadcast %mul3A_1009 : f32 to vector<6400x128xf32>
    %mul3A_1011 = arith.mulf %mul3A_1010, %add3A_1008 : vector<6400x128xf32>
    %max3A = arith.maximumf %add3A_1008, %mul3A_1011 : vector<6400x128xf32>
    %dot_general3A_1012 = arith.constant dense<0.000000e+00> : vector<6400x128xf32>
    %dot_general3A_1013 = tpu.matmul %max3A, %concatenate3A_984, %dot_general3A_1012 {dimension_numbers = #tpu.dot_dimension_numbers<[1], [0], [0], [1], [0, 0, 1, 1], [], []>, transpose_lhs_hint = false} : vector<6400x128xf32>, vector<128x128xf32>, vector<6400x128xf32> -> vector<6400x128xf32>
    %concatenate3A_1014 = tpu.concatenate %sub3A, %sub3A in 1 : vector<1x64xf32>, vector<1x64xf32> -> vector<1x128xf32>
    %add3A_1015 = vector.broadcast %concatenate3A_1014 : vector<1x128xf32> to vector<6400x128xf32>
    %add3A_1016 = arith.addf %dot_general3A_1013, %add3A_1015 : vector<6400x128xf32>
    %get3A_1017 = arith.constant 0 : index
    %get3A_1018 = arith.constant 0 : index
    %get3A_1019 = vector.load %arg12[%get3A_1017, %get3A_1018] : memref<1x64xf32, #tpu.memory_space<vmem>>, vector<1x64xf32>
    %concatenate3A_1020 = tpu.concatenate %get3A_1019, %get3A_1019 in 1 : vector<1x64xf32>, vector<1x64xf32> -> vector<1x128xf32>
    %get3A_1021 = arith.constant 0 : index
    %get3A_1022 = arith.constant 0 : index
    %get3A_1023 = vector.load %arg13[%get3A_1021, %get3A_1022] : memref<1x64xf32, #tpu.memory_space<vmem>>, vector<1x64xf32>
    %concatenate3A_1024 = tpu.concatenate %get3A_1023, %get3A_1023 in 1 : vector<1x64xf32>, vector<1x64xf32> -> vector<1x128xf32>
    %mul3A_1025 = arith.mulf %add3A_1016, %add3A_1016 : vector<6400x128xf32>
    %dot_general3A_1026 = arith.constant dense<0.000000e+00> : vector<6400x128xf32>
    %dot_general3A_1027 = tpu.matmul %mul3A_1025, %select_n3A_979, %dot_general3A_1026 {dimension_numbers = #tpu.dot_dimension_numbers<[1], [0], [0], [1], [0, 0, 1, 1], [], []>, transpose_lhs_hint = false} : vector<6400x128xf32>, vector<128x128xf32>, vector<6400x128xf32> -> vector<6400x128xf32>
    %add3A_1028 = arith.constant 9.99999974E-6 : f32
    %add3A_1029 = vector.broadcast %add3A_1028 : f32 to vector<6400x128xf32>
    %add3A_1030 = arith.addf %dot_general3A_1027, %add3A_1029 : vector<6400x128xf32>
    %rsqrt3A_1031 = math.rsqrt %add3A_1030 : vector<6400x128xf32>
    %mul3A_1032 = arith.mulf %add3A_1016, %rsqrt3A_1031 : vector<6400x128xf32>
    %mul3A_1033 = vector.broadcast %concatenate3A_1020 : vector<1x128xf32> to vector<6400x128xf32>
    %mul3A_1034 = arith.mulf %mul3A_1032, %mul3A_1033 : vector<6400x128xf32>
    %add3A_1035 = vector.broadcast %concatenate3A_1024 : vector<1x128xf32> to vector<6400x128xf32>
    %add3A_1036 = arith.addf %mul3A_1034, %add3A_1035 : vector<6400x128xf32>
    %mul3A_1037 = arith.constant 0.00999999977 : f32
    %mul3A_1038 = vector.broadcast %mul3A_1037 : f32 to vector<6400x128xf32>
    %mul3A_1039 = arith.mulf %mul3A_1038, %add3A_1036 : vector<6400x128xf32>
    %max3A_1040 = arith.maximumf %add3A_1036, %mul3A_1039 : vector<6400x128xf32>
    %add3A_1041 = arith.addf %max3A, %max3A_1040 : vector<6400x128xf32>
    %reshape3A_1042 = vector.shape_cast %add3A_1041 : vector<6400x128xf32> to vector<10x640x128xf32>
    %slice3A_1043 = vector.extract_strided_slice %mul3A_913 {offsets = [0, 0], sizes = [10, 640], strides = [1, 1]} : vector<20x640xf32> to vector<10x640xf32>
    %broadcast_in_dim3A_1044 = vector.shape_cast %slice3A_1043 : vector<10x640xf32> to vector<10x640x1xf32>
    %broadcast_in_dim3A_1045 = vector.shape_cast %broadcast_in_dim3A_1044 : vector<10x640x1xf32> to vector<10x640x1xf32>
    %broadcast_in_dim3A_1046 = vector.broadcast %broadcast_in_dim3A_1045 : vector<10x640x1xf32> to vector<10x640x64xf32>
    %slice3A_1047 = vector.extract_strided_slice %mul3A_913 {offsets = [10, 0], sizes = [10, 640], strides = [1, 1]} : vector<20x640xf32> to vector<10x640xf32>
    %broadcast_in_dim3A_1048 = vector.shape_cast %slice3A_1047 : vector<10x640xf32> to vector<10x640x1xf32>
    %broadcast_in_dim3A_1049 = vector.shape_cast %broadcast_in_dim3A_1048 : vector<10x640x1xf32> to vector<10x640x1xf32>
    %broadcast_in_dim3A_1050 = vector.broadcast %broadcast_in_dim3A_1049 : vector<10x640x1xf32> to vector<10x640x64xf32>
    %concatenate3A_1051 = tpu.concatenate %broadcast_in_dim3A_1046, %broadcast_in_dim3A_1050 in 2 : vector<10x640x64xf32>, vector<10x640x64xf32> -> vector<10x640x128xf32>
    %mul3A_1052 = arith.mulf %concatenate3A_1051, %reshape3A_1042 : vector<10x640x128xf32>
    %reduce_sum3A = arith.constant dense<0.000000e+00> : vector<640x128xf32>
    %reduce_sum3A_1053 = vector.multi_reduction <add>, %mul3A_1052, %reduce_sum3A [0] : vector<10x640x128xf32> to vector<640x128xf32>
    %slice3A_1054 = vector.extract_strided_slice %reduce_sum3A_1053 {offsets = [0, 0], sizes = [640, 64], strides = [1, 1]} : vector<640x128xf32> to vector<640x64xf32>
    %slice3A_1055 = vector.extract_strided_slice %reduce_sum3A_1053 {offsets = [0, 64], sizes = [640, 64], strides = [1, 1]} : vector<640x128xf32> to vector<640x64xf32>
    %add3A_1056 = arith.addf %slice3A_1054, %slice3A_1055 : vector<640x64xf32>
    %broadcast_in_dim3A_1057 = vector.shape_cast %mul3A_913 : vector<20x640xf32> to vector<20x640x1xf32>
    %reduce_sum3A_1058 = arith.constant dense<0.000000e+00> : vector<640x1xf32>
    %reduce_sum3A_1059 = vector.multi_reduction <add>, %broadcast_in_dim3A_1057, %reduce_sum3A_1058 [0] : vector<20x640x1xf32> to vector<640x1xf32>
    %get3A_1060 = arith.constant 0 : index
    %get3A_1061 = arith.constant 0 : index
    %get3A_1062 = vector.load %arg14[%get3A_1060, %get3A_1061] : memref<64x64xf32, #tpu.memory_space<vmem>>, vector<64x64xf32>
    %dot_general3A_1063 = arith.constant dense<0.000000e+00> : vector<640x64xf32>
    %dot_general3A_1064 = tpu.matmul %add3A_1056, %get3A_1062, %dot_general3A_1063 {dimension_numbers = #tpu.dot_dimension_numbers<[1], [0], [0], [1], [0, 0, 1, 1], [], []>, transpose_lhs_hint = false} : vector<640x64xf32>, vector<64x64xf32>, vector<640x64xf32> -> vector<640x64xf32>
    %get3A_1065 = arith.constant 0 : index
    %get3A_1066 = arith.constant 0 : index
    %get3A_1067 = vector.load %arg15[%get3A_1065, %get3A_1066] : memref<1x64xf32, #tpu.memory_space<vmem>>, vector<1x64xf32>
    %mul3A_1068 = vector.broadcast %reduce_sum3A_1059 : vector<640x1xf32> to vector<640x64xf32>
    %mul3A_1069 = vector.broadcast %get3A_1067 : vector<1x64xf32> to vector<640x64xf32>
    %mul3A_1070 = arith.mulf %mul3A_1068, %mul3A_1069 : vector<640x64xf32>
    %add3A_1071 = arith.addf %dot_general3A_1064, %mul3A_1070 : vector<640x64xf32>
    %dot_general3A_1072 = arith.constant dense<0.000000e+00> : vector<640x64xf32>
    %dot_general3A_1073 = tpu.matmul %add3A_1071, %dot_general3A_23, %dot_general3A_1072 {dimension_numbers = #tpu.dot_dimension_numbers<[1], [0], [0], [1], [0, 0, 1, 1], [], []>, transpose_lhs_hint = false} : vector<640x64xf32>, vector<64x64xf32>, vector<640x64xf32> -> vector<640x64xf32>
    %add3A_1074 = vector.broadcast %sub3A_32 : vector<1x64xf32> to vector<640x64xf32>
    %add3A_1075 = arith.addf %dot_general3A_1073, %add3A_1074 : vector<640x64xf32>
    %get3A_1076 = arith.constant 0 : index
    %get3A_1077 = arith.constant 0 : index
    %get3A_1078 = vector.load %arg18[%get3A_1076, %get3A_1077] : memref<1x64xf32, #tpu.memory_space<vmem>>, vector<1x64xf32>
    %get3A_1079 = arith.constant 0 : index
    %get3A_1080 = arith.constant 0 : index
    %get3A_1081 = vector.load %arg19[%get3A_1079, %get3A_1080] : memref<1x64xf32, #tpu.memory_space<vmem>>, vector<1x64xf32>
    %mul3A_1082 = arith.mulf %add3A_1075, %add3A_1075 : vector<640x64xf32>
    %dot_general3A_1083 = arith.constant dense<0.000000e+00> : vector<640x64xf32>
    %dot_general3A_1084 = tpu.matmul %mul3A_1082, %broadcast_in_dim3A_1, %dot_general3A_1083 {dimension_numbers = #tpu.dot_dimension_numbers<[1], [0], [0], [1], [0, 0, 1, 1], [], []>, transpose_lhs_hint = false} : vector<640x64xf32>, vector<64x64xf32>, vector<640x64xf32> -> vector<640x64xf32>
    %add3A_1085 = arith.constant 9.99999974E-6 : f32
    %add3A_1086 = vector.broadcast %add3A_1085 : f32 to vector<640x64xf32>
    %add3A_1087 = arith.addf %dot_general3A_1084, %add3A_1086 : vector<640x64xf32>
    %rsqrt3A_1088 = math.rsqrt %add3A_1087 : vector<640x64xf32>
    %mul3A_1089 = arith.mulf %add3A_1075, %rsqrt3A_1088 : vector<640x64xf32>
    %mul3A_1090 = vector.broadcast %get3A_1078 : vector<1x64xf32> to vector<640x64xf32>
    %mul3A_1091 = arith.mulf %mul3A_1089, %mul3A_1090 : vector<640x64xf32>
    %add3A_1092 = vector.broadcast %get3A_1081 : vector<1x64xf32> to vector<640x64xf32>
    %add3A_1093 = arith.addf %mul3A_1091, %add3A_1092 : vector<640x64xf32>
    %mul3A_1094 = arith.constant 0.00999999977 : f32
    %mul3A_1095 = vector.broadcast %mul3A_1094 : f32 to vector<640x64xf32>
    %mul3A_1096 = arith.mulf %mul3A_1095, %add3A_1093 : vector<640x64xf32>
    %max3A_1097 = arith.maximumf %add3A_1093, %mul3A_1096 : vector<640x64xf32>
    %add3A_1098 = arith.addf %add3A_1071, %max3A_1097 : vector<640x64xf32>
    %dot_general3A_1099 = arith.constant dense<0.000000e+00> : vector<640x64xf32>
    %dot_general3A_1100 = tpu.matmul %add3A_1098, %dot_general3A_37, %dot_general3A_1099 {dimension_numbers = #tpu.dot_dimension_numbers<[1], [0], [0], [1], [0, 0, 1, 1], [], []>, transpose_lhs_hint = false} : vector<640x64xf32>, vector<64x64xf32>, vector<640x64xf32> -> vector<640x64xf32>
    %add3A_1101 = vector.broadcast %sub3A_46 : vector<1x64xf32> to vector<640x64xf32>
    %add3A_1102 = arith.addf %dot_general3A_1100, %add3A_1101 : vector<640x64xf32>
    %get3A_1103 = arith.constant 0 : index
    %get3A_1104 = arith.constant 0 : index
    %get3A_1105 = vector.load %arg22[%get3A_1103, %get3A_1104] : memref<1x64xf32, #tpu.memory_space<vmem>>, vector<1x64xf32>
    %get3A_1106 = arith.constant 0 : index
    %get3A_1107 = arith.constant 0 : index
    %get3A_1108 = vector.load %arg23[%get3A_1106, %get3A_1107] : memref<1x64xf32, #tpu.memory_space<vmem>>, vector<1x64xf32>
    %mul3A_1109 = arith.mulf %add3A_1102, %add3A_1102 : vector<640x64xf32>
    %dot_general3A_1110 = arith.constant dense<0.000000e+00> : vector<640x64xf32>
    %dot_general3A_1111 = tpu.matmul %mul3A_1109, %broadcast_in_dim3A_1, %dot_general3A_1110 {dimension_numbers = #tpu.dot_dimension_numbers<[1], [0], [0], [1], [0, 0, 1, 1], [], []>, transpose_lhs_hint = false} : vector<640x64xf32>, vector<64x64xf32>, vector<640x64xf32> -> vector<640x64xf32>
    %add3A_1112 = arith.constant 9.99999974E-6 : f32
    %add3A_1113 = vector.broadcast %add3A_1112 : f32 to vector<640x64xf32>
    %add3A_1114 = arith.addf %dot_general3A_1111, %add3A_1113 : vector<640x64xf32>
    %rsqrt3A_1115 = math.rsqrt %add3A_1114 : vector<640x64xf32>
    %mul3A_1116 = arith.mulf %add3A_1102, %rsqrt3A_1115 : vector<640x64xf32>
    %mul3A_1117 = vector.broadcast %get3A_1105 : vector<1x64xf32> to vector<640x64xf32>
    %mul3A_1118 = arith.mulf %mul3A_1116, %mul3A_1117 : vector<640x64xf32>
    %add3A_1119 = vector.broadcast %get3A_1108 : vector<1x64xf32> to vector<640x64xf32>
    %add3A_1120 = arith.addf %mul3A_1118, %add3A_1119 : vector<640x64xf32>
    %mul3A_1121 = arith.constant 0.00999999977 : f32
    %mul3A_1122 = vector.broadcast %mul3A_1121 : f32 to vector<640x64xf32>
    %mul3A_1123 = arith.mulf %mul3A_1122, %add3A_1120 : vector<640x64xf32>
    %max3A_1124 = arith.maximumf %add3A_1120, %mul3A_1123 : vector<640x64xf32>
    %add3A_1125 = arith.addf %add3A_1098, %max3A_1124 : vector<640x64xf32>
    %get3A_1126 = arith.constant 0 : index
    %get3A_1127 = arith.constant 0 : index
    %get3A_1128 = vector.load %arg24[%get3A_1126, %get3A_1127] : memref<64x2xf32, #tpu.memory_space<vmem>>, vector<64x2xf32>
    %dot_general3A_1129 = arith.constant dense<0.000000e+00> : vector<640x2xf32>
    %dot_general3A_1130 = tpu.matmul %add3A_1125, %get3A_1128, %dot_general3A_1129 {dimension_numbers = #tpu.dot_dimension_numbers<[1], [0], [0], [1], [0, 0, 1, 1], [], []>, transpose_lhs_hint = false} : vector<640x64xf32>, vector<64x2xf32>, vector<640x2xf32> -> vector<640x2xf32>
    %get3A_1131 = arith.constant 0 : index
    %get3A_1132 = arith.constant 0 : index
    %get3A_1133 = vector.load %arg25[%get3A_1131, %get3A_1132] : memref<1x2xf32, #tpu.memory_space<vmem>>, vector<1x2xf32>
    %add3A_1134 = vector.broadcast %get3A_1133 : vector<1x2xf32> to vector<640x2xf32>
    %add3A_1135 = arith.addf %dot_general3A_1130, %add3A_1134 : vector<640x2xf32>
    %slice3A_1136 = vector.extract_strided_slice %add3A_1135 {offsets = [0, 1], sizes = [640, 1], strides = [1, 1]} : vector<640x2xf32> to vector<640x1xf32>
    %slice3A_1137 = vector.extract_strided_slice %add3A_1135 {offsets = [0, 0], sizes = [640, 1], strides = [1, 1]} : vector<640x2xf32> to vector<640x1xf32>
    %sub3A_1138 = arith.subf %slice3A_1136, %slice3A_1137 : vector<640x1xf32>
    %logistic3A = arith.negf %sub3A_1138 : vector<640x1xf32>
    %logistic3A_1139 = math.exp %logistic3A : vector<640x1xf32>
    %logistic3A_1140 = arith.constant 1.000000e+00 : f32
    %logistic3A_1141 = vector.broadcast %logistic3A_1140 : f32 to vector<640x1xf32>
    %logistic3A_1142 = arith.addf %logistic3A_1141, %logistic3A_1139 : vector<640x1xf32>
    %logistic3A_1143 = arith.divf %logistic3A_1141, %logistic3A_1142 : vector<640x1xf32>
    %reshape3A_1144 = vector.shape_cast %logistic3A_1143 : vector<640x1xf32> to vector<8x80xf32>
    %transpose3A = tpu.transpose %reshape3A_1144, [1, 0] : vector<8x80xf32> -> vector<80x8xf32>
    %reshape3A_1145 = vector.shape_cast %transpose3A : vector<80x8xf32> to vector<80x1x8x1xf32>
    %swap3A = arith.constant 0 : index
    %swap3A_1146 = arith.constant 0 : index
    %swap3A_1147 = arith.constant 0 : index
    %swap3A_1148 = arith.constant 0 : index
    %swap3A_1149 = vector.load %arg26[%swap3A, %swap3A_1146, %swap3A_1147, %swap3A_1148] : memref<80x1x8x1xf32, #tpu.memory_space<vmem>>, vector<80x1x8x1xf32>
    tpu.vector_store %arg26[%swap3A, %swap3A_1146, %swap3A_1147, %swap3A_1148], %reshape3A_1145 {strides = array<i32>} : memref<80x1x8x1xf32, #tpu.memory_space<vmem>>, vector<80x1x8x1xf32>,
    return
  }
  func.func @transform_0(%arg0: i32) -> (i32, i32, i32) {
    %add3A = arith.constant 0 : i32
    %add3A_0 = arith.addi %arg0, %add3A : i32
    %c0_i32 = arith.constant 0 : i32
    %c0_i32_1 = arith.constant 0 : i32
    %c0_i32_2 = arith.constant 0 : i32
    return %add3A_0, %c0_i32, %c0_i32_1 : i32, i32, i32
  }
  func.func @transform_1(%arg0: i32) -> (i32, i32, i32) {
    %add3A = arith.constant 0 : i32
    %add3A_0 = arith.addi %arg0, %add3A : i32
    %c0_i32 = arith.constant 0 : i32
    %c0_i32_1 = arith.constant 0 : i32
    %c0_i32_2 = arith.constant 0 : i32
    return %add3A_0, %c0_i32, %c0_i32_1 : i32, i32, i32
  }
  func.func @transform_2(%arg0: i32) -> (i32, i32, i32) {
    %add3A = arith.constant 0 : i32
    %add3A_0 = arith.addi %arg0, %add3A : i32
    %c0_i32 = arith.constant 0 : i32
    %c0_i32_1 = arith.constant 0 : i32
    %c0_i32_2 = arith.constant 0 : i32
    return %add3A_0, %c0_i32, %c0_i32_1 : i32, i32, i32
  }
  func.func @transform_3(%arg0: i32) -> (i32, i32, i32) {
    %c0_i32 = arith.constant 0 : i32
    %c0_i32_0 = arith.constant 0 : i32
    %c0_i32_1 = arith.constant 0 : i32
    return %arg0, %c0_i32, %c0_i32_0 : i32, i32, i32
  }
  func.func @transform_4(%arg0: i32) -> (i32, i32) {
    %c0_i32 = arith.constant 0 : i32
    %c0_i32_0 = arith.constant 0 : i32
    %c0_i32_1 = arith.constant 0 : i32
    return %c0_i32, %c0_i32_0 : i32, i32
  }
  func.func @transform_5(%arg0: i32) -> (i32, i32) {
    %c0_i32 = arith.constant 0 : i32
    %c0_i32_0 = arith.constant 0 : i32
    %c0_i32_1 = arith.constant 0 : i32
    return %c0_i32, %c0_i32_0 : i32, i32
  }
  func.func @transform_6(%arg0: i32) -> (i32, i32) {
    %c0_i32 = arith.constant 0 : i32
    %c0_i32_0 = arith.constant 0 : i32
    %c0_i32_1 = arith.constant 0 : i32
    return %c0_i32, %c0_i32_0 : i32, i32
  }
  func.func @transform_7(%arg0: i32) -> (i32, i32) {
    %c0_i32 = arith.constant 0 : i32
    %c0_i32_0 = arith.constant 0 : i32
    %c0_i32_1 = arith.constant 0 : i32
    return %c0_i32, %c0_i32_0 : i32, i32
  }
  func.func @transform_8(%arg0: i32) -> (i32, i32) {
    %c0_i32 = arith.constant 0 : i32
    %c0_i32_0 = arith.constant 0 : i32
    %c0_i32_1 = arith.constant 0 : i32
    return %c0_i32, %c0_i32_0 : i32, i32
  }
  func.func @transform_9(%arg0: i32) -> (i32, i32) {
    %c0_i32 = arith.constant 0 : i32
    %c0_i32_0 = arith.constant 0 : i32
    %c0_i32_1 = arith.constant 0 : i32
    return %c0_i32, %c0_i32_0 : i32, i32
  }
  func.func @transform_10(%arg0: i32) -> (i32, i32) {
    %c0_i32 = arith.constant 0 : i32
    %c0_i32_0 = arith.constant 0 : i32
    %c0_i32_1 = arith.constant 0 : i32
    return %c0_i32, %c0_i32_0 : i32, i32
  }
  func.func @transform_11(%arg0: i32) -> (i32, i32) {
    %c0_i32 = arith.constant 0 : i32
    %c0_i32_0 = arith.constant 0 : i32
    %c0_i32_1 = arith.constant 0 : i32
    return %c0_i32, %c0_i32_0 : i32, i32
  }
  func.func @transform_12(%arg0: i32) -> (i32, i32) {
    %c0_i32 = arith.constant 0 : i32
    %c0_i32_0 = arith.constant 0 : i32
    %c0_i32_1 = arith.constant 0 : i32
    return %c0_i32, %c0_i32_0 : i32, i32
  }
  func.func @transform_13(%arg0: i32) -> (i32, i32) {
    %c0_i32 = arith.constant 0 : i32
    %c0_i32_0 = arith.constant 0 : i32
    %c0_i32_1 = arith.constant 0 : i32
    return %c0_i32, %c0_i32_0 : i32, i32
  }
  func.func @transform_14(%arg0: i32) -> (i32, i32) {
    %c0_i32 = arith.constant 0 : i32
    %c0_i32_0 = arith.constant 0 : i32
    %c0_i32_1 = arith.constant 0 : i32
    return %c0_i32, %c0_i32_0 : i32, i32
  }
  func.func @transform_15(%arg0: i32) -> (i32, i32) {
    %c0_i32 = arith.constant 0 : i32
    %c0_i32_0 = arith.constant 0 : i32
    %c0_i32_1 = arith.constant 0 : i32
    return %c0_i32, %c0_i32_0 : i32, i32
  }
  func.func @transform_16(%arg0: i32) -> (i32, i32) {
    %c0_i32 = arith.constant 0 : i32
    %c0_i32_0 = arith.constant 0 : i32
    %c0_i32_1 = arith.constant 0 : i32
    return %c0_i32, %c0_i32_0 : i32, i32
  }
  func.func @transform_17(%arg0: i32) -> (i32, i32) {
    %c0_i32 = arith.constant 0 : i32
    %c0_i32_0 = arith.constant 0 : i32
    %c0_i32_1 = arith.constant 0 : i32
    return %c0_i32, %c0_i32_0 : i32, i32
  }
  func.func @transform_18(%arg0: i32) -> (i32, i32) {
    %c0_i32 = arith.constant 0 : i32
    %c0_i32_0 = arith.constant 0 : i32
    %c0_i32_1 = arith.constant 0 : i32
    return %c0_i32, %c0_i32_0 : i32, i32
  }
  func.func @transform_19(%arg0: i32) -> (i32, i32) {
    %c0_i32 = arith.constant 0 : i32
    %c0_i32_0 = arith.constant 0 : i32
    %c0_i32_1 = arith.constant 0 : i32
    return %c0_i32, %c0_i32_0 : i32, i32
  }
  func.func @transform_20(%arg0: i32) -> (i32, i32) {
    %c0_i32 = arith.constant 0 : i32
    %c0_i32_0 = arith.constant 0 : i32
    %c0_i32_1 = arith.constant 0 : i32
    return %c0_i32, %c0_i32_0 : i32, i32
  }
  func.func @transform_21(%arg0: i32) -> (i32, i32) {
    %c0_i32 = arith.constant 0 : i32
    %c0_i32_0 = arith.constant 0 : i32
    %c0_i32_1 = arith.constant 0 : i32
    return %c0_i32, %c0_i32_0 : i32, i32
  }
  func.func @transform_22(%arg0: i32) -> (i32, i32) {
    %c0_i32 = arith.constant 0 : i32
    %c0_i32_0 = arith.constant 0 : i32
    %c0_i32_1 = arith.constant 0 : i32
    return %c0_i32, %c0_i32_0 : i32, i32
  }
  func.func @transform_23(%arg0: i32) -> (i32, i32) {
    %c0_i32 = arith.constant 0 : i32
    %c0_i32_0 = arith.constant 0 : i32
    %c0_i32_1 = arith.constant 0 : i32
    return %c0_i32, %c0_i32_0 : i32, i32
  }
  func.func @transform_24(%arg0: i32) -> (i32, i32) {
    %c0_i32 = arith.constant 0 : i32
    %c0_i32_0 = arith.constant 0 : i32
    %c0_i32_1 = arith.constant 0 : i32
    return %c0_i32, %c0_i32_0 : i32, i32
  }
  func.func @transform_25(%arg0: i32) -> (i32, i32, i32, i32) {
    %c0_i32 = arith.constant 0 : i32
    %c0_i32_0 = arith.constant 0 : i32
    %c0_i32_1 = arith.constant 0 : i32
    %c0_i32_2 = arith.constant 0 : i32
    return %c0_i32, %c0_i32_0, %arg0, %c0_i32_1 : i32, i32, i32, i32
  }
}

</mosaic_0001>

<sc_bundles>
// kernel: kernel.6.cloned.1.call-start
scs
__scs_entry_jumppad:
0x0: {  	(pc) =	sbr.rel $0x88, $3  }
0x1: {  	(tag) =	ssettag $0x0;
	lr =	simm.s32 $0x1  }
0x2: {  	[smem:$0x3F88] =	sst lr;
	_ =	strace $0xD0000000  }
0x3: {  	_ = 	snop  }
0x4: {  	_ = 	snop  }
0x5: {  	_ = 	snop  }
0x6: {  	_ = 	snop  }
0x7: {  	_ = 	snop  }
__scs_overlays_trampoline_lowered:
0x8: {  	[smem:$0x3F97] =	sst s0  }
0x9: {  	[smem:$0x3F98] =	sst s1  }
0xa: {  	[smem:$0x3F99] =	sst s2  }
0xb: {  	[smem:$0x3F9A] =	sst s3  }
0xc: {  	[smem:$0x3F9B] =	sst s4  }
0xd: {  	[smem:$0x3F9C] =	sst s5  }
0xe: {  	[smem:$0x3F9D] =	sst s6  }
0xf: {  	[smem:$0x3F9E] =	sst s7  }
0x10: {  	[smem:$0x3F9F] =	sst s8  }
0x11: {  	[smem:$0x3FA0] =	sst s9;
	s0 =	simm.s32 @!p0 $0x0  }
0x12: {  	s1 =	sld [smem:$0x3F86];
	s0 =	simm.s32 @p0 $0x1  }
0x13: {  	[smem:$0x3FA1] =	sst s0;
	s0 =	simm.s32 @!p1 $0x0  }
0x14: {  	s2 =	sld [smem:$0x3F85];
	s0 =	simm.s32 @p1 $0x1  }
0x15: {  	[smem:$0x3FA2] =	sst s0;
	s0 =	simm.s32 @!p2 $0x0  }
0x16: {  	s3 =	sld [smem:$0x3FDB];
	s0 =	simm.s32 @p2 $0x1  }
0x17: {  	s4 =	simm.s32 $0x1BF5;
	[smem:$0x3FA4] =	sst s0  }
0x18: {  	s0 =	sld [smem:$0x3F87];
	_ =	swait.ge [sflag:s4], $0x0  }
0x19: {  	s7 =	sld [smem:$0x3F88]  }
0x1a: {  	s8 =	sadd.s32 $0xFFFFE003, lr  }
0x1b: {  	s9 =	sadd.s32 $0xFFFFFEF7, lr;
	s5 =	simm.s32 $0xFFFFFFFF;
	p2 =	slt.u32 s8, $0xFFFFF086  }
0x1c: {  	p1 =	slt.u32 s9, $0xF7A;
	s5 =	simm.s32 @!p2 $0x0  }
0x1d: {  	s5 =	simm.s32 @p1 $0x1;
	p0 =	seq.s32 s7, s2  }
0x1e: {  	s7 =	smul.u32 @!p0 $0xF7A, s2;
	p2 =	seq.s32 @!p0 s5, $0x0  }
0x1f: {  	s9 =	smul.u32 $0xF7A, s1;
	s8 =	simm.s32 @!p0 $0x1BF5;
	p2 =	por !p2, p0  }
0x20: {  	[sflag:s8] =	ssyncset.s32 @!p0 $0xFFFFF086;
	s6 =	sadd.s32 @!p0 s3, s7;
	s7 =	simm.s32 @!p0 $0x108  }
0x21: {  	s3 =	sadd.s32 s3, s9;
	s6 =	sadd.s32 @!p0 $0x88, s6;
	s7 =	simm.s32 @p2 $0x1082  }
0x22: {  	[simem:s7], [sflag:s8] =	dma.local @!p0 [hbm:s6], $0xF7A  }
0x23: {  	s9 =	sor.u32 $0xD0000000, s2;
	s6 =	simm.s32 $0x108;
	_ =	swait.ge @!p0 [sflag:s8], $0x0  }
0x24: {  	s3 =	sadd.s32 $0x88, s3;
	s6 =	simm.s32 @!p1 $0x1082;
	[sflag:s4] =	ssyncset.s32 $0xFFFFF086  }
0x25: {  	[simem:s6], [sflag:s4] =	dma.local [hbm:s3], $0xF7A  }
0x26: {  	[smem:$0x3F88] =	sst s1;
	(tag) =	ssettag s2;
	_ =	strace s9  }
0x27: {  	s1 =	sld [smem:$0x3F98]  }
0x28: {  	s2 =	sld [smem:$0x3F99]  }
0x29: {  	s4 =	sld [smem:$0x3F9B]  }
0x2a: {  	p0 =	seq.s32 s5, $0x0;
	s5 =	sld [smem:$0x3F9C]  }
0x2b: {  	s6 =	sld [smem:$0x3F9D]  }
0x2c: {  	s7 =	sld [smem:$0x3F9E]  }
0x2d: {  	s3 =	simm.s32 $0x108;
	s8 =	sld [smem:$0x3F9F]  }
0x2e: {  	s3 =	simm.s32 @!p0 $0x1082;
	s9 =	sld [smem:$0x3FA0]  }
0x2f: {  	lr =	sadd.s32 s0, s3;
	s0 =	sld [smem:$0x3F97]  }
0x30: {  	s3 =	sld [smem:$0x3F9A]  }
0x31: {  	[smem:$0x3FA3] =	sst s10  }
0x32: {  	s10 =	sld [smem:$0x3FA1];
	_ =	sdelay $0x3  }
0x33: {  	p0 =	seq.s32 s10, $0x1;
	s10 =	sld [smem:$0x3FA3];
	_ =	sdelay $0x3  }
0x34: {  	[smem:$0x3FA3] =	sst s10  }
0x35: {  	s10 =	sld [smem:$0x3FA2];
	_ =	sdelay $0x3  }
0x36: {  	p1 =	seq.s32 s10, $0x1;
	s10 =	sld [smem:$0x3FA3];
	_ =	sdelay $0x3  }
0x37: {  	[smem:$0x3FA3] =	sst s10  }
0x38: {  	s10 =	sld [smem:$0x3FA4]  }
0x39: {  	_ = 	snop;
	(pc) =	sbr.ind lr, $3  }
0x3a: {  	_ = 	snop  }
0x3b: {  	_ = 	snop  }
0x3c: {  	p2 =	seq.s32 s10, $0x1;
	s10 =	sld [smem:$0x3FA3]  }
0x3d: {  	_ =	shalt  }
0x3e: {  	_ =	shalt  }
0x3f: {  	_ =	shalt  }
0x40: {  	_ =	shalt  }
0x41: {  	_ =	shalt  }
0x42: {  	_ =	shalt  }
0x43: {  	_ =	shalt  }
0x44: {  	_ =	shalt  }
0x45: {  	_ =	shalt  }
0x46: {  	_ =	shalt  }
0x47: {  	_ =	shalt  }
0x48: {  	_ =	shalt  }
0x49: {  	_ =	shalt  }
0x4a: {  	_ =	shalt  }
0x4b: {  	_ =	shalt  }
0x4c: {  	_ =	shalt  }
0x4d: {  	_ =	shalt  }
0x4e: {  	_ =	shalt  }
0x4f: {  	_ =	shalt  }
0x50: {  	_ =	shalt  }
0x51: {  	_ =	shalt  }
0x52: {  	_ =	shalt  }
0x53: {  	_ =	shalt  }
0x54: {  	_ =	shalt  }
0x55: {  	_ =	shalt  }
0x56: {  	_ =	shalt  }
0x57: {  	_ =	shalt  }
0x58: {  	_ =	shalt  }
0x59: {  	_ =	shalt  }
0x5a: {  	_ =	shalt  }
0x5b: {  	_ =	shalt  }
0x5c: {  	_ =	shalt  }
0x5d: {  	_ =	shalt  }
0x5e: {  	_ =	shalt  }
0x5f: {  	_ =	shalt  }
0x60: {  	_ =	shalt  }
0x61: {  	_ =	shalt  }
0x62: {  	_ =	shalt  }
0x63: {  	_ =	shalt  }
0x64: {  	_ =	shalt  }
0x65: {  	_ =	shalt  }
0x66: {  	_ =	shalt  }
0x67: {  	_ =	shalt  }
0x68: {  	_ =	shalt  }
0x69: {  	_ =	shalt  }
0x6a: {  	_ =	shalt  }
0x6b: {  	_ =	shalt  }
0x6c: {  	_ =	shalt  }
0x6d: {  	_ =	shalt  }
0x6e: {  	_ =	shalt  }
0x6f: {  	_ =	shalt  }
0x70: {  	_ =	shalt  }
0x71: {  	_ =	shalt  }
0x72: {  	_ =	shalt  }
0x73: {  	_ =	shalt  }
0x74: {  	_ =	shalt  }
0x75: {  	_ =	shalt  }
0x76: {  	_ =	shalt  }
0x77: {  	_ =	shalt  }
0x78: {  	_ =	shalt  }
0x79: {  	_ =	shalt  }
0x7a: {  	_ =	shalt  }
0x7b: {  	_ =	shalt  }
0x7c: {  	_ =	shalt  }
0x7d: {  	_ =	shalt  }
0x7e: {  	_ =	shalt  }
0x7f: {  	_ =	shalt  }
0x80: {  	_ =	shalt  }
0x81: {  	_ =	shalt  }
0x82: {  	_ =	shalt  }
0x83: {  	_ =	shalt  }
0x84: {  	_ =	shalt  }
0x85: {  	_ =	shalt  }
0x86: {  	_ =	shalt  }
0x87: {  	_ =	shalt  }
.Lfunc_end0:
.L_simem_size_0:
called_computation_lowered:
.L_overlay_start_0:
0x88: {  	s2 =	sld [smem:$0x3FD9]  }
0x89: {  	s3 =	sld [smem:$0x3FFE];
	_ =	sdelay $0x1  }
0x8a: {  	s1 =	srdreg.scid  }
0x8b: {  	s0 =	sand.u32 $0x1, s1  }
0x8c: {  	s17 =	sshll.u32 s0, $0xA;
	s2 =	sadd.s32 s3, s2  }
0x8d: {  	s2 =	sadd.s32 s2, s17  }
0x8e: {  	[smem:$0x3FAF] =	sst s2  }
0x8f: {  	_ = 	snop  }
0x90: {  	s18 =	sld [smem:$0x3FC6];
	(tm) =	ssettm $0x1  }
0x91: {  	s19 =	sld [smem:$0x3FFB];
	_ =	sdelay $0x3  }
0x92: {  	_ =	strace s19  }
0x93: {  	s2 =	sld [smem:$0x3FFC];
	_ =	sdelay $0x3  }
0x94: {  	_ =	strace s2  }
0x95: {  	s2 =	sld [smem:$0x3FFD];
	_ =	sdelay $0x3  }
0x96: {  	_ =	strace s2  }
0x97: {  	_ =	strace $0x8FFFFFFF  }
0x98: {  	s20 =	sld [smem:$0x3FDB];
	_ =	sdelay $0x1  }
0x99: {  	s4 =	simm.s32 $_scs_section_size  }
0x9a: {  	s5 =	simm.s32 $_size__tile_overlayer_lowered;
	s6 =	simm.s32 $_tile_overlayer_lowered  }
0x9b: {  	s7 =	simm.s32 $0x1BFF;
	s21 =	sshll.u32 s6, $0x1;
	s4 =	sadd.s32 s4, s20  }
0x9c: {  	s22 =	simm.s32 $0x0;
	s5 =	sshll.u32 s5, $0x1;
	s6 =	sadd.s32 s21, s4  }
0x9d: {  	[timem:s22], [sflag:s7] =	dma.local [hbm:s6], s5  }
0x9e: {  	_ =	swait.ge [sflag:s7], s5  }
0x9f: {  	s5 =	ssub.s32 $0x0, s5;
	[sflag:s7] =	ssyncset.done $0x0  }
0xa0: {  	[sflag:s7] =	ssyncadd.s32 s5;
	_ =	sdelay $0x1  }
0xa1: {  	s23 =	simm.s32 $0x1B8B  }
0xa2: {  	_ =	swait.ge [sflag:s23], $0x1  }
0xa3: {  	[sflag:s23] =	ssyncset.done $0x0  }
0xa4: {  	[sflag:s23] =	ssyncadd.s32 $0xFFFFFFFF  }
0xa5: {  	s5 =	sld [smem:$0x0]  }
0xa6: {  	s6 =	sand.u32 $0xFFFFFFFE, s1  }
0xa7: {  	p0 =	sne.s32 s1, s6  }
0xa8: {  	s6 =	sshll.u32 @p0 s6, $0xE  }
0xa9: {  	s6 =	sadd.s32 @p0 $0x11B8D, s6;
	s7 =	sshll.u32 @p0 s5, $0x11  }
0xaa: {  	s6 =	sor.u32 @p0 s7, s6  }
0xab: {  	[sflag:s6] =	ssyncadd.remote.s32 @p0 $0x1;
	_ =	sdelay $0x1  }
0xac: {  	s6 =	simm.s32 @p0 $0x1B8D  }
0xad: {  	_ =	swait.eq @p0 [sflag:s6], $0x1  }
0xae: {  	[sflag:s6] =	ssyncadd.s32 @p0 $0xFFFFFFFF  }
0xaf: {  	s7 =	sshll.u32 @!p0 s1, $0xE  }
0xb0: {  	s7 =	sor.u32 @!p0 $0x4000, s7;
	s6 =	simm.s32 @!p0 $0x1B8D  }
0xb1: {  	s5 =	sshll.u32 @!p0 s5, $0x11;
	s7 =	sadd.s32 @!p0 $0x11B8D, s7;
	_ =	swait.eq @!p0 [sflag:s6], $0x1  }
0xb2: {  	s5 =	sor.u32 @!p0 s5, s7;
	[sflag:s6] =	ssyncadd.s32 @!p0 $0xFFFFFFFF  }
0xb3: {  	s25 =	simm.s32 $0x1B8E;
	s24 =	sld [smem:$0x3FFE];
	[sflag:s5] =	ssyncadd.remote.s32 @!p0 $0x1  }
0xb4: {  	s26 =	simm.s32 $execute0_lowered;
	[smem:$0x3FD2] =	sst s25  }
0xb5: {  	s6 =	sshll.u32 s26, $0x1;
	_ =	strace $0x80000049;
	[dreg:$0x1] =	wrdreg $0xFFFFFFFF  }
0xb6: {  	s28 =	simm.s32 $_size_execute0_lowered;
	s4 =	sadd.s32 s4, s6;
	[dreg:$0x0] =	wrdreg $0x0  }
0xb7: {  	s6 =	sshll.u32 s28, $0x1;
	[dreg:$0x2] =	wrdreg s4  }
0xb8: {  	[dreg:$0x3] =	wrdreg s6  }
0xb9: {  	[dreg:$0x4] =	wrdreg $0xC0  }
0xba: {  	_ =	task [dreg:s22], $0x5FFFF  }
0xbb: {  	[dreg:$0x1] =	wrdreg $0xFFFFFFFF  }
0xbc: {  	[dreg:$0x0] =	wrdreg $0x60  }
0xbd: {  	[dreg:$0x2] =	wrdreg s24  }
0xbe: {  	[dreg:$0x3] =	wrdreg s18  }
0xbf: {  	[dreg:$0x4] =	wrdreg $0x9  }
0xc0: {  	_ =	task.clear_ibuf [dreg:s22], $0x5FFFF;
	_ =	strace $0x90000049  }
0xc1: {  	s29 =	simm.s32 $0x9;
	_ =	strace $0x8000004B  }
0xc2: {  	_ =	swait.ge [sflag:s29], $0x1  }
0xc3: {  	[sflag:s29] =	ssyncadd.s32 $0xFFFFFFFF  }
0xc4: {  	_ =	strace $0x9000004B  }
0xc5: {  	_ =	sfence  }
0xc6: {  	s30 =	sld [smem:$0x0];
	_ =	sdelay $0x2  }
0xc7: {  	s31 =	sshll.u32 s1, $0xD;
	s1 =	sshrl.u32 s1, $0x2  }
0xc8: {  	s4 =	sand.u32 $0x4000, s31;
	s1 =	sadd.s32 s1, s30  }
0xc9: {  	s0 =	sor.u32 s4, s0;
	s1 =	sshll.u32 s1, $0x11  }
0xca: {  	s0 =	sor.u32 s1, s0  }
0xcb: {  	s0 =	sadd.s32 $0x8F2B, s0  }
0xcc: {  	[sflag:s0] =	ssyncadd.remote.s32 $0x1  }
0xcd: {  	_ =	sfence.sel $0xFFFF  }
0xce: {  	[dreg:$0x0] =	wrdreg $0xFFFFFFFF;
	(pc) =	sbr.abs _section_cstart, $3  }
0xcf: {  	[dreg:$0x1] =	wrdreg $0xFFFFFFFF  }
0xd0: {  	_ =	task.clear_ibuf [dreg:s22], $0x2FFFF;
	_ =	strace $0x9FFFFFFF  }
0xd1: {  	(tm) =	ssettm $0x7FFFFFFF  }
tec
execute0_lowered:
.L_overlay_start_1:
0x0: {  	(tag) =	ssettag $0x1  }
0x1: {  	s0 =	rddreg [dreg:$0x0]  }
0x2: {  	s1 =	srdreg.scid;
	s3 =	stileid.u32  }
0x3: {  	s2 =	rddreg [dreg:$0x1];
	s20 =	simm.s32 $0x5A00;
	s21 =	simm.s32 $0x6200  }
0x4: {  	s22 =	simm.s32 $0x6A00;
	s23 =	simm.s32 $0x7200;
	s24 =	simm.s32 $0x7A00  }
0x5: {  	s25 =	simm.s32 $0x8200;
	s28 =	simm.s32 $0x9200;
	s29 =	simm.s32 $0x9A00  }
0x6: {  	s30 =	simm.s32 $0xA200;
	s31 =	simm.s32 $0xAA00;
	s11 =	simm.s32 $0xCA00  }
0x7: {  	v2 =	vlaneseq.u32;
	s12 =	simm.s32 $0xD200;
	s13 =	simm.s32 $0xDA00;
	s14 =	simm.s32 $0x1  }
0x8: {  	vm0 =	vmmov $0xffff;
	s15 =	simm.s32 $0xE280;
	s16 =	simm.s32 $0x2;
	s17 =	simm.s32 $0x0;
	v3 =	vor.u32 $0x10, v2;
	v4 =	vor.u32 $0x20, v2  }
0x9: {  	s1 =	sand.u32 $0x1, s1;
	s4 =	sshll.u32 s3, $0x1;
	s3 =	simm.s32 $0x0;
	v5 =	vor.u32 $0x30, v2;
	v6 =	vor.u32 $0x40, v2;
	v7 =	vor.u32 $0x50, v2  }
0xa: {  	v10 =	vshrl.u32 v2, $0x3;
	v8 =	vor.u32 $0x60, v2;
	v9 =	vand.u32 $0x7, v2;
	s5 =	sor.u32 s1, s4;
	[smem:$0x7FF] =	sst s3;
	s1 =	ssub.s32 $0x2, s1  }
0xb: {  	v11 =	vor.u32 $0x8, v2;
	v12 =	vor.u32 $0x80, v2;
	v13 =	vor.u32 $0x90, v2;
	s4 =	sshll.u32 s5, $0x5;
	_ =	strace $0x8000004A;
	s6 =	sshrl.u32 s1, $0x1  }
0xc: {  	v14 =	vor.u32 $0xA0, v2;
	v15 =	vor.u32 $0xB0, v2;
	v16 =	vor.u32 $0xC0, v2;
	s7 =	sshllo.u32 s5, $0x1;
	s8 =	smul.u32 $0x300, s5;
	s9 =	sshll.u32 s5, $0x9  }
0xd: {  	v17 =	vor.u32 $0xD0, v2;
	v18 =	vor.u32 $0xE0, v2;
	v19 =	vadd.s32 $0x14, v2;
	s4 =	sadd.s32 s4, s0;
	s0 =	sadd.s32 $0xA000, s0;
	s1 =	ssub.s32 s1, s6  }
0xe: {  	v20 =	vadd.s32 $0x24, v2;
	v21 =	vadd.s32 $0x34, v2;
	s26 =	smul.u32 $0x180, s7;
	s10 =	sshll.u32 s7, $0x8;
	v0 =	vmov s9;
	s9 =	simm.s32 $0x200  }
0xf: {  	v22 =	vadd.s32 $0x44, v2;
	v23 =	vadd.s32 $0x54, v2;
	v24 =	vadd.s32 $0x94, v2;
	s4 =	sadd.s32 $0x3800, s4;
	s5 =	sadd.s32 s0, s8;
	s7 =	smax.u32 s1, $0x1  }
0x10: {  	v25 =	vadd.s32 $0xA4, v2;
	v26 =	vadd.s32 $0xB4, v2;
	s8 =	simm.s32 $0x3;
	v1 =	vmov s10;
	s1 =	simm.s32 $0xB200;
	s10 =	simm.s32 $0xC200  }
0x11: {  	v27 =	vadd.s32 $0xC4, v2;
	v28 =	vadd.s32 $0xD4, v2;
	v10 =	vmul.u32 $0x8, v10;
	s6 =	sadd.s32 s0, s26;
	s26 =	simm.s32 $0x8A00;
	s0 =	simm.s32 $0xBA00  }
.LBB2_1:
0x12: {  	[tilespmem:s3], [sflag:$0x3] =	stream.linear.gather [hbm4b:s4+s3], $0x100, $0x38;
	[tilespmem:$0xEE80] =	vst v63  }
0x13: {  	_ =	swait.ge [sflag:s8], $0x100  }
0x14: {  	[sflag:s8] =	ssyncset.done $0x0  }
0x15: {  	[sflag:s8] =	ssyncadd.s32 $0xFFFFFF00  }
0x16: {  	v29 =	vld.idx.msk [tilespmem:v2+s3+$0x0], $0xffff;
	_ =	sdelay $0x4  }
0x17: {  	v30 =	vadd.s32 v0, v29  }
0x18: {  	[tilespmem:$0x100] =	vst v30  }
0x19: {  	v31 =	vld.idx.msk [tilespmem:v3+s3+$0x0], $0xffff;
	_ =	sdelay $0x4  }
0x1a: {  	v31 =	vadd.s32 v0, v31  }
0x1b: {  	[tilespmem:$0x110] =	vst v31  }
0x1c: {  	v31 =	vld.idx.msk [tilespmem:v4+s3+$0x0], $0xffff;
	_ =	sdelay $0x4  }
0x1d: {  	v31 =	vadd.s32 v0, v31  }
0x1e: {  	[tilespmem:$0x120] =	vst v31  }
0x1f: {  	v31 =	vld.idx.msk [tilespmem:v5+s3+$0x0], $0xffff;
	_ =	sdelay $0x4  }
0x20: {  	v31 =	vadd.s32 v0, v31  }
0x21: {  	[tilespmem:$0x130] =	vst v31  }
0x22: {  	v31 =	vld.idx.msk [tilespmem:v6+s3+$0x0], $0xffff;
	_ =	sdelay $0x4  }
0x23: {  	v31 =	vadd.s32 v0, v31  }
0x24: {  	[tilespmem:$0x140] =	vst v31  }
0x25: {  	v31 =	vld.idx.msk [tilespmem:v7+s3+$0x0], $0xffff;
	_ =	sdelay $0x3  }
0x26: {  	v30 =	vshll.u32 v30, $0x1  }
0x27: {  	v29 =	vand.u32 $0x7, v29;
	v30 =	vand.u32 $0xFFFFFFF0, v30;
	v31 =	vadd.s32 v0, v31  }
0x28: {  	v29 =	vor.u32 v29, v30;
	[tilespmem:$0x150] =	vst v31  }
0x29: {  	v31 =	vperm.xlane v29, v9;
	v30 =	vld.idx.msk [tilespmem:v8+s3+$0x0], $0xffff;
	_ =	sdelay $0x1  }
0x2a: {  	v29 =	vperm.xlane v29, v11;
	v31 =	vadd.s32 v10, v31;
	_ =	sdelay $0x1  }
0x2b: {  	v29 =	vadd.s32 v10, v29  }
0x2c: {  	v30 =	vadd.s32 v0, v30  }
0x2d: {  	[tilespmem:$0x160] =	vst v30  }
0x2e: {  	[tilespmem:s9], [sflag:$0x1] =	stream.indirect_vreg.gather [hbm4b:s2+s3], $0x80, v31, vm0, $0xb8;
	[tilespmem:$0xEE80] =	vst v63  }
0x2f: {  	s18 =	simm.s32 $0xA00  }
0x30: {  	[tilespmem:s18], [sflag:$0x1] =	stream.indirect_vreg.gather [hbm4b:s2+s3], $0x80, v29, vm0, $0xb8;
	[tilespmem:$0xEE80] =	vst v63  }
0x31: {  	v29 =	vld [tilespmem:$0x110];
	_ =	sdelay $0x4  }
0x32: {  	v30 =	vshll.u32 v29, $0x1  }
0x33: {  	v29 =	vand.u32 $0x7, v29;
	v30 =	vand.u32 $0xFFFFFFF0, v30  }
0x34: {  	v29 =	vor.u32 v29, v30  }
0x35: {  	v30 =	vperm.xlane v29, v9;
	_ =	sdelay $0x1  }
0x36: {  	v29 =	vperm.xlane v29, v11;
	v30 =	vadd.s32 v10, v30;
	_ =	sdelay $0x1  }
0x37: {  	v29 =	vadd.s32 v10, v29;
	_ =	sdelay $0x1  }
0x38: {  	s19 =	simm.s32 $0x1200  }
0x39: {  	[tilespmem:s19], [sflag:$0x1] =	stream.indirect_vreg.gather [hbm4b:s2+s3], $0x80, v30, vm0, $0xb8;
	[tilespmem:$0xEE80] =	vst v63  }
0x3a: {  	s19 =	simm.s32 $0x1A00  }
0x3b: {  	[tilespmem:s19], [sflag:$0x1] =	stream.indirect_vreg.gather [hbm4b:s2+s3], $0x80, v29, vm0, $0xb8;
	[tilespmem:$0xEE80] =	vst v63  }
0x3c: {  	v29 =	vld [tilespmem:$0x120];
	_ =	sdelay $0x4  }
0x3d: {  	v30 =	vshll.u32 v29, $0x1  }
0x3e: {  	v29 =	vand.u32 $0x7, v29;
	v30 =	vand.u32 $0xFFFFFFF0, v30  }
0x3f: {  	v29 =	vor.u32 v29, v30  }
0x40: {  	v30 =	vperm.xlane v29, v9;
	_ =	sdelay $0x1  }
0x41: {  	v29 =	vperm.xlane v29, v11;
	v30 =	vadd.s32 v10, v30;
	_ =	sdelay $0x1  }
0x42: {  	v29 =	vadd.s32 v10, v29;
	_ =	sdelay $0x1  }
0x43: {  	s19 =	simm.s32 $0x2200  }
0x44: {  	[tilespmem:s19], [sflag:$0x1] =	stream.indirect_vreg.gather [hbm4b:s2+s3], $0x80, v30, vm0, $0xb8;
	[tilespmem:$0xEE80] =	vst v63  }
0x45: {  	s19 =	simm.s32 $0x2A00  }
0x46: {  	[tilespmem:s19], [sflag:$0x1] =	stream.indirect_vreg.gather [hbm4b:s2+s3], $0x80, v29, vm0, $0xb8;
	[tilespmem:$0xEE80] =	vst v63  }
0x47: {  	v29 =	vld [tilespmem:$0x130];
	_ =	sdelay $0x4  }
0x48: {  	v30 =	vshll.u32 v29, $0x1  }
0x49: {  	v29 =	vand.u32 $0x7, v29;
	v30 =	vand.u32 $0xFFFFFFF0, v30  }
0x4a: {  	v29 =	vor.u32 v29, v30  }
0x4b: {  	v30 =	vperm.xlane v29, v9;
	_ =	sdelay $0x1  }
0x4c: {  	v29 =	vperm.xlane v29, v11;
	v30 =	vadd.s32 v10, v30;
	_ =	sdelay $0x1  }
0x4d: {  	v29 =	vadd.s32 v10, v29;
	_ =	sdelay $0x1  }
0x4e: {  	s19 =	simm.s32 $0x3200  }
0x4f: {  	[tilespmem:s19], [sflag:$0x1] =	stream.indirect_vreg.gather [hbm4b:s2+s3], $0x80, v30, vm0, $0xb8;
	[tilespmem:$0xEE80] =	vst v63  }
0x50: {  	s19 =	simm.s32 $0x3A00  }
0x51: {  	[tilespmem:s19], [sflag:$0x1] =	stream.indirect_vreg.gather [hbm4b:s2+s3], $0x80, v29, vm0, $0xb8;
	[tilespmem:$0xEE80] =	vst v63  }
0x52: {  	v29 =	vld [tilespmem:$0x140];
	_ =	sdelay $0x4  }
0x53: {  	v30 =	vshll.u32 v29, $0x1  }
0x54: {  	v29 =	vand.u32 $0x7, v29;
	v30 =	vand.u32 $0xFFFFFFF0, v30  }
0x55: {  	v29 =	vor.u32 v29, v30  }
0x56: {  	v30 =	vperm.xlane v29, v9;
	_ =	sdelay $0x1  }
0x57: {  	v29 =	vperm.xlane v29, v11;
	v30 =	vadd.s32 v10, v30;
	_ =	sdelay $0x1  }
0x58: {  	v29 =	vadd.s32 v10, v29;
	_ =	sdelay $0x1  }
0x59: {  	s19 =	simm.s32 $0x4200  }
0x5a: {  	[tilespmem:s19], [sflag:$0x1] =	stream.indirect_vreg.gather [hbm4b:s2+s3], $0x80, v30, vm0, $0xb8;
	[tilespmem:$0xEE80] =	vst v63  }
0x5b: {  	s19 =	simm.s32 $0x4A00  }
0x5c: {  	[tilespmem:s19], [sflag:$0x1] =	stream.indirect_vreg.gather [hbm4b:s2+s3], $0x80, v29, vm0, $0xb8;
	[tilespmem:$0xEE80] =	vst v63  }
0x5d: {  	v29 =	vld [tilespmem:$0x150];
	_ =	sdelay $0x4  }
0x5e: {  	v30 =	vshll.u32 v29, $0x1  }
0x5f: {  	v29 =	vand.u32 $0x7, v29;
	v30 =	vand.u32 $0xFFFFFFF0, v30  }
0x60: {  	v29 =	vor.u32 v29, v30  }
0x61: {  	v30 =	vperm.xlane v29, v9;
	_ =	sdelay $0x1  }
0x62: {  	v29 =	vperm.xlane v29, v11;
	v30 =	vadd.s32 v10, v30;
	_ =	sdelay $0x1  }
0x63: {  	v29 =	vadd.s32 v10, v29;
	_ =	sdelay $0x1  }
0x64: {  	s19 =	simm.s32 $0x5200  }
0x65: {  	[tilespmem:s19], [sflag:$0x1] =	stream.indirect_vreg.gather [hbm4b:s2+s3], $0x80, v30, vm0, $0xb8;
	[tilespmem:$0xEE80] =	vst v63  }
0x66: {  	_ = 	snop  }
0x67: {  	[tilespmem:s20], [sflag:$0x1] =	stream.indirect_vreg.gather [hbm4b:s2+s3], $0x80, v29, vm0, $0xb8;
	[tilespmem:$0xEE80] =	vst v63  }
0x68: {  	v29 =	vld [tilespmem:$0x160];
	_ =	sdelay $0x4  }
0x69: {  	v30 =	vshll.u32 v29, $0x1  }
0x6a: {  	v29 =	vand.u32 $0x7, v29;
	v30 =	vand.u32 $0xFFFFFFF0, v30  }
0x6b: {  	v29 =	vor.u32 v29, v30  }
0x6c: {  	v30 =	vperm.xlane v29, v9;
	_ =	sdelay $0x1  }
0x6d: {  	v29 =	vperm.xlane v29, v11;
	v30 =	vadd.s32 v10, v30;
	_ =	sdelay $0x1  }
0x6e: {  	v29 =	vadd.s32 v10, v29;
	_ =	sdelay $0x2  }
0x6f: {  	[tilespmem:s21], [sflag:$0x1] =	stream.indirect_vreg.gather [hbm4b:s2+s3], $0x80, v30, vm0, $0xb8;
	[tilespmem:$0xEE80] =	vst v63  }
0x70: {  	_ = 	snop  }
0x71: {  	[tilespmem:s22], [sflag:$0x1] =	stream.indirect_vreg.gather [hbm4b:s2+s3], $0x80, v29, vm0, $0xb8;
	[tilespmem:$0xEE80] =	vst v63  }
0x72: {  	v29 =	vld.idx.msk [tilespmem:v12+s3+$0x0], $0xffff;
	_ =	sdelay $0x4  }
0x73: {  	v30 =	vadd.s32 v1, v29  }
0x74: {  	[tilespmem:$0x180] =	vst v30  }
0x75: {  	v31 =	vld.idx.msk [tilespmem:v13+s3+$0x0], $0xffff;
	_ =	sdelay $0x4  }
0x76: {  	v31 =	vadd.s32 v1, v31  }
0x77: {  	[tilespmem:$0x190] =	vst v31  }
0x78: {  	v31 =	vld.idx.msk [tilespmem:v14+s3+$0x0], $0xffff;
	_ =	sdelay $0x4  }
0x79: {  	v31 =	vadd.s32 v1, v31  }
0x7a: {  	[tilespmem:$0x1A0] =	vst v31  }
0x7b: {  	v31 =	vld.idx.msk [tilespmem:v15+s3+$0x0], $0xffff;
	_ =	sdelay $0x4  }
0x7c: {  	v31 =	vadd.s32 v1, v31  }
0x7d: {  	[tilespmem:$0x1B0] =	vst v31  }
0x7e: {  	v31 =	vld.idx.msk [tilespmem:v16+s3+$0x0], $0xffff;
	_ =	sdelay $0x4  }
0x7f: {  	v31 =	vadd.s32 v1, v31  }
0x80: {  	[tilespmem:$0x1C0] =	vst v31  }
0x81: {  	v31 =	vld.idx.msk [tilespmem:v17+s3+$0x0], $0xffff;
	_ =	sdelay $0x3  }
0x82: {  	v30 =	vshll.u32 v30, $0x1  }
0x83: {  	v29 =	vand.u32 $0x7, v29;
	v30 =	vand.u32 $0xFFFFFFF0, v30;
	v31 =	vadd.s32 v1, v31  }
0x84: {  	v29 =	vor.u32 v29, v30;
	[tilespmem:$0x1D0] =	vst v31  }
0x85: {  	v31 =	vperm.xlane v29, v9;
	v30 =	vld.idx.msk [tilespmem:v18+s3+$0x0], $0xffff;
	_ =	sdelay $0x1  }
0x86: {  	v29 =	vperm.xlane v29, v11;
	v31 =	vadd.s32 v10, v31;
	_ =	sdelay $0x1  }
0x87: {  	v29 =	vadd.s32 v10, v29  }
0x88: {  	v30 =	vadd.s32 v1, v30  }
0x89: {  	[tilespmem:$0x1E0] =	vst v30  }
0x8a: {  	[tilespmem:s23], [sflag:$0x2] =	stream.indirect_vreg.gather [hbm4b:s2+s3], $0x80, v31, vm0, $0xb8;
	[tilespmem:$0xEE80] =	vst v63  }
0x8b: {  	_ = 	snop  }
0x8c: {  	[tilespmem:s24], [sflag:$0x2] =	stream.indirect_vreg.gather [hbm4b:s2+s3], $0x80, v29, vm0, $0xb8;
	[tilespmem:$0xEE80] =	vst v63  }
0x8d: {  	v29 =	vld [tilespmem:$0x190];
	_ =	sdelay $0x4  }
0x8e: {  	v30 =	vshll.u32 v29, $0x1  }
0x8f: {  	v29 =	vand.u32 $0x7, v29;
	v30 =	vand.u32 $0xFFFFFFF0, v30  }
0x90: {  	v29 =	vor.u32 v29, v30  }
0x91: {  	v30 =	vperm.xlane v29, v9;
	_ =	sdelay $0x1  }
0x92: {  	v29 =	vperm.xlane v29, v11;
	v30 =	vadd.s32 v10, v30;
	_ =	sdelay $0x1  }
0x93: {  	v29 =	vadd.s32 v10, v29;
	_ =	sdelay $0x2  }
0x94: {  	[tilespmem:s25], [sflag:$0x2] =	stream.indirect_vreg.gather [hbm4b:s2+s3], $0x80, v30, vm0, $0xb8;
	[tilespmem:$0xEE80] =	vst v63  }
0x95: {  	_ = 	snop  }
0x96: {  	[tilespmem:s26], [sflag:$0x2] =	stream.indirect_vreg.gather [hbm4b:s2+s3], $0x80, v29, vm0, $0xb8;
	[tilespmem:$0xEE80] =	vst v63  }
0x97: {  	v29 =	vld [tilespmem:$0x1A0];
	_ =	sdelay $0x4  }
0x98: {  	v30 =	vshll.u32 v29, $0x1  }
0x99: {  	v29 =	vand.u32 $0x7, v29;
	v30 =	vand.u32 $0xFFFFFFF0, v30  }
0x9a: {  	v29 =	vor.u32 v29, v30  }
0x9b: {  	v30 =	vperm.xlane v29, v9;
	_ =	sdelay $0x1  }
0x9c: {  	v29 =	vperm.xlane v29, v11;
	v30 =	vadd.s32 v10, v30;
	_ =	sdelay $0x1  }
0x9d: {  	v29 =	vadd.s32 v10, v29;
	_ =	sdelay $0x2  }
0x9e: {  	[tilespmem:s28], [sflag:$0x2] =	stream.indirect_vreg.gather [hbm4b:s2+s3], $0x80, v30, vm0, $0xb8;
	[tilespmem:$0xEE80] =	vst v63  }
0x9f: {  	_ = 	snop  }
0xa0: {  	[tilespmem:s29], [sflag:$0x2] =	stream.indirect_vreg.gather [hbm4b:s2+s3], $0x80, v29, vm0, $0xb8;
	[tilespmem:$0xEE80] =	vst v63  }
0xa1: {  	v29 =	vld [tilespmem:$0x1B0];
	_ =	sdelay $0x4  }
0xa2: {  	v30 =	vshll.u32 v29, $0x1  }
0xa3: {  	v29 =	vand.u32 $0x7, v29;
	v30 =	vand.u32 $0xFFFFFFF0, v30  }
0xa4: {  	v29 =	vor.u32 v29, v30  }
0xa5: {  	v30 =	vperm.xlane v29, v9;
	_ =	sdelay $0x1  }
0xa6: {  	v29 =	vperm.xlane v29, v11;
	v30 =	vadd.s32 v10, v30;
	_ =	sdelay $0x1  }
0xa7: {  	v29 =	vadd.s32 v10, v29;
	_ =	sdelay $0x2  }
0xa8: {  	[tilespmem:s30], [sflag:$0x2] =	stream.indirect_vreg.gather [hbm4b:s2+s3], $0x80, v30, vm0, $0xb8;
	[tilespmem:$0xEE80] =	vst v63  }
0xa9: {  	_ = 	snop  }
0xaa: {  	[tilespmem:s31], [sflag:$0x2] =	stream.indirect_vreg.gather [hbm4b:s2+s3], $0x80, v29, vm0, $0xb8;
	[tilespmem:$0xEE80] =	vst v63  }
0xab: {  	v29 =	vld [tilespmem:$0x1C0];
	_ =	sdelay $0x4  }
0xac: {  	v30 =	vshll.u32 v29, $0x1  }
0xad: {  	v29 =	vand.u32 $0x7, v29;
	v30 =	vand.u32 $0xFFFFFFF0, v30  }
0xae: {  	v29 =	vor.u32 v29, v30  }
0xaf: {  	v30 =	vperm.xlane v29, v9;
	_ =	sdelay $0x1  }
0xb0: {  	v29 =	vperm.xlane v29, v11;
	v30 =	vadd.s32 v10, v30;
	_ =	sdelay $0x1  }
0xb1: {  	v29 =	vadd.s32 v10, v29;
	_ =	sdelay $0x2  }
0xb2: {  	[tilespmem:s1], [sflag:$0x2] =	stream.indirect_vreg.gather [hbm4b:s2+s3], $0x80, v30, vm0, $0xb8;
	[tilespmem:$0xEE80] =	vst v63  }
0xb3: {  	_ = 	snop  }
0xb4: {  	[tilespmem:s0], [sflag:$0x2] =	stream.indirect_vreg.gather [hbm4b:s2+s3], $0x80, v29, vm0, $0xb8;
	[tilespmem:$0xEE80] =	vst v63  }
0xb5: {  	v29 =	vld [tilespmem:$0x1D0];
	_ =	sdelay $0x4  }
0xb6: {  	v30 =	vshll.u32 v29, $0x1  }
0xb7: {  	v29 =	vand.u32 $0x7, v29;
	v30 =	vand.u32 $0xFFFFFFF0, v30  }
0xb8: {  	v29 =	vor.u32 v29, v30  }
0xb9: {  	v30 =	vperm.xlane v29, v9;
	_ =	sdelay $0x1  }
0xba: {  	v29 =	vperm.xlane v29, v11;
	v30 =	vadd.s32 v10, v30;
	_ =	sdelay $0x1  }
0xbb: {  	v29 =	vadd.s32 v10, v29;
	_ =	sdelay $0x2  }
0xbc: {  	[tilespmem:s10], [sflag:$0x2] =	stream.indirect_vreg.gather [hbm4b:s2+s3], $0x80, v30, vm0, $0xb8;
	[tilespmem:$0xEE80] =	vst v63  }
0xbd: {  	_ = 	snop  }
0xbe: {  	[tilespmem:s11], [sflag:$0x2] =	stream.indirect_vreg.gather [hbm4b:s2+s3], $0x80, v29, vm0, $0xb8;
	[tilespmem:$0xEE80] =	vst v63  }
0xbf: {  	v29 =	vld [tilespmem:$0x1E0];
	_ =	sdelay $0x4  }
0xc0: {  	v30 =	vshll.u32 v29, $0x1  }
0xc1: {  	v29 =	vand.u32 $0x7, v29;
	v30 =	vand.u32 $0xFFFFFFF0, v30  }
0xc2: {  	v29 =	vor.u32 v29, v30  }
0xc3: {  	v30 =	vperm.xlane v29, v9;
	_ =	sdelay $0x1  }
0xc4: {  	v29 =	vperm.xlane v29, v11;
	v30 =	vadd.s32 v10, v30;
	_ =	sdelay $0x1  }
0xc5: {  	v29 =	vadd.s32 v10, v29;
	_ =	sdelay $0x2  }
0xc6: {  	[tilespmem:s12], [sflag:$0x2] =	stream.indirect_vreg.gather [hbm4b:s2+s3], $0x80, v30, vm0, $0xb8;
	[tilespmem:$0xEE80] =	vst v63  }
0xc7: {  	_ = 	snop  }
0xc8: {  	[tilespmem:s13], [sflag:$0x2] =	stream.indirect_vreg.gather [hbm4b:s2+s3], $0x80, v29, vm0, $0xb8;
	[tilespmem:$0xEE80] =	vst v63  }
0xc9: {  	_ =	swait.ge [sflag:s14], $0x7000  }
0xca: {  	[sflag:s14] =	ssyncset.done $0x0  }
0xcb: {  	[sflag:s14] =	ssyncadd.s32 $0xFFFF9000  }
0xcc: {  	v29 =	vld.idx.msk [tilespmem:v19+s3+$0x0], $0xffff;
	_ =	sdelay $0x4  }
0xcd: {  	[tilespmem:$0xE200] =	vst v29  }
0xce: {  	v29 =	vld.idx.msk [tilespmem:v20+s3+$0x0], $0xffff;
	_ =	sdelay $0x4  }
0xcf: {  	[tilespmem:$0xE210] =	vst v29  }
0xd0: {  	v29 =	vld.idx.msk [tilespmem:v21+s3+$0x0], $0xffff;
	_ =	sdelay $0x4  }
0xd1: {  	[tilespmem:$0xE220] =	vst v29  }
0xd2: {  	v29 =	vld.idx.msk [tilespmem:v22+s3+$0x0], $0xffff;
	_ =	sdelay $0x4  }
0xd3: {  	[tilespmem:$0xE230] =	vst v29  }
0xd4: {  	v29 =	vld.idx.msk [tilespmem:v23+s3+$0x0], $0xffff;
	_ =	sdelay $0x4  }
0xd5: {  	s18 =	simm.s32 $0xE2A0;
	s19 =	simm.s32 $0x0;
	[tilespmem:$0xE240] =	vst v29  }
.LBB2_2:
0xd6: {  	v29 =	vld [tilespmem:$0xE200];
	_ =	sdelay $0x3  }
0xd7: {  	v30 =	vadd.s32 s19, v2  }
0xd8: {  	v31 =	vshll.u32 v30, $0x8;
	v32 =	vshll.u32 v29, $0x3  }
0xd9: {  	v30 =	vshll.u32 v30, $0x7;
	v31 =	vand.u32 $0x3800, v31;
	v32 =	vand.u32 $0xFFFFFC00, v32  }
0xda: {  	v30 =	vand.u32 $0x380, v30;
	v31 =	vadd.s32 v31, v32  }
0xdb: {  	v29 =	vand.u32 $0x7F, v29;
	v30 =	vor.u32 v30, v31  }
0xdc: {  	v29 =	vor.u32 v29, v30;
	_ =	sdelay $0x4  }
0xdd: {  	v29 =	vld.idx.msk [tilespmem:v29+s9+$0x0], $0xffff;
	_ =	sdelay $0x4  }
0xde: {  	[tilespmem:s18+$0xFFFFFFE0] =	vst v29  }
0xdf: {  	v29 =	vld [tilespmem:$0xE210];
	_ =	sdelay $0x3  }
0xe0: {  	v30 =	vadd.s32 s19, v3  }
0xe1: {  	v31 =	vshll.u32 v30, $0x8;
	v60 =	vshll.u32 v29, $0x3  }
0xe2: {  	v30 =	vshll.u32 v30, $0x7;
	v31 =	vand.u32 $0x3800, v31;
	v32 =	vand.u32 $0xFFFFFC00, v60  }
0xe3: {  	v30 =	vand.u32 $0x380, v30;
	v31 =	vadd.s32 v31, v32  }
0xe4: {  	v29 =	vand.u32 $0x7F, v29;
	v30 =	vor.u32 v30, v31  }
0xe5: {  	v29 =	vor.u32 v29, v30;
	_ =	sdelay $0x4  }
0xe6: {  	v29 =	vld.idx.msk [tilespmem:v29+s9+$0x0], $0xffff;
	_ =	sdelay $0x4  }
0xe7: {  	[tilespmem:s18+$0xFFFFFFF0] =	vst v29  }
0xe8: {  	v29 =	vld [tilespmem:$0xE220];
	_ =	sdelay $0x3  }
0xe9: {  	v30 =	vadd.s32 s19, v4  }
0xea: {  	v31 =	vshll.u32 v30, $0x8;
	v61 =	vshll.u32 v29, $0x3  }
0xeb: {  	v30 =	vshll.u32 v30, $0x7;
	v31 =	vand.u32 $0x7800, v31;
	v32 =	vand.u32 $0xFFFFFC00, v61  }
0xec: {  	v30 =	vand.u32 $0x380, v30;
	v31 =	vadd.s32 v31, v32  }
0xed: {  	v29 =	vand.u32 $0x7F, v29;
	v30 =	vor.u32 v30, v31  }
0xee: {  	v29 =	vor.u32 v29, v30;
	_ =	sdelay $0x4  }
0xef: {  	v29 =	vld.idx.msk [tilespmem:v29+s9+$0x0], $0xffff;
	_ =	sdelay $0x4  }
0xf0: {  	[tilespmem:s18+$0x0] =	vst v29  }
0xf1: {  	v29 =	vld [tilespmem:$0xE230];
	_ =	sdelay $0x3  }
0xf2: {  	v30 =	vadd.s32 s19, v5  }
0xf3: {  	v31 =	vshll.u32 v30, $0x8;
	v62 =	vshll.u32 v29, $0x3  }
0xf4: {  	v30 =	vshll.u32 v30, $0x7;
	v31 =	vand.u32 $0x7800, v31;
	v32 =	vand.u32 $0xFFFFFC00, v62  }
0xf5: {  	v30 =	vand.u32 $0x380, v30;
	v31 =	vadd.s32 v31, v32  }
0xf6: {  	v29 =	vand.u32 $0x7F, v29;
	v30 =	vor.u32 v30, v31  }
0xf7: {  	v29 =	vor.u32 v29, v30;
	_ =	sdelay $0x4  }
0xf8: {  	v29 =	vld.idx.msk [tilespmem:v29+s9+$0x0], $0xffff;
	_ =	sdelay $0x4  }
0xf9: {  	[tilespmem:s18+$0x10] =	vst v29  }
0xfa: {  	v29 =	vld [tilespmem:$0xE240];
	_ =	sdelay $0x3  }
0xfb: {  	v30 =	vadd.s32 s19, v6  }
0xfc: {  	v31 =	vshll.u32 v30, $0x8;
	v63 =	vshll.u32 v29, $0x3  }
0xfd: {  	v30 =	vshll.u32 v30, $0x7;
	v31 =	vand.u32 $0x7800, v31;
	v32 =	vand.u32 $0xFFFFFC00, v63  }
0xfe: {  	v30 =	vand.u32 $0x380, v30;
	v31 =	vadd.s32 v31, v32  }
0xff: {  	v29 =	vand.u32 $0x7F, v29;
	v30 =	vor.u32 v30, v31  }
0x100: {  	v29 =	vor.u32 v29, v30;
	_ =	sdelay $0x4  }
0x101: {  	p0 =	sne.s32 s19, $0x13;
	v29 =	vld.idx.msk [tilespmem:v29+s9+$0x0], $0xffff  }
.Ltmp0:
0x102: {  	_ = 	snop;
	(pc) =	sbr.rel @p0 .LBB2_2-.Ltmp0, $2  }
0x103: {  	_ =	sdelay $0x2  }
0x104: {  	s19 =	sadd.s32 $0x1, s19;
	[tilespmem:s18+$0x20] =	vst v29;
	s18 =	sadd.s32 $0x80, s18  }
0x105: {  	s18 =	simm.s32 $0x0  }
0x106: {  	[hbm4b:s5+s18] =	stream.linear.scatter [tilespmem:s15], [sflag:$0x3], $0xA00, $0x38;
	[tilespmem:$0xEE80] =	vst v63  }
0x107: {  	_ =	swait.ge [sflag:s8], $0xA00  }
0x108: {  	[sflag:s8] =	ssyncset.done $0x0  }
0x109: {  	[sflag:s8] =	ssyncadd.s32 $0xFFFFF600  }
0x10a: {  	_ =	swait.ge [sflag:s16], $0x7000  }
0x10b: {  	[sflag:s16] =	ssyncset.done $0x0  }
0x10c: {  	[sflag:s16] =	ssyncadd.s32 $0xFFFF9000  }
0x10d: {  	v29 =	vld.idx.msk [tilespmem:v24+s18+$0x0], $0xffff;
	_ =	sdelay $0x4  }
0x10e: {  	[tilespmem:$0xE200] =	vst v29  }
0x10f: {  	v29 =	vld.idx.msk [tilespmem:v25+s18+$0x0], $0xffff;
	_ =	sdelay $0x4  }
0x110: {  	[tilespmem:$0xE210] =	vst v29  }
0x111: {  	v29 =	vld.idx.msk [tilespmem:v26+s18+$0x0], $0xffff;
	_ =	sdelay $0x4  }
0x112: {  	[tilespmem:$0xE220] =	vst v29  }
0x113: {  	v29 =	vld.idx.msk [tilespmem:v27+s18+$0x0], $0xffff;
	_ =	sdelay $0x4  }
0x114: {  	[tilespmem:$0xE230] =	vst v29  }
0x115: {  	v29 =	vld.idx.msk [tilespmem:v28+s18+$0x0], $0xffff;
	_ =	sdelay $0x4  }
0x116: {  	s19 =	simm.s32 $0xE2A0;
	[tilespmem:$0xE240] =	vst v29  }
.LBB2_4:
0x117: {  	v29 =	vld [tilespmem:$0xE200];
	_ =	sdelay $0x3  }
0x118: {  	v30 =	vadd.s32 s18, v2  }
0x119: {  	v31 =	vshll.u32 v30, $0x8;
	v32 =	vshll.u32 v29, $0x3  }
0x11a: {  	v30 =	vshll.u32 v30, $0x7;
	v31 =	vand.u32 $0x3800, v31;
	v32 =	vand.u32 $0xFFFFFC00, v32  }
0x11b: {  	v30 =	vand.u32 $0x380, v30;
	v31 =	vadd.s32 v31, v32  }
0x11c: {  	v29 =	vand.u32 $0x7F, v29;
	v30 =	vor.u32 v30, v31  }
0x11d: {  	v29 =	vor.u32 v29, v30;
	_ =	sdelay $0x4  }
0x11e: {  	v29 =	vld.idx.msk [tilespmem:v29+s23+$0x0], $0xffff;
	_ =	sdelay $0x4  }
0x11f: {  	[tilespmem:s19+$0xFFFFFFE0] =	vst v29  }
0x120: {  	v29 =	vld [tilespmem:$0xE210];
	_ =	sdelay $0x3  }
0x121: {  	v30 =	vadd.s32 s18, v3  }
0x122: {  	v31 =	vshll.u32 v30, $0x8;
	v60 =	vshll.u32 v29, $0x3  }
0x123: {  	v30 =	vshll.u32 v30, $0x7;
	v31 =	vand.u32 $0x3800, v31;
	v32 =	vand.u32 $0xFFFFFC00, v60  }
0x124: {  	v30 =	vand.u32 $0x380, v30;
	v31 =	vadd.s32 v31, v32  }
0x125: {  	v29 =	vand.u32 $0x7F, v29;
	v30 =	vor.u32 v30, v31  }
0x126: {  	v29 =	vor.u32 v29, v30;
	_ =	sdelay $0x4  }
0x127: {  	v29 =	vld.idx.msk [tilespmem:v29+s23+$0x0], $0xffff;
	_ =	sdelay $0x4  }
0x128: {  	[tilespmem:s19+$0xFFFFFFF0] =	vst v29  }
0x129: {  	v29 =	vld [tilespmem:$0xE220];
	_ =	sdelay $0x3  }
0x12a: {  	v30 =	vadd.s32 s18, v4  }
0x12b: {  	v31 =	vshll.u32 v30, $0x8;
	v61 =	vshll.u32 v29, $0x3  }
0x12c: {  	v30 =	vshll.u32 v30, $0x7;
	v31 =	vand.u32 $0x7800, v31;
	v32 =	vand.u32 $0xFFFFFC00, v61  }
0x12d: {  	v30 =	vand.u32 $0x380, v30;
	v31 =	vadd.s32 v31, v32  }
0x12e: {  	v29 =	vand.u32 $0x7F, v29;
	v30 =	vor.u32 v30, v31  }
0x12f: {  	v29 =	vor.u32 v29, v30;
	_ =	sdelay $0x4  }
0x130: {  	v29 =	vld.idx.msk [tilespmem:v29+s23+$0x0], $0xffff;
	_ =	sdelay $0x4  }
0x131: {  	[tilespmem:s19+$0x0] =	vst v29  }
0x132: {  	v29 =	vld [tilespmem:$0xE230];
	_ =	sdelay $0x3  }
0x133: {  	v30 =	vadd.s32 s18, v5  }
0x134: {  	v31 =	vshll.u32 v30, $0x8;
	v62 =	vshll.u32 v29, $0x3  }
0x135: {  	v30 =	vshll.u32 v30, $0x7;
	v31 =	vand.u32 $0x7800, v31;
	v32 =	vand.u32 $0xFFFFFC00, v62  }
0x136: {  	v30 =	vand.u32 $0x380, v30;
	v31 =	vadd.s32 v31, v32  }
0x137: {  	v29 =	vand.u32 $0x7F, v29;
	v30 =	vor.u32 v30, v31  }
0x138: {  	v29 =	vor.u32 v29, v30;
	_ =	sdelay $0x4  }
0x139: {  	v29 =	vld.idx.msk [tilespmem:v29+s23+$0x0], $0xffff;
	_ =	sdelay $0x4  }
0x13a: {  	[tilespmem:s19+$0x10] =	vst v29  }
0x13b: {  	v29 =	vld [tilespmem:$0xE240];
	_ =	sdelay $0x3  }
0x13c: {  	v30 =	vadd.s32 s18, v6  }
0x13d: {  	v31 =	vshll.u32 v30, $0x8;
	v63 =	vshll.u32 v29, $0x3  }
0x13e: {  	v30 =	vshll.u32 v30, $0x7;
	v31 =	vand.u32 $0x7800, v31;
	v32 =	vand.u32 $0xFFFFFC00, v63  }
0x13f: {  	v30 =	vand.u32 $0x380, v30;
	v31 =	vadd.s32 v31, v32  }
0x140: {  	v29 =	vand.u32 $0x7F, v29;
	v30 =	vor.u32 v30, v31  }
0x141: {  	v29 =	vor.u32 v29, v30;
	_ =	sdelay $0x4  }
0x142: {  	p0 =	sne.s32 s18, $0x13;
	v29 =	vld.idx.msk [tilespmem:v29+s23+$0x0], $0xffff  }
.Ltmp1:
0x143: {  	_ = 	snop;
	(pc) =	sbr.rel @p0 .LBB2_4-.Ltmp1, $2  }
0x144: {  	_ =	sdelay $0x2  }
0x145: {  	s18 =	sadd.s32 $0x1, s18;
	[tilespmem:s19+$0x20] =	vst v29;
	s19 =	sadd.s32 $0x80, s19  }
0x146: {  	s17 =	sadd.s32 $0x1, s17  }
0x147: {  	p0 =	sne.s32 s17, s7  }
.Ltmp2:
0x148: {  	_ = 	snop;
	(pc) =	sbr.rel @p0 .LBB2_1-.Ltmp2, $4  }
0x149: {  	[hbm4b:s6+s3] =	stream.linear.scatter [tilespmem:s15], [sflag:$0x3], $0xA00, $0x38;
	[tilespmem:$0xEE80] =	vst v63  }
0x14a: {  	_ =	swait.ge [sflag:s8], $0xA00  }
0x14b: {  	[sflag:s8] =	ssyncset.done $0x0  }
0x14c: {  	[sflag:s8] =	ssyncadd.s32 $0xFFFFF600  }
0x14d: {  	_ =	sfence.sel $0x180000  }
0x14e: {  	[bflag:$0x0] =	sbarrier.arrive $0xFFFF  }
0x14f: {  	_ =	strace $0x9000004A  }
0x150: {  	s0 =	stileid.u32;
	[bflag:$0x2] =	sbarrier.arrive $0xFFFF  }
0x151: {  	p0 =	sne.s32 s0, $0x0;
	s0 =	rddreg [dreg:$0x2]  }
0x152: {  	s0 =	sadd.s32 @!p0 $0x100000, s0  }
0x153: {  	[sflag:s0] =	ssyncadd.tile.s32 @!p0 $0x1;
	_ =	shalt  }
.Lfunc_end2:
_tile_overlayer_lowered:
.L_overlay_start_2:
0x154: {  	(tag) =	ssettag $0x2  }
0x155: {  	s0 =	rddreg [dreg:$0x0];
	s2 =	stileid.u32  }
0x156: {  	s1 =	rddreg [dreg:$0x1];
	p0 =	sne.s32 s2, $0x0  }
0x157: {  	s3 =	rddreg [dreg:$0x2];
	[bflag:$0x3] =	sbarrier.arrive $0xFFFF;
	s2 =	simm.s32 @!p0 $0x1C03  }
0x158: {  	[timem:s3], [sflag:s2] =	dma.local @!p0 [hbm:s0], s1  }
0x159: {  	s0 =	simm.s32 @!p0 $0x3  }
0x15a: {  	_ =	swait.ge @!p0 [sflag:s0], s1  }
0x15b: {  	s1 =	ssub.s32 @!p0 $0x0, s1;
	[sflag:s0] =	ssyncset.done @!p0 $0x0  }
0x15c: {  	[sflag:s0] =	ssyncadd.s32 @!p0 s1  }
0x15d: {  	[bflag:$0x3] =	sbarrier.arrive $0xFFFF  }
0x15e: {  	_ =	shalt  }

// kernel: kernel.9.cloned.1.call-start
scs
__scs_entry_jumppad:
0x0: {  	(pc) =	sbr.rel $0x88, $3  }
0x1: {  	(tag) =	ssettag $0x0;
	lr =	simm.s32 $0x1  }
0x2: {  	[smem:$0x3F88] =	sst lr;
	_ =	strace $0xD0000000  }
0x3: {  	_ = 	snop  }
0x4: {  	_ = 	snop  }
0x5: {  	_ = 	snop  }
0x6: {  	_ = 	snop  }
0x7: {  	_ = 	snop  }
__scs_overlays_trampoline_lowered:
0x8: {  	[smem:$0x3F97] =	sst s0  }
0x9: {  	[smem:$0x3F98] =	sst s1  }
0xa: {  	[smem:$0x3F99] =	sst s2  }
0xb: {  	[smem:$0x3F9A] =	sst s3  }
0xc: {  	[smem:$0x3F9B] =	sst s4  }
0xd: {  	[smem:$0x3F9C] =	sst s5  }
0xe: {  	[smem:$0x3F9D] =	sst s6  }
0xf: {  	[smem:$0x3F9E] =	sst s7  }
0x10: {  	[smem:$0x3F9F] =	sst s8  }
0x11: {  	[smem:$0x3FA0] =	sst s9;
	s0 =	simm.s32 @!p0 $0x0  }
0x12: {  	s1 =	sld [smem:$0x3F86];
	s0 =	simm.s32 @p0 $0x1  }
0x13: {  	[smem:$0x3FA1] =	sst s0;
	s0 =	simm.s32 @!p1 $0x0  }
0x14: {  	s2 =	sld [smem:$0x3F85];
	s0 =	simm.s32 @p1 $0x1  }
0x15: {  	[smem:$0x3FA2] =	sst s0;
	s0 =	simm.s32 @!p2 $0x0  }
0x16: {  	s3 =	sld [smem:$0x3FDB];
	s0 =	simm.s32 @p2 $0x1  }
0x17: {  	s4 =	simm.s32 $0x1BF5;
	[smem:$0x3FA4] =	sst s0  }
0x18: {  	s0 =	sld [smem:$0x3F87];
	_ =	swait.ge [sflag:s4], $0x0  }
0x19: {  	s7 =	sld [smem:$0x3F88]  }
0x1a: {  	s8 =	sadd.s32 $0xFFFFE003, lr  }
0x1b: {  	s9 =	sadd.s32 $0xFFFFFEF7, lr;
	s5 =	simm.s32 $0xFFFFFFFF;
	p2 =	slt.u32 s8, $0xFFFFF086  }
0x1c: {  	p1 =	slt.u32 s9, $0xF7A;
	s5 =	simm.s32 @!p2 $0x0  }
0x1d: {  	s5 =	simm.s32 @p1 $0x1;
	p0 =	seq.s32 s7, s2  }
0x1e: {  	s7 =	smul.u32 @!p0 $0xF7A, s2;
	p2 =	seq.s32 @!p0 s5, $0x0  }
0x1f: {  	s9 =	smul.u32 $0xF7A, s1;
	s8 =	simm.s32 @!p0 $0x1BF5;
	p2 =	por !p2, p0  }
0x20: {  	[sflag:s8] =	ssyncset.s32 @!p0 $0xFFFFF086;
	s6 =	sadd.s32 @!p0 s3, s7;
	s7 =	simm.s32 @!p0 $0x108  }
0x21: {  	s3 =	sadd.s32 s3, s9;
	s6 =	sadd.s32 @!p0 $0x88, s6;
	s7 =	simm.s32 @p2 $0x1082  }
0x22: {  	[simem:s7], [sflag:s8] =	dma.local @!p0 [hbm:s6], $0xF7A  }
0x23: {  	s9 =	sor.u32 $0xD0000000, s2;
	s6 =	simm.s32 $0x108;
	_ =	swait.ge @!p0 [sflag:s8], $0x0  }
0x24: {  	s3 =	sadd.s32 $0x88, s3;
	s6 =	simm.s32 @!p1 $0x1082;
	[sflag:s4] =	ssyncset.s32 $0xFFFFF086  }
0x25: {  	[simem:s6], [sflag:s4] =	dma.local [hbm:s3], $0xF7A  }
0x26: {  	[smem:$0x3F88] =	sst s1;
	(tag) =	ssettag s2;
	_ =	strace s9  }
0x27: {  	s1 =	sld [smem:$0x3F98]  }
0x28: {  	s2 =	sld [smem:$0x3F99]  }
0x29: {  	s4 =	sld [smem:$0x3F9B]  }
0x2a: {  	p0 =	seq.s32 s5, $0x0;
	s5 =	sld [smem:$0x3F9C]  }
0x2b: {  	s6 =	sld [smem:$0x3F9D]  }
0x2c: {  	s7 =	sld [smem:$0x3F9E]  }
0x2d: {  	s3 =	simm.s32 $0x108;
	s8 =	sld [smem:$0x3F9F]  }
0x2e: {  	s3 =	simm.s32 @!p0 $0x1082;
	s9 =	sld [smem:$0x3FA0]  }
0x2f: {  	lr =	sadd.s32 s0, s3;
	s0 =	sld [smem:$0x3F97]  }
0x30: {  	s3 =	sld [smem:$0x3F9A]  }
0x31: {  	[smem:$0x3FA3] =	sst s10  }
0x32: {  	s10 =	sld [smem:$0x3FA1];
	_ =	sdelay $0x3  }
0x33: {  	p0 =	seq.s32 s10, $0x1;
	s10 =	sld [smem:$0x3FA3];
	_ =	sdelay $0x3  }
0x34: {  	[smem:$0x3FA3] =	sst s10  }
0x35: {  	s10 =	sld [smem:$0x3FA2];
	_ =	sdelay $0x3  }
0x36: {  	p1 =	seq.s32 s10, $0x1;
	s10 =	sld [smem:$0x3FA3];
	_ =	sdelay $0x3  }
0x37: {  	[smem:$0x3FA3] =	sst s10  }
0x38: {  	s10 =	sld [smem:$0x3FA4]  }
0x39: {  	_ = 	snop;
	(pc) =	sbr.ind lr, $3  }
0x3a: {  	_ = 	snop  }
0x3b: {  	_ = 	snop  }
0x3c: {  	p2 =	seq.s32 s10, $0x1;
	s10 =	sld [smem:$0x3FA3]  }
0x3d: {  	_ =	shalt  }
0x3e: {  	_ =	shalt  }
0x3f: {  	_ =	shalt  }
0x40: {  	_ =	shalt  }
0x41: {  	_ =	shalt  }
0x42: {  	_ =	shalt  }
0x43: {  	_ =	shalt  }
0x44: {  	_ =	shalt  }
0x45: {  	_ =	shalt  }
0x46: {  	_ =	shalt  }
0x47: {  	_ =	shalt  }
0x48: {  	_ =	shalt  }
0x49: {  	_ =	shalt  }
0x4a: {  	_ =	shalt  }
0x4b: {  	_ =	shalt  }
0x4c: {  	_ =	shalt  }
0x4d: {  	_ =	shalt  }
0x4e: {  	_ =	shalt  }
0x4f: {  	_ =	shalt  }
0x50: {  	_ =	shalt  }
0x51: {  	_ =	shalt  }
0x52: {  	_ =	shalt  }
0x53: {  	_ =	shalt  }
0x54: {  	_ =	shalt  }
0x55: {  	_ =	shalt  }
0x56: {  	_ =	shalt  }
0x57: {  	_ =	shalt  }
0x58: {  	_ =	shalt  }
0x59: {  	_ =	shalt  }
0x5a: {  	_ =	shalt  }
0x5b: {  	_ =	shalt  }
0x5c: {  	_ =	shalt  }
0x5d: {  	_ =	shalt  }
0x5e: {  	_ =	shalt  }
0x5f: {  	_ =	shalt  }
0x60: {  	_ =	shalt  }
0x61: {  	_ =	shalt  }
0x62: {  	_ =	shalt  }
0x63: {  	_ =	shalt  }
0x64: {  	_ =	shalt  }
0x65: {  	_ =	shalt  }
0x66: {  	_ =	shalt  }
0x67: {  	_ =	shalt  }
0x68: {  	_ =	shalt  }
0x69: {  	_ =	shalt  }
0x6a: {  	_ =	shalt  }
0x6b: {  	_ =	shalt  }
0x6c: {  	_ =	shalt  }
0x6d: {  	_ =	shalt  }
0x6e: {  	_ =	shalt  }
0x6f: {  	_ =	shalt  }
0x70: {  	_ =	shalt  }
0x71: {  	_ =	shalt  }
0x72: {  	_ =	shalt  }
0x73: {  	_ =	shalt  }
0x74: {  	_ =	shalt  }
0x75: {  	_ =	shalt  }
0x76: {  	_ =	shalt  }
0x77: {  	_ =	shalt  }
0x78: {  	_ =	shalt  }
0x79: {  	_ =	shalt  }
0x7a: {  	_ =	shalt  }
0x7b: {  	_ =	shalt  }
0x7c: {  	_ =	shalt  }
0x7d: {  	_ =	shalt  }
0x7e: {  	_ =	shalt  }
0x7f: {  	_ =	shalt  }
0x80: {  	_ =	shalt  }
0x81: {  	_ =	shalt  }
0x82: {  	_ =	shalt  }
0x83: {  	_ =	shalt  }
0x84: {  	_ =	shalt  }
0x85: {  	_ =	shalt  }
0x86: {  	_ =	shalt  }
0x87: {  	_ =	shalt  }
.Lfunc_end0:
.L_simem_size_0:
called_computation.1_lowered:
.L_overlay_start_0:
0x88: {  	s2 =	sld [smem:$0x3FD9]  }
0x89: {  	s3 =	sld [smem:$0x3FFE];
	_ =	sdelay $0x1  }
0x8a: {  	s1 =	srdreg.scid  }
0x8b: {  	s0 =	sand.u32 $0x1, s1  }
0x8c: {  	s17 =	sshll.u32 s0, $0xA;
	s2 =	sadd.s32 s3, s2  }
0x8d: {  	s2 =	sadd.s32 s2, s17  }
0x8e: {  	[smem:$0x3FAF] =	sst s2  }
0x8f: {  	_ = 	snop  }
0x90: {  	s2 =	sld [smem:$0x3FC6];
	(tm) =	ssettm $0x1  }
0x91: {  	s18 =	sld [smem:$0x3FFB];
	_ =	sdelay $0x3  }
0x92: {  	_ =	strace s18  }
0x93: {  	s3 =	sld [smem:$0x3FFC];
	_ =	sdelay $0x3  }
0x94: {  	_ =	strace s3  }
0x95: {  	s3 =	sld [smem:$0x3FFD];
	_ =	sdelay $0x3  }
0x96: {  	_ =	strace s3  }
0x97: {  	_ =	strace $0x8FFFFFFF  }
0x98: {  	s19 =	sld [smem:$0x3FDB];
	_ =	sdelay $0x1  }
0x99: {  	s4 =	simm.s32 $_scs_section_size  }
0x9a: {  	s5 =	simm.s32 $_size__tile_overlayer_lowered;
	s6 =	simm.s32 $_tile_overlayer_lowered  }
0x9b: {  	s22 =	simm.s32 $0x1BFF;
	s21 =	sshll.u32 s6, $0x1;
	s3 =	sadd.s32 s4, s19  }
0x9c: {  	s7 =	simm.s32 $0x0;
	s20 =	sshll.u32 s5, $0x1;
	s5 =	sadd.s32 s21, s3  }
0x9d: {  	[timem:s7], [sflag:s22] =	dma.local [hbm:s5], s20  }
0x9e: {  	_ =	swait.ge [sflag:s22], s20  }
0x9f: {  	s4 =	ssub.s32 $0x0, s20;
	[sflag:s22] =	ssyncset.done $0x0  }
0xa0: {  	[sflag:s22] =	ssyncadd.s32 s4;
	_ =	sdelay $0x1  }
0xa1: {  	s23 =	simm.s32 $0x1B8B  }
0xa2: {  	_ =	swait.ge [sflag:s23], $0x1  }
0xa3: {  	[sflag:s23] =	ssyncset.done $0x0  }
0xa4: {  	s25 =	simm.s32 $0x1B8E;
	s24 =	sld [smem:$0x3FFE];
	[sflag:s23] =	ssyncadd.s32 $0xFFFFFFFF  }
0xa5: {  	s26 =	simm.s32 $execute0_lowered;
	[smem:$0x3FD2] =	sst s25  }
0xa6: {  	s5 =	sshll.u32 s26, $0x1;
	_ =	strace $0x80000046;
	[dreg:$0x1] =	wrdreg $0xFFFFFFFF  }
0xa7: {  	s28 =	simm.s32 $_size_execute0_lowered;
	s3 =	sadd.s32 s3, s5;
	[dreg:$0x0] =	wrdreg $0x0  }
0xa8: {  	s5 =	sshll.u32 s28, $0x1;
	[dreg:$0x2] =	wrdreg s3  }
0xa9: {  	[dreg:$0x3] =	wrdreg s5  }
0xaa: {  	[dreg:$0x4] =	wrdreg $0xC0  }
0xab: {  	_ =	task [dreg:s7], $0x5FFFF  }
0xac: {  	[dreg:$0x1] =	wrdreg $0xFFFFFFFF  }
0xad: {  	[dreg:$0x0] =	wrdreg $0x60  }
0xae: {  	[dreg:$0x2] =	wrdreg s24  }
0xaf: {  	[dreg:$0x3] =	wrdreg s2  }
0xb0: {  	[dreg:$0x4] =	wrdreg $0xA  }
0xb1: {  	_ =	task.clear_ibuf [dreg:s7], $0x5FFFF;
	_ =	strace $0x90000046  }
0xb2: {  	s29 =	simm.s32 $0xA;
	_ =	strace $0x80000048  }
0xb3: {  	_ =	swait.ge [sflag:s29], $0x1  }
0xb4: {  	[sflag:s29] =	ssyncadd.s32 $0xFFFFFFFF  }
0xb5: {  	_ =	strace $0x90000048  }
0xb6: {  	_ =	sfence  }
0xb7: {  	s30 =	sld [smem:$0x0];
	_ =	sdelay $0x2  }
0xb8: {  	s31 =	sshll.u32 s1, $0xD;
	s1 =	sshrl.u32 s1, $0x2  }
0xb9: {  	s3 =	sand.u32 $0x4000, s31;
	s1 =	sadd.s32 s1, s30  }
0xba: {  	s0 =	sor.u32 s3, s0;
	s1 =	sshll.u32 s1, $0x11  }
0xbb: {  	s0 =	sor.u32 s1, s0  }
0xbc: {  	s0 =	sadd.s32 $0x8F2B, s0  }
0xbd: {  	[sflag:s0] =	ssyncadd.remote.s32 $0x1  }
0xbe: {  	_ =	sfence.sel $0xFFFF  }
0xbf: {  	[dreg:$0x0] =	wrdreg $0xFFFFFFFF;
	(pc) =	sbr.abs _section_cstart, $3  }
0xc0: {  	[dreg:$0x1] =	wrdreg $0xFFFFFFFF  }
0xc1: {  	_ =	task.clear_ibuf [dreg:s7], $0x2FFFF;
	_ =	strace $0x9FFFFFFF  }
0xc2: {  	(tm) =	ssettm $0x7FFFFFFF  }
0xc3: {  	_ =	shalt  }
tec
execute0_lowered:
.L_overlay_start_1:
0x0: {  	(tag) =	ssettag $0x1  }
0x1: {  	s0 =	srdreg.scid;
	s1 =	rddreg [dreg:$0x0]  }
0x2: {  	s3 =	stileid.u32;
	s2 =	rddreg [dreg:$0x1]  }
0x3: {  	s20 =	simm.s32 $0x5A00;
	s21 =	simm.s32 $0x6200;
	s22 =	simm.s32 $0x6A00  }
0x4: {  	s23 =	simm.s32 $0x7200;
	s28 =	simm.s32 $0x9200;
	s29 =	simm.s32 $0x9A00  }
0x5: {  	s30 =	simm.s32 $0xA200;
	s31 =	simm.s32 $0xAA00;
	s11 =	simm.s32 $0xCA00  }
0x6: {  	s12 =	simm.s32 $0xD200;
	s13 =	simm.s32 $0xDA00;
	s14 =	simm.s32 $0x1  }
0x7: {  	s15 =	simm.s32 $0xE280;
	s16 =	simm.s32 $0x2;
	s17 =	simm.s32 $0x0  }
0x8: {  	v2 =	vlaneseq.u32;
	s0 =	sand.u32 $0x1, s0;
	s4 =	sshll.u32 s3, $0x2;
	s3 =	simm.s32 $0x0  }
0x9: {  	vm0 =	vmmov $0xffff;
	v3 =	vor.u32 $0x10, v2;
	v4 =	vor.u32 $0x20, v2;
	s5 =	sshll.u32 s0, $0x1;
	[smem:$0x7FF] =	sst s3;
	s0 =	ssub.s32 $0x2, s0  }
0xa: {  	v5 =	vor.u32 $0x30, v2;
	v6 =	vor.u32 $0x40, v2;
	v7 =	vor.u32 $0x50, v2;
	s5 =	sor.u32 s5, s4;
	_ =	strace $0x80000047;
	s7 =	sshrl.u32 s0, $0x1  }
0xb: {  	v10 =	vshrl.u32 v2, $0x3;
	v8 =	vor.u32 $0x60, v2;
	v9 =	vand.u32 $0x7, v2;
	s6 =	sor.u32 $0x40, s5;
	s8 =	smul.u32 $0xC00, s5;
	s0 =	ssub.s32 s0, s7  }
0xc: {  	v11 =	vor.u32 $0x8, v2;
	v12 =	vor.u32 $0x80, v2;
	v13 =	vor.u32 $0x90, v2;
	s25 =	sshll.u32 s5, $0x8;
	s5 =	smul.u32 $0x180, s5;
	s24 =	sshll.u32 s6, $0x4  }
0xd: {  	v14 =	vor.u32 $0xA0, v2;
	v15 =	vor.u32 $0xB0, v2;
	v16 =	vor.u32 $0xC0, v2;
	s9 =	sshll.u32 s6, $0x8;
	s10 =	sor.u32 $0x4100, s25;
	s7 =	smax.u32 s0, $0x1  }
0xe: {  	v17 =	vor.u32 $0xD0, v2;
	v18 =	vor.u32 $0xE0, v2;
	v19 =	vadd.s32 $0x14, v2;
	s25 =	simm.s32 $0x8200;
	s0 =	simm.s32 $0xBA00;
	s4 =	sadd.s32 s24, s1  }
0xf: {  	v20 =	vadd.s32 $0x24, v2;
	v21 =	vadd.s32 $0x34, v2;
	s1 =	sadd.s32 $0x4000, s1;
	s8 =	sshrl.u32 s8, $0x3;
	v0 =	vmov s9;
	s9 =	simm.s32 $0x200  }
0x10: {  	v22 =	vadd.s32 $0x44, v2;
	v23 =	vadd.s32 $0x54, v2;
	v1 =	vmov s10;
	s24 =	simm.s32 $0x7A00;
	s10 =	simm.s32 $0xC200;
	s4 =	sadd.s32 $0x3800, s4  }
0x11: {  	v24 =	vadd.s32 $0x94, v2;
	v25 =	vadd.s32 $0xA4, v2;
	v26 =	vadd.s32 $0xB4, v2;
	s26 =	sadd.s32 s1, s8;
	s5 =	sadd.s32 s1, s5;
	s8 =	simm.s32 $0x3  }
0x12: {  	v27 =	vadd.s32 $0xC4, v2;
	v28 =	vadd.s32 $0xD4, v2;
	v10 =	vmul.u32 $0x8, v10;
	s1 =	simm.s32 $0xB200;
	s6 =	sadd.s32 $0x180, s26;
	s26 =	simm.s32 $0x8A00  }
.LBB2_1:
0x13: {  	[tilespmem:s3], [sflag:$0x3] =	stream.linear.gather [hbm4b:s4+s3], $0x100, $0x38;
	[tilespmem:$0xEE80] =	vst v63  }
0x14: {  	_ =	swait.ge [sflag:s8], $0x100  }
0x15: {  	[sflag:s8] =	ssyncset.done $0x0  }
0x16: {  	[sflag:s8] =	ssyncadd.s32 $0xFFFFFF00  }
0x17: {  	v29 =	vld.idx.msk [tilespmem:v2+s3+$0x0], $0xffff;
	_ =	sdelay $0x4  }
0x18: {  	v30 =	vadd.s32 v0, v29  }
0x19: {  	[tilespmem:$0x100] =	vst v30  }
0x1a: {  	v31 =	vld.idx.msk [tilespmem:v3+s3+$0x0], $0xffff;
	_ =	sdelay $0x4  }
0x1b: {  	v31 =	vadd.s32 v0, v31  }
0x1c: {  	[tilespmem:$0x110] =	vst v31  }
0x1d: {  	v31 =	vld.idx.msk [tilespmem:v4+s3+$0x0], $0xffff;
	_ =	sdelay $0x4  }
0x1e: {  	v31 =	vadd.s32 v0, v31  }
0x1f: {  	[tilespmem:$0x120] =	vst v31  }
0x20: {  	v31 =	vld.idx.msk [tilespmem:v5+s3+$0x0], $0xffff;
	_ =	sdelay $0x4  }
0x21: {  	v31 =	vadd.s32 v0, v31  }
0x22: {  	[tilespmem:$0x130] =	vst v31  }
0x23: {  	v31 =	vld.idx.msk [tilespmem:v6+s3+$0x0], $0xffff;
	_ =	sdelay $0x4  }
0x24: {  	v31 =	vadd.s32 v0, v31  }
0x25: {  	[tilespmem:$0x140] =	vst v31  }
0x26: {  	v31 =	vld.idx.msk [tilespmem:v7+s3+$0x0], $0xffff;
	_ =	sdelay $0x3  }
0x27: {  	v30 =	vshll.u32 v30, $0x1  }
0x28: {  	v29 =	vand.u32 $0x7, v29;
	v30 =	vand.u32 $0xFFFFFFF0, v30;
	v31 =	vadd.s32 v0, v31  }
0x29: {  	v29 =	vor.u32 v29, v30;
	[tilespmem:$0x150] =	vst v31  }
0x2a: {  	v31 =	vperm.xlane v29, v9;
	v30 =	vld.idx.msk [tilespmem:v8+s3+$0x0], $0xffff;
	_ =	sdelay $0x1  }
0x2b: {  	v29 =	vperm.xlane v29, v11;
	v31 =	vadd.s32 v10, v31;
	_ =	sdelay $0x1  }
0x2c: {  	v29 =	vadd.s32 v10, v29  }
0x2d: {  	v30 =	vadd.s32 v0, v30  }
0x2e: {  	[tilespmem:$0x160] =	vst v30  }
0x2f: {  	[tilespmem:s9], [sflag:$0x1] =	stream.indirect_vreg.gather [hbm4b:s2+s3], $0x80, v31, vm0, $0xb8;
	[tilespmem:$0xEE80] =	vst v63  }
0x30: {  	s18 =	simm.s32 $0xA00  }
0x31: {  	[tilespmem:s18], [sflag:$0x1] =	stream.indirect_vreg.gather [hbm4b:s2+s3], $0x80, v29, vm0, $0xb8;
	[tilespmem:$0xEE80] =	vst v63  }
0x32: {  	v29 =	vld [tilespmem:$0x110];
	_ =	sdelay $0x4  }
0x33: {  	v30 =	vshll.u32 v29, $0x1  }
0x34: {  	v29 =	vand.u32 $0x7, v29;
	v30 =	vand.u32 $0xFFFFFFF0, v30  }
0x35: {  	v29 =	vor.u32 v29, v30  }
0x36: {  	v30 =	vperm.xlane v29, v9;
	_ =	sdelay $0x1  }
0x37: {  	v29 =	vperm.xlane v29, v11;
	v30 =	vadd.s32 v10, v30;
	_ =	sdelay $0x1  }
0x38: {  	v29 =	vadd.s32 v10, v29;
	_ =	sdelay $0x1  }
0x39: {  	s19 =	simm.s32 $0x1200  }
0x3a: {  	[tilespmem:s19], [sflag:$0x1] =	stream.indirect_vreg.gather [hbm4b:s2+s3], $0x80, v30, vm0, $0xb8;
	[tilespmem:$0xEE80] =	vst v63  }
0x3b: {  	s19 =	simm.s32 $0x1A00  }
0x3c: {  	[tilespmem:s19], [sflag:$0x1] =	stream.indirect_vreg.gather [hbm4b:s2+s3], $0x80, v29, vm0, $0xb8;
	[tilespmem:$0xEE80] =	vst v63  }
0x3d: {  	v29 =	vld [tilespmem:$0x120];
	_ =	sdelay $0x4  }
0x3e: {  	v30 =	vshll.u32 v29, $0x1  }
0x3f: {  	v29 =	vand.u32 $0x7, v29;
	v30 =	vand.u32 $0xFFFFFFF0, v30  }
0x40: {  	v29 =	vor.u32 v29, v30  }
0x41: {  	v30 =	vperm.xlane v29, v9;
	_ =	sdelay $0x1  }
0x42: {  	v29 =	vperm.xlane v29, v11;
	v30 =	vadd.s32 v10, v30;
	_ =	sdelay $0x1  }
0x43: {  	v29 =	vadd.s32 v10, v29;
	_ =	sdelay $0x1  }
0x44: {  	s19 =	simm.s32 $0x2200  }
0x45: {  	[tilespmem:s19], [sflag:$0x1] =	stream.indirect_vreg.gather [hbm4b:s2+s3], $0x80, v30, vm0, $0xb8;
	[tilespmem:$0xEE80] =	vst v63  }
0x46: {  	s19 =	simm.s32 $0x2A00  }
0x47: {  	[tilespmem:s19], [sflag:$0x1] =	stream.indirect_vreg.gather [hbm4b:s2+s3], $0x80, v29, vm0, $0xb8;
	[tilespmem:$0xEE80] =	vst v63  }
0x48: {  	v29 =	vld [tilespmem:$0x130];
	_ =	sdelay $0x4  }
0x49: {  	v30 =	vshll.u32 v29, $0x1  }
0x4a: {  	v29 =	vand.u32 $0x7, v29;
	v30 =	vand.u32 $0xFFFFFFF0, v30  }
0x4b: {  	v29 =	vor.u32 v29, v30  }
0x4c: {  	v30 =	vperm.xlane v29, v9;
	_ =	sdelay $0x1  }
0x4d: {  	v29 =	vperm.xlane v29, v11;
	v30 =	vadd.s32 v10, v30;
	_ =	sdelay $0x1  }
0x4e: {  	v29 =	vadd.s32 v10, v29;
	_ =	sdelay $0x1  }
0x4f: {  	s19 =	simm.s32 $0x3200  }
0x50: {  	[tilespmem:s19], [sflag:$0x1] =	stream.indirect_vreg.gather [hbm4b:s2+s3], $0x80, v30, vm0, $0xb8;
	[tilespmem:$0xEE80] =	vst v63  }
0x51: {  	s19 =	simm.s32 $0x3A00  }
0x52: {  	[tilespmem:s19], [sflag:$0x1] =	stream.indirect_vreg.gather [hbm4b:s2+s3], $0x80, v29, vm0, $0xb8;
	[tilespmem:$0xEE80] =	vst v63  }
0x53: {  	v29 =	vld [tilespmem:$0x140];
	_ =	sdelay $0x4  }
0x54: {  	v30 =	vshll.u32 v29, $0x1  }
0x55: {  	v29 =	vand.u32 $0x7, v29;
	v30 =	vand.u32 $0xFFFFFFF0, v30  }
0x56: {  	v29 =	vor.u32 v29, v30  }
0x57: {  	v30 =	vperm.xlane v29, v9;
	_ =	sdelay $0x1  }
0x58: {  	v29 =	vperm.xlane v29, v11;
	v30 =	vadd.s32 v10, v30;
	_ =	sdelay $0x1  }
0x59: {  	v29 =	vadd.s32 v10, v29;
	_ =	sdelay $0x1  }
0x5a: {  	s19 =	simm.s32 $0x4200  }
0x5b: {  	[tilespmem:s19], [sflag:$0x1] =	stream.indirect_vreg.gather [hbm4b:s2+s3], $0x80, v30, vm0, $0xb8;
	[tilespmem:$0xEE80] =	vst v63  }
0x5c: {  	s19 =	simm.s32 $0x4A00  }
0x5d: {  	[tilespmem:s19], [sflag:$0x1] =	stream.indirect_vreg.gather [hbm4b:s2+s3], $0x80, v29, vm0, $0xb8;
	[tilespmem:$0xEE80] =	vst v63  }
0x5e: {  	v29 =	vld [tilespmem:$0x150];
	_ =	sdelay $0x4  }
0x5f: {  	v30 =	vshll.u32 v29, $0x1  }
0x60: {  	v29 =	vand.u32 $0x7, v29;
	v30 =	vand.u32 $0xFFFFFFF0, v30  }
0x61: {  	v29 =	vor.u32 v29, v30  }
0x62: {  	v30 =	vperm.xlane v29, v9;
	_ =	sdelay $0x1  }
0x63: {  	v29 =	vperm.xlane v29, v11;
	v30 =	vadd.s32 v10, v30;
	_ =	sdelay $0x1  }
0x64: {  	v29 =	vadd.s32 v10, v29;
	_ =	sdelay $0x1  }
0x65: {  	s19 =	simm.s32 $0x5200  }
0x66: {  	[tilespmem:s19], [sflag:$0x1] =	stream.indirect_vreg.gather [hbm4b:s2+s3], $0x80, v30, vm0, $0xb8;
	[tilespmem:$0xEE80] =	vst v63  }
0x67: {  	_ = 	snop  }
0x68: {  	[tilespmem:s20], [sflag:$0x1] =	stream.indirect_vreg.gather [hbm4b:s2+s3], $0x80, v29, vm0, $0xb8;
	[tilespmem:$0xEE80] =	vst v63  }
0x69: {  	v29 =	vld [tilespmem:$0x160];
	_ =	sdelay $0x4  }
0x6a: {  	v30 =	vshll.u32 v29, $0x1  }
0x6b: {  	v29 =	vand.u32 $0x7, v29;
	v30 =	vand.u32 $0xFFFFFFF0, v30  }
0x6c: {  	v29 =	vor.u32 v29, v30  }
0x6d: {  	v30 =	vperm.xlane v29, v9;
	_ =	sdelay $0x1  }
0x6e: {  	v29 =	vperm.xlane v29, v11;
	v30 =	vadd.s32 v10, v30;
	_ =	sdelay $0x1  }
0x6f: {  	v29 =	vadd.s32 v10, v29;
	_ =	sdelay $0x2  }
0x70: {  	[tilespmem:s21], [sflag:$0x1] =	stream.indirect_vreg.gather [hbm4b:s2+s3], $0x80, v30, vm0, $0xb8;
	[tilespmem:$0xEE80] =	vst v63  }
0x71: {  	_ = 	snop  }
0x72: {  	[tilespmem:s22], [sflag:$0x1] =	stream.indirect_vreg.gather [hbm4b:s2+s3], $0x80, v29, vm0, $0xb8;
	[tilespmem:$0xEE80] =	vst v63  }
0x73: {  	v29 =	vld.idx.msk [tilespmem:v12+s3+$0x0], $0xffff;
	_ =	sdelay $0x4  }
0x74: {  	v30 =	vadd.s32 v1, v29  }
0x75: {  	[tilespmem:$0x180] =	vst v30  }
0x76: {  	v31 =	vld.idx.msk [tilespmem:v13+s3+$0x0], $0xffff;
	_ =	sdelay $0x4  }
0x77: {  	v31 =	vadd.s32 v1, v31  }
0x78: {  	[tilespmem:$0x190] =	vst v31  }
0x79: {  	v31 =	vld.idx.msk [tilespmem:v14+s3+$0x0], $0xffff;
	_ =	sdelay $0x4  }
0x7a: {  	v31 =	vadd.s32 v1, v31  }
0x7b: {  	[tilespmem:$0x1A0] =	vst v31  }
0x7c: {  	v31 =	vld.idx.msk [tilespmem:v15+s3+$0x0], $0xffff;
	_ =	sdelay $0x4  }
0x7d: {  	v31 =	vadd.s32 v1, v31  }
0x7e: {  	[tilespmem:$0x1B0] =	vst v31  }
0x7f: {  	v31 =	vld.idx.msk [tilespmem:v16+s3+$0x0], $0xffff;
	_ =	sdelay $0x4  }
0x80: {  	v31 =	vadd.s32 v1, v31  }
0x81: {  	[tilespmem:$0x1C0] =	vst v31  }
0x82: {  	v31 =	vld.idx.msk [tilespmem:v17+s3+$0x0], $0xffff;
	_ =	sdelay $0x3  }
0x83: {  	v30 =	vshll.u32 v30, $0x1  }
0x84: {  	v29 =	vand.u32 $0x7, v29;
	v30 =	vand.u32 $0xFFFFFFF0, v30;
	v31 =	vadd.s32 v1, v31  }
0x85: {  	v29 =	vor.u32 v29, v30;
	[tilespmem:$0x1D0] =	vst v31  }
0x86: {  	v31 =	vperm.xlane v29, v9;
	v30 =	vld.idx.msk [tilespmem:v18+s3+$0x0], $0xffff;
	_ =	sdelay $0x1  }
0x87: {  	v29 =	vperm.xlane v29, v11;
	v31 =	vadd.s32 v10, v31;
	_ =	sdelay $0x1  }
0x88: {  	v29 =	vadd.s32 v10, v29  }
0x89: {  	v30 =	vadd.s32 v1, v30  }
0x8a: {  	[tilespmem:$0x1E0] =	vst v30  }
0x8b: {  	[tilespmem:s23], [sflag:$0x2] =	stream.indirect_vreg.gather [hbm4b:s2+s3], $0x80, v31, vm0, $0xb8;
	[tilespmem:$0xEE80] =	vst v63  }
0x8c: {  	_ = 	snop  }
0x8d: {  	[tilespmem:s24], [sflag:$0x2] =	stream.indirect_vreg.gather [hbm4b:s2+s3], $0x80, v29, vm0, $0xb8;
	[tilespmem:$0xEE80] =	vst v63  }
0x8e: {  	v29 =	vld [tilespmem:$0x190];
	_ =	sdelay $0x4  }
0x8f: {  	v30 =	vshll.u32 v29, $0x1  }
0x90: {  	v29 =	vand.u32 $0x7, v29;
	v30 =	vand.u32 $0xFFFFFFF0, v30  }
0x91: {  	v29 =	vor.u32 v29, v30  }
0x92: {  	v30 =	vperm.xlane v29, v9;
	_ =	sdelay $0x1  }
0x93: {  	v29 =	vperm.xlane v29, v11;
	v30 =	vadd.s32 v10, v30;
	_ =	sdelay $0x1  }
0x94: {  	v29 =	vadd.s32 v10, v29;
	_ =	sdelay $0x2  }
0x95: {  	[tilespmem:s25], [sflag:$0x2] =	stream.indirect_vreg.gather [hbm4b:s2+s3], $0x80, v30, vm0, $0xb8;
	[tilespmem:$0xEE80] =	vst v63  }
0x96: {  	_ = 	snop  }
0x97: {  	[tilespmem:s26], [sflag:$0x2] =	stream.indirect_vreg.gather [hbm4b:s2+s3], $0x80, v29, vm0, $0xb8;
	[tilespmem:$0xEE80] =	vst v63  }
0x98: {  	v29 =	vld [tilespmem:$0x1A0];
	_ =	sdelay $0x4  }
0x99: {  	v30 =	vshll.u32 v29, $0x1  }
0x9a: {  	v29 =	vand.u32 $0x7, v29;
	v30 =	vand.u32 $0xFFFFFFF0, v30  }
0x9b: {  	v29 =	vor.u32 v29, v30  }
0x9c: {  	v30 =	vperm.xlane v29, v9;
	_ =	sdelay $0x1  }
0x9d: {  	v29 =	vperm.xlane v29, v11;
	v30 =	vadd.s32 v10, v30;
	_ =	sdelay $0x1  }
0x9e: {  	v29 =	vadd.s32 v10, v29;
	_ =	sdelay $0x2  }
0x9f: {  	[tilespmem:s28], [sflag:$0x2] =	stream.indirect_vreg.gather [hbm4b:s2+s3], $0x80, v30, vm0, $0xb8;
	[tilespmem:$0xEE80] =	vst v63  }
0xa0: {  	_ = 	snop  }
0xa1: {  	[tilespmem:s29], [sflag:$0x2] =	stream.indirect_vreg.gather [hbm4b:s2+s3], $0x80, v29, vm0, $0xb8;
	[tilespmem:$0xEE80] =	vst v63  }
0xa2: {  	v29 =	vld [tilespmem:$0x1B0];
	_ =	sdelay $0x4  }
0xa3: {  	v30 =	vshll.u32 v29, $0x1  }
0xa4: {  	v29 =	vand.u32 $0x7, v29;
	v30 =	vand.u32 $0xFFFFFFF0, v30  }
0xa5: {  	v29 =	vor.u32 v29, v30  }
0xa6: {  	v30 =	vperm.xlane v29, v9;
	_ =	sdelay $0x1  }
0xa7: {  	v29 =	vperm.xlane v29, v11;
	v30 =	vadd.s32 v10, v30;
	_ =	sdelay $0x1  }
0xa8: {  	v29 =	vadd.s32 v10, v29;
	_ =	sdelay $0x2  }
0xa9: {  	[tilespmem:s30], [sflag:$0x2] =	stream.indirect_vreg.gather [hbm4b:s2+s3], $0x80, v30, vm0, $0xb8;
	[tilespmem:$0xEE80] =	vst v63  }
0xaa: {  	_ = 	snop  }
0xab: {  	[tilespmem:s31], [sflag:$0x2] =	stream.indirect_vreg.gather [hbm4b:s2+s3], $0x80, v29, vm0, $0xb8;
	[tilespmem:$0xEE80] =	vst v63  }
0xac: {  	v29 =	vld [tilespmem:$0x1C0];
	_ =	sdelay $0x4  }
0xad: {  	v30 =	vshll.u32 v29, $0x1  }
0xae: {  	v29 =	vand.u32 $0x7, v29;
	v30 =	vand.u32 $0xFFFFFFF0, v30  }
0xaf: {  	v29 =	vor.u32 v29, v30  }
0xb0: {  	v30 =	vperm.xlane v29, v9;
	_ =	sdelay $0x1  }
0xb1: {  	v29 =	vperm.xlane v29, v11;
	v30 =	vadd.s32 v10, v30;
	_ =	sdelay $0x1  }
0xb2: {  	v29 =	vadd.s32 v10, v29;
	_ =	sdelay $0x2  }
0xb3: {  	[tilespmem:s1], [sflag:$0x2] =	stream.indirect_vreg.gather [hbm4b:s2+s3], $0x80, v30, vm0, $0xb8;
	[tilespmem:$0xEE80] =	vst v63  }
0xb4: {  	_ = 	snop  }
0xb5: {  	[tilespmem:s0], [sflag:$0x2] =	stream.indirect_vreg.gather [hbm4b:s2+s3], $0x80, v29, vm0, $0xb8;
	[tilespmem:$0xEE80] =	vst v63  }
0xb6: {  	v29 =	vld [tilespmem:$0x1D0];
	_ =	sdelay $0x4  }
0xb7: {  	v30 =	vshll.u32 v29, $0x1  }
0xb8: {  	v29 =	vand.u32 $0x7, v29;
	v30 =	vand.u32 $0xFFFFFFF0, v30  }
0xb9: {  	v29 =	vor.u32 v29, v30  }
0xba: {  	v30 =	vperm.xlane v29, v9;
	_ =	sdelay $0x1  }
0xbb: {  	v29 =	vperm.xlane v29, v11;
	v30 =	vadd.s32 v10, v30;
	_ =	sdelay $0x1  }
0xbc: {  	v29 =	vadd.s32 v10, v29;
	_ =	sdelay $0x2  }
0xbd: {  	[tilespmem:s10], [sflag:$0x2] =	stream.indirect_vreg.gather [hbm4b:s2+s3], $0x80, v30, vm0, $0xb8;
	[tilespmem:$0xEE80] =	vst v63  }
0xbe: {  	_ = 	snop  }
0xbf: {  	[tilespmem:s11], [sflag:$0x2] =	stream.indirect_vreg.gather [hbm4b:s2+s3], $0x80, v29, vm0, $0xb8;
	[tilespmem:$0xEE80] =	vst v63  }
0xc0: {  	v29 =	vld [tilespmem:$0x1E0];
	_ =	sdelay $0x4  }
0xc1: {  	v30 =	vshll.u32 v29, $0x1  }
0xc2: {  	v29 =	vand.u32 $0x7, v29;
	v30 =	vand.u32 $0xFFFFFFF0, v30  }
0xc3: {  	v29 =	vor.u32 v29, v30  }
0xc4: {  	v30 =	vperm.xlane v29, v9;
	_ =	sdelay $0x1  }
0xc5: {  	v29 =	vperm.xlane v29, v11;
	v30 =	vadd.s32 v10, v30;
	_ =	sdelay $0x1  }
0xc6: {  	v29 =	vadd.s32 v10, v29;
	_ =	sdelay $0x2  }
0xc7: {  	[tilespmem:s12], [sflag:$0x2] =	stream.indirect_vreg.gather [hbm4b:s2+s3], $0x80, v30, vm0, $0xb8;
	[tilespmem:$0xEE80] =	vst v63  }
0xc8: {  	_ = 	snop  }
0xc9: {  	[tilespmem:s13], [sflag:$0x2] =	stream.indirect_vreg.gather [hbm4b:s2+s3], $0x80, v29, vm0, $0xb8;
	[tilespmem:$0xEE80] =	vst v63  }
0xca: {  	_ =	swait.ge [sflag:s14], $0x7000  }
0xcb: {  	[sflag:s14] =	ssyncset.done $0x0  }
0xcc: {  	[sflag:s14] =	ssyncadd.s32 $0xFFFF9000  }
0xcd: {  	v29 =	vld.idx.msk [tilespmem:v19+s3+$0x0], $0xffff;
	_ =	sdelay $0x4  }
0xce: {  	[tilespmem:$0xE200] =	vst v29  }
0xcf: {  	v29 =	vld.idx.msk [tilespmem:v20+s3+$0x0], $0xffff;
	_ =	sdelay $0x4  }
0xd0: {  	[tilespmem:$0xE210] =	vst v29  }
0xd1: {  	v29 =	vld.idx.msk [tilespmem:v21+s3+$0x0], $0xffff;
	_ =	sdelay $0x4  }
0xd2: {  	[tilespmem:$0xE220] =	vst v29  }
0xd3: {  	v29 =	vld.idx.msk [tilespmem:v22+s3+$0x0], $0xffff;
	_ =	sdelay $0x4  }
0xd4: {  	[tilespmem:$0xE230] =	vst v29  }
0xd5: {  	v29 =	vld.idx.msk [tilespmem:v23+s3+$0x0], $0xffff;
	_ =	sdelay $0x4  }
0xd6: {  	s18 =	simm.s32 $0xE2A0;
	s19 =	simm.s32 $0x0;
	[tilespmem:$0xE240] =	vst v29  }
.LBB2_2:
0xd7: {  	v29 =	vld [tilespmem:$0xE200];
	_ =	sdelay $0x3  }
0xd8: {  	v30 =	vadd.s32 s19, v2  }
0xd9: {  	v31 =	vshll.u32 v30, $0x8;
	v32 =	vshll.u32 v29, $0x3  }
0xda: {  	v30 =	vshll.u32 v30, $0x7;
	v31 =	vand.u32 $0x3800, v31;
	v32 =	vand.u32 $0xFFFFFC00, v32  }
0xdb: {  	v30 =	vand.u32 $0x380, v30;
	v31 =	vadd.s32 v31, v32  }
0xdc: {  	v29 =	vand.u32 $0x7F, v29;
	v30 =	vor.u32 v30, v31  }
0xdd: {  	v29 =	vor.u32 v29, v30;
	_ =	sdelay $0x4  }
0xde: {  	v29 =	vld.idx.msk [tilespmem:v29+s9+$0x0], $0xffff;
	_ =	sdelay $0x4  }
0xdf: {  	[tilespmem:s18+$0xFFFFFFE0] =	vst v29  }
0xe0: {  	v29 =	vld [tilespmem:$0xE210];
	_ =	sdelay $0x3  }
0xe1: {  	v30 =	vadd.s32 s19, v3  }
0xe2: {  	v31 =	vshll.u32 v30, $0x8;
	v60 =	vshll.u32 v29, $0x3  }
0xe3: {  	v30 =	vshll.u32 v30, $0x7;
	v31 =	vand.u32 $0x3800, v31;
	v32 =	vand.u32 $0xFFFFFC00, v60  }
0xe4: {  	v30 =	vand.u32 $0x380, v30;
	v31 =	vadd.s32 v31, v32  }
0xe5: {  	v29 =	vand.u32 $0x7F, v29;
	v30 =	vor.u32 v30, v31  }
0xe6: {  	v29 =	vor.u32 v29, v30;
	_ =	sdelay $0x4  }
0xe7: {  	v29 =	vld.idx.msk [tilespmem:v29+s9+$0x0], $0xffff;
	_ =	sdelay $0x4  }
0xe8: {  	[tilespmem:s18+$0xFFFFFFF0] =	vst v29  }
0xe9: {  	v29 =	vld [tilespmem:$0xE220];
	_ =	sdelay $0x3  }
0xea: {  	v30 =	vadd.s32 s19, v4  }
0xeb: {  	v31 =	vshll.u32 v30, $0x8;
	v61 =	vshll.u32 v29, $0x3  }
0xec: {  	v30 =	vshll.u32 v30, $0x7;
	v31 =	vand.u32 $0x7800, v31;
	v32 =	vand.u32 $0xFFFFFC00, v61  }
0xed: {  	v30 =	vand.u32 $0x380, v30;
	v31 =	vadd.s32 v31, v32  }
0xee: {  	v29 =	vand.u32 $0x7F, v29;
	v30 =	vor.u32 v30, v31  }
0xef: {  	v29 =	vor.u32 v29, v30;
	_ =	sdelay $0x4  }
0xf0: {  	v29 =	vld.idx.msk [tilespmem:v29+s9+$0x0], $0xffff;
	_ =	sdelay $0x4  }
0xf1: {  	[tilespmem:s18+$0x0] =	vst v29  }
0xf2: {  	v29 =	vld [tilespmem:$0xE230];
	_ =	sdelay $0x3  }
0xf3: {  	v30 =	vadd.s32 s19, v5  }
0xf4: {  	v31 =	vshll.u32 v30, $0x8;
	v62 =	vshll.u32 v29, $0x3  }
0xf5: {  	v30 =	vshll.u32 v30, $0x7;
	v31 =	vand.u32 $0x7800, v31;
	v32 =	vand.u32 $0xFFFFFC00, v62  }
0xf6: {  	v30 =	vand.u32 $0x380, v30;
	v31 =	vadd.s32 v31, v32  }
0xf7: {  	v29 =	vand.u32 $0x7F, v29;
	v30 =	vor.u32 v30, v31  }
0xf8: {  	v29 =	vor.u32 v29, v30;
	_ =	sdelay $0x4  }
0xf9: {  	v29 =	vld.idx.msk [tilespmem:v29+s9+$0x0], $0xffff;
	_ =	sdelay $0x4  }
0xfa: {  	[tilespmem:s18+$0x10] =	vst v29  }
0xfb: {  	v29 =	vld [tilespmem:$0xE240];
	_ =	sdelay $0x3  }
0xfc: {  	v30 =	vadd.s32 s19, v6  }
0xfd: {  	v31 =	vshll.u32 v30, $0x8;
	v63 =	vshll.u32 v29, $0x3  }
0xfe: {  	v30 =	vshll.u32 v30, $0x7;
	v31 =	vand.u32 $0x7800, v31;
	v32 =	vand.u32 $0xFFFFFC00, v63  }
0xff: {  	v30 =	vand.u32 $0x380, v30;
	v31 =	vadd.s32 v31, v32  }
0x100: {  	v29 =	vand.u32 $0x7F, v29;
	v30 =	vor.u32 v30, v31  }
0x101: {  	v29 =	vor.u32 v29, v30;
	_ =	sdelay $0x4  }
0x102: {  	p0 =	sne.s32 s19, $0x13;
	v29 =	vld.idx.msk [tilespmem:v29+s9+$0x0], $0xffff  }
.Ltmp0:
0x103: {  	_ = 	snop;
	(pc) =	sbr.rel @p0 .LBB2_2-.Ltmp0, $2  }
0x104: {  	_ =	sdelay $0x2  }
0x105: {  	s19 =	sadd.s32 $0x1, s19;
	[tilespmem:s18+$0x20] =	vst v29;
	s18 =	sadd.s32 $0x80, s18  }
0x106: {  	s18 =	simm.s32 $0x0  }
0x107: {  	[hbm4b:s5+s18] =	stream.linear.scatter [tilespmem:s15], [sflag:$0x3], $0xA00, $0x38;
	[tilespmem:$0xEE80] =	vst v63  }
0x108: {  	_ =	swait.ge [sflag:s8], $0xA00  }
0x109: {  	[sflag:s8] =	ssyncset.done $0x0  }
0x10a: {  	[sflag:s8] =	ssyncadd.s32 $0xFFFFF600  }
0x10b: {  	_ =	swait.ge [sflag:s16], $0x7000  }
0x10c: {  	[sflag:s16] =	ssyncset.done $0x0  }
0x10d: {  	[sflag:s16] =	ssyncadd.s32 $0xFFFF9000  }
0x10e: {  	v29 =	vld.idx.msk [tilespmem:v24+s18+$0x0], $0xffff;
	_ =	sdelay $0x4  }
0x10f: {  	[tilespmem:$0xE200] =	vst v29  }
0x110: {  	v29 =	vld.idx.msk [tilespmem:v25+s18+$0x0], $0xffff;
	_ =	sdelay $0x4  }
0x111: {  	[tilespmem:$0xE210] =	vst v29  }
0x112: {  	v29 =	vld.idx.msk [tilespmem:v26+s18+$0x0], $0xffff;
	_ =	sdelay $0x4  }
0x113: {  	[tilespmem:$0xE220] =	vst v29  }
0x114: {  	v29 =	vld.idx.msk [tilespmem:v27+s18+$0x0], $0xffff;
	_ =	sdelay $0x4  }
0x115: {  	[tilespmem:$0xE230] =	vst v29  }
0x116: {  	v29 =	vld.idx.msk [tilespmem:v28+s18+$0x0], $0xffff;
	_ =	sdelay $0x4  }
0x117: {  	s19 =	simm.s32 $0xE2A0;
	[tilespmem:$0xE240] =	vst v29  }
.LBB2_4:
0x118: {  	v29 =	vld [tilespmem:$0xE200];
	_ =	sdelay $0x3  }
0x119: {  	v30 =	vadd.s32 s18, v2  }
0x11a: {  	v31 =	vshll.u32 v30, $0x8;
	v32 =	vshll.u32 v29, $0x3  }
0x11b: {  	v30 =	vshll.u32 v30, $0x7;
	v31 =	vand.u32 $0x3800, v31;
	v32 =	vand.u32 $0xFFFFFC00, v32  }
0x11c: {  	v30 =	vand.u32 $0x380, v30;
	v31 =	vadd.s32 v31, v32  }
0x11d: {  	v29 =	vand.u32 $0x7F, v29;
	v30 =	vor.u32 v30, v31  }
0x11e: {  	v29 =	vor.u32 v29, v30;
	_ =	sdelay $0x4  }
0x11f: {  	v29 =	vld.idx.msk [tilespmem:v29+s23+$0x0], $0xffff;
	_ =	sdelay $0x4  }
0x120: {  	[tilespmem:s19+$0xFFFFFFE0] =	vst v29  }
0x121: {  	v29 =	vld [tilespmem:$0xE210];
	_ =	sdelay $0x3  }
0x122: {  	v30 =	vadd.s32 s18, v3  }
0x123: {  	v31 =	vshll.u32 v30, $0x8;
	v60 =	vshll.u32 v29, $0x3  }
0x124: {  	v30 =	vshll.u32 v30, $0x7;
	v31 =	vand.u32 $0x3800, v31;
	v32 =	vand.u32 $0xFFFFFC00, v60  }
0x125: {  	v30 =	vand.u32 $0x380, v30;
	v31 =	vadd.s32 v31, v32  }
0x126: {  	v29 =	vand.u32 $0x7F, v29;
	v30 =	vor.u32 v30, v31  }
0x127: {  	v29 =	vor.u32 v29, v30;
	_ =	sdelay $0x4  }
0x128: {  	v29 =	vld.idx.msk [tilespmem:v29+s23+$0x0], $0xffff;
	_ =	sdelay $0x4  }
0x129: {  	[tilespmem:s19+$0xFFFFFFF0] =	vst v29  }
0x12a: {  	v29 =	vld [tilespmem:$0xE220];
	_ =	sdelay $0x3  }
0x12b: {  	v30 =	vadd.s32 s18, v4  }
0x12c: {  	v31 =	vshll.u32 v30, $0x8;
	v61 =	vshll.u32 v29, $0x3  }
0x12d: {  	v30 =	vshll.u32 v30, $0x7;
	v31 =	vand.u32 $0x7800, v31;
	v32 =	vand.u32 $0xFFFFFC00, v61  }
0x12e: {  	v30 =	vand.u32 $0x380, v30;
	v31 =	vadd.s32 v31, v32  }
0x12f: {  	v29 =	vand.u32 $0x7F, v29;
	v30 =	vor.u32 v30, v31  }
0x130: {  	v29 =	vor.u32 v29, v30;
	_ =	sdelay $0x4  }
0x131: {  	v29 =	vld.idx.msk [tilespmem:v29+s23+$0x0], $0xffff;
	_ =	sdelay $0x4  }
0x132: {  	[tilespmem:s19+$0x0] =	vst v29  }
0x133: {  	v29 =	vld [tilespmem:$0xE230];
	_ =	sdelay $0x3  }
0x134: {  	v30 =	vadd.s32 s18, v5  }
0x135: {  	v31 =	vshll.u32 v30, $0x8;
	v62 =	vshll.u32 v29, $0x3  }
0x136: {  	v30 =	vshll.u32 v30, $0x7;
	v31 =	vand.u32 $0x7800, v31;
	v32 =	vand.u32 $0xFFFFFC00, v62  }
0x137: {  	v30 =	vand.u32 $0x380, v30;
	v31 =	vadd.s32 v31, v32  }
0x138: {  	v29 =	vand.u32 $0x7F, v29;
	v30 =	vor.u32 v30, v31  }
0x139: {  	v29 =	vor.u32 v29, v30;
	_ =	sdelay $0x4  }
0x13a: {  	v29 =	vld.idx.msk [tilespmem:v29+s23+$0x0], $0xffff;
	_ =	sdelay $0x4  }
0x13b: {  	[tilespmem:s19+$0x10] =	vst v29  }
0x13c: {  	v29 =	vld [tilespmem:$0xE240];
	_ =	sdelay $0x3  }
0x13d: {  	v30 =	vadd.s32 s18, v6  }
0x13e: {  	v31 =	vshll.u32 v30, $0x8;
	v63 =	vshll.u32 v29, $0x3  }
0x13f: {  	v30 =	vshll.u32 v30, $0x7;
	v31 =	vand.u32 $0x7800, v31;
	v32 =	vand.u32 $0xFFFFFC00, v63  }
0x140: {  	v30 =	vand.u32 $0x380, v30;
	v31 =	vadd.s32 v31, v32  }
0x141: {  	v29 =	vand.u32 $0x7F, v29;
	v30 =	vor.u32 v30, v31  }
0x142: {  	v29 =	vor.u32 v29, v30;
	_ =	sdelay $0x4  }
0x143: {  	p0 =	sne.s32 s18, $0x13;
	v29 =	vld.idx.msk [tilespmem:v29+s23+$0x0], $0xffff  }
.Ltmp1:
0x144: {  	_ = 	snop;
	(pc) =	sbr.rel @p0 .LBB2_4-.Ltmp1, $2  }
0x145: {  	_ =	sdelay $0x2  }
0x146: {  	s18 =	sadd.s32 $0x1, s18;
	[tilespmem:s19+$0x20] =	vst v29;
	s19 =	sadd.s32 $0x80, s19  }
0x147: {  	s17 =	sadd.s32 $0x1, s17  }
0x148: {  	p0 =	sne.s32 s17, s7  }
.Ltmp2:
0x149: {  	_ = 	snop;
	(pc) =	sbr.rel @p0 .LBB2_1-.Ltmp2, $4  }
0x14a: {  	[hbm4b:s6+s3] =	stream.linear.scatter [tilespmem:s15], [sflag:$0x3], $0xA00, $0x38;
	[tilespmem:$0xEE80] =	vst v63  }
0x14b: {  	_ =	swait.ge [sflag:s8], $0xA00  }
0x14c: {  	[sflag:s8] =	ssyncset.done $0x0  }
0x14d: {  	[sflag:s8] =	ssyncadd.s32 $0xFFFFF600  }
0x14e: {  	_ =	sfence.sel $0x180000  }
0x14f: {  	[bflag:$0x0] =	sbarrier.arrive $0xFFFF  }
0x150: {  	_ =	strace $0x90000047  }
0x151: {  	s0 =	stileid.u32;
	[bflag:$0x2] =	sbarrier.arrive $0xFFFF  }
0x152: {  	p0 =	sne.s32 s0, $0x0;
	s0 =	rddreg [dreg:$0x2]  }
0x153: {  	s0 =	sadd.s32 @!p0 $0x100000, s0  }
0x154: {  	[sflag:s0] =	ssyncadd.tile.s32 @!p0 $0x1;
	_ =	shalt  }
.Lfunc_end2:
_tile_overlayer_lowered:
.L_overlay_start_2:
0x155: {  	(tag) =	ssettag $0x2  }
0x156: {  	s0 =	rddreg [dreg:$0x0];
	s2 =	stileid.u32  }
0x157: {  	s1 =	rddreg [dreg:$0x1];
	p0 =	sne.s32 s2, $0x0  }
0x158: {  	s3 =	rddreg [dreg:$0x2];
	[bflag:$0x3] =	sbarrier.arrive $0xFFFF;
	s2 =	simm.s32 @!p0 $0x1C03  }
0x159: {  	[timem:s3], [sflag:s2] =	dma.local @!p0 [hbm:s0], s1  }
0x15a: {  	s0 =	simm.s32 @!p0 $0x3  }
0x15b: {  	_ =	swait.ge @!p0 [sflag:s0], s1  }
0x15c: {  	s1 =	ssub.s32 @!p0 $0x0, s1;
	[sflag:s0] =	ssyncset.done @!p0 $0x0  }
0x15d: {  	[sflag:s0] =	ssyncadd.s32 @!p0 s1  }
0x15e: {  	[bflag:$0x3] =	sbarrier.arrive $0xFFFF  }
0x15f: {  	_ =	shalt  }

</sc_bundles>
